<compile_context>
chip_gen: v7x
topology: tpu7x:2x2x1
jax: 0.10.2.dev20260603
libtpu: 0.0.44.dev20260713+nightly
codegen_flags: <defaults>
</compile_context>

<pallas_src>
import jax
import jax.numpy as jnp
from jax import lax
from jax.experimental import pallas as pl
from jax.experimental.pallas import tpu as pltpu
from jax.experimental.pallas import tpu_sc as plsc

B = 16384
WIN = 50
S = 5
D = 64
NC = 2
NS = 16
L = 16
NW = NC * NS
BPW = B // NW
NG = BPW // L
CH = 80
NCH = (L * WIN) // CH


def _sc_body(seq_hbm, item_hbm, tgt_hbm, neg_hbm, wseq_hbm, witem_hbm,
             wout_hbm, z_hbm,
             seq_all, tgt_all,
             ia0, ia1, nb0, nb1, rv0, rv1, ur0, ur1, pr0, pr1, nr0, nr1,
             p_T, zstage, sem0, sem1):
    wid = lax.axis_index("s") * NC + lax.axis_index("c")
    lane = lax.iota(jnp.int32, L)
    laneW = lane * WIN
    laneS = lane * S

    pltpu.sync_copy(seq_hbm.at[pl.ds(wid * BPW, BPW)], seq_all)
    pltpu.sync_copy(tgt_hbm.at[pl.ds(wid * BPW, BPW)], tgt_all)

    def dmas(g, ia, nb, rv, ur, pr, nr, sem):
        cs = [pltpu.make_async_copy(
                  witem_hbm.at[ia.at[pl.ds(k * CH, CH)]],
                  rv.at[pl.ds(k * CH, CH), :], sem)
              for k in range(NCH)]
        cs.append(pltpu.make_async_copy(
            wseq_hbm.at[seq_all.at[pl.ds(g * L, L)]], ur, sem))
        cs.append(pltpu.make_async_copy(
            wout_hbm.at[tgt_all.at[pl.ds(g * L, L)]], pr, sem))
        cs.append(pltpu.make_async_copy(wout_hbm.at[nb], nr, sem))
        return cs

    def fire(g, ia, nb, rv, ur, pr, nr, sem):
        b0 = pl.multiple_of(wid * BPW + g * L, L)
        pltpu.sync_copy(item_hbm.at[pl.ds(b0 * WIN, L * WIN)], ia)
        pltpu.sync_copy(neg_hbm.at[pl.ds(b0 * S, L * S)], nb)
        for c in dmas(g, ia, nb, rv, ur, pr, nr, sem):
            c.start()

    def drain(g, ia, nb, rv, ur, pr, nr, sem):
        for c in dmas(g, ia, nb, rv, ur, pr, nr, sem):
            c.wait()

    zvec = jnp.zeros((L,), jnp.float32)

    def compute(g, rv, ur, pr, nr):
        for d in range(D):
            p_T[pl.ds(d * L, L)] = zvec

        UNR = 4
        WU = 5

        def w_body(wi, ssum):
            ridx = [laneW + wi * WU + k for k in range(WU)]

            def score_d(i, ss):
                d0 = i * UNR
                for j in range(UNR):
                    dd = (lane + d0 + j) & (D - 1)
                    uu = plsc.load_gather(ur, [lane, dd])
                    ss = tuple(ss[k] + uu * plsc.load_gather(rv, [ridx[k], dd])
                               for k in range(WU))
                return ss

            ss = lax.fori_loop(0, D // UNR, score_d, (zvec,) * WU)
            es = [jnp.exp(s * 0.125) for s in ss]

            def psum_d(i, c):
                d0 = i * UNR
                for j in range(UNR):
                    dd = (lane + d0 + j) & (D - 1)
                    acc = es[0] * plsc.load_gather(rv, [ridx[0], dd])
                    for k in range(1, WU):
                        acc = acc + es[k] * plsc.load_gather(rv, [ridx[k], dd])
                    plsc.addupdate_scatter(p_T, [dd * L + lane], acc)
                return c

            lax.fori_loop(0, D // UNR, psum_d, jnp.int32(0))
            for k in range(WU):
                ssum = ssum + es[k]
            return ssum

        ssum = lax.fori_loop(0, WIN // WU, w_body, zvec)
        inv = 1.0 / ssum

        def dot_d(i, carry):
            zp, zn = carry
            d0 = i * UNR
            for j in range(UNR):
                dd = (lane + d0 + j) & (D - 1)
                pd = plsc.load_gather(p_T, [dd * L + lane])
                zp = zp + pd * plsc.load_gather(pr, [lane, dd])
                zn = tuple(zn[s] + pd * plsc.load_gather(nr, [laneS + s, dd])
                           for s in range(S))
            return zp, zn

        zp, zn = lax.fori_loop(0, D // UNR, dot_d, (zvec, (zvec,) * S))

        out_idx = lane + g * L
        plsc.store_scatter(zstage, [out_idx], zp * inv)
        for s in range(S):
            plsc.store_scatter(zstage, [out_idx + (s + 1) * BPW], zn[s] * inv)

    buf0 = (ia0, nb0, rv0, ur0, pr0, nr0, sem0)
    buf1 = (ia1, nb1, rv1, ur1, pr1, nr1, sem1)

    fire(0, *buf0)

    def pair(i, carry):
        g0 = i * 2
        fire(g0 + 1, *buf1)
        drain(g0, *buf0)
        compute(g0, buf0[2], buf0[3], buf0[4], buf0[5])

        @pl.when(g0 + 2 < NG)
        def _():
            fire(g0 + 2, *buf0)

        drain(g0 + 1, *buf1)
        compute(g0 + 1, buf1[2], buf1[3], buf1[4], buf1[5])
        return carry

    lax.fori_loop(0, NG // 2, pair, jnp.int32(0))

    for r in range(1 + S):
        pltpu.sync_copy(zstage.at[pl.ds(r * BPW, BPW)],
                        z_hbm.at[pl.ds(r * B + wid * BPW, BPW)])


_sc_kernel = pl.kernel(
    _sc_body,
    out_type=jax.ShapeDtypeStruct(((1 + S) * B,), jnp.float32),
    mesh=plsc.VectorSubcoreMesh(core_axis_name="c", subcore_axis_name="s",
                                num_cores=NC, num_subcores=NS),
    compiler_params=pltpu.CompilerParams(needs_layout_passes=False,
                                         use_tc_tiling_on_sc=False),
    scratch_types=[
        pltpu.VMEM((BPW,), jnp.int32),
        pltpu.VMEM((BPW,), jnp.int32),
        pltpu.VMEM((L * WIN,), jnp.int32),
        pltpu.VMEM((L * WIN,), jnp.int32),
        pltpu.VMEM((L * S,), jnp.int32),
        pltpu.VMEM((L * S,), jnp.int32),
        pltpu.VMEM((L * WIN, D), jnp.float32),
        pltpu.VMEM((L * WIN, D), jnp.float32),
        pltpu.VMEM((L, D), jnp.float32),
        pltpu.VMEM((L, D), jnp.float32),
        pltpu.VMEM((L, D), jnp.float32),
        pltpu.VMEM((L, D), jnp.float32),
        pltpu.VMEM((L * S, D), jnp.float32),
        pltpu.VMEM((L * S, D), jnp.float32),
        pltpu.VMEM((D * L,), jnp.float32),
        pltpu.VMEM(((1 + S) * BPW,), jnp.float32),
        pltpu.SemaphoreType.DMA,
        pltpu.SemaphoreType.DMA,
    ],
)


def _loss_body(z_ref, out_ref):
    z = z_ref[...]
    zp = z[0:1, :]
    zn = z[1:1 + S, :]
    p = 1.0 / (1.0 + jnp.exp(-zp))
    logp = jnp.maximum(jnp.log(jnp.maximum(p, 1e-12)), -100.0)
    loss_pos = jnp.mean(-logp)
    q = 1.0 / (1.0 + jnp.exp(zn))
    log1mp = jnp.maximum(jnp.log(jnp.maximum(q, 1e-12)), -100.0)
    loss_neg = jnp.mean(-log1mp)
    out_ref[...] = jnp.reshape((loss_pos + loss_neg / S) / 2.0, (1, 1))


def kernel(seq_index, item_indices, target_index, neg_indices,
           W_seq, W_item, W_out):
    zflat = _sc_kernel(seq_index, item_indices.reshape(-1), target_index,
                       neg_indices.reshape(-1), W_seq, W_item, W_out)
    loss = pl.pallas_call(
        _loss_body,
        out_shape=jax.ShapeDtypeStruct((1, 1), jnp.float32),
    )(zflat.reshape(1 + S, B))
    return loss[0, 0]

# --- scband reference (transcript-rebuilt; emitter-appended) ---
"""Pipeline reference for scband-attentive-model-58892591563217 (READ-ONLY COPY).

The authoritative reference and input builder live on the scoring server;
editing this copy changes nothing except your own understanding.
"""

import jax, jax.numpy as jnp
import numpy as np

B = 16384
WIN = 50
S = 5  # negative_sample_size
NUM_SEQ = 100000
NUM_ITEM = 1000000
D = 64


def setup_inputs(seed: int = 0) -> dict:
    key = jax.random.key(seed)
    ks = jax.random.split(key, 8)
    seq_index = jax.random.randint(ks[0], (B,), 0, NUM_SEQ, dtype=jnp.int32)
    item_indices = jax.random.randint(ks[1], (B, WIN), 0, NUM_ITEM, dtype=jnp.int32)
    target_index = jax.random.randint(ks[2], (B,), 0, NUM_ITEM, dtype=jnp.int32)
    # negative samples drawn once (frequency-based sampler approximated as uniform)
    neg_indices = jax.random.randint(ks[3], (B, S), 0, NUM_ITEM, dtype=jnp.int32)
    # learned parameters (scaled to keep sigmoid out of hard saturation)
    W_seq = jax.random.normal(ks[4], (NUM_SEQ, D), dtype=jnp.float32) * 0.05
    W_item = jax.random.normal(ks[5], (NUM_ITEM, D), dtype=jnp.float32) * 0.05
    W_out = jax.random.normal(ks[6], (NUM_ITEM, D), dtype=jnp.float32) * 0.05
    return {
        'seq_index': seq_index,
        'item_indices': item_indices,
        'target_index': target_index,
        'neg_indices': neg_indices,
        'W_seq': W_seq,
        'W_item': W_item,
        'W_out': W_out,
    }


def _bce(p, y):
    # F.binary_cross_entropy with torch's log clamp at -100
    logp = jnp.clip(jnp.log(jnp.clip(p, 1e-12, 1.0)), -100.0, None)
    log1mp = jnp.clip(jnp.log(jnp.clip(1.0 - p, 1e-12, 1.0)), -100.0, None)
    return jnp.mean(-(y * logp + (1.0 - y) * log1mp))


def _forward(W_seq, W_item, W_out, seq_index, item_indices, target_index, neg_indices):
    # calc_prediction_vector
    u = jnp.take(W_seq, seq_index, axis=0)            # (B, D)
    V = jnp.take(W_item, item_indices, axis=0)        # (B, WIN, D)
    Q = u.reshape(-1, 1, D)                            # (B, 1, D)
    scores = jnp.matmul(Q, jnp.swapaxes(V, -1, -2)) / jnp.sqrt(jnp.float32(D))  # (B,1,WIN)
    attn = jax.nn.softmax(scores, axis=-1)
    p = jnp.matmul(attn, V).reshape(-1, D)             # (B, D)
    # NegativeSampling output layer
    e_pos = jnp.take(W_out, target_index, axis=0)      # (B, D)
    pos_out = jax.nn.sigmoid(jnp.sum(p * e_pos, axis=-1))            # (B,)
    e_neg = jnp.take(W_out, neg_indices, axis=0)       # (B, S, D)
    neg_out = jax.nn.sigmoid(jnp.einsum('bd,bsd->bs', p, e_neg))     # (B, S)
    pos_label = jnp.ones_like(pos_out)
    neg_label = jnp.zeros_like(neg_out)
    loss_pos = _bce(pos_out, pos_label)
    loss_neg = _bce(neg_out, neg_label)
    loss = (loss_pos + loss_neg / S) / 2.0
    return loss


def reference(seq_index, item_indices, target_index, neg_indices, W_seq, W_item, W_out):
    return _forward(W_seq, W_item, W_out, seq_index, item_indices, target_index, neg_indices)

if __name__ == "__main__":
    import jax
    _d = setup_inputs()
    print(jax.jit(kernel)(*tuple(_d.values())))

</pallas_src>

<mosaic_0001>
#map = affine_map<(d0, d1) -> (0)>
#map1 = affine_map<(d0, d1) -> (0, 0)>
module attributes {stable_mosaic.version = 14 : i64} {
  func.func @_sc_body(%arg0: i32, %arg1: i32, %arg2: memref<16384xi32, #tpu.memory_space<hbm>>, %arg3: memref<819200xi32, #tpu.memory_space<hbm>>, %arg4: memref<16384xi32, #tpu.memory_space<hbm>>, %arg5: memref<81920xi32, #tpu.memory_space<hbm>>, %arg6: memref<100000x64xf32, #tpu.memory_space<hbm>>, %arg7: memref<1000000x64xf32, #tpu.memory_space<hbm>>, %arg8: memref<1000000x64xf32, #tpu.memory_space<hbm>>, %arg9: memref<98304xf32, #tpu.memory_space<hbm>>, %arg10: memref<512xi32, #tpu.memory_space<vmem>>, %arg11: memref<512xi32, #tpu.memory_space<vmem>>, %arg12: memref<800xi32, #tpu.memory_space<vmem>>, %arg13: memref<800xi32, #tpu.memory_space<vmem>>, %arg14: memref<80xi32, #tpu.memory_space<vmem>>, %arg15: memref<80xi32, #tpu.memory_space<vmem>>, %arg16: memref<800x64xf32, #tpu.memory_space<vmem>>, %arg17: memref<800x64xf32, #tpu.memory_space<vmem>>, %arg18: memref<16x64xf32, #tpu.memory_space<vmem>>, %arg19: memref<16x64xf32, #tpu.memory_space<vmem>>, %arg20: memref<16x64xf32, #tpu.memory_space<vmem>>, %arg21: memref<16x64xf32, #tpu.memory_space<vmem>>, %arg22: memref<80x64xf32, #tpu.memory_space<vmem>>, %arg23: memref<80x64xf32, #tpu.memory_space<vmem>>, %arg24: memref<1024xf32, #tpu.memory_space<vmem>>, %arg25: memref<3072xf32, #tpu.memory_space<vmem>>, %arg26: memref<!tpu.dma_semaphore, #tpu.memory_space<semaphore_mem>>, %arg27: memref<!tpu.dma_semaphore, #tpu.memory_space<semaphore_mem>>) attributes {dimension_semantics = [#tpu.dimension_semantics<core_parallel>, #tpu.dimension_semantics<subcore_parallel>], iteration_bounds = array<i64: 2, 16>, scalar_prefetch = 0 : i64, scratch_operands = 18 : i64, tpu.core_type = #tpu.core_type<sc_vector_subcore>, window_params = [{transform_indices = #map}, {transform_indices = #map}, {transform_indices = #map}, {transform_indices = #map}, {transform_indices = #map1}, {transform_indices = #map1}, {transform_indices = #map1}, {transform_indices = #map}]} {
    %mul3A = arith.constant 2 : i32
    %mul3A_0 = arith.muli %arg1, %mul3A : i32
    %add3A = arith.addi %mul3A_0, %arg0 : i32
    %iota3A = tpu.iota {dimensions = array<i32: 0>} : vector<16xi32>
    %mul3A_1 = arith.constant 50 : i32
    %mul3A_2 = vector.broadcast %mul3A_1 : i32 to vector<16xi32>
    %mul3A_3 = arith.muli %iota3A, %mul3A_2 : vector<16xi32>
    %mul3A_4 = arith.constant 5 : i32
    %mul3A_5 = vector.broadcast %mul3A_4 : i32 to vector<16xi32>
    %mul3A_6 = arith.muli %iota3A, %mul3A_5 : vector<16xi32>
    %mul3A_7 = arith.constant 512 : i32
    %mul3A_8 = arith.muli %add3A, %mul3A_7 : i32
    "tpu.region"() ({
      %run_scoped3A = tpu.sem_alloc : memref<!tpu.dma_semaphore, #tpu.memory_space<semaphore_mem>>
      %dma_start3A_141 = tpu.memref_slice %arg2[%mul3A_8] : memref<16384xi32, #tpu.memory_space<hbm>> -> memref<512xi32, #tpu.memory_space<hbm>>
      %dma_start3A_142 = tpu.memref_slice %arg2[%mul3A_8] : memref<16384xi32, #tpu.memory_space<hbm>> -> memref<512xi32, #tpu.memory_space<hbm>>
      tpu.enqueue_dma source(%dma_start3A_142 : memref<512xi32, #tpu.memory_space<hbm>>) target(%arg10 : memref<512xi32, #tpu.memory_space<vmem>>) target_semaphore(%run_scoped3A : memref<!tpu.dma_semaphore, #tpu.memory_space<semaphore_mem>>)
      %dma_wait3A = tpu.memref_slice %arg2[%mul3A_8] : memref<16384xi32, #tpu.memory_space<hbm>> -> memref<512xi32, #tpu.memory_space<hbm>>
      %dma_wait3A_143 = tpu.memref_slice %arg2[%mul3A_8] : memref<16384xi32, #tpu.memory_space<hbm>> -> memref<512xi32, #tpu.memory_space<hbm>>
      tpu.wait_dma2 semaphore(%run_scoped3A : memref<!tpu.dma_semaphore, #tpu.memory_space<semaphore_mem>>) src(%dma_wait3A_143 : memref<512xi32, #tpu.memory_space<hbm>>) dst(%arg10 : memref<512xi32, #tpu.memory_space<vmem>>)
      tpu.yield
    }) : () -> ()
    %mul3A_9 = arith.constant 512 : i32
    %mul3A_10 = arith.muli %add3A, %mul3A_9 : i32
    "tpu.region"() ({
      %run_scoped3A = tpu.sem_alloc : memref<!tpu.dma_semaphore, #tpu.memory_space<semaphore_mem>>
      %dma_start3A_141 = tpu.memref_slice %arg4[%mul3A_10] : memref<16384xi32, #tpu.memory_space<hbm>> -> memref<512xi32, #tpu.memory_space<hbm>>
      %dma_start3A_142 = tpu.memref_slice %arg4[%mul3A_10] : memref<16384xi32, #tpu.memory_space<hbm>> -> memref<512xi32, #tpu.memory_space<hbm>>
      tpu.enqueue_dma source(%dma_start3A_142 : memref<512xi32, #tpu.memory_space<hbm>>) target(%arg11 : memref<512xi32, #tpu.memory_space<vmem>>) target_semaphore(%run_scoped3A : memref<!tpu.dma_semaphore, #tpu.memory_space<semaphore_mem>>)
      %dma_wait3A = tpu.memref_slice %arg4[%mul3A_10] : memref<16384xi32, #tpu.memory_space<hbm>> -> memref<512xi32, #tpu.memory_space<hbm>>
      %dma_wait3A_143 = tpu.memref_slice %arg4[%mul3A_10] : memref<16384xi32, #tpu.memory_space<hbm>> -> memref<512xi32, #tpu.memory_space<hbm>>
      tpu.wait_dma2 semaphore(%run_scoped3A : memref<!tpu.dma_semaphore, #tpu.memory_space<semaphore_mem>>) src(%dma_wait3A_143 : memref<512xi32, #tpu.memory_space<hbm>>) dst(%arg11 : memref<512xi32, #tpu.memory_space<vmem>>)
      tpu.yield
    }) : () -> ()
    %broadcast_in_dim3A = arith.constant 0.000000e+00 : f32
    %broadcast_in_dim3A_11 = vector.broadcast %broadcast_in_dim3A : f32 to vector<16xf32>
    %mul3A_12 = arith.constant 512 : i32
    %mul3A_13 = arith.muli %add3A, %mul3A_12 : i32
    %add3A_14 = arith.constant 0 : i32
    %add3A_15 = arith.addi %mul3A_13, %add3A_14 : i32
    %multiple_of3A = tpu.assume_multiple %add3A_15, 16 : i32
    %mul3A_16 = arith.constant 50 : i32
    %mul3A_17 = arith.muli %multiple_of3A, %mul3A_16 : i32
    "tpu.region"() ({
      %run_scoped3A = tpu.sem_alloc : memref<!tpu.dma_semaphore, #tpu.memory_space<semaphore_mem>>
      %dma_start3A_141 = tpu.memref_slice %arg3[%mul3A_17] : memref<819200xi32, #tpu.memory_space<hbm>> -> memref<800xi32, #tpu.memory_space<hbm>>
      %dma_start3A_142 = tpu.memref_slice %arg3[%mul3A_17] : memref<819200xi32, #tpu.memory_space<hbm>> -> memref<800xi32, #tpu.memory_space<hbm>>
      tpu.enqueue_dma source(%dma_start3A_142 : memref<800xi32, #tpu.memory_space<hbm>>) target(%arg12 : memref<800xi32, #tpu.memory_space<vmem>>) target_semaphore(%run_scoped3A : memref<!tpu.dma_semaphore, #tpu.memory_space<semaphore_mem>>)
      %dma_wait3A = tpu.memref_slice %arg3[%mul3A_17] : memref<819200xi32, #tpu.memory_space<hbm>> -> memref<800xi32, #tpu.memory_space<hbm>>
      %dma_wait3A_143 = tpu.memref_slice %arg3[%mul3A_17] : memref<819200xi32, #tpu.memory_space<hbm>> -> memref<800xi32, #tpu.memory_space<hbm>>
      tpu.wait_dma2 semaphore(%run_scoped3A : memref<!tpu.dma_semaphore, #tpu.memory_space<semaphore_mem>>) src(%dma_wait3A_143 : memref<800xi32, #tpu.memory_space<hbm>>) dst(%arg12 : memref<800xi32, #tpu.memory_space<vmem>>)
      tpu.yield
    }) : () -> ()
    %mul3A_18 = arith.constant 5 : i32
    %mul3A_19 = arith.muli %multiple_of3A, %mul3A_18 : i32
    "tpu.region"() ({
      %run_scoped3A = tpu.sem_alloc : memref<!tpu.dma_semaphore, #tpu.memory_space<semaphore_mem>>
      %dma_start3A_141 = tpu.memref_slice %arg5[%mul3A_19] : memref<81920xi32, #tpu.memory_space<hbm>> -> memref<80xi32, #tpu.memory_space<hbm>>
      %dma_start3A_142 = tpu.memref_slice %arg5[%mul3A_19] : memref<81920xi32, #tpu.memory_space<hbm>> -> memref<80xi32, #tpu.memory_space<hbm>>
      tpu.enqueue_dma source(%dma_start3A_142 : memref<80xi32, #tpu.memory_space<hbm>>) target(%arg14 : memref<80xi32, #tpu.memory_space<vmem>>) target_semaphore(%run_scoped3A : memref<!tpu.dma_semaphore, #tpu.memory_space<semaphore_mem>>)
      %dma_wait3A = tpu.memref_slice %arg5[%mul3A_19] : memref<81920xi32, #tpu.memory_space<hbm>> -> memref<80xi32, #tpu.memory_space<hbm>>
      %dma_wait3A_143 = tpu.memref_slice %arg5[%mul3A_19] : memref<81920xi32, #tpu.memory_space<hbm>> -> memref<80xi32, #tpu.memory_space<hbm>>
      tpu.wait_dma2 semaphore(%run_scoped3A : memref<!tpu.dma_semaphore, #tpu.memory_space<semaphore_mem>>) src(%dma_wait3A_143 : memref<80xi32, #tpu.memory_space<hbm>>) dst(%arg14 : memref<80xi32, #tpu.memory_space<vmem>>)
      tpu.yield
    }) : () -> ()
    %dma_start3A = arith.constant 0 : i32
    %dma_start3A_20 = arith.constant 0 : i32
    %dma_start3A_21 = tpu.memref_slice %arg16[%dma_start3A, %dma_start3A_20] : memref<800x64xf32, #tpu.memory_space<vmem>> -> memref<80x64xf32, #tpu.memory_space<vmem>>
    %dma_start3A_22 = arith.constant 0 : i32
    %dma_start3A_23 = tpu.memref_slice %arg12[%dma_start3A_22] : memref<800xi32, #tpu.memory_space<vmem>> -> memref<80xi32, #tpu.memory_space<vmem>>
    %dma_start3A_24 = arith.constant 0 : i32
    %dma_start3A_25 = arith.constant 0 : i32
    %dma_start3A_26 = tpu.memref_slice %arg7[%dma_start3A_24, %dma_start3A_25] : memref<1000000x64xf32, #tpu.memory_space<hbm>> -> memref<1000000x64xf32, #tpu.memory_space<hbm>>
    tpu.enqueue_indirect_dma source(%dma_start3A_26 : memref<1000000x64xf32, #tpu.memory_space<hbm>>) target(%dma_start3A_21 : memref<80x64xf32, #tpu.memory_space<vmem>>) offsets(%dma_start3A_23 : memref<80xi32, #tpu.memory_space<vmem>>) semaphore(%arg26 : memref<!tpu.dma_semaphore, #tpu.memory_space<semaphore_mem>>)
    %dma_start3A_27 = arith.constant 80 : i32
    %dma_start3A_28 = arith.constant 0 : i32
    %dma_start3A_29 = tpu.memref_slice %arg16[%dma_start3A_27, %dma_start3A_28] : memref<800x64xf32, #tpu.memory_space<vmem>> -> memref<80x64xf32, #tpu.memory_space<vmem>>
    %dma_start3A_30 = arith.constant 80 : i32
    %dma_start3A_31 = tpu.memref_slice %arg12[%dma_start3A_30] : memref<800xi32, #tpu.memory_space<vmem>> -> memref<80xi32, #tpu.memory_space<vmem>>
    %dma_start3A_32 = arith.constant 0 : i32
    %dma_start3A_33 = arith.constant 0 : i32
    %dma_start3A_34 = tpu.memref_slice %arg7[%dma_start3A_32, %dma_start3A_33] : memref<1000000x64xf32, #tpu.memory_space<hbm>> -> memref<1000000x64xf32, #tpu.memory_space<hbm>>
    tpu.enqueue_indirect_dma source(%dma_start3A_34 : memref<1000000x64xf32, #tpu.memory_space<hbm>>) target(%dma_start3A_29 : memref<80x64xf32, #tpu.memory_space<vmem>>) offsets(%dma_start3A_31 : memref<80xi32, #tpu.memory_space<vmem>>) semaphore(%arg26 : memref<!tpu.dma_semaphore, #tpu.memory_space<semaphore_mem>>)
    %dma_start3A_35 = arith.constant 160 : i32
    %dma_start3A_36 = arith.constant 0 : i32
    %dma_start3A_37 = tpu.memref_slice %arg16[%dma_start3A_35, %dma_start3A_36] : memref<800x64xf32, #tpu.memory_space<vmem>> -> memref<80x64xf32, #tpu.memory_space<vmem>>
    %dma_start3A_38 = arith.constant 160 : i32
    %dma_start3A_39 = tpu.memref_slice %arg12[%dma_start3A_38] : memref<800xi32, #tpu.memory_space<vmem>> -> memref<80xi32, #tpu.memory_space<vmem>>
    %dma_start3A_40 = arith.constant 0 : i32
    %dma_start3A_41 = arith.constant 0 : i32
    %dma_start3A_42 = tpu.memref_slice %arg7[%dma_start3A_40, %dma_start3A_41] : memref<1000000x64xf32, #tpu.memory_space<hbm>> -> memref<1000000x64xf32, #tpu.memory_space<hbm>>
    tpu.enqueue_indirect_dma source(%dma_start3A_42 : memref<1000000x64xf32, #tpu.memory_space<hbm>>) target(%dma_start3A_37 : memref<80x64xf32, #tpu.memory_space<vmem>>) offsets(%dma_start3A_39 : memref<80xi32, #tpu.memory_space<vmem>>) semaphore(%arg26 : memref<!tpu.dma_semaphore, #tpu.memory_space<semaphore_mem>>)
    %dma_start3A_43 = arith.constant 240 : i32
    %dma_start3A_44 = arith.constant 0 : i32
    %dma_start3A_45 = tpu.memref_slice %arg16[%dma_start3A_43, %dma_start3A_44] : memref<800x64xf32, #tpu.memory_space<vmem>> -> memref<80x64xf32, #tpu.memory_space<vmem>>
    %dma_start3A_46 = arith.constant 240 : i32
    %dma_start3A_47 = tpu.memref_slice %arg12[%dma_start3A_46] : memref<800xi32, #tpu.memory_space<vmem>> -> memref<80xi32, #tpu.memory_space<vmem>>
    %dma_start3A_48 = arith.constant 0 : i32
    %dma_start3A_49 = arith.constant 0 : i32
    %dma_start3A_50 = tpu.memref_slice %arg7[%dma_start3A_48, %dma_start3A_49] : memref<1000000x64xf32, #tpu.memory_space<hbm>> -> memref<1000000x64xf32, #tpu.memory_space<hbm>>
    tpu.enqueue_indirect_dma source(%dma_start3A_50 : memref<1000000x64xf32, #tpu.memory_space<hbm>>) target(%dma_start3A_45 : memref<80x64xf32, #tpu.memory_space<vmem>>) offsets(%dma_start3A_47 : memref<80xi32, #tpu.memory_space<vmem>>) semaphore(%arg26 : memref<!tpu.dma_semaphore, #tpu.memory_space<semaphore_mem>>)
    %dma_start3A_51 = arith.constant 320 : i32
    %dma_start3A_52 = arith.constant 0 : i32
    %dma_start3A_53 = tpu.memref_slice %arg16[%dma_start3A_51, %dma_start3A_52] : memref<800x64xf32, #tpu.memory_space<vmem>> -> memref<80x64xf32, #tpu.memory_space<vmem>>
    %dma_start3A_54 = arith.constant 320 : i32
    %dma_start3A_55 = tpu.memref_slice %arg12[%dma_start3A_54] : memref<800xi32, #tpu.memory_space<vmem>> -> memref<80xi32, #tpu.memory_space<vmem>>
    %dma_start3A_56 = arith.constant 0 : i32
    %dma_start3A_57 = arith.constant 0 : i32
    %dma_start3A_58 = tpu.memref_slice %arg7[%dma_start3A_56, %dma_start3A_57] : memref<1000000x64xf32, #tpu.memory_space<hbm>> -> memref<1000000x64xf32, #tpu.memory_space<hbm>>
    tpu.enqueue_indirect_dma source(%dma_start3A_58 : memref<1000000x64xf32, #tpu.memory_space<hbm>>) target(%dma_start3A_53 : memref<80x64xf32, #tpu.memory_space<vmem>>) offsets(%dma_start3A_55 : memref<80xi32, #tpu.memory_space<vmem>>) semaphore(%arg26 : memref<!tpu.dma_semaphore, #tpu.memory_space<semaphore_mem>>)
    %dma_start3A_59 = arith.constant 400 : i32
    %dma_start3A_60 = arith.constant 0 : i32
    %dma_start3A_61 = tpu.memref_slice %arg16[%dma_start3A_59, %dma_start3A_60] : memref<800x64xf32, #tpu.memory_space<vmem>> -> memref<80x64xf32, #tpu.memory_space<vmem>>
    %dma_start3A_62 = arith.constant 400 : i32
    %dma_start3A_63 = tpu.memref_slice %arg12[%dma_start3A_62] : memref<800xi32, #tpu.memory_space<vmem>> -> memref<80xi32, #tpu.memory_space<vmem>>
    %dma_start3A_64 = arith.constant 0 : i32
    %dma_start3A_65 = arith.constant 0 : i32
    %dma_start3A_66 = tpu.memref_slice %arg7[%dma_start3A_64, %dma_start3A_65] : memref<1000000x64xf32, #tpu.memory_space<hbm>> -> memref<1000000x64xf32, #tpu.memory_space<hbm>>
    tpu.enqueue_indirect_dma source(%dma_start3A_66 : memref<1000000x64xf32, #tpu.memory_space<hbm>>) target(%dma_start3A_61 : memref<80x64xf32, #tpu.memory_space<vmem>>) offsets(%dma_start3A_63 : memref<80xi32, #tpu.memory_space<vmem>>) semaphore(%arg26 : memref<!tpu.dma_semaphore, #tpu.memory_space<semaphore_mem>>)
    %dma_start3A_67 = arith.constant 480 : i32
    %dma_start3A_68 = arith.constant 0 : i32
    %dma_start3A_69 = tpu.memref_slice %arg16[%dma_start3A_67, %dma_start3A_68] : memref<800x64xf32, #tpu.memory_space<vmem>> -> memref<80x64xf32, #tpu.memory_space<vmem>>
    %dma_start3A_70 = arith.constant 480 : i32
    %dma_start3A_71 = tpu.memref_slice %arg12[%dma_start3A_70] : memref<800xi32, #tpu.memory_space<vmem>> -> memref<80xi32, #tpu.memory_space<vmem>>
    %dma_start3A_72 = arith.constant 0 : i32
    %dma_start3A_73 = arith.constant 0 : i32
    %dma_start3A_74 = tpu.memref_slice %arg7[%dma_start3A_72, %dma_start3A_73] : memref<1000000x64xf32, #tpu.memory_space<hbm>> -> memref<1000000x64xf32, #tpu.memory_space<hbm>>
    tpu.enqueue_indirect_dma source(%dma_start3A_74 : memref<1000000x64xf32, #tpu.memory_space<hbm>>) target(%dma_start3A_69 : memref<80x64xf32, #tpu.memory_space<vmem>>) offsets(%dma_start3A_71 : memref<80xi32, #tpu.memory_space<vmem>>) semaphore(%arg26 : memref<!tpu.dma_semaphore, #tpu.memory_space<semaphore_mem>>)
    %dma_start3A_75 = arith.constant 560 : i32
    %dma_start3A_76 = arith.constant 0 : i32
    %dma_start3A_77 = tpu.memref_slice %arg16[%dma_start3A_75, %dma_start3A_76] : memref<800x64xf32, #tpu.memory_space<vmem>> -> memref<80x64xf32, #tpu.memory_space<vmem>>
    %dma_start3A_78 = arith.constant 560 : i32
    %dma_start3A_79 = tpu.memref_slice %arg12[%dma_start3A_78] : memref<800xi32, #tpu.memory_space<vmem>> -> memref<80xi32, #tpu.memory_space<vmem>>
    %dma_start3A_80 = arith.constant 0 : i32
    %dma_start3A_81 = arith.constant 0 : i32
    %dma_start3A_82 = tpu.memref_slice %arg7[%dma_start3A_80, %dma_start3A_81] : memref<1000000x64xf32, #tpu.memory_space<hbm>> -> memref<1000000x64xf32, #tpu.memory_space<hbm>>
    tpu.enqueue_indirect_dma source(%dma_start3A_82 : memref<1000000x64xf32, #tpu.memory_space<hbm>>) target(%dma_start3A_77 : memref<80x64xf32, #tpu.memory_space<vmem>>) offsets(%dma_start3A_79 : memref<80xi32, #tpu.memory_space<vmem>>) semaphore(%arg26 : memref<!tpu.dma_semaphore, #tpu.memory_space<semaphore_mem>>)
    %dma_start3A_83 = arith.constant 640 : i32
    %dma_start3A_84 = arith.constant 0 : i32
    %dma_start3A_85 = tpu.memref_slice %arg16[%dma_start3A_83, %dma_start3A_84] : memref<800x64xf32, #tpu.memory_space<vmem>> -> memref<80x64xf32, #tpu.memory_space<vmem>>
    %dma_start3A_86 = arith.constant 640 : i32
    %dma_start3A_87 = tpu.memref_slice %arg12[%dma_start3A_86] : memref<800xi32, #tpu.memory_space<vmem>> -> memref<80xi32, #tpu.memory_space<vmem>>
    %dma_start3A_88 = arith.constant 0 : i32
    %dma_start3A_89 = arith.constant 0 : i32
    %dma_start3A_90 = tpu.memref_slice %arg7[%dma_start3A_88, %dma_start3A_89] : memref<1000000x64xf32, #tpu.memory_space<hbm>> -> memref<1000000x64xf32, #tpu.memory_space<hbm>>
    tpu.enqueue_indirect_dma source(%dma_start3A_90 : memref<1000000x64xf32, #tpu.memory_space<hbm>>) target(%dma_start3A_85 : memref<80x64xf32, #tpu.memory_space<vmem>>) offsets(%dma_start3A_87 : memref<80xi32, #tpu.memory_space<vmem>>) semaphore(%arg26 : memref<!tpu.dma_semaphore, #tpu.memory_space<semaphore_mem>>)
    %dma_start3A_91 = arith.constant 720 : i32
    %dma_start3A_92 = arith.constant 0 : i32
    %dma_start3A_93 = tpu.memref_slice %arg16[%dma_start3A_91, %dma_start3A_92] : memref<800x64xf32, #tpu.memory_space<vmem>> -> memref<80x64xf32, #tpu.memory_space<vmem>>
    %dma_start3A_94 = arith.constant 720 : i32
    %dma_start3A_95 = tpu.memref_slice %arg12[%dma_start3A_94] : memref<800xi32, #tpu.memory_space<vmem>> -> memref<80xi32, #tpu.memory_space<vmem>>
    %dma_start3A_96 = arith.constant 0 : i32
    %dma_start3A_97 = arith.constant 0 : i32
    %dma_start3A_98 = tpu.memref_slice %arg7[%dma_start3A_96, %dma_start3A_97] : memref<1000000x64xf32, #tpu.memory_space<hbm>> -> memref<1000000x64xf32, #tpu.memory_space<hbm>>
    tpu.enqueue_indirect_dma source(%dma_start3A_98 : memref<1000000x64xf32, #tpu.memory_space<hbm>>) target(%dma_start3A_93 : memref<80x64xf32, #tpu.memory_space<vmem>>) offsets(%dma_start3A_95 : memref<80xi32, #tpu.memory_space<vmem>>) semaphore(%arg26 : memref<!tpu.dma_semaphore, #tpu.memory_space<semaphore_mem>>)
    %dma_start3A_99 = arith.constant 0 : i32
    %dma_start3A_100 = tpu.memref_slice %arg10[%dma_start3A_99] : memref<512xi32, #tpu.memory_space<vmem>> -> memref<16xi32, #tpu.memory_space<vmem>>
    %dma_start3A_101 = arith.constant 0 : i32
    %dma_start3A_102 = arith.constant 0 : i32
    %dma_start3A_103 = tpu.memref_slice %arg6[%dma_start3A_101, %dma_start3A_102] : memref<100000x64xf32, #tpu.memory_space<hbm>> -> memref<100000x64xf32, #tpu.memory_space<hbm>>
    tpu.enqueue_indirect_dma source(%dma_start3A_103 : memref<100000x64xf32, #tpu.memory_space<hbm>>) target(%arg18 : memref<16x64xf32, #tpu.memory_space<vmem>>) offsets(%dma_start3A_100 : memref<16xi32, #tpu.memory_space<vmem>>) semaphore(%arg26 : memref<!tpu.dma_semaphore, #tpu.memory_space<semaphore_mem>>)
    %dma_start3A_104 = arith.constant 0 : i32
    %dma_start3A_105 = tpu.memref_slice %arg11[%dma_start3A_104] : memref<512xi32, #tpu.memory_space<vmem>> -> memref<16xi32, #tpu.memory_space<vmem>>
    %dma_start3A_106 = arith.constant 0 : i32
    %dma_start3A_107 = arith.constant 0 : i32
    %dma_start3A_108 = tpu.memref_slice %arg8[%dma_start3A_106, %dma_start3A_107] : memref<1000000x64xf32, #tpu.memory_space<hbm>> -> memref<1000000x64xf32, #tpu.memory_space<hbm>>
    tpu.enqueue_indirect_dma source(%dma_start3A_108 : memref<1000000x64xf32, #tpu.memory_space<hbm>>) target(%arg20 : memref<16x64xf32, #tpu.memory_space<vmem>>) offsets(%dma_start3A_105 : memref<16xi32, #tpu.memory_space<vmem>>) semaphore(%arg26 : memref<!tpu.dma_semaphore, #tpu.memory_space<semaphore_mem>>)
    %dma_start3A_109 = arith.constant 0 : i32
    %dma_start3A_110 = arith.constant 0 : i32
    %dma_start3A_111 = tpu.memref_slice %arg8[%dma_start3A_109, %dma_start3A_110] : memref<1000000x64xf32, #tpu.memory_space<hbm>> -> memref<1000000x64xf32, #tpu.memory_space<hbm>>
    tpu.enqueue_indirect_dma source(%dma_start3A_111 : memref<1000000x64xf32, #tpu.memory_space<hbm>>) target(%arg22 : memref<80x64xf32, #tpu.memory_space<vmem>>) offsets(%arg14 : memref<80xi32, #tpu.memory_space<vmem>>) semaphore(%arg26 : memref<!tpu.dma_semaphore, #tpu.memory_space<semaphore_mem>>)
    %scan3A = arith.constant 0 : i32
    %scan3A_112 = arith.constant 0 : i32
    %scan3A_113 = arith.constant 16 : i32
    %scan3A_114 = arith.addi %scan3A_112, %scan3A_113 : i32
    %scan3A_115 = arith.constant 1 : i32
    scf.for %scan3A_141 = %scan3A_112 to %scan3A_114 step %scan3A_115  : i32 {
      %mul3A_142 = arith.constant 2 : i32
      %mul3A_143 = arith.muli %scan3A_141, %mul3A_142 : i32
      %add3A_144 = arith.constant 1 : i32
      %add3A_145 = arith.addi %mul3A_143, %add3A_144 : i32
      %mul3A_146 = arith.constant 512 : i32
      %mul3A_147 = arith.muli %add3A, %mul3A_146 : i32
      %mul3A_148 = arith.constant 16 : i32
      %mul3A_149 = arith.muli %add3A_145, %mul3A_148 : i32
      %add3A_150 = arith.addi %mul3A_147, %mul3A_149 : i32
      %multiple_of3A_151 = tpu.assume_multiple %add3A_150, 16 : i32
      %mul3A_152 = arith.constant 50 : i32
      %mul3A_153 = arith.muli %multiple_of3A_151, %mul3A_152 : i32
      "tpu.region"() ({
        %run_scoped3A = tpu.sem_alloc : memref<!tpu.dma_semaphore, #tpu.memory_space<semaphore_mem>>
        %dma_start3A_782 = tpu.memref_slice %arg3[%mul3A_153] : memref<819200xi32, #tpu.memory_space<hbm>> -> memref<800xi32, #tpu.memory_space<hbm>>
        %dma_start3A_783 = tpu.memref_slice %arg3[%mul3A_153] : memref<819200xi32, #tpu.memory_space<hbm>> -> memref<800xi32, #tpu.memory_space<hbm>>
        tpu.enqueue_dma source(%dma_start3A_783 : memref<800xi32, #tpu.memory_space<hbm>>) target(%arg13 : memref<800xi32, #tpu.memory_space<vmem>>) target_semaphore(%run_scoped3A : memref<!tpu.dma_semaphore, #tpu.memory_space<semaphore_mem>>)
        %dma_wait3A_784 = tpu.memref_slice %arg3[%mul3A_153] : memref<819200xi32, #tpu.memory_space<hbm>> -> memref<800xi32, #tpu.memory_space<hbm>>
        %dma_wait3A_785 = tpu.memref_slice %arg3[%mul3A_153] : memref<819200xi32, #tpu.memory_space<hbm>> -> memref<800xi32, #tpu.memory_space<hbm>>
        tpu.wait_dma2 semaphore(%run_scoped3A : memref<!tpu.dma_semaphore, #tpu.memory_space<semaphore_mem>>) src(%dma_wait3A_785 : memref<800xi32, #tpu.memory_space<hbm>>) dst(%arg13 : memref<800xi32, #tpu.memory_space<vmem>>)
        tpu.yield
      }) : () -> ()
      %mul3A_154 = arith.constant 5 : i32
      %mul3A_155 = arith.muli %multiple_of3A_151, %mul3A_154 : i32
      "tpu.region"() ({
        %run_scoped3A = tpu.sem_alloc : memref<!tpu.dma_semaphore, #tpu.memory_space<semaphore_mem>>
        %dma_start3A_782 = tpu.memref_slice %arg5[%mul3A_155] : memref<81920xi32, #tpu.memory_space<hbm>> -> memref<80xi32, #tpu.memory_space<hbm>>
        %dma_start3A_783 = tpu.memref_slice %arg5[%mul3A_155] : memref<81920xi32, #tpu.memory_space<hbm>> -> memref<80xi32, #tpu.memory_space<hbm>>
        tpu.enqueue_dma source(%dma_start3A_783 : memref<80xi32, #tpu.memory_space<hbm>>) target(%arg15 : memref<80xi32, #tpu.memory_space<vmem>>) target_semaphore(%run_scoped3A : memref<!tpu.dma_semaphore, #tpu.memory_space<semaphore_mem>>)
        %dma_wait3A_784 = tpu.memref_slice %arg5[%mul3A_155] : memref<81920xi32, #tpu.memory_space<hbm>> -> memref<80xi32, #tpu.memory_space<hbm>>
        %dma_wait3A_785 = tpu.memref_slice %arg5[%mul3A_155] : memref<81920xi32, #tpu.memory_space<hbm>> -> memref<80xi32, #tpu.memory_space<hbm>>
        tpu.wait_dma2 semaphore(%run_scoped3A : memref<!tpu.dma_semaphore, #tpu.memory_space<semaphore_mem>>) src(%dma_wait3A_785 : memref<80xi32, #tpu.memory_space<hbm>>) dst(%arg15 : memref<80xi32, #tpu.memory_space<vmem>>)
        tpu.yield
      }) : () -> ()
      %mul3A_156 = arith.constant 16 : i32
      %mul3A_157 = arith.muli %add3A_145, %mul3A_156 : i32
      %mul3A_158 = arith.constant 16 : i32
      %mul3A_159 = arith.muli %add3A_145, %mul3A_158 : i32
      %dma_start3A_160 = arith.constant 0 : i32
      %dma_start3A_161 = arith.constant 0 : i32
      %dma_start3A_162 = tpu.memref_slice %arg17[%dma_start3A_160, %dma_start3A_161] : memref<800x64xf32, #tpu.memory_space<vmem>> -> memref<80x64xf32, #tpu.memory_space<vmem>>
      %dma_start3A_163 = arith.constant 0 : i32
      %dma_start3A_164 = tpu.memref_slice %arg13[%dma_start3A_163] : memref<800xi32, #tpu.memory_space<vmem>> -> memref<80xi32, #tpu.memory_space<vmem>>
      %dma_start3A_165 = arith.constant 0 : i32
      %dma_start3A_166 = arith.constant 0 : i32
      %dma_start3A_167 = tpu.memref_slice %arg7[%dma_start3A_165, %dma_start3A_166] : memref<1000000x64xf32, #tpu.memory_space<hbm>> -> memref<1000000x64xf32, #tpu.memory_space<hbm>>
      tpu.enqueue_indirect_dma source(%dma_start3A_167 : memref<1000000x64xf32, #tpu.memory_space<hbm>>) target(%dma_start3A_162 : memref<80x64xf32, #tpu.memory_space<vmem>>) offsets(%dma_start3A_164 : memref<80xi32, #tpu.memory_space<vmem>>) semaphore(%arg27 : memref<!tpu.dma_semaphore, #tpu.memory_space<semaphore_mem>>)
      %dma_start3A_168 = arith.constant 80 : i32
      %dma_start3A_169 = arith.constant 0 : i32
      %dma_start3A_170 = tpu.memref_slice %arg17[%dma_start3A_168, %dma_start3A_169] : memref<800x64xf32, #tpu.memory_space<vmem>> -> memref<80x64xf32, #tpu.memory_space<vmem>>
      %dma_start3A_171 = arith.constant 80 : i32
      %dma_start3A_172 = tpu.memref_slice %arg13[%dma_start3A_171] : memref<800xi32, #tpu.memory_space<vmem>> -> memref<80xi32, #tpu.memory_space<vmem>>
      %dma_start3A_173 = arith.constant 0 : i32
      %dma_start3A_174 = arith.constant 0 : i32
      %dma_start3A_175 = tpu.memref_slice %arg7[%dma_start3A_173, %dma_start3A_174] : memref<1000000x64xf32, #tpu.memory_space<hbm>> -> memref<1000000x64xf32, #tpu.memory_space<hbm>>
      tpu.enqueue_indirect_dma source(%dma_start3A_175 : memref<1000000x64xf32, #tpu.memory_space<hbm>>) target(%dma_start3A_170 : memref<80x64xf32, #tpu.memory_space<vmem>>) offsets(%dma_start3A_172 : memref<80xi32, #tpu.memory_space<vmem>>) semaphore(%arg27 : memref<!tpu.dma_semaphore, #tpu.memory_space<semaphore_mem>>)
      %dma_start3A_176 = arith.constant 160 : i32
      %dma_start3A_177 = arith.constant 0 : i32
      %dma_start3A_178 = tpu.memref_slice %arg17[%dma_start3A_176, %dma_start3A_177] : memref<800x64xf32, #tpu.memory_space<vmem>> -> memref<80x64xf32, #tpu.memory_space<vmem>>
      %dma_start3A_179 = arith.constant 160 : i32
      %dma_start3A_180 = tpu.memref_slice %arg13[%dma_start3A_179] : memref<800xi32, #tpu.memory_space<vmem>> -> memref<80xi32, #tpu.memory_space<vmem>>
      %dma_start3A_181 = arith.constant 0 : i32
      %dma_start3A_182 = arith.constant 0 : i32
      %dma_start3A_183 = tpu.memref_slice %arg7[%dma_start3A_181, %dma_start3A_182] : memref<1000000x64xf32, #tpu.memory_space<hbm>> -> memref<1000000x64xf32, #tpu.memory_space<hbm>>
      tpu.enqueue_indirect_dma source(%dma_start3A_183 : memref<1000000x64xf32, #tpu.memory_space<hbm>>) target(%dma_start3A_178 : memref<80x64xf32, #tpu.memory_space<vmem>>) offsets(%dma_start3A_180 : memref<80xi32, #tpu.memory_space<vmem>>) semaphore(%arg27 : memref<!tpu.dma_semaphore, #tpu.memory_space<semaphore_mem>>)
      %dma_start3A_184 = arith.constant 240 : i32
      %dma_start3A_185 = arith.constant 0 : i32
      %dma_start3A_186 = tpu.memref_slice %arg17[%dma_start3A_184, %dma_start3A_185] : memref<800x64xf32, #tpu.memory_space<vmem>> -> memref<80x64xf32, #tpu.memory_space<vmem>>
      %dma_start3A_187 = arith.constant 240 : i32
      %dma_start3A_188 = tpu.memref_slice %arg13[%dma_start3A_187] : memref<800xi32, #tpu.memory_space<vmem>> -> memref<80xi32, #tpu.memory_space<vmem>>
      %dma_start3A_189 = arith.constant 0 : i32
      %dma_start3A_190 = arith.constant 0 : i32
      %dma_start3A_191 = tpu.memref_slice %arg7[%dma_start3A_189, %dma_start3A_190] : memref<1000000x64xf32, #tpu.memory_space<hbm>> -> memref<1000000x64xf32, #tpu.memory_space<hbm>>
      tpu.enqueue_indirect_dma source(%dma_start3A_191 : memref<1000000x64xf32, #tpu.memory_space<hbm>>) target(%dma_start3A_186 : memref<80x64xf32, #tpu.memory_space<vmem>>) offsets(%dma_start3A_188 : memref<80xi32, #tpu.memory_space<vmem>>) semaphore(%arg27 : memref<!tpu.dma_semaphore, #tpu.memory_space<semaphore_mem>>)
      %dma_start3A_192 = arith.constant 320 : i32
      %dma_start3A_193 = arith.constant 0 : i32
      %dma_start3A_194 = tpu.memref_slice %arg17[%dma_start3A_192, %dma_start3A_193] : memref<800x64xf32, #tpu.memory_space<vmem>> -> memref<80x64xf32, #tpu.memory_space<vmem>>
      %dma_start3A_195 = arith.constant 320 : i32
      %dma_start3A_196 = tpu.memref_slice %arg13[%dma_start3A_195] : memref<800xi32, #tpu.memory_space<vmem>> -> memref<80xi32, #tpu.memory_space<vmem>>
      %dma_start3A_197 = arith.constant 0 : i32
      %dma_start3A_198 = arith.constant 0 : i32
      %dma_start3A_199 = tpu.memref_slice %arg7[%dma_start3A_197, %dma_start3A_198] : memref<1000000x64xf32, #tpu.memory_space<hbm>> -> memref<1000000x64xf32, #tpu.memory_space<hbm>>
      tpu.enqueue_indirect_dma source(%dma_start3A_199 : memref<1000000x64xf32, #tpu.memory_space<hbm>>) target(%dma_start3A_194 : memref<80x64xf32, #tpu.memory_space<vmem>>) offsets(%dma_start3A_196 : memref<80xi32, #tpu.memory_space<vmem>>) semaphore(%arg27 : memref<!tpu.dma_semaphore, #tpu.memory_space<semaphore_mem>>)
      %dma_start3A_200 = arith.constant 400 : i32
      %dma_start3A_201 = arith.constant 0 : i32
      %dma_start3A_202 = tpu.memref_slice %arg17[%dma_start3A_200, %dma_start3A_201] : memref<800x64xf32, #tpu.memory_space<vmem>> -> memref<80x64xf32, #tpu.memory_space<vmem>>
      %dma_start3A_203 = arith.constant 400 : i32
      %dma_start3A_204 = tpu.memref_slice %arg13[%dma_start3A_203] : memref<800xi32, #tpu.memory_space<vmem>> -> memref<80xi32, #tpu.memory_space<vmem>>
      %dma_start3A_205 = arith.constant 0 : i32
      %dma_start3A_206 = arith.constant 0 : i32
      %dma_start3A_207 = tpu.memref_slice %arg7[%dma_start3A_205, %dma_start3A_206] : memref<1000000x64xf32, #tpu.memory_space<hbm>> -> memref<1000000x64xf32, #tpu.memory_space<hbm>>
      tpu.enqueue_indirect_dma source(%dma_start3A_207 : memref<1000000x64xf32, #tpu.memory_space<hbm>>) target(%dma_start3A_202 : memref<80x64xf32, #tpu.memory_space<vmem>>) offsets(%dma_start3A_204 : memref<80xi32, #tpu.memory_space<vmem>>) semaphore(%arg27 : memref<!tpu.dma_semaphore, #tpu.memory_space<semaphore_mem>>)
      %dma_start3A_208 = arith.constant 480 : i32
      %dma_start3A_209 = arith.constant 0 : i32
      %dma_start3A_210 = tpu.memref_slice %arg17[%dma_start3A_208, %dma_start3A_209] : memref<800x64xf32, #tpu.memory_space<vmem>> -> memref<80x64xf32, #tpu.memory_space<vmem>>
      %dma_start3A_211 = arith.constant 480 : i32
      %dma_start3A_212 = tpu.memref_slice %arg13[%dma_start3A_211] : memref<800xi32, #tpu.memory_space<vmem>> -> memref<80xi32, #tpu.memory_space<vmem>>
      %dma_start3A_213 = arith.constant 0 : i32
      %dma_start3A_214 = arith.constant 0 : i32
      %dma_start3A_215 = tpu.memref_slice %arg7[%dma_start3A_213, %dma_start3A_214] : memref<1000000x64xf32, #tpu.memory_space<hbm>> -> memref<1000000x64xf32, #tpu.memory_space<hbm>>
      tpu.enqueue_indirect_dma source(%dma_start3A_215 : memref<1000000x64xf32, #tpu.memory_space<hbm>>) target(%dma_start3A_210 : memref<80x64xf32, #tpu.memory_space<vmem>>) offsets(%dma_start3A_212 : memref<80xi32, #tpu.memory_space<vmem>>) semaphore(%arg27 : memref<!tpu.dma_semaphore, #tpu.memory_space<semaphore_mem>>)
      %dma_start3A_216 = arith.constant 560 : i32
      %dma_start3A_217 = arith.constant 0 : i32
      %dma_start3A_218 = tpu.memref_slice %arg17[%dma_start3A_216, %dma_start3A_217] : memref<800x64xf32, #tpu.memory_space<vmem>> -> memref<80x64xf32, #tpu.memory_space<vmem>>
      %dma_start3A_219 = arith.constant 560 : i32
      %dma_start3A_220 = tpu.memref_slice %arg13[%dma_start3A_219] : memref<800xi32, #tpu.memory_space<vmem>> -> memref<80xi32, #tpu.memory_space<vmem>>
      %dma_start3A_221 = arith.constant 0 : i32
      %dma_start3A_222 = arith.constant 0 : i32
      %dma_start3A_223 = tpu.memref_slice %arg7[%dma_start3A_221, %dma_start3A_222] : memref<1000000x64xf32, #tpu.memory_space<hbm>> -> memref<1000000x64xf32, #tpu.memory_space<hbm>>
      tpu.enqueue_indirect_dma source(%dma_start3A_223 : memref<1000000x64xf32, #tpu.memory_space<hbm>>) target(%dma_start3A_218 : memref<80x64xf32, #tpu.memory_space<vmem>>) offsets(%dma_start3A_220 : memref<80xi32, #tpu.memory_space<vmem>>) semaphore(%arg27 : memref<!tpu.dma_semaphore, #tpu.memory_space<semaphore_mem>>)
      %dma_start3A_224 = arith.constant 640 : i32
      %dma_start3A_225 = arith.constant 0 : i32
      %dma_start3A_226 = tpu.memref_slice %arg17[%dma_start3A_224, %dma_start3A_225] : memref<800x64xf32, #tpu.memory_space<vmem>> -> memref<80x64xf32, #tpu.memory_space<vmem>>
      %dma_start3A_227 = arith.constant 640 : i32
      %dma_start3A_228 = tpu.memref_slice %arg13[%dma_start3A_227] : memref<800xi32, #tpu.memory_space<vmem>> -> memref<80xi32, #tpu.memory_space<vmem>>
      %dma_start3A_229 = arith.constant 0 : i32
      %dma_start3A_230 = arith.constant 0 : i32
      %dma_start3A_231 = tpu.memref_slice %arg7[%dma_start3A_229, %dma_start3A_230] : memref<1000000x64xf32, #tpu.memory_space<hbm>> -> memref<1000000x64xf32, #tpu.memory_space<hbm>>
      tpu.enqueue_indirect_dma source(%dma_start3A_231 : memref<1000000x64xf32, #tpu.memory_space<hbm>>) target(%dma_start3A_226 : memref<80x64xf32, #tpu.memory_space<vmem>>) offsets(%dma_start3A_228 : memref<80xi32, #tpu.memory_space<vmem>>) semaphore(%arg27 : memref<!tpu.dma_semaphore, #tpu.memory_space<semaphore_mem>>)
      %dma_start3A_232 = arith.constant 720 : i32
      %dma_start3A_233 = arith.constant 0 : i32
      %dma_start3A_234 = tpu.memref_slice %arg17[%dma_start3A_232, %dma_start3A_233] : memref<800x64xf32, #tpu.memory_space<vmem>> -> memref<80x64xf32, #tpu.memory_space<vmem>>
      %dma_start3A_235 = arith.constant 720 : i32
      %dma_start3A_236 = tpu.memref_slice %arg13[%dma_start3A_235] : memref<800xi32, #tpu.memory_space<vmem>> -> memref<80xi32, #tpu.memory_space<vmem>>
      %dma_start3A_237 = arith.constant 0 : i32
      %dma_start3A_238 = arith.constant 0 : i32
      %dma_start3A_239 = tpu.memref_slice %arg7[%dma_start3A_237, %dma_start3A_238] : memref<1000000x64xf32, #tpu.memory_space<hbm>> -> memref<1000000x64xf32, #tpu.memory_space<hbm>>
      tpu.enqueue_indirect_dma source(%dma_start3A_239 : memref<1000000x64xf32, #tpu.memory_space<hbm>>) target(%dma_start3A_234 : memref<80x64xf32, #tpu.memory_space<vmem>>) offsets(%dma_start3A_236 : memref<80xi32, #tpu.memory_space<vmem>>) semaphore(%arg27 : memref<!tpu.dma_semaphore, #tpu.memory_space<semaphore_mem>>)
      %dma_start3A_240 = tpu.memref_slice %arg10[%mul3A_157] : memref<512xi32, #tpu.memory_space<vmem>> -> memref<16xi32, #tpu.memory_space<vmem>>
      %dma_start3A_241 = arith.constant 0 : i32
      %dma_start3A_242 = arith.constant 0 : i32
      %dma_start3A_243 = tpu.memref_slice %arg6[%dma_start3A_241, %dma_start3A_242] : memref<100000x64xf32, #tpu.memory_space<hbm>> -> memref<100000x64xf32, #tpu.memory_space<hbm>>
      tpu.enqueue_indirect_dma source(%dma_start3A_243 : memref<100000x64xf32, #tpu.memory_space<hbm>>) target(%arg19 : memref<16x64xf32, #tpu.memory_space<vmem>>) offsets(%dma_start3A_240 : memref<16xi32, #tpu.memory_space<vmem>>) semaphore(%arg27 : memref<!tpu.dma_semaphore, #tpu.memory_space<semaphore_mem>>)
      %dma_start3A_244 = tpu.memref_slice %arg11[%mul3A_159] : memref<512xi32, #tpu.memory_space<vmem>> -> memref<16xi32, #tpu.memory_space<vmem>>
      %dma_start3A_245 = arith.constant 0 : i32
      %dma_start3A_246 = arith.constant 0 : i32
      %dma_start3A_247 = tpu.memref_slice %arg8[%dma_start3A_245, %dma_start3A_246] : memref<1000000x64xf32, #tpu.memory_space<hbm>> -> memref<1000000x64xf32, #tpu.memory_space<hbm>>
      tpu.enqueue_indirect_dma source(%dma_start3A_247 : memref<1000000x64xf32, #tpu.memory_space<hbm>>) target(%arg21 : memref<16x64xf32, #tpu.memory_space<vmem>>) offsets(%dma_start3A_244 : memref<16xi32, #tpu.memory_space<vmem>>) semaphore(%arg27 : memref<!tpu.dma_semaphore, #tpu.memory_space<semaphore_mem>>)
      %dma_start3A_248 = arith.constant 0 : i32
      %dma_start3A_249 = arith.constant 0 : i32
      %dma_start3A_250 = tpu.memref_slice %arg8[%dma_start3A_248, %dma_start3A_249] : memref<1000000x64xf32, #tpu.memory_space<hbm>> -> memref<1000000x64xf32, #tpu.memory_space<hbm>>
      tpu.enqueue_indirect_dma source(%dma_start3A_250 : memref<1000000x64xf32, #tpu.memory_space<hbm>>) target(%arg23 : memref<80x64xf32, #tpu.memory_space<vmem>>) offsets(%arg15 : memref<80xi32, #tpu.memory_space<vmem>>) semaphore(%arg27 : memref<!tpu.dma_semaphore, #tpu.memory_space<semaphore_mem>>)
      %mul3A_251 = arith.constant 16 : i32
      %mul3A_252 = arith.muli %mul3A_143, %mul3A_251 : i32
      %mul3A_253 = arith.constant 16 : i32
      %mul3A_254 = arith.muli %mul3A_143, %mul3A_253 : i32
      %dma_wait3A = arith.constant 0 : i32
      %dma_wait3A_255 = arith.constant 0 : i32
      %dma_wait3A_256 = tpu.memref_slice %arg16[%dma_wait3A, %dma_wait3A_255] : memref<800x64xf32, #tpu.memory_space<vmem>> -> memref<80x64xf32, #tpu.memory_space<vmem>>
      %dma_wait3A_257 = arith.constant 0 : i32
      %dma_wait3A_258 = tpu.memref_slice %arg12[%dma_wait3A_257] : memref<800xi32, #tpu.memory_space<vmem>> -> memref<80xi32, #tpu.memory_space<vmem>>
      %dma_wait3A_259 = arith.constant 0 : i32
      %dma_wait3A_260 = arith.constant 0 : i32
      %dma_wait3A_261 = tpu.memref_slice %arg7[%dma_wait3A_259, %dma_wait3A_260] : memref<1000000x64xf32, #tpu.memory_space<hbm>> -> memref<1000000x64xf32, #tpu.memory_space<hbm>>
      tpu.wait_indirect_dma semaphore(%arg26 : memref<!tpu.dma_semaphore, #tpu.memory_space<semaphore_mem>>) src(%dma_wait3A_261 : memref<1000000x64xf32, #tpu.memory_space<hbm>>) dst(%dma_wait3A_256 : memref<80x64xf32, #tpu.memory_space<vmem>>)
      %dma_wait3A_262 = arith.constant 80 : i32
      %dma_wait3A_263 = arith.constant 0 : i32
      %dma_wait3A_264 = tpu.memref_slice %arg16[%dma_wait3A_262, %dma_wait3A_263] : memref<800x64xf32, #tpu.memory_space<vmem>> -> memref<80x64xf32, #tpu.memory_space<vmem>>
      %dma_wait3A_265 = arith.constant 80 : i32
      %dma_wait3A_266 = tpu.memref_slice %arg12[%dma_wait3A_265] : memref<800xi32, #tpu.memory_space<vmem>> -> memref<80xi32, #tpu.memory_space<vmem>>
      %dma_wait3A_267 = arith.constant 0 : i32
      %dma_wait3A_268 = arith.constant 0 : i32
      %dma_wait3A_269 = tpu.memref_slice %arg7[%dma_wait3A_267, %dma_wait3A_268] : memref<1000000x64xf32, #tpu.memory_space<hbm>> -> memref<1000000x64xf32, #tpu.memory_space<hbm>>
      tpu.wait_indirect_dma semaphore(%arg26 : memref<!tpu.dma_semaphore, #tpu.memory_space<semaphore_mem>>) src(%dma_wait3A_269 : memref<1000000x64xf32, #tpu.memory_space<hbm>>) dst(%dma_wait3A_264 : memref<80x64xf32, #tpu.memory_space<vmem>>)
      %dma_wait3A_270 = arith.constant 160 : i32
      %dma_wait3A_271 = arith.constant 0 : i32
      %dma_wait3A_272 = tpu.memref_slice %arg16[%dma_wait3A_270, %dma_wait3A_271] : memref<800x64xf32, #tpu.memory_space<vmem>> -> memref<80x64xf32, #tpu.memory_space<vmem>>
      %dma_wait3A_273 = arith.constant 160 : i32
      %dma_wait3A_274 = tpu.memref_slice %arg12[%dma_wait3A_273] : memref<800xi32, #tpu.memory_space<vmem>> -> memref<80xi32, #tpu.memory_space<vmem>>
      %dma_wait3A_275 = arith.constant 0 : i32
      %dma_wait3A_276 = arith.constant 0 : i32
      %dma_wait3A_277 = tpu.memref_slice %arg7[%dma_wait3A_275, %dma_wait3A_276] : memref<1000000x64xf32, #tpu.memory_space<hbm>> -> memref<1000000x64xf32, #tpu.memory_space<hbm>>
      tpu.wait_indirect_dma semaphore(%arg26 : memref<!tpu.dma_semaphore, #tpu.memory_space<semaphore_mem>>) src(%dma_wait3A_277 : memref<1000000x64xf32, #tpu.memory_space<hbm>>) dst(%dma_wait3A_272 : memref<80x64xf32, #tpu.memory_space<vmem>>)
      %dma_wait3A_278 = arith.constant 240 : i32
      %dma_wait3A_279 = arith.constant 0 : i32
      %dma_wait3A_280 = tpu.memref_slice %arg16[%dma_wait3A_278, %dma_wait3A_279] : memref<800x64xf32, #tpu.memory_space<vmem>> -> memref<80x64xf32, #tpu.memory_space<vmem>>
      %dma_wait3A_281 = arith.constant 240 : i32
      %dma_wait3A_282 = tpu.memref_slice %arg12[%dma_wait3A_281] : memref<800xi32, #tpu.memory_space<vmem>> -> memref<80xi32, #tpu.memory_space<vmem>>
      %dma_wait3A_283 = arith.constant 0 : i32
      %dma_wait3A_284 = arith.constant 0 : i32
      %dma_wait3A_285 = tpu.memref_slice %arg7[%dma_wait3A_283, %dma_wait3A_284] : memref<1000000x64xf32, #tpu.memory_space<hbm>> -> memref<1000000x64xf32, #tpu.memory_space<hbm>>
      tpu.wait_indirect_dma semaphore(%arg26 : memref<!tpu.dma_semaphore, #tpu.memory_space<semaphore_mem>>) src(%dma_wait3A_285 : memref<1000000x64xf32, #tpu.memory_space<hbm>>) dst(%dma_wait3A_280 : memref<80x64xf32, #tpu.memory_space<vmem>>)
      %dma_wait3A_286 = arith.constant 320 : i32
      %dma_wait3A_287 = arith.constant 0 : i32
      %dma_wait3A_288 = tpu.memref_slice %arg16[%dma_wait3A_286, %dma_wait3A_287] : memref<800x64xf32, #tpu.memory_space<vmem>> -> memref<80x64xf32, #tpu.memory_space<vmem>>
      %dma_wait3A_289 = arith.constant 320 : i32
      %dma_wait3A_290 = tpu.memref_slice %arg12[%dma_wait3A_289] : memref<800xi32, #tpu.memory_space<vmem>> -> memref<80xi32, #tpu.memory_space<vmem>>
      %dma_wait3A_291 = arith.constant 0 : i32
      %dma_wait3A_292 = arith.constant 0 : i32
      %dma_wait3A_293 = tpu.memref_slice %arg7[%dma_wait3A_291, %dma_wait3A_292] : memref<1000000x64xf32, #tpu.memory_space<hbm>> -> memref<1000000x64xf32, #tpu.memory_space<hbm>>
      tpu.wait_indirect_dma semaphore(%arg26 : memref<!tpu.dma_semaphore, #tpu.memory_space<semaphore_mem>>) src(%dma_wait3A_293 : memref<1000000x64xf32, #tpu.memory_space<hbm>>) dst(%dma_wait3A_288 : memref<80x64xf32, #tpu.memory_space<vmem>>)
      %dma_wait3A_294 = arith.constant 400 : i32
      %dma_wait3A_295 = arith.constant 0 : i32
      %dma_wait3A_296 = tpu.memref_slice %arg16[%dma_wait3A_294, %dma_wait3A_295] : memref<800x64xf32, #tpu.memory_space<vmem>> -> memref<80x64xf32, #tpu.memory_space<vmem>>
      %dma_wait3A_297 = arith.constant 400 : i32
      %dma_wait3A_298 = tpu.memref_slice %arg12[%dma_wait3A_297] : memref<800xi32, #tpu.memory_space<vmem>> -> memref<80xi32, #tpu.memory_space<vmem>>
      %dma_wait3A_299 = arith.constant 0 : i32
      %dma_wait3A_300 = arith.constant 0 : i32
      %dma_wait3A_301 = tpu.memref_slice %arg7[%dma_wait3A_299, %dma_wait3A_300] : memref<1000000x64xf32, #tpu.memory_space<hbm>> -> memref<1000000x64xf32, #tpu.memory_space<hbm>>
      tpu.wait_indirect_dma semaphore(%arg26 : memref<!tpu.dma_semaphore, #tpu.memory_space<semaphore_mem>>) src(%dma_wait3A_301 : memref<1000000x64xf32, #tpu.memory_space<hbm>>) dst(%dma_wait3A_296 : memref<80x64xf32, #tpu.memory_space<vmem>>)
      %dma_wait3A_302 = arith.constant 480 : i32
      %dma_wait3A_303 = arith.constant 0 : i32
      %dma_wait3A_304 = tpu.memref_slice %arg16[%dma_wait3A_302, %dma_wait3A_303] : memref<800x64xf32, #tpu.memory_space<vmem>> -> memref<80x64xf32, #tpu.memory_space<vmem>>
      %dma_wait3A_305 = arith.constant 480 : i32
      %dma_wait3A_306 = tpu.memref_slice %arg12[%dma_wait3A_305] : memref<800xi32, #tpu.memory_space<vmem>> -> memref<80xi32, #tpu.memory_space<vmem>>
      %dma_wait3A_307 = arith.constant 0 : i32
      %dma_wait3A_308 = arith.constant 0 : i32
      %dma_wait3A_309 = tpu.memref_slice %arg7[%dma_wait3A_307, %dma_wait3A_308] : memref<1000000x64xf32, #tpu.memory_space<hbm>> -> memref<1000000x64xf32, #tpu.memory_space<hbm>>
      tpu.wait_indirect_dma semaphore(%arg26 : memref<!tpu.dma_semaphore, #tpu.memory_space<semaphore_mem>>) src(%dma_wait3A_309 : memref<1000000x64xf32, #tpu.memory_space<hbm>>) dst(%dma_wait3A_304 : memref<80x64xf32, #tpu.memory_space<vmem>>)
      %dma_wait3A_310 = arith.constant 560 : i32
      %dma_wait3A_311 = arith.constant 0 : i32
      %dma_wait3A_312 = tpu.memref_slice %arg16[%dma_wait3A_310, %dma_wait3A_311] : memref<800x64xf32, #tpu.memory_space<vmem>> -> memref<80x64xf32, #tpu.memory_space<vmem>>
      %dma_wait3A_313 = arith.constant 560 : i32
      %dma_wait3A_314 = tpu.memref_slice %arg12[%dma_wait3A_313] : memref<800xi32, #tpu.memory_space<vmem>> -> memref<80xi32, #tpu.memory_space<vmem>>
      %dma_wait3A_315 = arith.constant 0 : i32
      %dma_wait3A_316 = arith.constant 0 : i32
      %dma_wait3A_317 = tpu.memref_slice %arg7[%dma_wait3A_315, %dma_wait3A_316] : memref<1000000x64xf32, #tpu.memory_space<hbm>> -> memref<1000000x64xf32, #tpu.memory_space<hbm>>
      tpu.wait_indirect_dma semaphore(%arg26 : memref<!tpu.dma_semaphore, #tpu.memory_space<semaphore_mem>>) src(%dma_wait3A_317 : memref<1000000x64xf32, #tpu.memory_space<hbm>>) dst(%dma_wait3A_312 : memref<80x64xf32, #tpu.memory_space<vmem>>)
      %dma_wait3A_318 = arith.constant 640 : i32
      %dma_wait3A_319 = arith.constant 0 : i32
      %dma_wait3A_320 = tpu.memref_slice %arg16[%dma_wait3A_318, %dma_wait3A_319] : memref<800x64xf32, #tpu.memory_space<vmem>> -> memref<80x64xf32, #tpu.memory_space<vmem>>
      %dma_wait3A_321 = arith.constant 640 : i32
      %dma_wait3A_322 = tpu.memref_slice %arg12[%dma_wait3A_321] : memref<800xi32, #tpu.memory_space<vmem>> -> memref<80xi32, #tpu.memory_space<vmem>>
      %dma_wait3A_323 = arith.constant 0 : i32
      %dma_wait3A_324 = arith.constant 0 : i32
      %dma_wait3A_325 = tpu.memref_slice %arg7[%dma_wait3A_323, %dma_wait3A_324] : memref<1000000x64xf32, #tpu.memory_space<hbm>> -> memref<1000000x64xf32, #tpu.memory_space<hbm>>
      tpu.wait_indirect_dma semaphore(%arg26 : memref<!tpu.dma_semaphore, #tpu.memory_space<semaphore_mem>>) src(%dma_wait3A_325 : memref<1000000x64xf32, #tpu.memory_space<hbm>>) dst(%dma_wait3A_320 : memref<80x64xf32, #tpu.memory_space<vmem>>)
      %dma_wait3A_326 = arith.constant 720 : i32
      %dma_wait3A_327 = arith.constant 0 : i32
      %dma_wait3A_328 = tpu.memref_slice %arg16[%dma_wait3A_326, %dma_wait3A_327] : memref<800x64xf32, #tpu.memory_space<vmem>> -> memref<80x64xf32, #tpu.memory_space<vmem>>
      %dma_wait3A_329 = arith.constant 720 : i32
      %dma_wait3A_330 = tpu.memref_slice %arg12[%dma_wait3A_329] : memref<800xi32, #tpu.memory_space<vmem>> -> memref<80xi32, #tpu.memory_space<vmem>>
      %dma_wait3A_331 = arith.constant 0 : i32
      %dma_wait3A_332 = arith.constant 0 : i32
      %dma_wait3A_333 = tpu.memref_slice %arg7[%dma_wait3A_331, %dma_wait3A_332] : memref<1000000x64xf32, #tpu.memory_space<hbm>> -> memref<1000000x64xf32, #tpu.memory_space<hbm>>
      tpu.wait_indirect_dma semaphore(%arg26 : memref<!tpu.dma_semaphore, #tpu.memory_space<semaphore_mem>>) src(%dma_wait3A_333 : memref<1000000x64xf32, #tpu.memory_space<hbm>>) dst(%dma_wait3A_328 : memref<80x64xf32, #tpu.memory_space<vmem>>)
      %dma_wait3A_334 = tpu.memref_slice %arg10[%mul3A_252] : memref<512xi32, #tpu.memory_space<vmem>> -> memref<16xi32, #tpu.memory_space<vmem>>
      %dma_wait3A_335 = arith.constant 0 : i32
      %dma_wait3A_336 = arith.constant 0 : i32
      %dma_wait3A_337 = tpu.memref_slice %arg6[%dma_wait3A_335, %dma_wait3A_336] : memref<100000x64xf32, #tpu.memory_space<hbm>> -> memref<100000x64xf32, #tpu.memory_space<hbm>>
      tpu.wait_indirect_dma semaphore(%arg26 : memref<!tpu.dma_semaphore, #tpu.memory_space<semaphore_mem>>) src(%dma_wait3A_337 : memref<100000x64xf32, #tpu.memory_space<hbm>>) dst(%arg18 : memref<16x64xf32, #tpu.memory_space<vmem>>)
      %dma_wait3A_338 = tpu.memref_slice %arg11[%mul3A_254] : memref<512xi32, #tpu.memory_space<vmem>> -> memref<16xi32, #tpu.memory_space<vmem>>
      %dma_wait3A_339 = arith.constant 0 : i32
      %dma_wait3A_340 = arith.constant 0 : i32
      %dma_wait3A_341 = tpu.memref_slice %arg8[%dma_wait3A_339, %dma_wait3A_340] : memref<1000000x64xf32, #tpu.memory_space<hbm>> -> memref<1000000x64xf32, #tpu.memory_space<hbm>>
      tpu.wait_indirect_dma semaphore(%arg26 : memref<!tpu.dma_semaphore, #tpu.memory_space<semaphore_mem>>) src(%dma_wait3A_341 : memref<1000000x64xf32, #tpu.memory_space<hbm>>) dst(%arg20 : memref<16x64xf32, #tpu.memory_space<vmem>>)
      %dma_wait3A_342 = arith.constant 0 : i32
      %dma_wait3A_343 = arith.constant 0 : i32
      %dma_wait3A_344 = tpu.memref_slice %arg8[%dma_wait3A_342, %dma_wait3A_343] : memref<1000000x64xf32, #tpu.memory_space<hbm>> -> memref<1000000x64xf32, #tpu.memory_space<hbm>>
      tpu.wait_indirect_dma semaphore(%arg26 : memref<!tpu.dma_semaphore, #tpu.memory_space<semaphore_mem>>) src(%dma_wait3A_344 : memref<1000000x64xf32, #tpu.memory_space<hbm>>) dst(%arg22 : memref<80x64xf32, #tpu.memory_space<vmem>>)
      %swap3A = arith.constant 0 : index
      %swap3A_345 = tpu.vector_load %arg24[%swap3A] {strides = array<i32>} : memref<1024xf32, #tpu.memory_space<vmem>>, vector<16xf32>,
      tpu.vector_store %arg24[%swap3A], %broadcast_in_dim3A_11 {strides = array<i32>} : memref<1024xf32, #tpu.memory_space<vmem>>, vector<16xf32>,
      %swap3A_346 = arith.constant 16 : index
      %swap3A_347 = tpu.vector_load %arg24[%swap3A_346] {strides = array<i32>} : memref<1024xf32, #tpu.memory_space<vmem>>, vector<16xf32>,
      tpu.vector_store %arg24[%swap3A_346], %broadcast_in_dim3A_11 {strides = array<i32>} : memref<1024xf32, #tpu.memory_space<vmem>>, vector<16xf32>,
      %swap3A_348 = arith.constant 32 : index
      %swap3A_349 = tpu.vector_load %arg24[%swap3A_348] {strides = array<i32>} : memref<1024xf32, #tpu.memory_space<vmem>>, vector<16xf32>,
      tpu.vector_store %arg24[%swap3A_348], %broadcast_in_dim3A_11 {strides = array<i32>} : memref<1024xf32, #tpu.memory_space<vmem>>, vector<16xf32>,
      %swap3A_350 = arith.constant 48 : index
      %swap3A_351 = tpu.vector_load %arg24[%swap3A_350] {strides = array<i32>} : memref<1024xf32, #tpu.memory_space<vmem>>, vector<16xf32>,
      tpu.vector_store %arg24[%swap3A_350], %broadcast_in_dim3A_11 {strides = array<i32>} : memref<1024xf32, #tpu.memory_space<vmem>>, vector<16xf32>,
      %swap3A_352 = arith.constant 64 : index
      %swap3A_353 = tpu.vector_load %arg24[%swap3A_352] {strides = array<i32>} : memref<1024xf32, #tpu.memory_space<vmem>>, vector<16xf32>,
      tpu.vector_store %arg24[%swap3A_352], %broadcast_in_dim3A_11 {strides = array<i32>} : memref<1024xf32, #tpu.memory_space<vmem>>, vector<16xf32>,
      %swap3A_354 = arith.constant 80 : index
      %swap3A_355 = tpu.vector_load %arg24[%swap3A_354] {strides = array<i32>} : memref<1024xf32, #tpu.memory_space<vmem>>, vector<16xf32>,
      tpu.vector_store %arg24[%swap3A_354], %broadcast_in_dim3A_11 {strides = array<i32>} : memref<1024xf32, #tpu.memory_space<vmem>>, vector<16xf32>,
      %swap3A_356 = arith.constant 96 : index
      %swap3A_357 = tpu.vector_load %arg24[%swap3A_356] {strides = array<i32>} : memref<1024xf32, #tpu.memory_space<vmem>>, vector<16xf32>,
      tpu.vector_store %arg24[%swap3A_356], %broadcast_in_dim3A_11 {strides = array<i32>} : memref<1024xf32, #tpu.memory_space<vmem>>, vector<16xf32>,
      %swap3A_358 = arith.constant 112 : index
      %swap3A_359 = tpu.vector_load %arg24[%swap3A_358] {strides = array<i32>} : memref<1024xf32, #tpu.memory_space<vmem>>, vector<16xf32>,
      tpu.vector_store %arg24[%swap3A_358], %broadcast_in_dim3A_11 {strides = array<i32>} : memref<1024xf32, #tpu.memory_space<vmem>>, vector<16xf32>,
      %swap3A_360 = arith.constant 128 : index
      %swap3A_361 = tpu.vector_load %arg24[%swap3A_360] {strides = array<i32>} : memref<1024xf32, #tpu.memory_space<vmem>>, vector<16xf32>,
      tpu.vector_store %arg24[%swap3A_360], %broadcast_in_dim3A_11 {strides = array<i32>} : memref<1024xf32, #tpu.memory_space<vmem>>, vector<16xf32>,
      %swap3A_362 = arith.constant 144 : index
      %swap3A_363 = tpu.vector_load %arg24[%swap3A_362] {strides = array<i32>} : memref<1024xf32, #tpu.memory_space<vmem>>, vector<16xf32>,
      tpu.vector_store %arg24[%swap3A_362], %broadcast_in_dim3A_11 {strides = array<i32>} : memref<1024xf32, #tpu.memory_space<vmem>>, vector<16xf32>,
      %swap3A_364 = arith.constant 160 : index
      %swap3A_365 = tpu.vector_load %arg24[%swap3A_364] {strides = array<i32>} : memref<1024xf32, #tpu.memory_space<vmem>>, vector<16xf32>,
      tpu.vector_store %arg24[%swap3A_364], %broadcast_in_dim3A_11 {strides = array<i32>} : memref<1024xf32, #tpu.memory_space<vmem>>, vector<16xf32>,
      %swap3A_366 = arith.constant 176 : index
      %swap3A_367 = tpu.vector_load %arg24[%swap3A_366] {strides = array<i32>} : memref<1024xf32, #tpu.memory_space<vmem>>, vector<16xf32>,
      tpu.vector_store %arg24[%swap3A_366], %broadcast_in_dim3A_11 {strides = array<i32>} : memref<1024xf32, #tpu.memory_space<vmem>>, vector<16xf32>,
      %swap3A_368 = arith.constant 192 : index
      %swap3A_369 = tpu.vector_load %arg24[%swap3A_368] {strides = array<i32>} : memref<1024xf32, #tpu.memory_space<vmem>>, vector<16xf32>,
      tpu.vector_store %arg24[%swap3A_368], %broadcast_in_dim3A_11 {strides = array<i32>} : memref<1024xf32, #tpu.memory_space<vmem>>, vector<16xf32>,
      %swap3A_370 = arith.constant 208 : index
      %swap3A_371 = tpu.vector_load %arg24[%swap3A_370] {strides = array<i32>} : memref<1024xf32, #tpu.memory_space<vmem>>, vector<16xf32>,
      tpu.vector_store %arg24[%swap3A_370], %broadcast_in_dim3A_11 {strides = array<i32>} : memref<1024xf32, #tpu.memory_space<vmem>>, vector<16xf32>,
      %swap3A_372 = arith.constant 224 : index
      %swap3A_373 = tpu.vector_load %arg24[%swap3A_372] {strides = array<i32>} : memref<1024xf32, #tpu.memory_space<vmem>>, vector<16xf32>,
      tpu.vector_store %arg24[%swap3A_372], %broadcast_in_dim3A_11 {strides = array<i32>} : memref<1024xf32, #tpu.memory_space<vmem>>, vector<16xf32>,
      %swap3A_374 = arith.constant 240 : index
      %swap3A_375 = tpu.vector_load %arg24[%swap3A_374] {strides = array<i32>} : memref<1024xf32, #tpu.memory_space<vmem>>, vector<16xf32>,
      tpu.vector_store %arg24[%swap3A_374], %broadcast_in_dim3A_11 {strides = array<i32>} : memref<1024xf32, #tpu.memory_space<vmem>>, vector<16xf32>,
      %swap3A_376 = arith.constant 256 : index
      %swap3A_377 = tpu.vector_load %arg24[%swap3A_376] {strides = array<i32>} : memref<1024xf32, #tpu.memory_space<vmem>>, vector<16xf32>,
      tpu.vector_store %arg24[%swap3A_376], %broadcast_in_dim3A_11 {strides = array<i32>} : memref<1024xf32, #tpu.memory_space<vmem>>, vector<16xf32>,
      %swap3A_378 = arith.constant 272 : index
      %swap3A_379 = tpu.vector_load %arg24[%swap3A_378] {strides = array<i32>} : memref<1024xf32, #tpu.memory_space<vmem>>, vector<16xf32>,
      tpu.vector_store %arg24[%swap3A_378], %broadcast_in_dim3A_11 {strides = array<i32>} : memref<1024xf32, #tpu.memory_space<vmem>>, vector<16xf32>,
      %swap3A_380 = arith.constant 288 : index
      %swap3A_381 = tpu.vector_load %arg24[%swap3A_380] {strides = array<i32>} : memref<1024xf32, #tpu.memory_space<vmem>>, vector<16xf32>,
      tpu.vector_store %arg24[%swap3A_380], %broadcast_in_dim3A_11 {strides = array<i32>} : memref<1024xf32, #tpu.memory_space<vmem>>, vector<16xf32>,
      %swap3A_382 = arith.constant 304 : index
      %swap3A_383 = tpu.vector_load %arg24[%swap3A_382] {strides = array<i32>} : memref<1024xf32, #tpu.memory_space<vmem>>, vector<16xf32>,
      tpu.vector_store %arg24[%swap3A_382], %broadcast_in_dim3A_11 {strides = array<i32>} : memref<1024xf32, #tpu.memory_space<vmem>>, vector<16xf32>,
      %swap3A_384 = arith.constant 320 : index
      %swap3A_385 = tpu.vector_load %arg24[%swap3A_384] {strides = array<i32>} : memref<1024xf32, #tpu.memory_space<vmem>>, vector<16xf32>,
      tpu.vector_store %arg24[%swap3A_384], %broadcast_in_dim3A_11 {strides = array<i32>} : memref<1024xf32, #tpu.memory_space<vmem>>, vector<16xf32>,
      %swap3A_386 = arith.constant 336 : index
      %swap3A_387 = tpu.vector_load %arg24[%swap3A_386] {strides = array<i32>} : memref<1024xf32, #tpu.memory_space<vmem>>, vector<16xf32>,
      tpu.vector_store %arg24[%swap3A_386], %broadcast_in_dim3A_11 {strides = array<i32>} : memref<1024xf32, #tpu.memory_space<vmem>>, vector<16xf32>,
      %swap3A_388 = arith.constant 352 : index
      %swap3A_389 = tpu.vector_load %arg24[%swap3A_388] {strides = array<i32>} : memref<1024xf32, #tpu.memory_space<vmem>>, vector<16xf32>,
      tpu.vector_store %arg24[%swap3A_388], %broadcast_in_dim3A_11 {strides = array<i32>} : memref<1024xf32, #tpu.memory_space<vmem>>, vector<16xf32>,
      %swap3A_390 = arith.constant 368 : index
      %swap3A_391 = tpu.vector_load %arg24[%swap3A_390] {strides = array<i32>} : memref<1024xf32, #tpu.memory_space<vmem>>, vector<16xf32>,
      tpu.vector_store %arg24[%swap3A_390], %broadcast_in_dim3A_11 {strides = array<i32>} : memref<1024xf32, #tpu.memory_space<vmem>>, vector<16xf32>,
      %swap3A_392 = arith.constant 384 : index
      %swap3A_393 = tpu.vector_load %arg24[%swap3A_392] {strides = array<i32>} : memref<1024xf32, #tpu.memory_space<vmem>>, vector<16xf32>,
      tpu.vector_store %arg24[%swap3A_392], %broadcast_in_dim3A_11 {strides = array<i32>} : memref<1024xf32, #tpu.memory_space<vmem>>, vector<16xf32>,
      %swap3A_394 = arith.constant 400 : index
      %swap3A_395 = tpu.vector_load %arg24[%swap3A_394] {strides = array<i32>} : memref<1024xf32, #tpu.memory_space<vmem>>, vector<16xf32>,
      tpu.vector_store %arg24[%swap3A_394], %broadcast_in_dim3A_11 {strides = array<i32>} : memref<1024xf32, #tpu.memory_space<vmem>>, vector<16xf32>,
      %swap3A_396 = arith.constant 416 : index
      %swap3A_397 = tpu.vector_load %arg24[%swap3A_396] {strides = array<i32>} : memref<1024xf32, #tpu.memory_space<vmem>>, vector<16xf32>,
      tpu.vector_store %arg24[%swap3A_396], %broadcast_in_dim3A_11 {strides = array<i32>} : memref<1024xf32, #tpu.memory_space<vmem>>, vector<16xf32>,
      %swap3A_398 = arith.constant 432 : index
      %swap3A_399 = tpu.vector_load %arg24[%swap3A_398] {strides = array<i32>} : memref<1024xf32, #tpu.memory_space<vmem>>, vector<16xf32>,
      tpu.vector_store %arg24[%swap3A_398], %broadcast_in_dim3A_11 {strides = array<i32>} : memref<1024xf32, #tpu.memory_space<vmem>>, vector<16xf32>,
      %swap3A_400 = arith.constant 448 : index
      %swap3A_401 = tpu.vector_load %arg24[%swap3A_400] {strides = array<i32>} : memref<1024xf32, #tpu.memory_space<vmem>>, vector<16xf32>,
      tpu.vector_store %arg24[%swap3A_400], %broadcast_in_dim3A_11 {strides = array<i32>} : memref<1024xf32, #tpu.memory_space<vmem>>, vector<16xf32>,
      %swap3A_402 = arith.constant 464 : index
      %swap3A_403 = tpu.vector_load %arg24[%swap3A_402] {strides = array<i32>} : memref<1024xf32, #tpu.memory_space<vmem>>, vector<16xf32>,
      tpu.vector_store %arg24[%swap3A_402], %broadcast_in_dim3A_11 {strides = array<i32>} : memref<1024xf32, #tpu.memory_space<vmem>>, vector<16xf32>,
      %swap3A_404 = arith.constant 480 : index
      %swap3A_405 = tpu.vector_load %arg24[%swap3A_404] {strides = array<i32>} : memref<1024xf32, #tpu.memory_space<vmem>>, vector<16xf32>,
      tpu.vector_store %arg24[%swap3A_404], %broadcast_in_dim3A_11 {strides = array<i32>} : memref<1024xf32, #tpu.memory_space<vmem>>, vector<16xf32>,
      %swap3A_406 = arith.constant 496 : index
      %swap3A_407 = tpu.vector_load %arg24[%swap3A_406] {strides = array<i32>} : memref<1024xf32, #tpu.memory_space<vmem>>, vector<16xf32>,
      tpu.vector_store %arg24[%swap3A_406], %broadcast_in_dim3A_11 {strides = array<i32>} : memref<1024xf32, #tpu.memory_space<vmem>>, vector<16xf32>,
      %swap3A_408 = arith.constant 512 : index
      %swap3A_409 = tpu.vector_load %arg24[%swap3A_408] {strides = array<i32>} : memref<1024xf32, #tpu.memory_space<vmem>>, vector<16xf32>,
      tpu.vector_store %arg24[%swap3A_408], %broadcast_in_dim3A_11 {strides = array<i32>} : memref<1024xf32, #tpu.memory_space<vmem>>, vector<16xf32>,
      %swap3A_410 = arith.constant 528 : index
      %swap3A_411 = tpu.vector_load %arg24[%swap3A_410] {strides = array<i32>} : memref<1024xf32, #tpu.memory_space<vmem>>, vector<16xf32>,
      tpu.vector_store %arg24[%swap3A_410], %broadcast_in_dim3A_11 {strides = array<i32>} : memref<1024xf32, #tpu.memory_space<vmem>>, vector<16xf32>,
      %swap3A_412 = arith.constant 544 : index
      %swap3A_413 = tpu.vector_load %arg24[%swap3A_412] {strides = array<i32>} : memref<1024xf32, #tpu.memory_space<vmem>>, vector<16xf32>,
      tpu.vector_store %arg24[%swap3A_412], %broadcast_in_dim3A_11 {strides = array<i32>} : memref<1024xf32, #tpu.memory_space<vmem>>, vector<16xf32>,
      %swap3A_414 = arith.constant 560 : index
      %swap3A_415 = tpu.vector_load %arg24[%swap3A_414] {strides = array<i32>} : memref<1024xf32, #tpu.memory_space<vmem>>, vector<16xf32>,
      tpu.vector_store %arg24[%swap3A_414], %broadcast_in_dim3A_11 {strides = array<i32>} : memref<1024xf32, #tpu.memory_space<vmem>>, vector<16xf32>,
      %swap3A_416 = arith.constant 576 : index
      %swap3A_417 = tpu.vector_load %arg24[%swap3A_416] {strides = array<i32>} : memref<1024xf32, #tpu.memory_space<vmem>>, vector<16xf32>,
      tpu.vector_store %arg24[%swap3A_416], %broadcast_in_dim3A_11 {strides = array<i32>} : memref<1024xf32, #tpu.memory_space<vmem>>, vector<16xf32>,
      %swap3A_418 = arith.constant 592 : index
      %swap3A_419 = tpu.vector_load %arg24[%swap3A_418] {strides = array<i32>} : memref<1024xf32, #tpu.memory_space<vmem>>, vector<16xf32>,
      tpu.vector_store %arg24[%swap3A_418], %broadcast_in_dim3A_11 {strides = array<i32>} : memref<1024xf32, #tpu.memory_space<vmem>>, vector<16xf32>,
      %swap3A_420 = arith.constant 608 : index
      %swap3A_421 = tpu.vector_load %arg24[%swap3A_420] {strides = array<i32>} : memref<1024xf32, #tpu.memory_space<vmem>>, vector<16xf32>,
      tpu.vector_store %arg24[%swap3A_420], %broadcast_in_dim3A_11 {strides = array<i32>} : memref<1024xf32, #tpu.memory_space<vmem>>, vector<16xf32>,
      %swap3A_422 = arith.constant 624 : index
      %swap3A_423 = tpu.vector_load %arg24[%swap3A_422] {strides = array<i32>} : memref<1024xf32, #tpu.memory_space<vmem>>, vector<16xf32>,
      tpu.vector_store %arg24[%swap3A_422], %broadcast_in_dim3A_11 {strides = array<i32>} : memref<1024xf32, #tpu.memory_space<vmem>>, vector<16xf32>,
      %swap3A_424 = arith.constant 640 : index
      %swap3A_425 = tpu.vector_load %arg24[%swap3A_424] {strides = array<i32>} : memref<1024xf32, #tpu.memory_space<vmem>>, vector<16xf32>,
      tpu.vector_store %arg24[%swap3A_424], %broadcast_in_dim3A_11 {strides = array<i32>} : memref<1024xf32, #tpu.memory_space<vmem>>, vector<16xf32>,
      %swap3A_426 = arith.constant 656 : index
      %swap3A_427 = tpu.vector_load %arg24[%swap3A_426] {strides = array<i32>} : memref<1024xf32, #tpu.memory_space<vmem>>, vector<16xf32>,
      tpu.vector_store %arg24[%swap3A_426], %broadcast_in_dim3A_11 {strides = array<i32>} : memref<1024xf32, #tpu.memory_space<vmem>>, vector<16xf32>,
      %swap3A_428 = arith.constant 672 : index
      %swap3A_429 = tpu.vector_load %arg24[%swap3A_428] {strides = array<i32>} : memref<1024xf32, #tpu.memory_space<vmem>>, vector<16xf32>,
      tpu.vector_store %arg24[%swap3A_428], %broadcast_in_dim3A_11 {strides = array<i32>} : memref<1024xf32, #tpu.memory_space<vmem>>, vector<16xf32>,
      %swap3A_430 = arith.constant 688 : index
      %swap3A_431 = tpu.vector_load %arg24[%swap3A_430] {strides = array<i32>} : memref<1024xf32, #tpu.memory_space<vmem>>, vector<16xf32>,
      tpu.vector_store %arg24[%swap3A_430], %broadcast_in_dim3A_11 {strides = array<i32>} : memref<1024xf32, #tpu.memory_space<vmem>>, vector<16xf32>,
      %swap3A_432 = arith.constant 704 : index
      %swap3A_433 = tpu.vector_load %arg24[%swap3A_432] {strides = array<i32>} : memref<1024xf32, #tpu.memory_space<vmem>>, vector<16xf32>,
      tpu.vector_store %arg24[%swap3A_432], %broadcast_in_dim3A_11 {strides = array<i32>} : memref<1024xf32, #tpu.memory_space<vmem>>, vector<16xf32>,
      %swap3A_434 = arith.constant 720 : index
      %swap3A_435 = tpu.vector_load %arg24[%swap3A_434] {strides = array<i32>} : memref<1024xf32, #tpu.memory_space<vmem>>, vector<16xf32>,
      tpu.vector_store %arg24[%swap3A_434], %broadcast_in_dim3A_11 {strides = array<i32>} : memref<1024xf32, #tpu.memory_space<vmem>>, vector<16xf32>,
      %swap3A_436 = arith.constant 736 : index
      %swap3A_437 = tpu.vector_load %arg24[%swap3A_436] {strides = array<i32>} : memref<1024xf32, #tpu.memory_space<vmem>>, vector<16xf32>,
      tpu.vector_store %arg24[%swap3A_436], %broadcast_in_dim3A_11 {strides = array<i32>} : memref<1024xf32, #tpu.memory_space<vmem>>, vector<16xf32>,
      %swap3A_438 = arith.constant 752 : index
      %swap3A_439 = tpu.vector_load %arg24[%swap3A_438] {strides = array<i32>} : memref<1024xf32, #tpu.memory_space<vmem>>, vector<16xf32>,
      tpu.vector_store %arg24[%swap3A_438], %broadcast_in_dim3A_11 {strides = array<i32>} : memref<1024xf32, #tpu.memory_space<vmem>>, vector<16xf32>,
      %swap3A_440 = arith.constant 768 : index
      %swap3A_441 = tpu.vector_load %arg24[%swap3A_440] {strides = array<i32>} : memref<1024xf32, #tpu.memory_space<vmem>>, vector<16xf32>,
      tpu.vector_store %arg24[%swap3A_440], %broadcast_in_dim3A_11 {strides = array<i32>} : memref<1024xf32, #tpu.memory_space<vmem>>, vector<16xf32>,
      %swap3A_442 = arith.constant 784 : index
      %swap3A_443 = tpu.vector_load %arg24[%swap3A_442] {strides = array<i32>} : memref<1024xf32, #tpu.memory_space<vmem>>, vector<16xf32>,
      tpu.vector_store %arg24[%swap3A_442], %broadcast_in_dim3A_11 {strides = array<i32>} : memref<1024xf32, #tpu.memory_space<vmem>>, vector<16xf32>,
      %swap3A_444 = arith.constant 800 : index
      %swap3A_445 = tpu.vector_load %arg24[%swap3A_444] {strides = array<i32>} : memref<1024xf32, #tpu.memory_space<vmem>>, vector<16xf32>,
      tpu.vector_store %arg24[%swap3A_444], %broadcast_in_dim3A_11 {strides = array<i32>} : memref<1024xf32, #tpu.memory_space<vmem>>, vector<16xf32>,
      %swap3A_446 = arith.constant 816 : index
      %swap3A_447 = tpu.vector_load %arg24[%swap3A_446] {strides = array<i32>} : memref<1024xf32, #tpu.memory_space<vmem>>, vector<16xf32>,
      tpu.vector_store %arg24[%swap3A_446], %broadcast_in_dim3A_11 {strides = array<i32>} : memref<1024xf32, #tpu.memory_space<vmem>>, vector<16xf32>,
      %swap3A_448 = arith.constant 832 : index
      %swap3A_449 = tpu.vector_load %arg24[%swap3A_448] {strides = array<i32>} : memref<1024xf32, #tpu.memory_space<vmem>>, vector<16xf32>,
      tpu.vector_store %arg24[%swap3A_448], %broadcast_in_dim3A_11 {strides = array<i32>} : memref<1024xf32, #tpu.memory_space<vmem>>, vector<16xf32>,
      %swap3A_450 = arith.constant 848 : index
      %swap3A_451 = tpu.vector_load %arg24[%swap3A_450] {strides = array<i32>} : memref<1024xf32, #tpu.memory_space<vmem>>, vector<16xf32>,
      tpu.vector_store %arg24[%swap3A_450], %broadcast_in_dim3A_11 {strides = array<i32>} : memref<1024xf32, #tpu.memory_space<vmem>>, vector<16xf32>,
      %swap3A_452 = arith.constant 864 : index
      %swap3A_453 = tpu.vector_load %arg24[%swap3A_452] {strides = array<i32>} : memref<1024xf32, #tpu.memory_space<vmem>>, vector<16xf32>,
      tpu.vector_store %arg24[%swap3A_452], %broadcast_in_dim3A_11 {strides = array<i32>} : memref<1024xf32, #tpu.memory_space<vmem>>, vector<16xf32>,
      %swap3A_454 = arith.constant 880 : index
      %swap3A_455 = tpu.vector_load %arg24[%swap3A_454] {strides = array<i32>} : memref<1024xf32, #tpu.memory_space<vmem>>, vector<16xf32>,
      tpu.vector_store %arg24[%swap3A_454], %broadcast_in_dim3A_11 {strides = array<i32>} : memref<1024xf32, #tpu.memory_space<vmem>>, vector<16xf32>,
      %swap3A_456 = arith.constant 896 : index
      %swap3A_457 = tpu.vector_load %arg24[%swap3A_456] {strides = array<i32>} : memref<1024xf32, #tpu.memory_space<vmem>>, vector<16xf32>,
      tpu.vector_store %arg24[%swap3A_456], %broadcast_in_dim3A_11 {strides = array<i32>} : memref<1024xf32, #tpu.memory_space<vmem>>, vector<16xf32>,
      %swap3A_458 = arith.constant 912 : index
      %swap3A_459 = tpu.vector_load %arg24[%swap3A_458] {strides = array<i32>} : memref<1024xf32, #tpu.memory_space<vmem>>, vector<16xf32>,
      tpu.vector_store %arg24[%swap3A_458], %broadcast_in_dim3A_11 {strides = array<i32>} : memref<1024xf32, #tpu.memory_space<vmem>>, vector<16xf32>,
      %swap3A_460 = arith.constant 928 : index
      %swap3A_461 = tpu.vector_load %arg24[%swap3A_460] {strides = array<i32>} : memref<1024xf32, #tpu.memory_space<vmem>>, vector<16xf32>,
      tpu.vector_store %arg24[%swap3A_460], %broadcast_in_dim3A_11 {strides = array<i32>} : memref<1024xf32, #tpu.memory_space<vmem>>, vector<16xf32>,
      %swap3A_462 = arith.constant 944 : index
      %swap3A_463 = tpu.vector_load %arg24[%swap3A_462] {strides = array<i32>} : memref<1024xf32, #tpu.memory_space<vmem>>, vector<16xf32>,
      tpu.vector_store %arg24[%swap3A_462], %broadcast_in_dim3A_11 {strides = array<i32>} : memref<1024xf32, #tpu.memory_space<vmem>>, vector<16xf32>,
      %swap3A_464 = arith.constant 960 : index
      %swap3A_465 = tpu.vector_load %arg24[%swap3A_464] {strides = array<i32>} : memref<1024xf32, #tpu.memory_space<vmem>>, vector<16xf32>,
      tpu.vector_store %arg24[%swap3A_464], %broadcast_in_dim3A_11 {strides = array<i32>} : memref<1024xf32, #tpu.memory_space<vmem>>, vector<16xf32>,
      %swap3A_466 = arith.constant 976 : index
      %swap3A_467 = tpu.vector_load %arg24[%swap3A_466] {strides = array<i32>} : memref<1024xf32, #tpu.memory_space<vmem>>, vector<16xf32>,
      tpu.vector_store %arg24[%swap3A_466], %broadcast_in_dim3A_11 {strides = array<i32>} : memref<1024xf32, #tpu.memory_space<vmem>>, vector<16xf32>,
      %swap3A_468 = arith.constant 992 : index
      %swap3A_469 = tpu.vector_load %arg24[%swap3A_468] {strides = array<i32>} : memref<1024xf32, #tpu.memory_space<vmem>>, vector<16xf32>,
      tpu.vector_store %arg24[%swap3A_468], %broadcast_in_dim3A_11 {strides = array<i32>} : memref<1024xf32, #tpu.memory_space<vmem>>, vector<16xf32>,
      %swap3A_470 = arith.constant 1008 : index
      %swap3A_471 = tpu.vector_load %arg24[%swap3A_470] {strides = array<i32>} : memref<1024xf32, #tpu.memory_space<vmem>>, vector<16xf32>,
      tpu.vector_store %arg24[%swap3A_470], %broadcast_in_dim3A_11 {strides = array<i32>} : memref<1024xf32, #tpu.memory_space<vmem>>, vector<16xf32>,
      %scan3A_472 = arith.constant 0 : i32
      %scan3A_473 = arith.constant 10 : i32
      %scan3A_474 = arith.addi %scan3A_472, %scan3A_473 : i32
      %scan3A_475 = arith.constant 1 : i32
      %scan3A_476 = scf.for %scan3A_782 = %scan3A_472 to %scan3A_474 step %scan3A_475 iter_args(%scan3A_783 = %broadcast_in_dim3A_11) -> (vector<16xf32>)  : i32 {
        %mul3A_784 = arith.constant 5 : i32
        %mul3A_785 = arith.muli %scan3A_782, %mul3A_784 : i32
        %add3A_786 = vector.broadcast %mul3A_785 : i32 to vector<16xi32>
        %add3A_787 = arith.addi %mul3A_3, %add3A_786 : vector<16xi32>
        %add3A_788 = arith.constant 0 : i32
        %add3A_789 = vector.broadcast %add3A_788 : i32 to vector<16xi32>
        %add3A_790 = arith.addi %add3A_787, %add3A_789 : vector<16xi32>
        %mul3A_791 = arith.constant 5 : i32
        %mul3A_792 = arith.muli %scan3A_782, %mul3A_791 : i32
        %add3A_793 = vector.broadcast %mul3A_792 : i32 to vector<16xi32>
        %add3A_794 = arith.addi %mul3A_3, %add3A_793 : vector<16xi32>
        %add3A_795 = arith.constant 1 : i32
        %add3A_796 = vector.broadcast %add3A_795 : i32 to vector<16xi32>
        %add3A_797 = arith.addi %add3A_794, %add3A_796 : vector<16xi32>
        %mul3A_798 = arith.constant 5 : i32
        %mul3A_799 = arith.muli %scan3A_782, %mul3A_798 : i32
        %add3A_800 = vector.broadcast %mul3A_799 : i32 to vector<16xi32>
        %add3A_801 = arith.addi %mul3A_3, %add3A_800 : vector<16xi32>
        %add3A_802 = arith.constant 2 : i32
        %add3A_803 = vector.broadcast %add3A_802 : i32 to vector<16xi32>
        %add3A_804 = arith.addi %add3A_801, %add3A_803 : vector<16xi32>
        %mul3A_805 = arith.constant 5 : i32
        %mul3A_806 = arith.muli %scan3A_782, %mul3A_805 : i32
        %add3A_807 = vector.broadcast %mul3A_806 : i32 to vector<16xi32>
        %add3A_808 = arith.addi %mul3A_3, %add3A_807 : vector<16xi32>
        %add3A_809 = arith.constant 3 : i32
        %add3A_810 = vector.broadcast %add3A_809 : i32 to vector<16xi32>
        %add3A_811 = arith.addi %add3A_808, %add3A_810 : vector<16xi32>
        %mul3A_812 = arith.constant 5 : i32
        %mul3A_813 = arith.muli %scan3A_782, %mul3A_812 : i32
        %add3A_814 = vector.broadcast %mul3A_813 : i32 to vector<16xi32>
        %add3A_815 = arith.addi %mul3A_3, %add3A_814 : vector<16xi32>
        %add3A_816 = arith.constant 4 : i32
        %add3A_817 = vector.broadcast %add3A_816 : i32 to vector<16xi32>
        %add3A_818 = arith.addi %add3A_815, %add3A_817 : vector<16xi32>
        %scan3A_819 = arith.constant 0 : i32
        %scan3A_820 = arith.constant 16 : i32
        %scan3A_821 = arith.addi %scan3A_819, %scan3A_820 : i32
        %scan3A_822 = arith.constant 1 : i32
        %scan3A_823:5 = scf.for %scan3A_855 = %scan3A_819 to %scan3A_821 step %scan3A_822 iter_args(%scan3A_856 = %broadcast_in_dim3A_11, %scan3A_857 = %broadcast_in_dim3A_11, %scan3A_858 = %broadcast_in_dim3A_11, %scan3A_859 = %broadcast_in_dim3A_11, %scan3A_860 = %broadcast_in_dim3A_11) -> (vector<16xf32>, vector<16xf32>, vector<16xf32>, vector<16xf32>, vector<16xf32>)  : i32 {
          %mul3A_861 = arith.constant 4 : i32
          %mul3A_862 = arith.muli %scan3A_855, %mul3A_861 : i32
          %add3A_863 = vector.broadcast %mul3A_862 : i32 to vector<16xi32>
          %add3A_864 = arith.addi %iota3A, %add3A_863 : vector<16xi32>
          %add3A_865 = arith.constant 0 : i32
          %add3A_866 = vector.broadcast %add3A_865 : i32 to vector<16xi32>
          %add3A_867 = arith.addi %add3A_864, %add3A_866 : vector<16xi32>
          %and3A = arith.constant 63 : i32
          %and3A_868 = vector.broadcast %and3A : i32 to vector<16xi32>
          %and3A_869 = arith.andi %add3A_867, %and3A_868 : vector<16xi32>
          %gather3A = tpu.vector_load_idx %arg18[%iota3A, %and3A_869] : memref<16x64xf32, #tpu.memory_space<vmem>>[vector<16xi32>, vector<16xi32>], vector<16xf32>,
          %gather3A_870 = tpu.vector_load_idx %arg16[%add3A_790, %and3A_869] : memref<800x64xf32, #tpu.memory_space<vmem>>[vector<16xi32>, vector<16xi32>], vector<16xf32>,
          %mul3A_871 = arith.mulf %gather3A, %gather3A_870 : vector<16xf32>
          %add3A_872 = arith.addf %scan3A_856, %mul3A_871 : vector<16xf32>
          %gather3A_873 = tpu.vector_load_idx %arg16[%add3A_797, %and3A_869] : memref<800x64xf32, #tpu.memory_space<vmem>>[vector<16xi32>, vector<16xi32>], vector<16xf32>,
          %mul3A_874 = arith.mulf %gather3A, %gather3A_873 : vector<16xf32>
          %add3A_875 = arith.addf %scan3A_857, %mul3A_874 : vector<16xf32>
          %gather3A_876 = tpu.vector_load_idx %arg16[%add3A_804, %and3A_869] : memref<800x64xf32, #tpu.memory_space<vmem>>[vector<16xi32>, vector<16xi32>], vector<16xf32>,
          %mul3A_877 = arith.mulf %gather3A, %gather3A_876 : vector<16xf32>
          %add3A_878 = arith.addf %scan3A_858, %mul3A_877 : vector<16xf32>
          %gather3A_879 = tpu.vector_load_idx %arg16[%add3A_811, %and3A_869] : memref<800x64xf32, #tpu.memory_space<vmem>>[vector<16xi32>, vector<16xi32>], vector<16xf32>,
          %mul3A_880 = arith.mulf %gather3A, %gather3A_879 : vector<16xf32>
          %add3A_881 = arith.addf %scan3A_859, %mul3A_880 : vector<16xf32>
          %gather3A_882 = tpu.vector_load_idx %arg16[%add3A_818, %and3A_869] : memref<800x64xf32, #tpu.memory_space<vmem>>[vector<16xi32>, vector<16xi32>], vector<16xf32>,
          %mul3A_883 = arith.mulf %gather3A, %gather3A_882 : vector<16xf32>
          %add3A_884 = arith.addf %scan3A_860, %mul3A_883 : vector<16xf32>
          %add3A_885 = vector.broadcast %mul3A_862 : i32 to vector<16xi32>
          %add3A_886 = arith.addi %iota3A, %add3A_885 : vector<16xi32>
          %add3A_887 = arith.constant 1 : i32
          %add3A_888 = vector.broadcast %add3A_887 : i32 to vector<16xi32>
          %add3A_889 = arith.addi %add3A_886, %add3A_888 : vector<16xi32>
          %and3A_890 = arith.constant 63 : i32
          %and3A_891 = vector.broadcast %and3A_890 : i32 to vector<16xi32>
          %and3A_892 = arith.andi %add3A_889, %and3A_891 : vector<16xi32>
          %gather3A_893 = tpu.vector_load_idx %arg18[%iota3A, %and3A_892] : memref<16x64xf32, #tpu.memory_space<vmem>>[vector<16xi32>, vector<16xi32>], vector<16xf32>,
          %gather3A_894 = tpu.vector_load_idx %arg16[%add3A_790, %and3A_892] : memref<800x64xf32, #tpu.memory_space<vmem>>[vector<16xi32>, vector<16xi32>], vector<16xf32>,
          %mul3A_895 = arith.mulf %gather3A_893, %gather3A_894 : vector<16xf32>
          %add3A_896 = arith.addf %add3A_872, %mul3A_895 : vector<16xf32>
          %gather3A_897 = tpu.vector_load_idx %arg16[%add3A_797, %and3A_892] : memref<800x64xf32, #tpu.memory_space<vmem>>[vector<16xi32>, vector<16xi32>], vector<16xf32>,
          %mul3A_898 = arith.mulf %gather3A_893, %gather3A_897 : vector<16xf32>
          %add3A_899 = arith.addf %add3A_875, %mul3A_898 : vector<16xf32>
          %gather3A_900 = tpu.vector_load_idx %arg16[%add3A_804, %and3A_892] : memref<800x64xf32, #tpu.memory_space<vmem>>[vector<16xi32>, vector<16xi32>], vector<16xf32>,
          %mul3A_901 = arith.mulf %gather3A_893, %gather3A_900 : vector<16xf32>
          %add3A_902 = arith.addf %add3A_878, %mul3A_901 : vector<16xf32>
          %gather3A_903 = tpu.vector_load_idx %arg16[%add3A_811, %and3A_892] : memref<800x64xf32, #tpu.memory_space<vmem>>[vector<16xi32>, vector<16xi32>], vector<16xf32>,
          %mul3A_904 = arith.mulf %gather3A_893, %gather3A_903 : vector<16xf32>
          %add3A_905 = arith.addf %add3A_881, %mul3A_904 : vector<16xf32>
          %gather3A_906 = tpu.vector_load_idx %arg16[%add3A_818, %and3A_892] : memref<800x64xf32, #tpu.memory_space<vmem>>[vector<16xi32>, vector<16xi32>], vector<16xf32>,
          %mul3A_907 = arith.mulf %gather3A_893, %gather3A_906 : vector<16xf32>
          %add3A_908 = arith.addf %add3A_884, %mul3A_907 : vector<16xf32>
          %add3A_909 = vector.broadcast %mul3A_862 : i32 to vector<16xi32>
          %add3A_910 = arith.addi %iota3A, %add3A_909 : vector<16xi32>
          %add3A_911 = arith.constant 2 : i32
          %add3A_912 = vector.broadcast %add3A_911 : i32 to vector<16xi32>
          %add3A_913 = arith.addi %add3A_910, %add3A_912 : vector<16xi32>
          %and3A_914 = arith.constant 63 : i32
          %and3A_915 = vector.broadcast %and3A_914 : i32 to vector<16xi32>
          %and3A_916 = arith.andi %add3A_913, %and3A_915 : vector<16xi32>
          %gather3A_917 = tpu.vector_load_idx %arg18[%iota3A, %and3A_916] : memref<16x64xf32, #tpu.memory_space<vmem>>[vector<16xi32>, vector<16xi32>], vector<16xf32>,
          %gather3A_918 = tpu.vector_load_idx %arg16[%add3A_790, %and3A_916] : memref<800x64xf32, #tpu.memory_space<vmem>>[vector<16xi32>, vector<16xi32>], vector<16xf32>,
          %mul3A_919 = arith.mulf %gather3A_917, %gather3A_918 : vector<16xf32>
          %add3A_920 = arith.addf %add3A_896, %mul3A_919 : vector<16xf32>
          %gather3A_921 = tpu.vector_load_idx %arg16[%add3A_797, %and3A_916] : memref<800x64xf32, #tpu.memory_space<vmem>>[vector<16xi32>, vector<16xi32>], vector<16xf32>,
          %mul3A_922 = arith.mulf %gather3A_917, %gather3A_921 : vector<16xf32>
          %add3A_923 = arith.addf %add3A_899, %mul3A_922 : vector<16xf32>
          %gather3A_924 = tpu.vector_load_idx %arg16[%add3A_804, %and3A_916] : memref<800x64xf32, #tpu.memory_space<vmem>>[vector<16xi32>, vector<16xi32>], vector<16xf32>,
          %mul3A_925 = arith.mulf %gather3A_917, %gather3A_924 : vector<16xf32>
          %add3A_926 = arith.addf %add3A_902, %mul3A_925 : vector<16xf32>
          %gather3A_927 = tpu.vector_load_idx %arg16[%add3A_811, %and3A_916] : memref<800x64xf32, #tpu.memory_space<vmem>>[vector<16xi32>, vector<16xi32>], vector<16xf32>,
          %mul3A_928 = arith.mulf %gather3A_917, %gather3A_927 : vector<16xf32>
          %add3A_929 = arith.addf %add3A_905, %mul3A_928 : vector<16xf32>
          %gather3A_930 = tpu.vector_load_idx %arg16[%add3A_818, %and3A_916] : memref<800x64xf32, #tpu.memory_space<vmem>>[vector<16xi32>, vector<16xi32>], vector<16xf32>,
          %mul3A_931 = arith.mulf %gather3A_917, %gather3A_930 : vector<16xf32>
          %add3A_932 = arith.addf %add3A_908, %mul3A_931 : vector<16xf32>
          %add3A_933 = vector.broadcast %mul3A_862 : i32 to vector<16xi32>
          %add3A_934 = arith.addi %iota3A, %add3A_933 : vector<16xi32>
          %add3A_935 = arith.constant 3 : i32
          %add3A_936 = vector.broadcast %add3A_935 : i32 to vector<16xi32>
          %add3A_937 = arith.addi %add3A_934, %add3A_936 : vector<16xi32>
          %and3A_938 = arith.constant 63 : i32
          %and3A_939 = vector.broadcast %and3A_938 : i32 to vector<16xi32>
          %and3A_940 = arith.andi %add3A_937, %and3A_939 : vector<16xi32>
          %gather3A_941 = tpu.vector_load_idx %arg18[%iota3A, %and3A_940] : memref<16x64xf32, #tpu.memory_space<vmem>>[vector<16xi32>, vector<16xi32>], vector<16xf32>,
          %gather3A_942 = tpu.vector_load_idx %arg16[%add3A_790, %and3A_940] : memref<800x64xf32, #tpu.memory_space<vmem>>[vector<16xi32>, vector<16xi32>], vector<16xf32>,
          %mul3A_943 = arith.mulf %gather3A_941, %gather3A_942 : vector<16xf32>
          %add3A_944 = arith.addf %add3A_920, %mul3A_943 : vector<16xf32>
          %gather3A_945 = tpu.vector_load_idx %arg16[%add3A_797, %and3A_940] : memref<800x64xf32, #tpu.memory_space<vmem>>[vector<16xi32>, vector<16xi32>], vector<16xf32>,
          %mul3A_946 = arith.mulf %gather3A_941, %gather3A_945 : vector<16xf32>
          %add3A_947 = arith.addf %add3A_923, %mul3A_946 : vector<16xf32>
          %gather3A_948 = tpu.vector_load_idx %arg16[%add3A_804, %and3A_940] : memref<800x64xf32, #tpu.memory_space<vmem>>[vector<16xi32>, vector<16xi32>], vector<16xf32>,
          %mul3A_949 = arith.mulf %gather3A_941, %gather3A_948 : vector<16xf32>
          %add3A_950 = arith.addf %add3A_926, %mul3A_949 : vector<16xf32>
          %gather3A_951 = tpu.vector_load_idx %arg16[%add3A_811, %and3A_940] : memref<800x64xf32, #tpu.memory_space<vmem>>[vector<16xi32>, vector<16xi32>], vector<16xf32>,
          %mul3A_952 = arith.mulf %gather3A_941, %gather3A_951 : vector<16xf32>
          %add3A_953 = arith.addf %add3A_929, %mul3A_952 : vector<16xf32>
          %gather3A_954 = tpu.vector_load_idx %arg16[%add3A_818, %and3A_940] : memref<800x64xf32, #tpu.memory_space<vmem>>[vector<16xi32>, vector<16xi32>], vector<16xf32>,
          %mul3A_955 = arith.mulf %gather3A_941, %gather3A_954 : vector<16xf32>
          %add3A_956 = arith.addf %add3A_932, %mul3A_955 : vector<16xf32>
          scf.yield %add3A_944, %add3A_947, %add3A_950, %add3A_953, %add3A_956 : vector<16xf32>, vector<16xf32>, vector<16xf32>, vector<16xf32>, vector<16xf32>
        }
        %scan3A_824 = arith.constant 16 : i32
        %mul3A_825 = arith.constant 1.250000e-01 : f32
        %mul3A_826 = vector.broadcast %mul3A_825 : f32 to vector<16xf32>
        %mul3A_827 = arith.mulf %scan3A_823#0, %mul3A_826 : vector<16xf32>
        %exp3A = math.exp %mul3A_827 : vector<16xf32>
        %mul3A_828 = arith.constant 1.250000e-01 : f32
        %mul3A_829 = vector.broadcast %mul3A_828 : f32 to vector<16xf32>
        %mul3A_830 = arith.mulf %scan3A_823#1, %mul3A_829 : vector<16xf32>
        %exp3A_831 = math.exp %mul3A_830 : vector<16xf32>
        %mul3A_832 = arith.constant 1.250000e-01 : f32
        %mul3A_833 = vector.broadcast %mul3A_832 : f32 to vector<16xf32>
        %mul3A_834 = arith.mulf %scan3A_823#2, %mul3A_833 : vector<16xf32>
        %exp3A_835 = math.exp %mul3A_834 : vector<16xf32>
        %mul3A_836 = arith.constant 1.250000e-01 : f32
        %mul3A_837 = vector.broadcast %mul3A_836 : f32 to vector<16xf32>
        %mul3A_838 = arith.mulf %scan3A_823#3, %mul3A_837 : vector<16xf32>
        %exp3A_839 = math.exp %mul3A_838 : vector<16xf32>
        %mul3A_840 = arith.constant 1.250000e-01 : f32
        %mul3A_841 = vector.broadcast %mul3A_840 : f32 to vector<16xf32>
        %mul3A_842 = arith.mulf %scan3A_823#4, %mul3A_841 : vector<16xf32>
        %exp3A_843 = math.exp %mul3A_842 : vector<16xf32>
        %scan3A_844 = arith.constant 0 : i32
        %scan3A_845 = arith.constant 0 : i32
        %scan3A_846 = arith.constant 16 : i32
        %scan3A_847 = arith.addi %scan3A_845, %scan3A_846 : i32
        %scan3A_848 = arith.constant 1 : i32
        scf.for %scan3A_855 = %scan3A_845 to %scan3A_847 step %scan3A_848  : i32 {
          %mul3A_856 = arith.constant 4 : i32
          %mul3A_857 = arith.muli %scan3A_855, %mul3A_856 : i32
          %add3A_858 = vector.broadcast %mul3A_857 : i32 to vector<16xi32>
          %add3A_859 = arith.addi %iota3A, %add3A_858 : vector<16xi32>
          %add3A_860 = arith.constant 0 : i32
          %add3A_861 = vector.broadcast %add3A_860 : i32 to vector<16xi32>
          %add3A_862 = arith.addi %add3A_859, %add3A_861 : vector<16xi32>
          %and3A = arith.constant 63 : i32
          %and3A_863 = vector.broadcast %and3A : i32 to vector<16xi32>
          %and3A_864 = arith.andi %add3A_862, %and3A_863 : vector<16xi32>
          %gather3A = tpu.vector_load_idx %arg16[%add3A_790, %and3A_864] : memref<800x64xf32, #tpu.memory_space<vmem>>[vector<16xi32>, vector<16xi32>], vector<16xf32>,
          %mul3A_865 = arith.mulf %exp3A, %gather3A : vector<16xf32>
          %gather3A_866 = tpu.vector_load_idx %arg16[%add3A_797, %and3A_864] : memref<800x64xf32, #tpu.memory_space<vmem>>[vector<16xi32>, vector<16xi32>], vector<16xf32>,
          %mul3A_867 = arith.mulf %exp3A_831, %gather3A_866 : vector<16xf32>
          %add3A_868 = arith.addf %mul3A_865, %mul3A_867 : vector<16xf32>
          %gather3A_869 = tpu.vector_load_idx %arg16[%add3A_804, %and3A_864] : memref<800x64xf32, #tpu.memory_space<vmem>>[vector<16xi32>, vector<16xi32>], vector<16xf32>,
          %mul3A_870 = arith.mulf %exp3A_835, %gather3A_869 : vector<16xf32>
          %add3A_871 = arith.addf %add3A_868, %mul3A_870 : vector<16xf32>
          %gather3A_872 = tpu.vector_load_idx %arg16[%add3A_811, %and3A_864] : memref<800x64xf32, #tpu.memory_space<vmem>>[vector<16xi32>, vector<16xi32>], vector<16xf32>,
          %mul3A_873 = arith.mulf %exp3A_839, %gather3A_872 : vector<16xf32>
          %add3A_874 = arith.addf %add3A_871, %mul3A_873 : vector<16xf32>
          %gather3A_875 = tpu.vector_load_idx %arg16[%add3A_818, %and3A_864] : memref<800x64xf32, #tpu.memory_space<vmem>>[vector<16xi32>, vector<16xi32>], vector<16xf32>,
          %mul3A_876 = arith.mulf %exp3A_843, %gather3A_875 : vector<16xf32>
          %add3A_877 = arith.addf %add3A_874, %mul3A_876 : vector<16xf32>
          %mul3A_878 = arith.constant 16 : i32
          %mul3A_879 = vector.broadcast %mul3A_878 : i32 to vector<16xi32>
          %mul3A_880 = arith.muli %and3A_864, %mul3A_879 : vector<16xi32>
          %add3A_881 = arith.addi %mul3A_880, %iota3A : vector<16xi32>
          tpu.vector_store_idx %arg24[%add3A_881], %add3A_877 {add = true} : memref<1024xf32, #tpu.memory_space<vmem>>[vector<16xi32>], vector<16xf32>,
          %add3A_882 = vector.broadcast %mul3A_857 : i32 to vector<16xi32>
          %add3A_883 = arith.addi %iota3A, %add3A_882 : vector<16xi32>
          %add3A_884 = arith.constant 1 : i32
          %add3A_885 = vector.broadcast %add3A_884 : i32 to vector<16xi32>
          %add3A_886 = arith.addi %add3A_883, %add3A_885 : vector<16xi32>
          %and3A_887 = arith.constant 63 : i32
          %and3A_888 = vector.broadcast %and3A_887 : i32 to vector<16xi32>
          %and3A_889 = arith.andi %add3A_886, %and3A_888 : vector<16xi32>
          %gather3A_890 = tpu.vector_load_idx %arg16[%add3A_790, %and3A_889] : memref<800x64xf32, #tpu.memory_space<vmem>>[vector<16xi32>, vector<16xi32>], vector<16xf32>,
          %mul3A_891 = arith.mulf %exp3A, %gather3A_890 : vector<16xf32>
          %gather3A_892 = tpu.vector_load_idx %arg16[%add3A_797, %and3A_889] : memref<800x64xf32, #tpu.memory_space<vmem>>[vector<16xi32>, vector<16xi32>], vector<16xf32>,
          %mul3A_893 = arith.mulf %exp3A_831, %gather3A_892 : vector<16xf32>
          %add3A_894 = arith.addf %mul3A_891, %mul3A_893 : vector<16xf32>
          %gather3A_895 = tpu.vector_load_idx %arg16[%add3A_804, %and3A_889] : memref<800x64xf32, #tpu.memory_space<vmem>>[vector<16xi32>, vector<16xi32>], vector<16xf32>,
          %mul3A_896 = arith.mulf %exp3A_835, %gather3A_895 : vector<16xf32>
          %add3A_897 = arith.addf %add3A_894, %mul3A_896 : vector<16xf32>
          %gather3A_898 = tpu.vector_load_idx %arg16[%add3A_811, %and3A_889] : memref<800x64xf32, #tpu.memory_space<vmem>>[vector<16xi32>, vector<16xi32>], vector<16xf32>,
          %mul3A_899 = arith.mulf %exp3A_839, %gather3A_898 : vector<16xf32>
          %add3A_900 = arith.addf %add3A_897, %mul3A_899 : vector<16xf32>
          %gather3A_901 = tpu.vector_load_idx %arg16[%add3A_818, %and3A_889] : memref<800x64xf32, #tpu.memory_space<vmem>>[vector<16xi32>, vector<16xi32>], vector<16xf32>,
          %mul3A_902 = arith.mulf %exp3A_843, %gather3A_901 : vector<16xf32>
          %add3A_903 = arith.addf %add3A_900, %mul3A_902 : vector<16xf32>
          %mul3A_904 = arith.constant 16 : i32
          %mul3A_905 = vector.broadcast %mul3A_904 : i32 to vector<16xi32>
          %mul3A_906 = arith.muli %and3A_889, %mul3A_905 : vector<16xi32>
          %add3A_907 = arith.addi %mul3A_906, %iota3A : vector<16xi32>
          tpu.vector_store_idx %arg24[%add3A_907], %add3A_903 {add = true} : memref<1024xf32, #tpu.memory_space<vmem>>[vector<16xi32>], vector<16xf32>,
          %add3A_908 = vector.broadcast %mul3A_857 : i32 to vector<16xi32>
          %add3A_909 = arith.addi %iota3A, %add3A_908 : vector<16xi32>
          %add3A_910 = arith.constant 2 : i32
          %add3A_911 = vector.broadcast %add3A_910 : i32 to vector<16xi32>
          %add3A_912 = arith.addi %add3A_909, %add3A_911 : vector<16xi32>
          %and3A_913 = arith.constant 63 : i32
          %and3A_914 = vector.broadcast %and3A_913 : i32 to vector<16xi32>
          %and3A_915 = arith.andi %add3A_912, %and3A_914 : vector<16xi32>
          %gather3A_916 = tpu.vector_load_idx %arg16[%add3A_790, %and3A_915] : memref<800x64xf32, #tpu.memory_space<vmem>>[vector<16xi32>, vector<16xi32>], vector<16xf32>,
          %mul3A_917 = arith.mulf %exp3A, %gather3A_916 : vector<16xf32>
          %gather3A_918 = tpu.vector_load_idx %arg16[%add3A_797, %and3A_915] : memref<800x64xf32, #tpu.memory_space<vmem>>[vector<16xi32>, vector<16xi32>], vector<16xf32>,
          %mul3A_919 = arith.mulf %exp3A_831, %gather3A_918 : vector<16xf32>
          %add3A_920 = arith.addf %mul3A_917, %mul3A_919 : vector<16xf32>
          %gather3A_921 = tpu.vector_load_idx %arg16[%add3A_804, %and3A_915] : memref<800x64xf32, #tpu.memory_space<vmem>>[vector<16xi32>, vector<16xi32>], vector<16xf32>,
          %mul3A_922 = arith.mulf %exp3A_835, %gather3A_921 : vector<16xf32>
          %add3A_923 = arith.addf %add3A_920, %mul3A_922 : vector<16xf32>
          %gather3A_924 = tpu.vector_load_idx %arg16[%add3A_811, %and3A_915] : memref<800x64xf32, #tpu.memory_space<vmem>>[vector<16xi32>, vector<16xi32>], vector<16xf32>,
          %mul3A_925 = arith.mulf %exp3A_839, %gather3A_924 : vector<16xf32>
          %add3A_926 = arith.addf %add3A_923, %mul3A_925 : vector<16xf32>
          %gather3A_927 = tpu.vector_load_idx %arg16[%add3A_818, %and3A_915] : memref<800x64xf32, #tpu.memory_space<vmem>>[vector<16xi32>, vector<16xi32>], vector<16xf32>,
          %mul3A_928 = arith.mulf %exp3A_843, %gather3A_927 : vector<16xf32>
          %add3A_929 = arith.addf %add3A_926, %mul3A_928 : vector<16xf32>
          %mul3A_930 = arith.constant 16 : i32
          %mul3A_931 = vector.broadcast %mul3A_930 : i32 to vector<16xi32>
          %mul3A_932 = arith.muli %and3A_915, %mul3A_931 : vector<16xi32>
          %add3A_933 = arith.addi %mul3A_932, %iota3A : vector<16xi32>
          tpu.vector_store_idx %arg24[%add3A_933], %add3A_929 {add = true} : memref<1024xf32, #tpu.memory_space<vmem>>[vector<16xi32>], vector<16xf32>,
          %add3A_934 = vector.broadcast %mul3A_857 : i32 to vector<16xi32>
          %add3A_935 = arith.addi %iota3A, %add3A_934 : vector<16xi32>
          %add3A_936 = arith.constant 3 : i32
          %add3A_937 = vector.broadcast %add3A_936 : i32 to vector<16xi32>
          %add3A_938 = arith.addi %add3A_935, %add3A_937 : vector<16xi32>
          %and3A_939 = arith.constant 63 : i32
          %and3A_940 = vector.broadcast %and3A_939 : i32 to vector<16xi32>
          %and3A_941 = arith.andi %add3A_938, %and3A_940 : vector<16xi32>
          %gather3A_942 = tpu.vector_load_idx %arg16[%add3A_790, %and3A_941] : memref<800x64xf32, #tpu.memory_space<vmem>>[vector<16xi32>, vector<16xi32>], vector<16xf32>,
          %mul3A_943 = arith.mulf %exp3A, %gather3A_942 : vector<16xf32>
          %gather3A_944 = tpu.vector_load_idx %arg16[%add3A_797, %and3A_941] : memref<800x64xf32, #tpu.memory_space<vmem>>[vector<16xi32>, vector<16xi32>], vector<16xf32>,
          %mul3A_945 = arith.mulf %exp3A_831, %gather3A_944 : vector<16xf32>
          %add3A_946 = arith.addf %mul3A_943, %mul3A_945 : vector<16xf32>
          %gather3A_947 = tpu.vector_load_idx %arg16[%add3A_804, %and3A_941] : memref<800x64xf32, #tpu.memory_space<vmem>>[vector<16xi32>, vector<16xi32>], vector<16xf32>,
          %mul3A_948 = arith.mulf %exp3A_835, %gather3A_947 : vector<16xf32>
          %add3A_949 = arith.addf %add3A_946, %mul3A_948 : vector<16xf32>
          %gather3A_950 = tpu.vector_load_idx %arg16[%add3A_811, %and3A_941] : memref<800x64xf32, #tpu.memory_space<vmem>>[vector<16xi32>, vector<16xi32>], vector<16xf32>,
          %mul3A_951 = arith.mulf %exp3A_839, %gather3A_950 : vector<16xf32>
          %add3A_952 = arith.addf %add3A_949, %mul3A_951 : vector<16xf32>
          %gather3A_953 = tpu.vector_load_idx %arg16[%add3A_818, %and3A_941] : memref<800x64xf32, #tpu.memory_space<vmem>>[vector<16xi32>, vector<16xi32>], vector<16xf32>,
          %mul3A_954 = arith.mulf %exp3A_843, %gather3A_953 : vector<16xf32>
          %add3A_955 = arith.addf %add3A_952, %mul3A_954 : vector<16xf32>
          %mul3A_956 = arith.constant 16 : i32
          %mul3A_957 = vector.broadcast %mul3A_956 : i32 to vector<16xi32>
          %mul3A_958 = arith.muli %and3A_941, %mul3A_957 : vector<16xi32>
          %add3A_959 = arith.addi %mul3A_958, %iota3A : vector<16xi32>
          tpu.vector_store_idx %arg24[%add3A_959], %add3A_955 {add = true} : memref<1024xf32, #tpu.memory_space<vmem>>[vector<16xi32>], vector<16xf32>,
        }
        %scan3A_849 = arith.constant 16 : i32
        %add3A_850 = arith.addf %scan3A_783, %exp3A : vector<16xf32>
        %add3A_851 = arith.addf %add3A_850, %exp3A_831 : vector<16xf32>
        %add3A_852 = arith.addf %add3A_851, %exp3A_835 : vector<16xf32>
        %add3A_853 = arith.addf %add3A_852, %exp3A_839 : vector<16xf32>
        %add3A_854 = arith.addf %add3A_853, %exp3A_843 : vector<16xf32>
        scf.yield %add3A_854 : vector<16xf32>
      }
      %scan3A_477 = arith.constant 10 : i32
      %div3A = arith.constant 1.000000e+00 : f32
      %div3A_478 = vector.broadcast %div3A : f32 to vector<16xf32>
      %div3A_479 = arith.divf %div3A_478, %scan3A_476 : vector<16xf32>
      %scan3A_480 = arith.constant 0 : i32
      %scan3A_481 = arith.constant 16 : i32
      %scan3A_482 = arith.addi %scan3A_480, %scan3A_481 : i32
      %scan3A_483 = arith.constant 1 : i32
      %scan3A_484:6 = scf.for %scan3A_782 = %scan3A_480 to %scan3A_482 step %scan3A_483 iter_args(%scan3A_783 = %broadcast_in_dim3A_11, %scan3A_784 = %broadcast_in_dim3A_11, %scan3A_785 = %broadcast_in_dim3A_11, %scan3A_786 = %broadcast_in_dim3A_11, %scan3A_787 = %broadcast_in_dim3A_11, %scan3A_788 = %broadcast_in_dim3A_11) -> (vector<16xf32>, vector<16xf32>, vector<16xf32>, vector<16xf32>, vector<16xf32>, vector<16xf32>)  : i32 {
        %mul3A_789 = arith.constant 4 : i32
        %mul3A_790 = arith.muli %scan3A_782, %mul3A_789 : i32
        %add3A_791 = vector.broadcast %mul3A_790 : i32 to vector<16xi32>
        %add3A_792 = arith.addi %iota3A, %add3A_791 : vector<16xi32>
        %add3A_793 = arith.constant 0 : i32
        %add3A_794 = vector.broadcast %add3A_793 : i32 to vector<16xi32>
        %add3A_795 = arith.addi %add3A_792, %add3A_794 : vector<16xi32>
        %and3A = arith.constant 63 : i32
        %and3A_796 = vector.broadcast %and3A : i32 to vector<16xi32>
        %and3A_797 = arith.andi %add3A_795, %and3A_796 : vector<16xi32>
        %mul3A_798 = arith.constant 16 : i32
        %mul3A_799 = vector.broadcast %mul3A_798 : i32 to vector<16xi32>
        %mul3A_800 = arith.muli %and3A_797, %mul3A_799 : vector<16xi32>
        %add3A_801 = arith.addi %mul3A_800, %iota3A : vector<16xi32>
        %gather3A = tpu.vector_load_idx %arg24[%add3A_801] : memref<1024xf32, #tpu.memory_space<vmem>>[vector<16xi32>], vector<16xf32>,
        %gather3A_802 = tpu.vector_load_idx %arg20[%iota3A, %and3A_797] : memref<16x64xf32, #tpu.memory_space<vmem>>[vector<16xi32>, vector<16xi32>], vector<16xf32>,
        %mul3A_803 = arith.mulf %gather3A, %gather3A_802 : vector<16xf32>
        %add3A_804 = arith.addf %scan3A_783, %mul3A_803 : vector<16xf32>
        %add3A_805 = arith.constant 0 : i32
        %add3A_806 = vector.broadcast %add3A_805 : i32 to vector<16xi32>
        %add3A_807 = arith.addi %mul3A_6, %add3A_806 : vector<16xi32>
        %gather3A_808 = tpu.vector_load_idx %arg22[%add3A_807, %and3A_797] : memref<80x64xf32, #tpu.memory_space<vmem>>[vector<16xi32>, vector<16xi32>], vector<16xf32>,
        %mul3A_809 = arith.mulf %gather3A, %gather3A_808 : vector<16xf32>
        %add3A_810 = arith.addf %scan3A_784, %mul3A_809 : vector<16xf32>
        %add3A_811 = arith.constant 1 : i32
        %add3A_812 = vector.broadcast %add3A_811 : i32 to vector<16xi32>
        %add3A_813 = arith.addi %mul3A_6, %add3A_812 : vector<16xi32>
        %gather3A_814 = tpu.vector_load_idx %arg22[%add3A_813, %and3A_797] : memref<80x64xf32, #tpu.memory_space<vmem>>[vector<16xi32>, vector<16xi32>], vector<16xf32>,
        %mul3A_815 = arith.mulf %gather3A, %gather3A_814 : vector<16xf32>
        %add3A_816 = arith.addf %scan3A_785, %mul3A_815 : vector<16xf32>
        %add3A_817 = arith.constant 2 : i32
        %add3A_818 = vector.broadcast %add3A_817 : i32 to vector<16xi32>
        %add3A_819 = arith.addi %mul3A_6, %add3A_818 : vector<16xi32>
        %gather3A_820 = tpu.vector_load_idx %arg22[%add3A_819, %and3A_797] : memref<80x64xf32, #tpu.memory_space<vmem>>[vector<16xi32>, vector<16xi32>], vector<16xf32>,
        %mul3A_821 = arith.mulf %gather3A, %gather3A_820 : vector<16xf32>
        %add3A_822 = arith.addf %scan3A_786, %mul3A_821 : vector<16xf32>
        %add3A_823 = arith.constant 3 : i32
        %add3A_824 = vector.broadcast %add3A_823 : i32 to vector<16xi32>
        %add3A_825 = arith.addi %mul3A_6, %add3A_824 : vector<16xi32>
        %gather3A_826 = tpu.vector_load_idx %arg22[%add3A_825, %and3A_797] : memref<80x64xf32, #tpu.memory_space<vmem>>[vector<16xi32>, vector<16xi32>], vector<16xf32>,
        %mul3A_827 = arith.mulf %gather3A, %gather3A_826 : vector<16xf32>
        %add3A_828 = arith.addf %scan3A_787, %mul3A_827 : vector<16xf32>
        %add3A_829 = arith.constant 4 : i32
        %add3A_830 = vector.broadcast %add3A_829 : i32 to vector<16xi32>
        %add3A_831 = arith.addi %mul3A_6, %add3A_830 : vector<16xi32>
        %gather3A_832 = tpu.vector_load_idx %arg22[%add3A_831, %and3A_797] : memref<80x64xf32, #tpu.memory_space<vmem>>[vector<16xi32>, vector<16xi32>], vector<16xf32>,
        %mul3A_833 = arith.mulf %gather3A, %gather3A_832 : vector<16xf32>
        %add3A_834 = arith.addf %scan3A_788, %mul3A_833 : vector<16xf32>
        %add3A_835 = vector.broadcast %mul3A_790 : i32 to vector<16xi32>
        %add3A_836 = arith.addi %iota3A, %add3A_835 : vector<16xi32>
        %add3A_837 = arith.constant 1 : i32
        %add3A_838 = vector.broadcast %add3A_837 : i32 to vector<16xi32>
        %add3A_839 = arith.addi %add3A_836, %add3A_838 : vector<16xi32>
        %and3A_840 = arith.constant 63 : i32
        %and3A_841 = vector.broadcast %and3A_840 : i32 to vector<16xi32>
        %and3A_842 = arith.andi %add3A_839, %and3A_841 : vector<16xi32>
        %mul3A_843 = arith.constant 16 : i32
        %mul3A_844 = vector.broadcast %mul3A_843 : i32 to vector<16xi32>
        %mul3A_845 = arith.muli %and3A_842, %mul3A_844 : vector<16xi32>
        %add3A_846 = arith.addi %mul3A_845, %iota3A : vector<16xi32>
        %gather3A_847 = tpu.vector_load_idx %arg24[%add3A_846] : memref<1024xf32, #tpu.memory_space<vmem>>[vector<16xi32>], vector<16xf32>,
        %gather3A_848 = tpu.vector_load_idx %arg20[%iota3A, %and3A_842] : memref<16x64xf32, #tpu.memory_space<vmem>>[vector<16xi32>, vector<16xi32>], vector<16xf32>,
        %mul3A_849 = arith.mulf %gather3A_847, %gather3A_848 : vector<16xf32>
        %add3A_850 = arith.addf %add3A_804, %mul3A_849 : vector<16xf32>
        %add3A_851 = arith.constant 0 : i32
        %add3A_852 = vector.broadcast %add3A_851 : i32 to vector<16xi32>
        %add3A_853 = arith.addi %mul3A_6, %add3A_852 : vector<16xi32>
        %gather3A_854 = tpu.vector_load_idx %arg22[%add3A_853, %and3A_842] : memref<80x64xf32, #tpu.memory_space<vmem>>[vector<16xi32>, vector<16xi32>], vector<16xf32>,
        %mul3A_855 = arith.mulf %gather3A_847, %gather3A_854 : vector<16xf32>
        %add3A_856 = arith.addf %add3A_810, %mul3A_855 : vector<16xf32>
        %add3A_857 = arith.constant 1 : i32
        %add3A_858 = vector.broadcast %add3A_857 : i32 to vector<16xi32>
        %add3A_859 = arith.addi %mul3A_6, %add3A_858 : vector<16xi32>
        %gather3A_860 = tpu.vector_load_idx %arg22[%add3A_859, %and3A_842] : memref<80x64xf32, #tpu.memory_space<vmem>>[vector<16xi32>, vector<16xi32>], vector<16xf32>,
        %mul3A_861 = arith.mulf %gather3A_847, %gather3A_860 : vector<16xf32>
        %add3A_862 = arith.addf %add3A_816, %mul3A_861 : vector<16xf32>
        %add3A_863 = arith.constant 2 : i32
        %add3A_864 = vector.broadcast %add3A_863 : i32 to vector<16xi32>
        %add3A_865 = arith.addi %mul3A_6, %add3A_864 : vector<16xi32>
        %gather3A_866 = tpu.vector_load_idx %arg22[%add3A_865, %and3A_842] : memref<80x64xf32, #tpu.memory_space<vmem>>[vector<16xi32>, vector<16xi32>], vector<16xf32>,
        %mul3A_867 = arith.mulf %gather3A_847, %gather3A_866 : vector<16xf32>
        %add3A_868 = arith.addf %add3A_822, %mul3A_867 : vector<16xf32>
        %add3A_869 = arith.constant 3 : i32
        %add3A_870 = vector.broadcast %add3A_869 : i32 to vector<16xi32>
        %add3A_871 = arith.addi %mul3A_6, %add3A_870 : vector<16xi32>
        %gather3A_872 = tpu.vector_load_idx %arg22[%add3A_871, %and3A_842] : memref<80x64xf32, #tpu.memory_space<vmem>>[vector<16xi32>, vector<16xi32>], vector<16xf32>,
        %mul3A_873 = arith.mulf %gather3A_847, %gather3A_872 : vector<16xf32>
        %add3A_874 = arith.addf %add3A_828, %mul3A_873 : vector<16xf32>
        %add3A_875 = arith.constant 4 : i32
        %add3A_876 = vector.broadcast %add3A_875 : i32 to vector<16xi32>
        %add3A_877 = arith.addi %mul3A_6, %add3A_876 : vector<16xi32>
        %gather3A_878 = tpu.vector_load_idx %arg22[%add3A_877, %and3A_842] : memref<80x64xf32, #tpu.memory_space<vmem>>[vector<16xi32>, vector<16xi32>], vector<16xf32>,
        %mul3A_879 = arith.mulf %gather3A_847, %gather3A_878 : vector<16xf32>
        %add3A_880 = arith.addf %add3A_834, %mul3A_879 : vector<16xf32>
        %add3A_881 = vector.broadcast %mul3A_790 : i32 to vector<16xi32>
        %add3A_882 = arith.addi %iota3A, %add3A_881 : vector<16xi32>
        %add3A_883 = arith.constant 2 : i32
        %add3A_884 = vector.broadcast %add3A_883 : i32 to vector<16xi32>
        %add3A_885 = arith.addi %add3A_882, %add3A_884 : vector<16xi32>
        %and3A_886 = arith.constant 63 : i32
        %and3A_887 = vector.broadcast %and3A_886 : i32 to vector<16xi32>
        %and3A_888 = arith.andi %add3A_885, %and3A_887 : vector<16xi32>
        %mul3A_889 = arith.constant 16 : i32
        %mul3A_890 = vector.broadcast %mul3A_889 : i32 to vector<16xi32>
        %mul3A_891 = arith.muli %and3A_888, %mul3A_890 : vector<16xi32>
        %add3A_892 = arith.addi %mul3A_891, %iota3A : vector<16xi32>
        %gather3A_893 = tpu.vector_load_idx %arg24[%add3A_892] : memref<1024xf32, #tpu.memory_space<vmem>>[vector<16xi32>], vector<16xf32>,
        %gather3A_894 = tpu.vector_load_idx %arg20[%iota3A, %and3A_888] : memref<16x64xf32, #tpu.memory_space<vmem>>[vector<16xi32>, vector<16xi32>], vector<16xf32>,
        %mul3A_895 = arith.mulf %gather3A_893, %gather3A_894 : vector<16xf32>
        %add3A_896 = arith.addf %add3A_850, %mul3A_895 : vector<16xf32>
        %add3A_897 = arith.constant 0 : i32
        %add3A_898 = vector.broadcast %add3A_897 : i32 to vector<16xi32>
        %add3A_899 = arith.addi %mul3A_6, %add3A_898 : vector<16xi32>
        %gather3A_900 = tpu.vector_load_idx %arg22[%add3A_899, %and3A_888] : memref<80x64xf32, #tpu.memory_space<vmem>>[vector<16xi32>, vector<16xi32>], vector<16xf32>,
        %mul3A_901 = arith.mulf %gather3A_893, %gather3A_900 : vector<16xf32>
        %add3A_902 = arith.addf %add3A_856, %mul3A_901 : vector<16xf32>
        %add3A_903 = arith.constant 1 : i32
        %add3A_904 = vector.broadcast %add3A_903 : i32 to vector<16xi32>
        %add3A_905 = arith.addi %mul3A_6, %add3A_904 : vector<16xi32>
        %gather3A_906 = tpu.vector_load_idx %arg22[%add3A_905, %and3A_888] : memref<80x64xf32, #tpu.memory_space<vmem>>[vector<16xi32>, vector<16xi32>], vector<16xf32>,
        %mul3A_907 = arith.mulf %gather3A_893, %gather3A_906 : vector<16xf32>
        %add3A_908 = arith.addf %add3A_862, %mul3A_907 : vector<16xf32>
        %add3A_909 = arith.constant 2 : i32
        %add3A_910 = vector.broadcast %add3A_909 : i32 to vector<16xi32>
        %add3A_911 = arith.addi %mul3A_6, %add3A_910 : vector<16xi32>
        %gather3A_912 = tpu.vector_load_idx %arg22[%add3A_911, %and3A_888] : memref<80x64xf32, #tpu.memory_space<vmem>>[vector<16xi32>, vector<16xi32>], vector<16xf32>,
        %mul3A_913 = arith.mulf %gather3A_893, %gather3A_912 : vector<16xf32>
        %add3A_914 = arith.addf %add3A_868, %mul3A_913 : vector<16xf32>
        %add3A_915 = arith.constant 3 : i32
        %add3A_916 = vector.broadcast %add3A_915 : i32 to vector<16xi32>
        %add3A_917 = arith.addi %mul3A_6, %add3A_916 : vector<16xi32>
        %gather3A_918 = tpu.vector_load_idx %arg22[%add3A_917, %and3A_888] : memref<80x64xf32, #tpu.memory_space<vmem>>[vector<16xi32>, vector<16xi32>], vector<16xf32>,
        %mul3A_919 = arith.mulf %gather3A_893, %gather3A_918 : vector<16xf32>
        %add3A_920 = arith.addf %add3A_874, %mul3A_919 : vector<16xf32>
        %add3A_921 = arith.constant 4 : i32
        %add3A_922 = vector.broadcast %add3A_921 : i32 to vector<16xi32>
        %add3A_923 = arith.addi %mul3A_6, %add3A_922 : vector<16xi32>
        %gather3A_924 = tpu.vector_load_idx %arg22[%add3A_923, %and3A_888] : memref<80x64xf32, #tpu.memory_space<vmem>>[vector<16xi32>, vector<16xi32>], vector<16xf32>,
        %mul3A_925 = arith.mulf %gather3A_893, %gather3A_924 : vector<16xf32>
        %add3A_926 = arith.addf %add3A_880, %mul3A_925 : vector<16xf32>
        %add3A_927 = vector.broadcast %mul3A_790 : i32 to vector<16xi32>
        %add3A_928 = arith.addi %iota3A, %add3A_927 : vector<16xi32>
        %add3A_929 = arith.constant 3 : i32
        %add3A_930 = vector.broadcast %add3A_929 : i32 to vector<16xi32>
        %add3A_931 = arith.addi %add3A_928, %add3A_930 : vector<16xi32>
        %and3A_932 = arith.constant 63 : i32
        %and3A_933 = vector.broadcast %and3A_932 : i32 to vector<16xi32>
        %and3A_934 = arith.andi %add3A_931, %and3A_933 : vector<16xi32>
        %mul3A_935 = arith.constant 16 : i32
        %mul3A_936 = vector.broadcast %mul3A_935 : i32 to vector<16xi32>
        %mul3A_937 = arith.muli %and3A_934, %mul3A_936 : vector<16xi32>
        %add3A_938 = arith.addi %mul3A_937, %iota3A : vector<16xi32>
        %gather3A_939 = tpu.vector_load_idx %arg24[%add3A_938] : memref<1024xf32, #tpu.memory_space<vmem>>[vector<16xi32>], vector<16xf32>,
        %gather3A_940 = tpu.vector_load_idx %arg20[%iota3A, %and3A_934] : memref<16x64xf32, #tpu.memory_space<vmem>>[vector<16xi32>, vector<16xi32>], vector<16xf32>,
        %mul3A_941 = arith.mulf %gather3A_939, %gather3A_940 : vector<16xf32>
        %add3A_942 = arith.addf %add3A_896, %mul3A_941 : vector<16xf32>
        %add3A_943 = arith.constant 0 : i32
        %add3A_944 = vector.broadcast %add3A_943 : i32 to vector<16xi32>
        %add3A_945 = arith.addi %mul3A_6, %add3A_944 : vector<16xi32>
        %gather3A_946 = tpu.vector_load_idx %arg22[%add3A_945, %and3A_934] : memref<80x64xf32, #tpu.memory_space<vmem>>[vector<16xi32>, vector<16xi32>], vector<16xf32>,
        %mul3A_947 = arith.mulf %gather3A_939, %gather3A_946 : vector<16xf32>
        %add3A_948 = arith.addf %add3A_902, %mul3A_947 : vector<16xf32>
        %add3A_949 = arith.constant 1 : i32
        %add3A_950 = vector.broadcast %add3A_949 : i32 to vector<16xi32>
        %add3A_951 = arith.addi %mul3A_6, %add3A_950 : vector<16xi32>
        %gather3A_952 = tpu.vector_load_idx %arg22[%add3A_951, %and3A_934] : memref<80x64xf32, #tpu.memory_space<vmem>>[vector<16xi32>, vector<16xi32>], vector<16xf32>,
        %mul3A_953 = arith.mulf %gather3A_939, %gather3A_952 : vector<16xf32>
        %add3A_954 = arith.addf %add3A_908, %mul3A_953 : vector<16xf32>
        %add3A_955 = arith.constant 2 : i32
        %add3A_956 = vector.broadcast %add3A_955 : i32 to vector<16xi32>
        %add3A_957 = arith.addi %mul3A_6, %add3A_956 : vector<16xi32>
        %gather3A_958 = tpu.vector_load_idx %arg22[%add3A_957, %and3A_934] : memref<80x64xf32, #tpu.memory_space<vmem>>[vector<16xi32>, vector<16xi32>], vector<16xf32>,
        %mul3A_959 = arith.mulf %gather3A_939, %gather3A_958 : vector<16xf32>
        %add3A_960 = arith.addf %add3A_914, %mul3A_959 : vector<16xf32>
        %add3A_961 = arith.constant 3 : i32
        %add3A_962 = vector.broadcast %add3A_961 : i32 to vector<16xi32>
        %add3A_963 = arith.addi %mul3A_6, %add3A_962 : vector<16xi32>
        %gather3A_964 = tpu.vector_load_idx %arg22[%add3A_963, %and3A_934] : memref<80x64xf32, #tpu.memory_space<vmem>>[vector<16xi32>, vector<16xi32>], vector<16xf32>,
        %mul3A_965 = arith.mulf %gather3A_939, %gather3A_964 : vector<16xf32>
        %add3A_966 = arith.addf %add3A_920, %mul3A_965 : vector<16xf32>
        %add3A_967 = arith.constant 4 : i32
        %add3A_968 = vector.broadcast %add3A_967 : i32 to vector<16xi32>
        %add3A_969 = arith.addi %mul3A_6, %add3A_968 : vector<16xi32>
        %gather3A_970 = tpu.vector_load_idx %arg22[%add3A_969, %and3A_934] : memref<80x64xf32, #tpu.memory_space<vmem>>[vector<16xi32>, vector<16xi32>], vector<16xf32>,
        %mul3A_971 = arith.mulf %gather3A_939, %gather3A_970 : vector<16xf32>
        %add3A_972 = arith.addf %add3A_926, %mul3A_971 : vector<16xf32>
        scf.yield %add3A_942, %add3A_948, %add3A_954, %add3A_960, %add3A_966, %add3A_972 : vector<16xf32>, vector<16xf32>, vector<16xf32>, vector<16xf32>, vector<16xf32>, vector<16xf32>
      }
      %scan3A_485 = arith.constant 16 : i32
      %mul3A_486 = arith.constant 16 : i32
      %mul3A_487 = arith.muli %mul3A_143, %mul3A_486 : i32
      %add3A_488 = vector.broadcast %mul3A_487 : i32 to vector<16xi32>
      %add3A_489 = arith.addi %iota3A, %add3A_488 : vector<16xi32>
      %mul3A_490 = arith.mulf %scan3A_484#0, %div3A_479 : vector<16xf32>
      tpu.vector_store_idx %arg25[%add3A_489], %mul3A_490 : memref<3072xf32, #tpu.memory_space<vmem>>[vector<16xi32>], vector<16xf32>,
      %add3A_491 = arith.constant 512 : i32
      %add3A_492 = vector.broadcast %add3A_491 : i32 to vector<16xi32>
      %add3A_493 = arith.addi %add3A_489, %add3A_492 : vector<16xi32>
      %mul3A_494 = arith.mulf %scan3A_484#1, %div3A_479 : vector<16xf32>
      tpu.vector_store_idx %arg25[%add3A_493], %mul3A_494 : memref<3072xf32, #tpu.memory_space<vmem>>[vector<16xi32>], vector<16xf32>,
      %add3A_495 = arith.constant 1024 : i32
      %add3A_496 = vector.broadcast %add3A_495 : i32 to vector<16xi32>
      %add3A_497 = arith.addi %add3A_489, %add3A_496 : vector<16xi32>
      %mul3A_498 = arith.mulf %scan3A_484#2, %div3A_479 : vector<16xf32>
      tpu.vector_store_idx %arg25[%add3A_497], %mul3A_498 : memref<3072xf32, #tpu.memory_space<vmem>>[vector<16xi32>], vector<16xf32>,
      %add3A_499 = arith.constant 1536 : i32
      %add3A_500 = vector.broadcast %add3A_499 : i32 to vector<16xi32>
      %add3A_501 = arith.addi %add3A_489, %add3A_500 : vector<16xi32>
      %mul3A_502 = arith.mulf %scan3A_484#3, %div3A_479 : vector<16xf32>
      tpu.vector_store_idx %arg25[%add3A_501], %mul3A_502 : memref<3072xf32, #tpu.memory_space<vmem>>[vector<16xi32>], vector<16xf32>,
      %add3A_503 = arith.constant 2048 : i32
      %add3A_504 = vector.broadcast %add3A_503 : i32 to vector<16xi32>
      %add3A_505 = arith.addi %add3A_489, %add3A_504 : vector<16xi32>
      %mul3A_506 = arith.mulf %scan3A_484#4, %div3A_479 : vector<16xf32>
      tpu.vector_store_idx %arg25[%add3A_505], %mul3A_506 : memref<3072xf32, #tpu.memory_space<vmem>>[vector<16xi32>], vector<16xf32>,
      %add3A_507 = arith.constant 2560 : i32
      %add3A_508 = vector.broadcast %add3A_507 : i32 to vector<16xi32>
      %add3A_509 = arith.addi %add3A_489, %add3A_508 : vector<16xi32>
      %mul3A_510 = arith.mulf %scan3A_484#5, %div3A_479 : vector<16xf32>
      tpu.vector_store_idx %arg25[%add3A_509], %mul3A_510 : memref<3072xf32, #tpu.memory_space<vmem>>[vector<16xi32>], vector<16xf32>,
      %add3A_511 = arith.constant 2 : i32
      %add3A_512 = arith.addi %mul3A_143, %add3A_511 : i32
      %lt3A = arith.constant 32 : i32
      %lt3A_513 = arith.cmpi slt, %add3A_512, %lt3A : i32
      %convert_element_type3A = arith.extui %lt3A_513 : i1 to i32
      %cond3A = arith.constant 0 : i32
      %cond3A_514 = arith.cmpi ne, %convert_element_type3A, %cond3A : i32
      scf.if %cond3A_514 {
        %add3A_782 = arith.constant 2 : i32
        %add3A_783 = arith.addi %mul3A_143, %add3A_782 : i32
        %mul3A_784 = arith.constant 512 : i32
        %mul3A_785 = arith.muli %add3A, %mul3A_784 : i32
        %mul3A_786 = arith.constant 16 : i32
        %mul3A_787 = arith.muli %add3A_783, %mul3A_786 : i32
        %add3A_788 = arith.addi %mul3A_785, %mul3A_787 : i32
        %multiple_of3A_789 = tpu.assume_multiple %add3A_788, 16 : i32
        %mul3A_790 = arith.constant 50 : i32
        %mul3A_791 = arith.muli %multiple_of3A_789, %mul3A_790 : i32
        "tpu.region"() ({
          %run_scoped3A = tpu.sem_alloc : memref<!tpu.dma_semaphore, #tpu.memory_space<semaphore_mem>>
          %dma_start3A_889 = tpu.memref_slice %arg3[%mul3A_791] : memref<819200xi32, #tpu.memory_space<hbm>> -> memref<800xi32, #tpu.memory_space<hbm>>
          %dma_start3A_890 = tpu.memref_slice %arg3[%mul3A_791] : memref<819200xi32, #tpu.memory_space<hbm>> -> memref<800xi32, #tpu.memory_space<hbm>>
          tpu.enqueue_dma source(%dma_start3A_890 : memref<800xi32, #tpu.memory_space<hbm>>) target(%arg12 : memref<800xi32, #tpu.memory_space<vmem>>) target_semaphore(%run_scoped3A : memref<!tpu.dma_semaphore, #tpu.memory_space<semaphore_mem>>)
          %dma_wait3A_891 = tpu.memref_slice %arg3[%mul3A_791] : memref<819200xi32, #tpu.memory_space<hbm>> -> memref<800xi32, #tpu.memory_space<hbm>>
          %dma_wait3A_892 = tpu.memref_slice %arg3[%mul3A_791] : memref<819200xi32, #tpu.memory_space<hbm>> -> memref<800xi32, #tpu.memory_space<hbm>>
          tpu.wait_dma2 semaphore(%run_scoped3A : memref<!tpu.dma_semaphore, #tpu.memory_space<semaphore_mem>>) src(%dma_wait3A_892 : memref<800xi32, #tpu.memory_space<hbm>>) dst(%arg12 : memref<800xi32, #tpu.memory_space<vmem>>)
          tpu.yield
        }) : () -> ()
        %mul3A_792 = arith.constant 5 : i32
        %mul3A_793 = arith.muli %multiple_of3A_789, %mul3A_792 : i32
        "tpu.region"() ({
          %run_scoped3A = tpu.sem_alloc : memref<!tpu.dma_semaphore, #tpu.memory_space<semaphore_mem>>
          %dma_start3A_889 = tpu.memref_slice %arg5[%mul3A_793] : memref<81920xi32, #tpu.memory_space<hbm>> -> memref<80xi32, #tpu.memory_space<hbm>>
          %dma_start3A_890 = tpu.memref_slice %arg5[%mul3A_793] : memref<81920xi32, #tpu.memory_space<hbm>> -> memref<80xi32, #tpu.memory_space<hbm>>
          tpu.enqueue_dma source(%dma_start3A_890 : memref<80xi32, #tpu.memory_space<hbm>>) target(%arg14 : memref<80xi32, #tpu.memory_space<vmem>>) target_semaphore(%run_scoped3A : memref<!tpu.dma_semaphore, #tpu.memory_space<semaphore_mem>>)
          %dma_wait3A_891 = tpu.memref_slice %arg5[%mul3A_793] : memref<81920xi32, #tpu.memory_space<hbm>> -> memref<80xi32, #tpu.memory_space<hbm>>
          %dma_wait3A_892 = tpu.memref_slice %arg5[%mul3A_793] : memref<81920xi32, #tpu.memory_space<hbm>> -> memref<80xi32, #tpu.memory_space<hbm>>
          tpu.wait_dma2 semaphore(%run_scoped3A : memref<!tpu.dma_semaphore, #tpu.memory_space<semaphore_mem>>) src(%dma_wait3A_892 : memref<80xi32, #tpu.memory_space<hbm>>) dst(%arg14 : memref<80xi32, #tpu.memory_space<vmem>>)
          tpu.yield
        }) : () -> ()
        %mul3A_794 = arith.constant 16 : i32
        %mul3A_795 = arith.muli %add3A_783, %mul3A_794 : i32
        %mul3A_796 = arith.constant 16 : i32
        %mul3A_797 = arith.muli %add3A_783, %mul3A_796 : i32
        %dma_start3A_798 = arith.constant 0 : i32
        %dma_start3A_799 = arith.constant 0 : i32
        %dma_start3A_800 = tpu.memref_slice %arg16[%dma_start3A_798, %dma_start3A_799] : memref<800x64xf32, #tpu.memory_space<vmem>> -> memref<80x64xf32, #tpu.memory_space<vmem>>
        %dma_start3A_801 = arith.constant 0 : i32
        %dma_start3A_802 = tpu.memref_slice %arg12[%dma_start3A_801] : memref<800xi32, #tpu.memory_space<vmem>> -> memref<80xi32, #tpu.memory_space<vmem>>
        %dma_start3A_803 = arith.constant 0 : i32
        %dma_start3A_804 = arith.constant 0 : i32
        %dma_start3A_805 = tpu.memref_slice %arg7[%dma_start3A_803, %dma_start3A_804] : memref<1000000x64xf32, #tpu.memory_space<hbm>> -> memref<1000000x64xf32, #tpu.memory_space<hbm>>
        tpu.enqueue_indirect_dma source(%dma_start3A_805 : memref<1000000x64xf32, #tpu.memory_space<hbm>>) target(%dma_start3A_800 : memref<80x64xf32, #tpu.memory_space<vmem>>) offsets(%dma_start3A_802 : memref<80xi32, #tpu.memory_space<vmem>>) semaphore(%arg26 : memref<!tpu.dma_semaphore, #tpu.memory_space<semaphore_mem>>)
        %dma_start3A_806 = arith.constant 80 : i32
        %dma_start3A_807 = arith.constant 0 : i32
        %dma_start3A_808 = tpu.memref_slice %arg16[%dma_start3A_806, %dma_start3A_807] : memref<800x64xf32, #tpu.memory_space<vmem>> -> memref<80x64xf32, #tpu.memory_space<vmem>>
        %dma_start3A_809 = arith.constant 80 : i32
        %dma_start3A_810 = tpu.memref_slice %arg12[%dma_start3A_809] : memref<800xi32, #tpu.memory_space<vmem>> -> memref<80xi32, #tpu.memory_space<vmem>>
        %dma_start3A_811 = arith.constant 0 : i32
        %dma_start3A_812 = arith.constant 0 : i32
        %dma_start3A_813 = tpu.memref_slice %arg7[%dma_start3A_811, %dma_start3A_812] : memref<1000000x64xf32, #tpu.memory_space<hbm>> -> memref<1000000x64xf32, #tpu.memory_space<hbm>>
        tpu.enqueue_indirect_dma source(%dma_start3A_813 : memref<1000000x64xf32, #tpu.memory_space<hbm>>) target(%dma_start3A_808 : memref<80x64xf32, #tpu.memory_space<vmem>>) offsets(%dma_start3A_810 : memref<80xi32, #tpu.memory_space<vmem>>) semaphore(%arg26 : memref<!tpu.dma_semaphore, #tpu.memory_space<semaphore_mem>>)
        %dma_start3A_814 = arith.constant 160 : i32
        %dma_start3A_815 = arith.constant 0 : i32
        %dma_start3A_816 = tpu.memref_slice %arg16[%dma_start3A_814, %dma_start3A_815] : memref<800x64xf32, #tpu.memory_space<vmem>> -> memref<80x64xf32, #tpu.memory_space<vmem>>
        %dma_start3A_817 = arith.constant 160 : i32
        %dma_start3A_818 = tpu.memref_slice %arg12[%dma_start3A_817] : memref<800xi32, #tpu.memory_space<vmem>> -> memref<80xi32, #tpu.memory_space<vmem>>
        %dma_start3A_819 = arith.constant 0 : i32
        %dma_start3A_820 = arith.constant 0 : i32
        %dma_start3A_821 = tpu.memref_slice %arg7[%dma_start3A_819, %dma_start3A_820] : memref<1000000x64xf32, #tpu.memory_space<hbm>> -> memref<1000000x64xf32, #tpu.memory_space<hbm>>
        tpu.enqueue_indirect_dma source(%dma_start3A_821 : memref<1000000x64xf32, #tpu.memory_space<hbm>>) target(%dma_start3A_816 : memref<80x64xf32, #tpu.memory_space<vmem>>) offsets(%dma_start3A_818 : memref<80xi32, #tpu.memory_space<vmem>>) semaphore(%arg26 : memref<!tpu.dma_semaphore, #tpu.memory_space<semaphore_mem>>)
        %dma_start3A_822 = arith.constant 240 : i32
        %dma_start3A_823 = arith.constant 0 : i32
        %dma_start3A_824 = tpu.memref_slice %arg16[%dma_start3A_822, %dma_start3A_823] : memref<800x64xf32, #tpu.memory_space<vmem>> -> memref<80x64xf32, #tpu.memory_space<vmem>>
        %dma_start3A_825 = arith.constant 240 : i32
        %dma_start3A_826 = tpu.memref_slice %arg12[%dma_start3A_825] : memref<800xi32, #tpu.memory_space<vmem>> -> memref<80xi32, #tpu.memory_space<vmem>>
        %dma_start3A_827 = arith.constant 0 : i32
        %dma_start3A_828 = arith.constant 0 : i32
        %dma_start3A_829 = tpu.memref_slice %arg7[%dma_start3A_827, %dma_start3A_828] : memref<1000000x64xf32, #tpu.memory_space<hbm>> -> memref<1000000x64xf32, #tpu.memory_space<hbm>>
        tpu.enqueue_indirect_dma source(%dma_start3A_829 : memref<1000000x64xf32, #tpu.memory_space<hbm>>) target(%dma_start3A_824 : memref<80x64xf32, #tpu.memory_space<vmem>>) offsets(%dma_start3A_826 : memref<80xi32, #tpu.memory_space<vmem>>) semaphore(%arg26 : memref<!tpu.dma_semaphore, #tpu.memory_space<semaphore_mem>>)
        %dma_start3A_830 = arith.constant 320 : i32
        %dma_start3A_831 = arith.constant 0 : i32
        %dma_start3A_832 = tpu.memref_slice %arg16[%dma_start3A_830, %dma_start3A_831] : memref<800x64xf32, #tpu.memory_space<vmem>> -> memref<80x64xf32, #tpu.memory_space<vmem>>
        %dma_start3A_833 = arith.constant 320 : i32
        %dma_start3A_834 = tpu.memref_slice %arg12[%dma_start3A_833] : memref<800xi32, #tpu.memory_space<vmem>> -> memref<80xi32, #tpu.memory_space<vmem>>
        %dma_start3A_835 = arith.constant 0 : i32
        %dma_start3A_836 = arith.constant 0 : i32
        %dma_start3A_837 = tpu.memref_slice %arg7[%dma_start3A_835, %dma_start3A_836] : memref<1000000x64xf32, #tpu.memory_space<hbm>> -> memref<1000000x64xf32, #tpu.memory_space<hbm>>
        tpu.enqueue_indirect_dma source(%dma_start3A_837 : memref<1000000x64xf32, #tpu.memory_space<hbm>>) target(%dma_start3A_832 : memref<80x64xf32, #tpu.memory_space<vmem>>) offsets(%dma_start3A_834 : memref<80xi32, #tpu.memory_space<vmem>>) semaphore(%arg26 : memref<!tpu.dma_semaphore, #tpu.memory_space<semaphore_mem>>)
        %dma_start3A_838 = arith.constant 400 : i32
        %dma_start3A_839 = arith.constant 0 : i32
        %dma_start3A_840 = tpu.memref_slice %arg16[%dma_start3A_838, %dma_start3A_839] : memref<800x64xf32, #tpu.memory_space<vmem>> -> memref<80x64xf32, #tpu.memory_space<vmem>>
        %dma_start3A_841 = arith.constant 400 : i32
        %dma_start3A_842 = tpu.memref_slice %arg12[%dma_start3A_841] : memref<800xi32, #tpu.memory_space<vmem>> -> memref<80xi32, #tpu.memory_space<vmem>>
        %dma_start3A_843 = arith.constant 0 : i32
        %dma_start3A_844 = arith.constant 0 : i32
        %dma_start3A_845 = tpu.memref_slice %arg7[%dma_start3A_843, %dma_start3A_844] : memref<1000000x64xf32, #tpu.memory_space<hbm>> -> memref<1000000x64xf32, #tpu.memory_space<hbm>>
        tpu.enqueue_indirect_dma source(%dma_start3A_845 : memref<1000000x64xf32, #tpu.memory_space<hbm>>) target(%dma_start3A_840 : memref<80x64xf32, #tpu.memory_space<vmem>>) offsets(%dma_start3A_842 : memref<80xi32, #tpu.memory_space<vmem>>) semaphore(%arg26 : memref<!tpu.dma_semaphore, #tpu.memory_space<semaphore_mem>>)
        %dma_start3A_846 = arith.constant 480 : i32
        %dma_start3A_847 = arith.constant 0 : i32
        %dma_start3A_848 = tpu.memref_slice %arg16[%dma_start3A_846, %dma_start3A_847] : memref<800x64xf32, #tpu.memory_space<vmem>> -> memref<80x64xf32, #tpu.memory_space<vmem>>
        %dma_start3A_849 = arith.constant 480 : i32
        %dma_start3A_850 = tpu.memref_slice %arg12[%dma_start3A_849] : memref<800xi32, #tpu.memory_space<vmem>> -> memref<80xi32, #tpu.memory_space<vmem>>
        %dma_start3A_851 = arith.constant 0 : i32
        %dma_start3A_852 = arith.constant 0 : i32
        %dma_start3A_853 = tpu.memref_slice %arg7[%dma_start3A_851, %dma_start3A_852] : memref<1000000x64xf32, #tpu.memory_space<hbm>> -> memref<1000000x64xf32, #tpu.memory_space<hbm>>
        tpu.enqueue_indirect_dma source(%dma_start3A_853 : memref<1000000x64xf32, #tpu.memory_space<hbm>>) target(%dma_start3A_848 : memref<80x64xf32, #tpu.memory_space<vmem>>) offsets(%dma_start3A_850 : memref<80xi32, #tpu.memory_space<vmem>>) semaphore(%arg26 : memref<!tpu.dma_semaphore, #tpu.memory_space<semaphore_mem>>)
        %dma_start3A_854 = arith.constant 560 : i32
        %dma_start3A_855 = arith.constant 0 : i32
        %dma_start3A_856 = tpu.memref_slice %arg16[%dma_start3A_854, %dma_start3A_855] : memref<800x64xf32, #tpu.memory_space<vmem>> -> memref<80x64xf32, #tpu.memory_space<vmem>>
        %dma_start3A_857 = arith.constant 560 : i32
        %dma_start3A_858 = tpu.memref_slice %arg12[%dma_start3A_857] : memref<800xi32, #tpu.memory_space<vmem>> -> memref<80xi32, #tpu.memory_space<vmem>>
        %dma_start3A_859 = arith.constant 0 : i32
        %dma_start3A_860 = arith.constant 0 : i32
        %dma_start3A_861 = tpu.memref_slice %arg7[%dma_start3A_859, %dma_start3A_860] : memref<1000000x64xf32, #tpu.memory_space<hbm>> -> memref<1000000x64xf32, #tpu.memory_space<hbm>>
        tpu.enqueue_indirect_dma source(%dma_start3A_861 : memref<1000000x64xf32, #tpu.memory_space<hbm>>) target(%dma_start3A_856 : memref<80x64xf32, #tpu.memory_space<vmem>>) offsets(%dma_start3A_858 : memref<80xi32, #tpu.memory_space<vmem>>) semaphore(%arg26 : memref<!tpu.dma_semaphore, #tpu.memory_space<semaphore_mem>>)
        %dma_start3A_862 = arith.constant 640 : i32
        %dma_start3A_863 = arith.constant 0 : i32
        %dma_start3A_864 = tpu.memref_slice %arg16[%dma_start3A_862, %dma_start3A_863] : memref<800x64xf32, #tpu.memory_space<vmem>> -> memref<80x64xf32, #tpu.memory_space<vmem>>
        %dma_start3A_865 = arith.constant 640 : i32
        %dma_start3A_866 = tpu.memref_slice %arg12[%dma_start3A_865] : memref<800xi32, #tpu.memory_space<vmem>> -> memref<80xi32, #tpu.memory_space<vmem>>
        %dma_start3A_867 = arith.constant 0 : i32
        %dma_start3A_868 = arith.constant 0 : i32
        %dma_start3A_869 = tpu.memref_slice %arg7[%dma_start3A_867, %dma_start3A_868] : memref<1000000x64xf32, #tpu.memory_space<hbm>> -> memref<1000000x64xf32, #tpu.memory_space<hbm>>
        tpu.enqueue_indirect_dma source(%dma_start3A_869 : memref<1000000x64xf32, #tpu.memory_space<hbm>>) target(%dma_start3A_864 : memref<80x64xf32, #tpu.memory_space<vmem>>) offsets(%dma_start3A_866 : memref<80xi32, #tpu.memory_space<vmem>>) semaphore(%arg26 : memref<!tpu.dma_semaphore, #tpu.memory_space<semaphore_mem>>)
        %dma_start3A_870 = arith.constant 720 : i32
        %dma_start3A_871 = arith.constant 0 : i32
        %dma_start3A_872 = tpu.memref_slice %arg16[%dma_start3A_870, %dma_start3A_871] : memref<800x64xf32, #tpu.memory_space<vmem>> -> memref<80x64xf32, #tpu.memory_space<vmem>>
        %dma_start3A_873 = arith.constant 720 : i32
        %dma_start3A_874 = tpu.memref_slice %arg12[%dma_start3A_873] : memref<800xi32, #tpu.memory_space<vmem>> -> memref<80xi32, #tpu.memory_space<vmem>>
        %dma_start3A_875 = arith.constant 0 : i32
        %dma_start3A_876 = arith.constant 0 : i32
        %dma_start3A_877 = tpu.memref_slice %arg7[%dma_start3A_875, %dma_start3A_876] : memref<1000000x64xf32, #tpu.memory_space<hbm>> -> memref<1000000x64xf32, #tpu.memory_space<hbm>>
        tpu.enqueue_indirect_dma source(%dma_start3A_877 : memref<1000000x64xf32, #tpu.memory_space<hbm>>) target(%dma_start3A_872 : memref<80x64xf32, #tpu.memory_space<vmem>>) offsets(%dma_start3A_874 : memref<80xi32, #tpu.memory_space<vmem>>) semaphore(%arg26 : memref<!tpu.dma_semaphore, #tpu.memory_space<semaphore_mem>>)
        %dma_start3A_878 = tpu.memref_slice %arg10[%mul3A_795] : memref<512xi32, #tpu.memory_space<vmem>> -> memref<16xi32, #tpu.memory_space<vmem>>
        %dma_start3A_879 = arith.constant 0 : i32
        %dma_start3A_880 = arith.constant 0 : i32
        %dma_start3A_881 = tpu.memref_slice %arg6[%dma_start3A_879, %dma_start3A_880] : memref<100000x64xf32, #tpu.memory_space<hbm>> -> memref<100000x64xf32, #tpu.memory_space<hbm>>
        tpu.enqueue_indirect_dma source(%dma_start3A_881 : memref<100000x64xf32, #tpu.memory_space<hbm>>) target(%arg18 : memref<16x64xf32, #tpu.memory_space<vmem>>) offsets(%dma_start3A_878 : memref<16xi32, #tpu.memory_space<vmem>>) semaphore(%arg26 : memref<!tpu.dma_semaphore, #tpu.memory_space<semaphore_mem>>)
        %dma_start3A_882 = tpu.memref_slice %arg11[%mul3A_797] : memref<512xi32, #tpu.memory_space<vmem>> -> memref<16xi32, #tpu.memory_space<vmem>>
        %dma_start3A_883 = arith.constant 0 : i32
        %dma_start3A_884 = arith.constant 0 : i32
        %dma_start3A_885 = tpu.memref_slice %arg8[%dma_start3A_883, %dma_start3A_884] : memref<1000000x64xf32, #tpu.memory_space<hbm>> -> memref<1000000x64xf32, #tpu.memory_space<hbm>>
        tpu.enqueue_indirect_dma source(%dma_start3A_885 : memref<1000000x64xf32, #tpu.memory_space<hbm>>) target(%arg20 : memref<16x64xf32, #tpu.memory_space<vmem>>) offsets(%dma_start3A_882 : memref<16xi32, #tpu.memory_space<vmem>>) semaphore(%arg26 : memref<!tpu.dma_semaphore, #tpu.memory_space<semaphore_mem>>)
        %dma_start3A_886 = arith.constant 0 : i32
        %dma_start3A_887 = arith.constant 0 : i32
        %dma_start3A_888 = tpu.memref_slice %arg8[%dma_start3A_886, %dma_start3A_887] : memref<1000000x64xf32, #tpu.memory_space<hbm>> -> memref<1000000x64xf32, #tpu.memory_space<hbm>>
        tpu.enqueue_indirect_dma source(%dma_start3A_888 : memref<1000000x64xf32, #tpu.memory_space<hbm>>) target(%arg22 : memref<80x64xf32, #tpu.memory_space<vmem>>) offsets(%arg14 : memref<80xi32, #tpu.memory_space<vmem>>) semaphore(%arg26 : memref<!tpu.dma_semaphore, #tpu.memory_space<semaphore_mem>>)
      } else {
      }
      %add3A_515 = arith.constant 1 : i32
      %add3A_516 = arith.addi %mul3A_143, %add3A_515 : i32
      %mul3A_517 = arith.constant 16 : i32
      %mul3A_518 = arith.muli %add3A_516, %mul3A_517 : i32
      %mul3A_519 = arith.constant 16 : i32
      %mul3A_520 = arith.muli %add3A_516, %mul3A_519 : i32
      %dma_wait3A_521 = arith.constant 0 : i32
      %dma_wait3A_522 = arith.constant 0 : i32
      %dma_wait3A_523 = tpu.memref_slice %arg17[%dma_wait3A_521, %dma_wait3A_522] : memref<800x64xf32, #tpu.memory_space<vmem>> -> memref<80x64xf32, #tpu.memory_space<vmem>>
      %dma_wait3A_524 = arith.constant 0 : i32
      %dma_wait3A_525 = tpu.memref_slice %arg13[%dma_wait3A_524] : memref<800xi32, #tpu.memory_space<vmem>> -> memref<80xi32, #tpu.memory_space<vmem>>
      %dma_wait3A_526 = arith.constant 0 : i32
      %dma_wait3A_527 = arith.constant 0 : i32
      %dma_wait3A_528 = tpu.memref_slice %arg7[%dma_wait3A_526, %dma_wait3A_527] : memref<1000000x64xf32, #tpu.memory_space<hbm>> -> memref<1000000x64xf32, #tpu.memory_space<hbm>>
      tpu.wait_indirect_dma semaphore(%arg27 : memref<!tpu.dma_semaphore, #tpu.memory_space<semaphore_mem>>) src(%dma_wait3A_528 : memref<1000000x64xf32, #tpu.memory_space<hbm>>) dst(%dma_wait3A_523 : memref<80x64xf32, #tpu.memory_space<vmem>>)
      %dma_wait3A_529 = arith.constant 80 : i32
      %dma_wait3A_530 = arith.constant 0 : i32
      %dma_wait3A_531 = tpu.memref_slice %arg17[%dma_wait3A_529, %dma_wait3A_530] : memref<800x64xf32, #tpu.memory_space<vmem>> -> memref<80x64xf32, #tpu.memory_space<vmem>>
      %dma_wait3A_532 = arith.constant 80 : i32
      %dma_wait3A_533 = tpu.memref_slice %arg13[%dma_wait3A_532] : memref<800xi32, #tpu.memory_space<vmem>> -> memref<80xi32, #tpu.memory_space<vmem>>
      %dma_wait3A_534 = arith.constant 0 : i32
      %dma_wait3A_535 = arith.constant 0 : i32
      %dma_wait3A_536 = tpu.memref_slice %arg7[%dma_wait3A_534, %dma_wait3A_535] : memref<1000000x64xf32, #tpu.memory_space<hbm>> -> memref<1000000x64xf32, #tpu.memory_space<hbm>>
      tpu.wait_indirect_dma semaphore(%arg27 : memref<!tpu.dma_semaphore, #tpu.memory_space<semaphore_mem>>) src(%dma_wait3A_536 : memref<1000000x64xf32, #tpu.memory_space<hbm>>) dst(%dma_wait3A_531 : memref<80x64xf32, #tpu.memory_space<vmem>>)
      %dma_wait3A_537 = arith.constant 160 : i32
      %dma_wait3A_538 = arith.constant 0 : i32
      %dma_wait3A_539 = tpu.memref_slice %arg17[%dma_wait3A_537, %dma_wait3A_538] : memref<800x64xf32, #tpu.memory_space<vmem>> -> memref<80x64xf32, #tpu.memory_space<vmem>>
      %dma_wait3A_540 = arith.constant 160 : i32
      %dma_wait3A_541 = tpu.memref_slice %arg13[%dma_wait3A_540] : memref<800xi32, #tpu.memory_space<vmem>> -> memref<80xi32, #tpu.memory_space<vmem>>
      %dma_wait3A_542 = arith.constant 0 : i32
      %dma_wait3A_543 = arith.constant 0 : i32
      %dma_wait3A_544 = tpu.memref_slice %arg7[%dma_wait3A_542, %dma_wait3A_543] : memref<1000000x64xf32, #tpu.memory_space<hbm>> -> memref<1000000x64xf32, #tpu.memory_space<hbm>>
      tpu.wait_indirect_dma semaphore(%arg27 : memref<!tpu.dma_semaphore, #tpu.memory_space<semaphore_mem>>) src(%dma_wait3A_544 : memref<1000000x64xf32, #tpu.memory_space<hbm>>) dst(%dma_wait3A_539 : memref<80x64xf32, #tpu.memory_space<vmem>>)
      %dma_wait3A_545 = arith.constant 240 : i32
      %dma_wait3A_546 = arith.constant 0 : i32
      %dma_wait3A_547 = tpu.memref_slice %arg17[%dma_wait3A_545, %dma_wait3A_546] : memref<800x64xf32, #tpu.memory_space<vmem>> -> memref<80x64xf32, #tpu.memory_space<vmem>>
      %dma_wait3A_548 = arith.constant 240 : i32
      %dma_wait3A_549 = tpu.memref_slice %arg13[%dma_wait3A_548] : memref<800xi32, #tpu.memory_space<vmem>> -> memref<80xi32, #tpu.memory_space<vmem>>
      %dma_wait3A_550 = arith.constant 0 : i32
      %dma_wait3A_551 = arith.constant 0 : i32
      %dma_wait3A_552 = tpu.memref_slice %arg7[%dma_wait3A_550, %dma_wait3A_551] : memref<1000000x64xf32, #tpu.memory_space<hbm>> -> memref<1000000x64xf32, #tpu.memory_space<hbm>>
      tpu.wait_indirect_dma semaphore(%arg27 : memref<!tpu.dma_semaphore, #tpu.memory_space<semaphore_mem>>) src(%dma_wait3A_552 : memref<1000000x64xf32, #tpu.memory_space<hbm>>) dst(%dma_wait3A_547 : memref<80x64xf32, #tpu.memory_space<vmem>>)
      %dma_wait3A_553 = arith.constant 320 : i32
      %dma_wait3A_554 = arith.constant 0 : i32
      %dma_wait3A_555 = tpu.memref_slice %arg17[%dma_wait3A_553, %dma_wait3A_554] : memref<800x64xf32, #tpu.memory_space<vmem>> -> memref<80x64xf32, #tpu.memory_space<vmem>>
      %dma_wait3A_556 = arith.constant 320 : i32
      %dma_wait3A_557 = tpu.memref_slice %arg13[%dma_wait3A_556] : memref<800xi32, #tpu.memory_space<vmem>> -> memref<80xi32, #tpu.memory_space<vmem>>
      %dma_wait3A_558 = arith.constant 0 : i32
      %dma_wait3A_559 = arith.constant 0 : i32
      %dma_wait3A_560 = tpu.memref_slice %arg7[%dma_wait3A_558, %dma_wait3A_559] : memref<1000000x64xf32, #tpu.memory_space<hbm>> -> memref<1000000x64xf32, #tpu.memory_space<hbm>>
      tpu.wait_indirect_dma semaphore(%arg27 : memref<!tpu.dma_semaphore, #tpu.memory_space<semaphore_mem>>) src(%dma_wait3A_560 : memref<1000000x64xf32, #tpu.memory_space<hbm>>) dst(%dma_wait3A_555 : memref<80x64xf32, #tpu.memory_space<vmem>>)
      %dma_wait3A_561 = arith.constant 400 : i32
      %dma_wait3A_562 = arith.constant 0 : i32
      %dma_wait3A_563 = tpu.memref_slice %arg17[%dma_wait3A_561, %dma_wait3A_562] : memref<800x64xf32, #tpu.memory_space<vmem>> -> memref<80x64xf32, #tpu.memory_space<vmem>>
      %dma_wait3A_564 = arith.constant 400 : i32
      %dma_wait3A_565 = tpu.memref_slice %arg13[%dma_wait3A_564] : memref<800xi32, #tpu.memory_space<vmem>> -> memref<80xi32, #tpu.memory_space<vmem>>
      %dma_wait3A_566 = arith.constant 0 : i32
      %dma_wait3A_567 = arith.constant 0 : i32
      %dma_wait3A_568 = tpu.memref_slice %arg7[%dma_wait3A_566, %dma_wait3A_567] : memref<1000000x64xf32, #tpu.memory_space<hbm>> -> memref<1000000x64xf32, #tpu.memory_space<hbm>>
      tpu.wait_indirect_dma semaphore(%arg27 : memref<!tpu.dma_semaphore, #tpu.memory_space<semaphore_mem>>) src(%dma_wait3A_568 : memref<1000000x64xf32, #tpu.memory_space<hbm>>) dst(%dma_wait3A_563 : memref<80x64xf32, #tpu.memory_space<vmem>>)
      %dma_wait3A_569 = arith.constant 480 : i32
      %dma_wait3A_570 = arith.constant 0 : i32
      %dma_wait3A_571 = tpu.memref_slice %arg17[%dma_wait3A_569, %dma_wait3A_570] : memref<800x64xf32, #tpu.memory_space<vmem>> -> memref<80x64xf32, #tpu.memory_space<vmem>>
      %dma_wait3A_572 = arith.constant 480 : i32
      %dma_wait3A_573 = tpu.memref_slice %arg13[%dma_wait3A_572] : memref<800xi32, #tpu.memory_space<vmem>> -> memref<80xi32, #tpu.memory_space<vmem>>
      %dma_wait3A_574 = arith.constant 0 : i32
      %dma_wait3A_575 = arith.constant 0 : i32
      %dma_wait3A_576 = tpu.memref_slice %arg7[%dma_wait3A_574, %dma_wait3A_575] : memref<1000000x64xf32, #tpu.memory_space<hbm>> -> memref<1000000x64xf32, #tpu.memory_space<hbm>>
      tpu.wait_indirect_dma semaphore(%arg27 : memref<!tpu.dma_semaphore, #tpu.memory_space<semaphore_mem>>) src(%dma_wait3A_576 : memref<1000000x64xf32, #tpu.memory_space<hbm>>) dst(%dma_wait3A_571 : memref<80x64xf32, #tpu.memory_space<vmem>>)
      %dma_wait3A_577 = arith.constant 560 : i32
      %dma_wait3A_578 = arith.constant 0 : i32
      %dma_wait3A_579 = tpu.memref_slice %arg17[%dma_wait3A_577, %dma_wait3A_578] : memref<800x64xf32, #tpu.memory_space<vmem>> -> memref<80x64xf32, #tpu.memory_space<vmem>>
      %dma_wait3A_580 = arith.constant 560 : i32
      %dma_wait3A_581 = tpu.memref_slice %arg13[%dma_wait3A_580] : memref<800xi32, #tpu.memory_space<vmem>> -> memref<80xi32, #tpu.memory_space<vmem>>
      %dma_wait3A_582 = arith.constant 0 : i32
      %dma_wait3A_583 = arith.constant 0 : i32
      %dma_wait3A_584 = tpu.memref_slice %arg7[%dma_wait3A_582, %dma_wait3A_583] : memref<1000000x64xf32, #tpu.memory_space<hbm>> -> memref<1000000x64xf32, #tpu.memory_space<hbm>>
      tpu.wait_indirect_dma semaphore(%arg27 : memref<!tpu.dma_semaphore, #tpu.memory_space<semaphore_mem>>) src(%dma_wait3A_584 : memref<1000000x64xf32, #tpu.memory_space<hbm>>) dst(%dma_wait3A_579 : memref<80x64xf32, #tpu.memory_space<vmem>>)
      %dma_wait3A_585 = arith.constant 640 : i32
      %dma_wait3A_586 = arith.constant 0 : i32
      %dma_wait3A_587 = tpu.memref_slice %arg17[%dma_wait3A_585, %dma_wait3A_586] : memref<800x64xf32, #tpu.memory_space<vmem>> -> memref<80x64xf32, #tpu.memory_space<vmem>>
      %dma_wait3A_588 = arith.constant 640 : i32
      %dma_wait3A_589 = tpu.memref_slice %arg13[%dma_wait3A_588] : memref<800xi32, #tpu.memory_space<vmem>> -> memref<80xi32, #tpu.memory_space<vmem>>
      %dma_wait3A_590 = arith.constant 0 : i32
      %dma_wait3A_591 = arith.constant 0 : i32
      %dma_wait3A_592 = tpu.memref_slice %arg7[%dma_wait3A_590, %dma_wait3A_591] : memref<1000000x64xf32, #tpu.memory_space<hbm>> -> memref<1000000x64xf32, #tpu.memory_space<hbm>>
      tpu.wait_indirect_dma semaphore(%arg27 : memref<!tpu.dma_semaphore, #tpu.memory_space<semaphore_mem>>) src(%dma_wait3A_592 : memref<1000000x64xf32, #tpu.memory_space<hbm>>) dst(%dma_wait3A_587 : memref<80x64xf32, #tpu.memory_space<vmem>>)
      %dma_wait3A_593 = arith.constant 720 : i32
      %dma_wait3A_594 = arith.constant 0 : i32
      %dma_wait3A_595 = tpu.memref_slice %arg17[%dma_wait3A_593, %dma_wait3A_594] : memref<800x64xf32, #tpu.memory_space<vmem>> -> memref<80x64xf32, #tpu.memory_space<vmem>>
      %dma_wait3A_596 = arith.constant 720 : i32
      %dma_wait3A_597 = tpu.memref_slice %arg13[%dma_wait3A_596] : memref<800xi32, #tpu.memory_space<vmem>> -> memref<80xi32, #tpu.memory_space<vmem>>
      %dma_wait3A_598 = arith.constant 0 : i32
      %dma_wait3A_599 = arith.constant 0 : i32
      %dma_wait3A_600 = tpu.memref_slice %arg7[%dma_wait3A_598, %dma_wait3A_599] : memref<1000000x64xf32, #tpu.memory_space<hbm>> -> memref<1000000x64xf32, #tpu.memory_space<hbm>>
      tpu.wait_indirect_dma semaphore(%arg27 : memref<!tpu.dma_semaphore, #tpu.memory_space<semaphore_mem>>) src(%dma_wait3A_600 : memref<1000000x64xf32, #tpu.memory_space<hbm>>) dst(%dma_wait3A_595 : memref<80x64xf32, #tpu.memory_space<vmem>>)
      %dma_wait3A_601 = tpu.memref_slice %arg10[%mul3A_518] : memref<512xi32, #tpu.memory_space<vmem>> -> memref<16xi32, #tpu.memory_space<vmem>>
      %dma_wait3A_602 = arith.constant 0 : i32
      %dma_wait3A_603 = arith.constant 0 : i32
      %dma_wait3A_604 = tpu.memref_slice %arg6[%dma_wait3A_602, %dma_wait3A_603] : memref<100000x64xf32, #tpu.memory_space<hbm>> -> memref<100000x64xf32, #tpu.memory_space<hbm>>
      tpu.wait_indirect_dma semaphore(%arg27 : memref<!tpu.dma_semaphore, #tpu.memory_space<semaphore_mem>>) src(%dma_wait3A_604 : memref<100000x64xf32, #tpu.memory_space<hbm>>) dst(%arg19 : memref<16x64xf32, #tpu.memory_space<vmem>>)
      %dma_wait3A_605 = tpu.memref_slice %arg11[%mul3A_520] : memref<512xi32, #tpu.memory_space<vmem>> -> memref<16xi32, #tpu.memory_space<vmem>>
      %dma_wait3A_606 = arith.constant 0 : i32
      %dma_wait3A_607 = arith.constant 0 : i32
      %dma_wait3A_608 = tpu.memref_slice %arg8[%dma_wait3A_606, %dma_wait3A_607] : memref<1000000x64xf32, #tpu.memory_space<hbm>> -> memref<1000000x64xf32, #tpu.memory_space<hbm>>
      tpu.wait_indirect_dma semaphore(%arg27 : memref<!tpu.dma_semaphore, #tpu.memory_space<semaphore_mem>>) src(%dma_wait3A_608 : memref<1000000x64xf32, #tpu.memory_space<hbm>>) dst(%arg21 : memref<16x64xf32, #tpu.memory_space<vmem>>)
      %dma_wait3A_609 = arith.constant 0 : i32
      %dma_wait3A_610 = arith.constant 0 : i32
      %dma_wait3A_611 = tpu.memref_slice %arg8[%dma_wait3A_609, %dma_wait3A_610] : memref<1000000x64xf32, #tpu.memory_space<hbm>> -> memref<1000000x64xf32, #tpu.memory_space<hbm>>
      tpu.wait_indirect_dma semaphore(%arg27 : memref<!tpu.dma_semaphore, #tpu.memory_space<semaphore_mem>>) src(%dma_wait3A_611 : memref<1000000x64xf32, #tpu.memory_space<hbm>>) dst(%arg23 : memref<80x64xf32, #tpu.memory_space<vmem>>)
      %add3A_612 = arith.constant 1 : i32
      %add3A_613 = arith.addi %mul3A_143, %add3A_612 : i32
      %swap3A_614 = arith.constant 0 : index
      %swap3A_615 = tpu.vector_load %arg24[%swap3A_614] {strides = array<i32>} : memref<1024xf32, #tpu.memory_space<vmem>>, vector<16xf32>,
      tpu.vector_store %arg24[%swap3A_614], %broadcast_in_dim3A_11 {strides = array<i32>} : memref<1024xf32, #tpu.memory_space<vmem>>, vector<16xf32>,
      %swap3A_616 = arith.constant 16 : index
      %swap3A_617 = tpu.vector_load %arg24[%swap3A_616] {strides = array<i32>} : memref<1024xf32, #tpu.memory_space<vmem>>, vector<16xf32>,
      tpu.vector_store %arg24[%swap3A_616], %broadcast_in_dim3A_11 {strides = array<i32>} : memref<1024xf32, #tpu.memory_space<vmem>>, vector<16xf32>,
      %swap3A_618 = arith.constant 32 : index
      %swap3A_619 = tpu.vector_load %arg24[%swap3A_618] {strides = array<i32>} : memref<1024xf32, #tpu.memory_space<vmem>>, vector<16xf32>,
      tpu.vector_store %arg24[%swap3A_618], %broadcast_in_dim3A_11 {strides = array<i32>} : memref<1024xf32, #tpu.memory_space<vmem>>, vector<16xf32>,
      %swap3A_620 = arith.constant 48 : index
      %swap3A_621 = tpu.vector_load %arg24[%swap3A_620] {strides = array<i32>} : memref<1024xf32, #tpu.memory_space<vmem>>, vector<16xf32>,
      tpu.vector_store %arg24[%swap3A_620], %broadcast_in_dim3A_11 {strides = array<i32>} : memref<1024xf32, #tpu.memory_space<vmem>>, vector<16xf32>,
      %swap3A_622 = arith.constant 64 : index
      %swap3A_623 = tpu.vector_load %arg24[%swap3A_622] {strides = array<i32>} : memref<1024xf32, #tpu.memory_space<vmem>>, vector<16xf32>,
      tpu.vector_store %arg24[%swap3A_622], %broadcast_in_dim3A_11 {strides = array<i32>} : memref<1024xf32, #tpu.memory_space<vmem>>, vector<16xf32>,
      %swap3A_624 = arith.constant 80 : index
      %swap3A_625 = tpu.vector_load %arg24[%swap3A_624] {strides = array<i32>} : memref<1024xf32, #tpu.memory_space<vmem>>, vector<16xf32>,
      tpu.vector_store %arg24[%swap3A_624], %broadcast_in_dim3A_11 {strides = array<i32>} : memref<1024xf32, #tpu.memory_space<vmem>>, vector<16xf32>,
      %swap3A_626 = arith.constant 96 : index
      %swap3A_627 = tpu.vector_load %arg24[%swap3A_626] {strides = array<i32>} : memref<1024xf32, #tpu.memory_space<vmem>>, vector<16xf32>,
      tpu.vector_store %arg24[%swap3A_626], %broadcast_in_dim3A_11 {strides = array<i32>} : memref<1024xf32, #tpu.memory_space<vmem>>, vector<16xf32>,
      %swap3A_628 = arith.constant 112 : index
      %swap3A_629 = tpu.vector_load %arg24[%swap3A_628] {strides = array<i32>} : memref<1024xf32, #tpu.memory_space<vmem>>, vector<16xf32>,
      tpu.vector_store %arg24[%swap3A_628], %broadcast_in_dim3A_11 {strides = array<i32>} : memref<1024xf32, #tpu.memory_space<vmem>>, vector<16xf32>,
      %swap3A_630 = arith.constant 128 : index
      %swap3A_631 = tpu.vector_load %arg24[%swap3A_630] {strides = array<i32>} : memref<1024xf32, #tpu.memory_space<vmem>>, vector<16xf32>,
      tpu.vector_store %arg24[%swap3A_630], %broadcast_in_dim3A_11 {strides = array<i32>} : memref<1024xf32, #tpu.memory_space<vmem>>, vector<16xf32>,
      %swap3A_632 = arith.constant 144 : index
      %swap3A_633 = tpu.vector_load %arg24[%swap3A_632] {strides = array<i32>} : memref<1024xf32, #tpu.memory_space<vmem>>, vector<16xf32>,
      tpu.vector_store %arg24[%swap3A_632], %broadcast_in_dim3A_11 {strides = array<i32>} : memref<1024xf32, #tpu.memory_space<vmem>>, vector<16xf32>,
      %swap3A_634 = arith.constant 160 : index
      %swap3A_635 = tpu.vector_load %arg24[%swap3A_634] {strides = array<i32>} : memref<1024xf32, #tpu.memory_space<vmem>>, vector<16xf32>,
      tpu.vector_store %arg24[%swap3A_634], %broadcast_in_dim3A_11 {strides = array<i32>} : memref<1024xf32, #tpu.memory_space<vmem>>, vector<16xf32>,
      %swap3A_636 = arith.constant 176 : index
      %swap3A_637 = tpu.vector_load %arg24[%swap3A_636] {strides = array<i32>} : memref<1024xf32, #tpu.memory_space<vmem>>, vector<16xf32>,
      tpu.vector_store %arg24[%swap3A_636], %broadcast_in_dim3A_11 {strides = array<i32>} : memref<1024xf32, #tpu.memory_space<vmem>>, vector<16xf32>,
      %swap3A_638 = arith.constant 192 : index
      %swap3A_639 = tpu.vector_load %arg24[%swap3A_638] {strides = array<i32>} : memref<1024xf32, #tpu.memory_space<vmem>>, vector<16xf32>,
      tpu.vector_store %arg24[%swap3A_638], %broadcast_in_dim3A_11 {strides = array<i32>} : memref<1024xf32, #tpu.memory_space<vmem>>, vector<16xf32>,
      %swap3A_640 = arith.constant 208 : index
      %swap3A_641 = tpu.vector_load %arg24[%swap3A_640] {strides = array<i32>} : memref<1024xf32, #tpu.memory_space<vmem>>, vector<16xf32>,
      tpu.vector_store %arg24[%swap3A_640], %broadcast_in_dim3A_11 {strides = array<i32>} : memref<1024xf32, #tpu.memory_space<vmem>>, vector<16xf32>,
      %swap3A_642 = arith.constant 224 : index
      %swap3A_643 = tpu.vector_load %arg24[%swap3A_642] {strides = array<i32>} : memref<1024xf32, #tpu.memory_space<vmem>>, vector<16xf32>,
      tpu.vector_store %arg24[%swap3A_642], %broadcast_in_dim3A_11 {strides = array<i32>} : memref<1024xf32, #tpu.memory_space<vmem>>, vector<16xf32>,
      %swap3A_644 = arith.constant 240 : index
      %swap3A_645 = tpu.vector_load %arg24[%swap3A_644] {strides = array<i32>} : memref<1024xf32, #tpu.memory_space<vmem>>, vector<16xf32>,
      tpu.vector_store %arg24[%swap3A_644], %broadcast_in_dim3A_11 {strides = array<i32>} : memref<1024xf32, #tpu.memory_space<vmem>>, vector<16xf32>,
      %swap3A_646 = arith.constant 256 : index
      %swap3A_647 = tpu.vector_load %arg24[%swap3A_646] {strides = array<i32>} : memref<1024xf32, #tpu.memory_space<vmem>>, vector<16xf32>,
      tpu.vector_store %arg24[%swap3A_646], %broadcast_in_dim3A_11 {strides = array<i32>} : memref<1024xf32, #tpu.memory_space<vmem>>, vector<16xf32>,
      %swap3A_648 = arith.constant 272 : index
      %swap3A_649 = tpu.vector_load %arg24[%swap3A_648] {strides = array<i32>} : memref<1024xf32, #tpu.memory_space<vmem>>, vector<16xf32>,
      tpu.vector_store %arg24[%swap3A_648], %broadcast_in_dim3A_11 {strides = array<i32>} : memref<1024xf32, #tpu.memory_space<vmem>>, vector<16xf32>,
      %swap3A_650 = arith.constant 288 : index
      %swap3A_651 = tpu.vector_load %arg24[%swap3A_650] {strides = array<i32>} : memref<1024xf32, #tpu.memory_space<vmem>>, vector<16xf32>,
      tpu.vector_store %arg24[%swap3A_650], %broadcast_in_dim3A_11 {strides = array<i32>} : memref<1024xf32, #tpu.memory_space<vmem>>, vector<16xf32>,
      %swap3A_652 = arith.constant 304 : index
      %swap3A_653 = tpu.vector_load %arg24[%swap3A_652] {strides = array<i32>} : memref<1024xf32, #tpu.memory_space<vmem>>, vector<16xf32>,
      tpu.vector_store %arg24[%swap3A_652], %broadcast_in_dim3A_11 {strides = array<i32>} : memref<1024xf32, #tpu.memory_space<vmem>>, vector<16xf32>,
      %swap3A_654 = arith.constant 320 : index
      %swap3A_655 = tpu.vector_load %arg24[%swap3A_654] {strides = array<i32>} : memref<1024xf32, #tpu.memory_space<vmem>>, vector<16xf32>,
      tpu.vector_store %arg24[%swap3A_654], %broadcast_in_dim3A_11 {strides = array<i32>} : memref<1024xf32, #tpu.memory_space<vmem>>, vector<16xf32>,
      %swap3A_656 = arith.constant 336 : index
      %swap3A_657 = tpu.vector_load %arg24[%swap3A_656] {strides = array<i32>} : memref<1024xf32, #tpu.memory_space<vmem>>, vector<16xf32>,
      tpu.vector_store %arg24[%swap3A_656], %broadcast_in_dim3A_11 {strides = array<i32>} : memref<1024xf32, #tpu.memory_space<vmem>>, vector<16xf32>,
      %swap3A_658 = arith.constant 352 : index
      %swap3A_659 = tpu.vector_load %arg24[%swap3A_658] {strides = array<i32>} : memref<1024xf32, #tpu.memory_space<vmem>>, vector<16xf32>,
      tpu.vector_store %arg24[%swap3A_658], %broadcast_in_dim3A_11 {strides = array<i32>} : memref<1024xf32, #tpu.memory_space<vmem>>, vector<16xf32>,
      %swap3A_660 = arith.constant 368 : index
      %swap3A_661 = tpu.vector_load %arg24[%swap3A_660] {strides = array<i32>} : memref<1024xf32, #tpu.memory_space<vmem>>, vector<16xf32>,
      tpu.vector_store %arg24[%swap3A_660], %broadcast_in_dim3A_11 {strides = array<i32>} : memref<1024xf32, #tpu.memory_space<vmem>>, vector<16xf32>,
      %swap3A_662 = arith.constant 384 : index
      %swap3A_663 = tpu.vector_load %arg24[%swap3A_662] {strides = array<i32>} : memref<1024xf32, #tpu.memory_space<vmem>>, vector<16xf32>,
      tpu.vector_store %arg24[%swap3A_662], %broadcast_in_dim3A_11 {strides = array<i32>} : memref<1024xf32, #tpu.memory_space<vmem>>, vector<16xf32>,
      %swap3A_664 = arith.constant 400 : index
      %swap3A_665 = tpu.vector_load %arg24[%swap3A_664] {strides = array<i32>} : memref<1024xf32, #tpu.memory_space<vmem>>, vector<16xf32>,
      tpu.vector_store %arg24[%swap3A_664], %broadcast_in_dim3A_11 {strides = array<i32>} : memref<1024xf32, #tpu.memory_space<vmem>>, vector<16xf32>,
      %swap3A_666 = arith.constant 416 : index
      %swap3A_667 = tpu.vector_load %arg24[%swap3A_666] {strides = array<i32>} : memref<1024xf32, #tpu.memory_space<vmem>>, vector<16xf32>,
      tpu.vector_store %arg24[%swap3A_666], %broadcast_in_dim3A_11 {strides = array<i32>} : memref<1024xf32, #tpu.memory_space<vmem>>, vector<16xf32>,
      %swap3A_668 = arith.constant 432 : index
      %swap3A_669 = tpu.vector_load %arg24[%swap3A_668] {strides = array<i32>} : memref<1024xf32, #tpu.memory_space<vmem>>, vector<16xf32>,
      tpu.vector_store %arg24[%swap3A_668], %broadcast_in_dim3A_11 {strides = array<i32>} : memref<1024xf32, #tpu.memory_space<vmem>>, vector<16xf32>,
      %swap3A_670 = arith.constant 448 : index
      %swap3A_671 = tpu.vector_load %arg24[%swap3A_670] {strides = array<i32>} : memref<1024xf32, #tpu.memory_space<vmem>>, vector<16xf32>,
      tpu.vector_store %arg24[%swap3A_670], %broadcast_in_dim3A_11 {strides = array<i32>} : memref<1024xf32, #tpu.memory_space<vmem>>, vector<16xf32>,
      %swap3A_672 = arith.constant 464 : index
      %swap3A_673 = tpu.vector_load %arg24[%swap3A_672] {strides = array<i32>} : memref<1024xf32, #tpu.memory_space<vmem>>, vector<16xf32>,
      tpu.vector_store %arg24[%swap3A_672], %broadcast_in_dim3A_11 {strides = array<i32>} : memref<1024xf32, #tpu.memory_space<vmem>>, vector<16xf32>,
      %swap3A_674 = arith.constant 480 : index
      %swap3A_675 = tpu.vector_load %arg24[%swap3A_674] {strides = array<i32>} : memref<1024xf32, #tpu.memory_space<vmem>>, vector<16xf32>,
      tpu.vector_store %arg24[%swap3A_674], %broadcast_in_dim3A_11 {strides = array<i32>} : memref<1024xf32, #tpu.memory_space<vmem>>, vector<16xf32>,
      %swap3A_676 = arith.constant 496 : index
      %swap3A_677 = tpu.vector_load %arg24[%swap3A_676] {strides = array<i32>} : memref<1024xf32, #tpu.memory_space<vmem>>, vector<16xf32>,
      tpu.vector_store %arg24[%swap3A_676], %broadcast_in_dim3A_11 {strides = array<i32>} : memref<1024xf32, #tpu.memory_space<vmem>>, vector<16xf32>,
      %swap3A_678 = arith.constant 512 : index
      %swap3A_679 = tpu.vector_load %arg24[%swap3A_678] {strides = array<i32>} : memref<1024xf32, #tpu.memory_space<vmem>>, vector<16xf32>,
      tpu.vector_store %arg24[%swap3A_678], %broadcast_in_dim3A_11 {strides = array<i32>} : memref<1024xf32, #tpu.memory_space<vmem>>, vector<16xf32>,
      %swap3A_680 = arith.constant 528 : index
      %swap3A_681 = tpu.vector_load %arg24[%swap3A_680] {strides = array<i32>} : memref<1024xf32, #tpu.memory_space<vmem>>, vector<16xf32>,
      tpu.vector_store %arg24[%swap3A_680], %broadcast_in_dim3A_11 {strides = array<i32>} : memref<1024xf32, #tpu.memory_space<vmem>>, vector<16xf32>,
      %swap3A_682 = arith.constant 544 : index
      %swap3A_683 = tpu.vector_load %arg24[%swap3A_682] {strides = array<i32>} : memref<1024xf32, #tpu.memory_space<vmem>>, vector<16xf32>,
      tpu.vector_store %arg24[%swap3A_682], %broadcast_in_dim3A_11 {strides = array<i32>} : memref<1024xf32, #tpu.memory_space<vmem>>, vector<16xf32>,
      %swap3A_684 = arith.constant 560 : index
      %swap3A_685 = tpu.vector_load %arg24[%swap3A_684] {strides = array<i32>} : memref<1024xf32, #tpu.memory_space<vmem>>, vector<16xf32>,
      tpu.vector_store %arg24[%swap3A_684], %broadcast_in_dim3A_11 {strides = array<i32>} : memref<1024xf32, #tpu.memory_space<vmem>>, vector<16xf32>,
      %swap3A_686 = arith.constant 576 : index
      %swap3A_687 = tpu.vector_load %arg24[%swap3A_686] {strides = array<i32>} : memref<1024xf32, #tpu.memory_space<vmem>>, vector<16xf32>,
      tpu.vector_store %arg24[%swap3A_686], %broadcast_in_dim3A_11 {strides = array<i32>} : memref<1024xf32, #tpu.memory_space<vmem>>, vector<16xf32>,
      %swap3A_688 = arith.constant 592 : index
      %swap3A_689 = tpu.vector_load %arg24[%swap3A_688] {strides = array<i32>} : memref<1024xf32, #tpu.memory_space<vmem>>, vector<16xf32>,
      tpu.vector_store %arg24[%swap3A_688], %broadcast_in_dim3A_11 {strides = array<i32>} : memref<1024xf32, #tpu.memory_space<vmem>>, vector<16xf32>,
      %swap3A_690 = arith.constant 608 : index
      %swap3A_691 = tpu.vector_load %arg24[%swap3A_690] {strides = array<i32>} : memref<1024xf32, #tpu.memory_space<vmem>>, vector<16xf32>,
      tpu.vector_store %arg24[%swap3A_690], %broadcast_in_dim3A_11 {strides = array<i32>} : memref<1024xf32, #tpu.memory_space<vmem>>, vector<16xf32>,
      %swap3A_692 = arith.constant 624 : index
      %swap3A_693 = tpu.vector_load %arg24[%swap3A_692] {strides = array<i32>} : memref<1024xf32, #tpu.memory_space<vmem>>, vector<16xf32>,
      tpu.vector_store %arg24[%swap3A_692], %broadcast_in_dim3A_11 {strides = array<i32>} : memref<1024xf32, #tpu.memory_space<vmem>>, vector<16xf32>,
      %swap3A_694 = arith.constant 640 : index
      %swap3A_695 = tpu.vector_load %arg24[%swap3A_694] {strides = array<i32>} : memref<1024xf32, #tpu.memory_space<vmem>>, vector<16xf32>,
      tpu.vector_store %arg24[%swap3A_694], %broadcast_in_dim3A_11 {strides = array<i32>} : memref<1024xf32, #tpu.memory_space<vmem>>, vector<16xf32>,
      %swap3A_696 = arith.constant 656 : index
      %swap3A_697 = tpu.vector_load %arg24[%swap3A_696] {strides = array<i32>} : memref<1024xf32, #tpu.memory_space<vmem>>, vector<16xf32>,
      tpu.vector_store %arg24[%swap3A_696], %broadcast_in_dim3A_11 {strides = array<i32>} : memref<1024xf32, #tpu.memory_space<vmem>>, vector<16xf32>,
      %swap3A_698 = arith.constant 672 : index
      %swap3A_699 = tpu.vector_load %arg24[%swap3A_698] {strides = array<i32>} : memref<1024xf32, #tpu.memory_space<vmem>>, vector<16xf32>,
      tpu.vector_store %arg24[%swap3A_698], %broadcast_in_dim3A_11 {strides = array<i32>} : memref<1024xf32, #tpu.memory_space<vmem>>, vector<16xf32>,
      %swap3A_700 = arith.constant 688 : index
      %swap3A_701 = tpu.vector_load %arg24[%swap3A_700] {strides = array<i32>} : memref<1024xf32, #tpu.memory_space<vmem>>, vector<16xf32>,
      tpu.vector_store %arg24[%swap3A_700], %broadcast_in_dim3A_11 {strides = array<i32>} : memref<1024xf32, #tpu.memory_space<vmem>>, vector<16xf32>,
      %swap3A_702 = arith.constant 704 : index
      %swap3A_703 = tpu.vector_load %arg24[%swap3A_702] {strides = array<i32>} : memref<1024xf32, #tpu.memory_space<vmem>>, vector<16xf32>,
      tpu.vector_store %arg24[%swap3A_702], %broadcast_in_dim3A_11 {strides = array<i32>} : memref<1024xf32, #tpu.memory_space<vmem>>, vector<16xf32>,
      %swap3A_704 = arith.constant 720 : index
      %swap3A_705 = tpu.vector_load %arg24[%swap3A_704] {strides = array<i32>} : memref<1024xf32, #tpu.memory_space<vmem>>, vector<16xf32>,
      tpu.vector_store %arg24[%swap3A_704], %broadcast_in_dim3A_11 {strides = array<i32>} : memref<1024xf32, #tpu.memory_space<vmem>>, vector<16xf32>,
      %swap3A_706 = arith.constant 736 : index
      %swap3A_707 = tpu.vector_load %arg24[%swap3A_706] {strides = array<i32>} : memref<1024xf32, #tpu.memory_space<vmem>>, vector<16xf32>,
      tpu.vector_store %arg24[%swap3A_706], %broadcast_in_dim3A_11 {strides = array<i32>} : memref<1024xf32, #tpu.memory_space<vmem>>, vector<16xf32>,
      %swap3A_708 = arith.constant 752 : index
      %swap3A_709 = tpu.vector_load %arg24[%swap3A_708] {strides = array<i32>} : memref<1024xf32, #tpu.memory_space<vmem>>, vector<16xf32>,
      tpu.vector_store %arg24[%swap3A_708], %broadcast_in_dim3A_11 {strides = array<i32>} : memref<1024xf32, #tpu.memory_space<vmem>>, vector<16xf32>,
      %swap3A_710 = arith.constant 768 : index
      %swap3A_711 = tpu.vector_load %arg24[%swap3A_710] {strides = array<i32>} : memref<1024xf32, #tpu.memory_space<vmem>>, vector<16xf32>,
      tpu.vector_store %arg24[%swap3A_710], %broadcast_in_dim3A_11 {strides = array<i32>} : memref<1024xf32, #tpu.memory_space<vmem>>, vector<16xf32>,
      %swap3A_712 = arith.constant 784 : index
      %swap3A_713 = tpu.vector_load %arg24[%swap3A_712] {strides = array<i32>} : memref<1024xf32, #tpu.memory_space<vmem>>, vector<16xf32>,
      tpu.vector_store %arg24[%swap3A_712], %broadcast_in_dim3A_11 {strides = array<i32>} : memref<1024xf32, #tpu.memory_space<vmem>>, vector<16xf32>,
      %swap3A_714 = arith.constant 800 : index
      %swap3A_715 = tpu.vector_load %arg24[%swap3A_714] {strides = array<i32>} : memref<1024xf32, #tpu.memory_space<vmem>>, vector<16xf32>,
      tpu.vector_store %arg24[%swap3A_714], %broadcast_in_dim3A_11 {strides = array<i32>} : memref<1024xf32, #tpu.memory_space<vmem>>, vector<16xf32>,
      %swap3A_716 = arith.constant 816 : index
      %swap3A_717 = tpu.vector_load %arg24[%swap3A_716] {strides = array<i32>} : memref<1024xf32, #tpu.memory_space<vmem>>, vector<16xf32>,
      tpu.vector_store %arg24[%swap3A_716], %broadcast_in_dim3A_11 {strides = array<i32>} : memref<1024xf32, #tpu.memory_space<vmem>>, vector<16xf32>,
      %swap3A_718 = arith.constant 832 : index
      %swap3A_719 = tpu.vector_load %arg24[%swap3A_718] {strides = array<i32>} : memref<1024xf32, #tpu.memory_space<vmem>>, vector<16xf32>,
      tpu.vector_store %arg24[%swap3A_718], %broadcast_in_dim3A_11 {strides = array<i32>} : memref<1024xf32, #tpu.memory_space<vmem>>, vector<16xf32>,
      %swap3A_720 = arith.constant 848 : index
      %swap3A_721 = tpu.vector_load %arg24[%swap3A_720] {strides = array<i32>} : memref<1024xf32, #tpu.memory_space<vmem>>, vector<16xf32>,
      tpu.vector_store %arg24[%swap3A_720], %broadcast_in_dim3A_11 {strides = array<i32>} : memref<1024xf32, #tpu.memory_space<vmem>>, vector<16xf32>,
      %swap3A_722 = arith.constant 864 : index
      %swap3A_723 = tpu.vector_load %arg24[%swap3A_722] {strides = array<i32>} : memref<1024xf32, #tpu.memory_space<vmem>>, vector<16xf32>,
      tpu.vector_store %arg24[%swap3A_722], %broadcast_in_dim3A_11 {strides = array<i32>} : memref<1024xf32, #tpu.memory_space<vmem>>, vector<16xf32>,
      %swap3A_724 = arith.constant 880 : index
      %swap3A_725 = tpu.vector_load %arg24[%swap3A_724] {strides = array<i32>} : memref<1024xf32, #tpu.memory_space<vmem>>, vector<16xf32>,
      tpu.vector_store %arg24[%swap3A_724], %broadcast_in_dim3A_11 {strides = array<i32>} : memref<1024xf32, #tpu.memory_space<vmem>>, vector<16xf32>,
      %swap3A_726 = arith.constant 896 : index
      %swap3A_727 = tpu.vector_load %arg24[%swap3A_726] {strides = array<i32>} : memref<1024xf32, #tpu.memory_space<vmem>>, vector<16xf32>,
      tpu.vector_store %arg24[%swap3A_726], %broadcast_in_dim3A_11 {strides = array<i32>} : memref<1024xf32, #tpu.memory_space<vmem>>, vector<16xf32>,
      %swap3A_728 = arith.constant 912 : index
      %swap3A_729 = tpu.vector_load %arg24[%swap3A_728] {strides = array<i32>} : memref<1024xf32, #tpu.memory_space<vmem>>, vector<16xf32>,
      tpu.vector_store %arg24[%swap3A_728], %broadcast_in_dim3A_11 {strides = array<i32>} : memref<1024xf32, #tpu.memory_space<vmem>>, vector<16xf32>,
      %swap3A_730 = arith.constant 928 : index
      %swap3A_731 = tpu.vector_load %arg24[%swap3A_730] {strides = array<i32>} : memref<1024xf32, #tpu.memory_space<vmem>>, vector<16xf32>,
      tpu.vector_store %arg24[%swap3A_730], %broadcast_in_dim3A_11 {strides = array<i32>} : memref<1024xf32, #tpu.memory_space<vmem>>, vector<16xf32>,
      %swap3A_732 = arith.constant 944 : index
      %swap3A_733 = tpu.vector_load %arg24[%swap3A_732] {strides = array<i32>} : memref<1024xf32, #tpu.memory_space<vmem>>, vector<16xf32>,
      tpu.vector_store %arg24[%swap3A_732], %broadcast_in_dim3A_11 {strides = array<i32>} : memref<1024xf32, #tpu.memory_space<vmem>>, vector<16xf32>,
      %swap3A_734 = arith.constant 960 : index
      %swap3A_735 = tpu.vector_load %arg24[%swap3A_734] {strides = array<i32>} : memref<1024xf32, #tpu.memory_space<vmem>>, vector<16xf32>,
      tpu.vector_store %arg24[%swap3A_734], %broadcast_in_dim3A_11 {strides = array<i32>} : memref<1024xf32, #tpu.memory_space<vmem>>, vector<16xf32>,
      %swap3A_736 = arith.constant 976 : index
      %swap3A_737 = tpu.vector_load %arg24[%swap3A_736] {strides = array<i32>} : memref<1024xf32, #tpu.memory_space<vmem>>, vector<16xf32>,
      tpu.vector_store %arg24[%swap3A_736], %broadcast_in_dim3A_11 {strides = array<i32>} : memref<1024xf32, #tpu.memory_space<vmem>>, vector<16xf32>,
      %swap3A_738 = arith.constant 992 : index
      %swap3A_739 = tpu.vector_load %arg24[%swap3A_738] {strides = array<i32>} : memref<1024xf32, #tpu.memory_space<vmem>>, vector<16xf32>,
      tpu.vector_store %arg24[%swap3A_738], %broadcast_in_dim3A_11 {strides = array<i32>} : memref<1024xf32, #tpu.memory_space<vmem>>, vector<16xf32>,
      %swap3A_740 = arith.constant 1008 : index
      %swap3A_741 = tpu.vector_load %arg24[%swap3A_740] {strides = array<i32>} : memref<1024xf32, #tpu.memory_space<vmem>>, vector<16xf32>,
      tpu.vector_store %arg24[%swap3A_740], %broadcast_in_dim3A_11 {strides = array<i32>} : memref<1024xf32, #tpu.memory_space<vmem>>, vector<16xf32>,
      %scan3A_742 = arith.constant 0 : i32
      %scan3A_743 = arith.constant 10 : i32
      %scan3A_744 = arith.addi %scan3A_742, %scan3A_743 : i32
      %scan3A_745 = arith.constant 1 : i32
      %scan3A_746 = scf.for %scan3A_782 = %scan3A_742 to %scan3A_744 step %scan3A_745 iter_args(%scan3A_783 = %broadcast_in_dim3A_11) -> (vector<16xf32>)  : i32 {
        %mul3A_784 = arith.constant 5 : i32
        %mul3A_785 = arith.muli %scan3A_782, %mul3A_784 : i32
        %add3A_786 = vector.broadcast %mul3A_785 : i32 to vector<16xi32>
        %add3A_787 = arith.addi %mul3A_3, %add3A_786 : vector<16xi32>
        %add3A_788 = arith.constant 0 : i32
        %add3A_789 = vector.broadcast %add3A_788 : i32 to vector<16xi32>
        %add3A_790 = arith.addi %add3A_787, %add3A_789 : vector<16xi32>
        %mul3A_791 = arith.constant 5 : i32
        %mul3A_792 = arith.muli %scan3A_782, %mul3A_791 : i32
        %add3A_793 = vector.broadcast %mul3A_792 : i32 to vector<16xi32>
        %add3A_794 = arith.addi %mul3A_3, %add3A_793 : vector<16xi32>
        %add3A_795 = arith.constant 1 : i32
        %add3A_796 = vector.broadcast %add3A_795 : i32 to vector<16xi32>
        %add3A_797 = arith.addi %add3A_794, %add3A_796 : vector<16xi32>
        %mul3A_798 = arith.constant 5 : i32
        %mul3A_799 = arith.muli %scan3A_782, %mul3A_798 : i32
        %add3A_800 = vector.broadcast %mul3A_799 : i32 to vector<16xi32>
        %add3A_801 = arith.addi %mul3A_3, %add3A_800 : vector<16xi32>
        %add3A_802 = arith.constant 2 : i32
        %add3A_803 = vector.broadcast %add3A_802 : i32 to vector<16xi32>
        %add3A_804 = arith.addi %add3A_801, %add3A_803 : vector<16xi32>
        %mul3A_805 = arith.constant 5 : i32
        %mul3A_806 = arith.muli %scan3A_782, %mul3A_805 : i32
        %add3A_807 = vector.broadcast %mul3A_806 : i32 to vector<16xi32>
        %add3A_808 = arith.addi %mul3A_3, %add3A_807 : vector<16xi32>
        %add3A_809 = arith.constant 3 : i32
        %add3A_810 = vector.broadcast %add3A_809 : i32 to vector<16xi32>
        %add3A_811 = arith.addi %add3A_808, %add3A_810 : vector<16xi32>
        %mul3A_812 = arith.constant 5 : i32
        %mul3A_813 = arith.muli %scan3A_782, %mul3A_812 : i32
        %add3A_814 = vector.broadcast %mul3A_813 : i32 to vector<16xi32>
        %add3A_815 = arith.addi %mul3A_3, %add3A_814 : vector<16xi32>
        %add3A_816 = arith.constant 4 : i32
        %add3A_817 = vector.broadcast %add3A_816 : i32 to vector<16xi32>
        %add3A_818 = arith.addi %add3A_815, %add3A_817 : vector<16xi32>
        %scan3A_819 = arith.constant 0 : i32
        %scan3A_820 = arith.constant 16 : i32
        %scan3A_821 = arith.addi %scan3A_819, %scan3A_820 : i32
        %scan3A_822 = arith.constant 1 : i32
        %scan3A_823:5 = scf.for %scan3A_855 = %scan3A_819 to %scan3A_821 step %scan3A_822 iter_args(%scan3A_856 = %broadcast_in_dim3A_11, %scan3A_857 = %broadcast_in_dim3A_11, %scan3A_858 = %broadcast_in_dim3A_11, %scan3A_859 = %broadcast_in_dim3A_11, %scan3A_860 = %broadcast_in_dim3A_11) -> (vector<16xf32>, vector<16xf32>, vector<16xf32>, vector<16xf32>, vector<16xf32>)  : i32 {
          %mul3A_861 = arith.constant 4 : i32
          %mul3A_862 = arith.muli %scan3A_855, %mul3A_861 : i32
          %add3A_863 = vector.broadcast %mul3A_862 : i32 to vector<16xi32>
          %add3A_864 = arith.addi %iota3A, %add3A_863 : vector<16xi32>
          %add3A_865 = arith.constant 0 : i32
          %add3A_866 = vector.broadcast %add3A_865 : i32 to vector<16xi32>
          %add3A_867 = arith.addi %add3A_864, %add3A_866 : vector<16xi32>
          %and3A = arith.constant 63 : i32
          %and3A_868 = vector.broadcast %and3A : i32 to vector<16xi32>
          %and3A_869 = arith.andi %add3A_867, %and3A_868 : vector<16xi32>
          %gather3A = tpu.vector_load_idx %arg19[%iota3A, %and3A_869] : memref<16x64xf32, #tpu.memory_space<vmem>>[vector<16xi32>, vector<16xi32>], vector<16xf32>,
          %gather3A_870 = tpu.vector_load_idx %arg17[%add3A_790, %and3A_869] : memref<800x64xf32, #tpu.memory_space<vmem>>[vector<16xi32>, vector<16xi32>], vector<16xf32>,
          %mul3A_871 = arith.mulf %gather3A, %gather3A_870 : vector<16xf32>
          %add3A_872 = arith.addf %scan3A_856, %mul3A_871 : vector<16xf32>
          %gather3A_873 = tpu.vector_load_idx %arg17[%add3A_797, %and3A_869] : memref<800x64xf32, #tpu.memory_space<vmem>>[vector<16xi32>, vector<16xi32>], vector<16xf32>,
          %mul3A_874 = arith.mulf %gather3A, %gather3A_873 : vector<16xf32>
          %add3A_875 = arith.addf %scan3A_857, %mul3A_874 : vector<16xf32>
          %gather3A_876 = tpu.vector_load_idx %arg17[%add3A_804, %and3A_869] : memref<800x64xf32, #tpu.memory_space<vmem>>[vector<16xi32>, vector<16xi32>], vector<16xf32>,
          %mul3A_877 = arith.mulf %gather3A, %gather3A_876 : vector<16xf32>
          %add3A_878 = arith.addf %scan3A_858, %mul3A_877 : vector<16xf32>
          %gather3A_879 = tpu.vector_load_idx %arg17[%add3A_811, %and3A_869] : memref<800x64xf32, #tpu.memory_space<vmem>>[vector<16xi32>, vector<16xi32>], vector<16xf32>,
          %mul3A_880 = arith.mulf %gather3A, %gather3A_879 : vector<16xf32>
          %add3A_881 = arith.addf %scan3A_859, %mul3A_880 : vector<16xf32>
          %gather3A_882 = tpu.vector_load_idx %arg17[%add3A_818, %and3A_869] : memref<800x64xf32, #tpu.memory_space<vmem>>[vector<16xi32>, vector<16xi32>], vector<16xf32>,
          %mul3A_883 = arith.mulf %gather3A, %gather3A_882 : vector<16xf32>
          %add3A_884 = arith.addf %scan3A_860, %mul3A_883 : vector<16xf32>
          %add3A_885 = vector.broadcast %mul3A_862 : i32 to vector<16xi32>
          %add3A_886 = arith.addi %iota3A, %add3A_885 : vector<16xi32>
          %add3A_887 = arith.constant 1 : i32
          %add3A_888 = vector.broadcast %add3A_887 : i32 to vector<16xi32>
          %add3A_889 = arith.addi %add3A_886, %add3A_888 : vector<16xi32>
          %and3A_890 = arith.constant 63 : i32
          %and3A_891 = vector.broadcast %and3A_890 : i32 to vector<16xi32>
          %and3A_892 = arith.andi %add3A_889, %and3A_891 : vector<16xi32>
          %gather3A_893 = tpu.vector_load_idx %arg19[%iota3A, %and3A_892] : memref<16x64xf32, #tpu.memory_space<vmem>>[vector<16xi32>, vector<16xi32>], vector<16xf32>,
          %gather3A_894 = tpu.vector_load_idx %arg17[%add3A_790, %and3A_892] : memref<800x64xf32, #tpu.memory_space<vmem>>[vector<16xi32>, vector<16xi32>], vector<16xf32>,
          %mul3A_895 = arith.mulf %gather3A_893, %gather3A_894 : vector<16xf32>
          %add3A_896 = arith.addf %add3A_872, %mul3A_895 : vector<16xf32>
          %gather3A_897 = tpu.vector_load_idx %arg17[%add3A_797, %and3A_892] : memref<800x64xf32, #tpu.memory_space<vmem>>[vector<16xi32>, vector<16xi32>], vector<16xf32>,
          %mul3A_898 = arith.mulf %gather3A_893, %gather3A_897 : vector<16xf32>
          %add3A_899 = arith.addf %add3A_875, %mul3A_898 : vector<16xf32>
          %gather3A_900 = tpu.vector_load_idx %arg17[%add3A_804, %and3A_892] : memref<800x64xf32, #tpu.memory_space<vmem>>[vector<16xi32>, vector<16xi32>], vector<16xf32>,
          %mul3A_901 = arith.mulf %gather3A_893, %gather3A_900 : vector<16xf32>
          %add3A_902 = arith.addf %add3A_878, %mul3A_901 : vector<16xf32>
          %gather3A_903 = tpu.vector_load_idx %arg17[%add3A_811, %and3A_892] : memref<800x64xf32, #tpu.memory_space<vmem>>[vector<16xi32>, vector<16xi32>], vector<16xf32>,
          %mul3A_904 = arith.mulf %gather3A_893, %gather3A_903 : vector<16xf32>
          %add3A_905 = arith.addf %add3A_881, %mul3A_904 : vector<16xf32>
          %gather3A_906 = tpu.vector_load_idx %arg17[%add3A_818, %and3A_892] : memref<800x64xf32, #tpu.memory_space<vmem>>[vector<16xi32>, vector<16xi32>], vector<16xf32>,
          %mul3A_907 = arith.mulf %gather3A_893, %gather3A_906 : vector<16xf32>
          %add3A_908 = arith.addf %add3A_884, %mul3A_907 : vector<16xf32>
          %add3A_909 = vector.broadcast %mul3A_862 : i32 to vector<16xi32>
          %add3A_910 = arith.addi %iota3A, %add3A_909 : vector<16xi32>
          %add3A_911 = arith.constant 2 : i32
          %add3A_912 = vector.broadcast %add3A_911 : i32 to vector<16xi32>
          %add3A_913 = arith.addi %add3A_910, %add3A_912 : vector<16xi32>
          %and3A_914 = arith.constant 63 : i32
          %and3A_915 = vector.broadcast %and3A_914 : i32 to vector<16xi32>
          %and3A_916 = arith.andi %add3A_913, %and3A_915 : vector<16xi32>
          %gather3A_917 = tpu.vector_load_idx %arg19[%iota3A, %and3A_916] : memref<16x64xf32, #tpu.memory_space<vmem>>[vector<16xi32>, vector<16xi32>], vector<16xf32>,
          %gather3A_918 = tpu.vector_load_idx %arg17[%add3A_790, %and3A_916] : memref<800x64xf32, #tpu.memory_space<vmem>>[vector<16xi32>, vector<16xi32>], vector<16xf32>,
          %mul3A_919 = arith.mulf %gather3A_917, %gather3A_918 : vector<16xf32>
          %add3A_920 = arith.addf %add3A_896, %mul3A_919 : vector<16xf32>
          %gather3A_921 = tpu.vector_load_idx %arg17[%add3A_797, %and3A_916] : memref<800x64xf32, #tpu.memory_space<vmem>>[vector<16xi32>, vector<16xi32>], vector<16xf32>,
          %mul3A_922 = arith.mulf %gather3A_917, %gather3A_921 : vector<16xf32>
          %add3A_923 = arith.addf %add3A_899, %mul3A_922 : vector<16xf32>
          %gather3A_924 = tpu.vector_load_idx %arg17[%add3A_804, %and3A_916] : memref<800x64xf32, #tpu.memory_space<vmem>>[vector<16xi32>, vector<16xi32>], vector<16xf32>,
          %mul3A_925 = arith.mulf %gather3A_917, %gather3A_924 : vector<16xf32>
          %add3A_926 = arith.addf %add3A_902, %mul3A_925 : vector<16xf32>
          %gather3A_927 = tpu.vector_load_idx %arg17[%add3A_811, %and3A_916] : memref<800x64xf32, #tpu.memory_space<vmem>>[vector<16xi32>, vector<16xi32>], vector<16xf32>,
          %mul3A_928 = arith.mulf %gather3A_917, %gather3A_927 : vector<16xf32>
          %add3A_929 = arith.addf %add3A_905, %mul3A_928 : vector<16xf32>
          %gather3A_930 = tpu.vector_load_idx %arg17[%add3A_818, %and3A_916] : memref<800x64xf32, #tpu.memory_space<vmem>>[vector<16xi32>, vector<16xi32>], vector<16xf32>,
          %mul3A_931 = arith.mulf %gather3A_917, %gather3A_930 : vector<16xf32>
          %add3A_932 = arith.addf %add3A_908, %mul3A_931 : vector<16xf32>
          %add3A_933 = vector.broadcast %mul3A_862 : i32 to vector<16xi32>
          %add3A_934 = arith.addi %iota3A, %add3A_933 : vector<16xi32>
          %add3A_935 = arith.constant 3 : i32
          %add3A_936 = vector.broadcast %add3A_935 : i32 to vector<16xi32>
          %add3A_937 = arith.addi %add3A_934, %add3A_936 : vector<16xi32>
          %and3A_938 = arith.constant 63 : i32
          %and3A_939 = vector.broadcast %and3A_938 : i32 to vector<16xi32>
          %and3A_940 = arith.andi %add3A_937, %and3A_939 : vector<16xi32>
          %gather3A_941 = tpu.vector_load_idx %arg19[%iota3A, %and3A_940] : memref<16x64xf32, #tpu.memory_space<vmem>>[vector<16xi32>, vector<16xi32>], vector<16xf32>,
          %gather3A_942 = tpu.vector_load_idx %arg17[%add3A_790, %and3A_940] : memref<800x64xf32, #tpu.memory_space<vmem>>[vector<16xi32>, vector<16xi32>], vector<16xf32>,
          %mul3A_943 = arith.mulf %gather3A_941, %gather3A_942 : vector<16xf32>
          %add3A_944 = arith.addf %add3A_920, %mul3A_943 : vector<16xf32>
          %gather3A_945 = tpu.vector_load_idx %arg17[%add3A_797, %and3A_940] : memref<800x64xf32, #tpu.memory_space<vmem>>[vector<16xi32>, vector<16xi32>], vector<16xf32>,
          %mul3A_946 = arith.mulf %gather3A_941, %gather3A_945 : vector<16xf32>
          %add3A_947 = arith.addf %add3A_923, %mul3A_946 : vector<16xf32>
          %gather3A_948 = tpu.vector_load_idx %arg17[%add3A_804, %and3A_940] : memref<800x64xf32, #tpu.memory_space<vmem>>[vector<16xi32>, vector<16xi32>], vector<16xf32>,
          %mul3A_949 = arith.mulf %gather3A_941, %gather3A_948 : vector<16xf32>
          %add3A_950 = arith.addf %add3A_926, %mul3A_949 : vector<16xf32>
          %gather3A_951 = tpu.vector_load_idx %arg17[%add3A_811, %and3A_940] : memref<800x64xf32, #tpu.memory_space<vmem>>[vector<16xi32>, vector<16xi32>], vector<16xf32>,
          %mul3A_952 = arith.mulf %gather3A_941, %gather3A_951 : vector<16xf32>
          %add3A_953 = arith.addf %add3A_929, %mul3A_952 : vector<16xf32>
          %gather3A_954 = tpu.vector_load_idx %arg17[%add3A_818, %and3A_940] : memref<800x64xf32, #tpu.memory_space<vmem>>[vector<16xi32>, vector<16xi32>], vector<16xf32>,
          %mul3A_955 = arith.mulf %gather3A_941, %gather3A_954 : vector<16xf32>
          %add3A_956 = arith.addf %add3A_932, %mul3A_955 : vector<16xf32>
          scf.yield %add3A_944, %add3A_947, %add3A_950, %add3A_953, %add3A_956 : vector<16xf32>, vector<16xf32>, vector<16xf32>, vector<16xf32>, vector<16xf32>
        }
        %scan3A_824 = arith.constant 16 : i32
        %mul3A_825 = arith.constant 1.250000e-01 : f32
        %mul3A_826 = vector.broadcast %mul3A_825 : f32 to vector<16xf32>
        %mul3A_827 = arith.mulf %scan3A_823#0, %mul3A_826 : vector<16xf32>
        %exp3A = math.exp %mul3A_827 : vector<16xf32>
        %mul3A_828 = arith.constant 1.250000e-01 : f32
        %mul3A_829 = vector.broadcast %mul3A_828 : f32 to vector<16xf32>
        %mul3A_830 = arith.mulf %scan3A_823#1, %mul3A_829 : vector<16xf32>
        %exp3A_831 = math.exp %mul3A_830 : vector<16xf32>
        %mul3A_832 = arith.constant 1.250000e-01 : f32
        %mul3A_833 = vector.broadcast %mul3A_832 : f32 to vector<16xf32>
        %mul3A_834 = arith.mulf %scan3A_823#2, %mul3A_833 : vector<16xf32>
        %exp3A_835 = math.exp %mul3A_834 : vector<16xf32>
        %mul3A_836 = arith.constant 1.250000e-01 : f32
        %mul3A_837 = vector.broadcast %mul3A_836 : f32 to vector<16xf32>
        %mul3A_838 = arith.mulf %scan3A_823#3, %mul3A_837 : vector<16xf32>
        %exp3A_839 = math.exp %mul3A_838 : vector<16xf32>
        %mul3A_840 = arith.constant 1.250000e-01 : f32
        %mul3A_841 = vector.broadcast %mul3A_840 : f32 to vector<16xf32>
        %mul3A_842 = arith.mulf %scan3A_823#4, %mul3A_841 : vector<16xf32>
        %exp3A_843 = math.exp %mul3A_842 : vector<16xf32>
        %scan3A_844 = arith.constant 0 : i32
        %scan3A_845 = arith.constant 0 : i32
        %scan3A_846 = arith.constant 16 : i32
        %scan3A_847 = arith.addi %scan3A_845, %scan3A_846 : i32
        %scan3A_848 = arith.constant 1 : i32
        scf.for %scan3A_855 = %scan3A_845 to %scan3A_847 step %scan3A_848  : i32 {
          %mul3A_856 = arith.constant 4 : i32
          %mul3A_857 = arith.muli %scan3A_855, %mul3A_856 : i32
          %add3A_858 = vector.broadcast %mul3A_857 : i32 to vector<16xi32>
          %add3A_859 = arith.addi %iota3A, %add3A_858 : vector<16xi32>
          %add3A_860 = arith.constant 0 : i32
          %add3A_861 = vector.broadcast %add3A_860 : i32 to vector<16xi32>
          %add3A_862 = arith.addi %add3A_859, %add3A_861 : vector<16xi32>
          %and3A = arith.constant 63 : i32
          %and3A_863 = vector.broadcast %and3A : i32 to vector<16xi32>
          %and3A_864 = arith.andi %add3A_862, %and3A_863 : vector<16xi32>
          %gather3A = tpu.vector_load_idx %arg17[%add3A_790, %and3A_864] : memref<800x64xf32, #tpu.memory_space<vmem>>[vector<16xi32>, vector<16xi32>], vector<16xf32>,
          %mul3A_865 = arith.mulf %exp3A, %gather3A : vector<16xf32>
          %gather3A_866 = tpu.vector_load_idx %arg17[%add3A_797, %and3A_864] : memref<800x64xf32, #tpu.memory_space<vmem>>[vector<16xi32>, vector<16xi32>], vector<16xf32>,
          %mul3A_867 = arith.mulf %exp3A_831, %gather3A_866 : vector<16xf32>
          %add3A_868 = arith.addf %mul3A_865, %mul3A_867 : vector<16xf32>
          %gather3A_869 = tpu.vector_load_idx %arg17[%add3A_804, %and3A_864] : memref<800x64xf32, #tpu.memory_space<vmem>>[vector<16xi32>, vector<16xi32>], vector<16xf32>,
          %mul3A_870 = arith.mulf %exp3A_835, %gather3A_869 : vector<16xf32>
          %add3A_871 = arith.addf %add3A_868, %mul3A_870 : vector<16xf32>
          %gather3A_872 = tpu.vector_load_idx %arg17[%add3A_811, %and3A_864] : memref<800x64xf32, #tpu.memory_space<vmem>>[vector<16xi32>, vector<16xi32>], vector<16xf32>,
          %mul3A_873 = arith.mulf %exp3A_839, %gather3A_872 : vector<16xf32>
          %add3A_874 = arith.addf %add3A_871, %mul3A_873 : vector<16xf32>
          %gather3A_875 = tpu.vector_load_idx %arg17[%add3A_818, %and3A_864] : memref<800x64xf32, #tpu.memory_space<vmem>>[vector<16xi32>, vector<16xi32>], vector<16xf32>,
          %mul3A_876 = arith.mulf %exp3A_843, %gather3A_875 : vector<16xf32>
          %add3A_877 = arith.addf %add3A_874, %mul3A_876 : vector<16xf32>
          %mul3A_878 = arith.constant 16 : i32
          %mul3A_879 = vector.broadcast %mul3A_878 : i32 to vector<16xi32>
          %mul3A_880 = arith.muli %and3A_864, %mul3A_879 : vector<16xi32>
          %add3A_881 = arith.addi %mul3A_880, %iota3A : vector<16xi32>
          tpu.vector_store_idx %arg24[%add3A_881], %add3A_877 {add = true} : memref<1024xf32, #tpu.memory_space<vmem>>[vector<16xi32>], vector<16xf32>,
          %add3A_882 = vector.broadcast %mul3A_857 : i32 to vector<16xi32>
          %add3A_883 = arith.addi %iota3A, %add3A_882 : vector<16xi32>
          %add3A_884 = arith.constant 1 : i32
          %add3A_885 = vector.broadcast %add3A_884 : i32 to vector<16xi32>
          %add3A_886 = arith.addi %add3A_883, %add3A_885 : vector<16xi32>
          %and3A_887 = arith.constant 63 : i32
          %and3A_888 = vector.broadcast %and3A_887 : i32 to vector<16xi32>
          %and3A_889 = arith.andi %add3A_886, %and3A_888 : vector<16xi32>
          %gather3A_890 = tpu.vector_load_idx %arg17[%add3A_790, %and3A_889] : memref<800x64xf32, #tpu.memory_space<vmem>>[vector<16xi32>, vector<16xi32>], vector<16xf32>,
          %mul3A_891 = arith.mulf %exp3A, %gather3A_890 : vector<16xf32>
          %gather3A_892 = tpu.vector_load_idx %arg17[%add3A_797, %and3A_889] : memref<800x64xf32, #tpu.memory_space<vmem>>[vector<16xi32>, vector<16xi32>], vector<16xf32>,
          %mul3A_893 = arith.mulf %exp3A_831, %gather3A_892 : vector<16xf32>
          %add3A_894 = arith.addf %mul3A_891, %mul3A_893 : vector<16xf32>
          %gather3A_895 = tpu.vector_load_idx %arg17[%add3A_804, %and3A_889] : memref<800x64xf32, #tpu.memory_space<vmem>>[vector<16xi32>, vector<16xi32>], vector<16xf32>,
          %mul3A_896 = arith.mulf %exp3A_835, %gather3A_895 : vector<16xf32>
          %add3A_897 = arith.addf %add3A_894, %mul3A_896 : vector<16xf32>
          %gather3A_898 = tpu.vector_load_idx %arg17[%add3A_811, %and3A_889] : memref<800x64xf32, #tpu.memory_space<vmem>>[vector<16xi32>, vector<16xi32>], vector<16xf32>,
          %mul3A_899 = arith.mulf %exp3A_839, %gather3A_898 : vector<16xf32>
          %add3A_900 = arith.addf %add3A_897, %mul3A_899 : vector<16xf32>
          %gather3A_901 = tpu.vector_load_idx %arg17[%add3A_818, %and3A_889] : memref<800x64xf32, #tpu.memory_space<vmem>>[vector<16xi32>, vector<16xi32>], vector<16xf32>,
          %mul3A_902 = arith.mulf %exp3A_843, %gather3A_901 : vector<16xf32>
          %add3A_903 = arith.addf %add3A_900, %mul3A_902 : vector<16xf32>
          %mul3A_904 = arith.constant 16 : i32
          %mul3A_905 = vector.broadcast %mul3A_904 : i32 to vector<16xi32>
          %mul3A_906 = arith.muli %and3A_889, %mul3A_905 : vector<16xi32>
          %add3A_907 = arith.addi %mul3A_906, %iota3A : vector<16xi32>
          tpu.vector_store_idx %arg24[%add3A_907], %add3A_903 {add = true} : memref<1024xf32, #tpu.memory_space<vmem>>[vector<16xi32>], vector<16xf32>,
          %add3A_908 = vector.broadcast %mul3A_857 : i32 to vector<16xi32>
          %add3A_909 = arith.addi %iota3A, %add3A_908 : vector<16xi32>
          %add3A_910 = arith.constant 2 : i32
          %add3A_911 = vector.broadcast %add3A_910 : i32 to vector<16xi32>
          %add3A_912 = arith.addi %add3A_909, %add3A_911 : vector<16xi32>
          %and3A_913 = arith.constant 63 : i32
          %and3A_914 = vector.broadcast %and3A_913 : i32 to vector<16xi32>
          %and3A_915 = arith.andi %add3A_912, %and3A_914 : vector<16xi32>
          %gather3A_916 = tpu.vector_load_idx %arg17[%add3A_790, %and3A_915] : memref<800x64xf32, #tpu.memory_space<vmem>>[vector<16xi32>, vector<16xi32>], vector<16xf32>,
          %mul3A_917 = arith.mulf %exp3A, %gather3A_916 : vector<16xf32>
          %gather3A_918 = tpu.vector_load_idx %arg17[%add3A_797, %and3A_915] : memref<800x64xf32, #tpu.memory_space<vmem>>[vector<16xi32>, vector<16xi32>], vector<16xf32>,
          %mul3A_919 = arith.mulf %exp3A_831, %gather3A_918 : vector<16xf32>
          %add3A_920 = arith.addf %mul3A_917, %mul3A_919 : vector<16xf32>
          %gather3A_921 = tpu.vector_load_idx %arg17[%add3A_804, %and3A_915] : memref<800x64xf32, #tpu.memory_space<vmem>>[vector<16xi32>, vector<16xi32>], vector<16xf32>,
          %mul3A_922 = arith.mulf %exp3A_835, %gather3A_921 : vector<16xf32>
          %add3A_923 = arith.addf %add3A_920, %mul3A_922 : vector<16xf32>
          %gather3A_924 = tpu.vector_load_idx %arg17[%add3A_811, %and3A_915] : memref<800x64xf32, #tpu.memory_space<vmem>>[vector<16xi32>, vector<16xi32>], vector<16xf32>,
          %mul3A_925 = arith.mulf %exp3A_839, %gather3A_924 : vector<16xf32>
          %add3A_926 = arith.addf %add3A_923, %mul3A_925 : vector<16xf32>
          %gather3A_927 = tpu.vector_load_idx %arg17[%add3A_818, %and3A_915] : memref<800x64xf32, #tpu.memory_space<vmem>>[vector<16xi32>, vector<16xi32>], vector<16xf32>,
          %mul3A_928 = arith.mulf %exp3A_843, %gather3A_927 : vector<16xf32>
          %add3A_929 = arith.addf %add3A_926, %mul3A_928 : vector<16xf32>
          %mul3A_930 = arith.constant 16 : i32
          %mul3A_931 = vector.broadcast %mul3A_930 : i32 to vector<16xi32>
          %mul3A_932 = arith.muli %and3A_915, %mul3A_931 : vector<16xi32>
          %add3A_933 = arith.addi %mul3A_932, %iota3A : vector<16xi32>
          tpu.vector_store_idx %arg24[%add3A_933], %add3A_929 {add = true} : memref<1024xf32, #tpu.memory_space<vmem>>[vector<16xi32>], vector<16xf32>,
          %add3A_934 = vector.broadcast %mul3A_857 : i32 to vector<16xi32>
          %add3A_935 = arith.addi %iota3A, %add3A_934 : vector<16xi32>
          %add3A_936 = arith.constant 3 : i32
          %add3A_937 = vector.broadcast %add3A_936 : i32 to vector<16xi32>
          %add3A_938 = arith.addi %add3A_935, %add3A_937 : vector<16xi32>
          %and3A_939 = arith.constant 63 : i32
          %and3A_940 = vector.broadcast %and3A_939 : i32 to vector<16xi32>
          %and3A_941 = arith.andi %add3A_938, %and3A_940 : vector<16xi32>
          %gather3A_942 = tpu.vector_load_idx %arg17[%add3A_790, %and3A_941] : memref<800x64xf32, #tpu.memory_space<vmem>>[vector<16xi32>, vector<16xi32>], vector<16xf32>,
          %mul3A_943 = arith.mulf %exp3A, %gather3A_942 : vector<16xf32>
          %gather3A_944 = tpu.vector_load_idx %arg17[%add3A_797, %and3A_941] : memref<800x64xf32, #tpu.memory_space<vmem>>[vector<16xi32>, vector<16xi32>], vector<16xf32>,
          %mul3A_945 = arith.mulf %exp3A_831, %gather3A_944 : vector<16xf32>
          %add3A_946 = arith.addf %mul3A_943, %mul3A_945 : vector<16xf32>
          %gather3A_947 = tpu.vector_load_idx %arg17[%add3A_804, %and3A_941] : memref<800x64xf32, #tpu.memory_space<vmem>>[vector<16xi32>, vector<16xi32>], vector<16xf32>,
          %mul3A_948 = arith.mulf %exp3A_835, %gather3A_947 : vector<16xf32>
          %add3A_949 = arith.addf %add3A_946, %mul3A_948 : vector<16xf32>
          %gather3A_950 = tpu.vector_load_idx %arg17[%add3A_811, %and3A_941] : memref<800x64xf32, #tpu.memory_space<vmem>>[vector<16xi32>, vector<16xi32>], vector<16xf32>,
          %mul3A_951 = arith.mulf %exp3A_839, %gather3A_950 : vector<16xf32>
          %add3A_952 = arith.addf %add3A_949, %mul3A_951 : vector<16xf32>
          %gather3A_953 = tpu.vector_load_idx %arg17[%add3A_818, %and3A_941] : memref<800x64xf32, #tpu.memory_space<vmem>>[vector<16xi32>, vector<16xi32>], vector<16xf32>,
          %mul3A_954 = arith.mulf %exp3A_843, %gather3A_953 : vector<16xf32>
          %add3A_955 = arith.addf %add3A_952, %mul3A_954 : vector<16xf32>
          %mul3A_956 = arith.constant 16 : i32
          %mul3A_957 = vector.broadcast %mul3A_956 : i32 to vector<16xi32>
          %mul3A_958 = arith.muli %and3A_941, %mul3A_957 : vector<16xi32>
          %add3A_959 = arith.addi %mul3A_958, %iota3A : vector<16xi32>
          tpu.vector_store_idx %arg24[%add3A_959], %add3A_955 {add = true} : memref<1024xf32, #tpu.memory_space<vmem>>[vector<16xi32>], vector<16xf32>,
        }
        %scan3A_849 = arith.constant 16 : i32
        %add3A_850 = arith.addf %scan3A_783, %exp3A : vector<16xf32>
        %add3A_851 = arith.addf %add3A_850, %exp3A_831 : vector<16xf32>
        %add3A_852 = arith.addf %add3A_851, %exp3A_835 : vector<16xf32>
        %add3A_853 = arith.addf %add3A_852, %exp3A_839 : vector<16xf32>
        %add3A_854 = arith.addf %add3A_853, %exp3A_843 : vector<16xf32>
        scf.yield %add3A_854 : vector<16xf32>
      }
      %scan3A_747 = arith.constant 10 : i32
      %div3A_748 = arith.constant 1.000000e+00 : f32
      %div3A_749 = vector.broadcast %div3A_748 : f32 to vector<16xf32>
      %div3A_750 = arith.divf %div3A_749, %scan3A_746 : vector<16xf32>
      %scan3A_751 = arith.constant 0 : i32
      %scan3A_752 = arith.constant 16 : i32
      %scan3A_753 = arith.addi %scan3A_751, %scan3A_752 : i32
      %scan3A_754 = arith.constant 1 : i32
      %scan3A_755:6 = scf.for %scan3A_782 = %scan3A_751 to %scan3A_753 step %scan3A_754 iter_args(%scan3A_783 = %broadcast_in_dim3A_11, %scan3A_784 = %broadcast_in_dim3A_11, %scan3A_785 = %broadcast_in_dim3A_11, %scan3A_786 = %broadcast_in_dim3A_11, %scan3A_787 = %broadcast_in_dim3A_11, %scan3A_788 = %broadcast_in_dim3A_11) -> (vector<16xf32>, vector<16xf32>, vector<16xf32>, vector<16xf32>, vector<16xf32>, vector<16xf32>)  : i32 {
        %mul3A_789 = arith.constant 4 : i32
        %mul3A_790 = arith.muli %scan3A_782, %mul3A_789 : i32
        %add3A_791 = vector.broadcast %mul3A_790 : i32 to vector<16xi32>
        %add3A_792 = arith.addi %iota3A, %add3A_791 : vector<16xi32>
        %add3A_793 = arith.constant 0 : i32
        %add3A_794 = vector.broadcast %add3A_793 : i32 to vector<16xi32>
        %add3A_795 = arith.addi %add3A_792, %add3A_794 : vector<16xi32>
        %and3A = arith.constant 63 : i32
        %and3A_796 = vector.broadcast %and3A : i32 to vector<16xi32>
        %and3A_797 = arith.andi %add3A_795, %and3A_796 : vector<16xi32>
        %mul3A_798 = arith.constant 16 : i32
        %mul3A_799 = vector.broadcast %mul3A_798 : i32 to vector<16xi32>
        %mul3A_800 = arith.muli %and3A_797, %mul3A_799 : vector<16xi32>
        %add3A_801 = arith.addi %mul3A_800, %iota3A : vector<16xi32>
        %gather3A = tpu.vector_load_idx %arg24[%add3A_801] : memref<1024xf32, #tpu.memory_space<vmem>>[vector<16xi32>], vector<16xf32>,
        %gather3A_802 = tpu.vector_load_idx %arg21[%iota3A, %and3A_797] : memref<16x64xf32, #tpu.memory_space<vmem>>[vector<16xi32>, vector<16xi32>], vector<16xf32>,
        %mul3A_803 = arith.mulf %gather3A, %gather3A_802 : vector<16xf32>
        %add3A_804 = arith.addf %scan3A_783, %mul3A_803 : vector<16xf32>
        %add3A_805 = arith.constant 0 : i32
        %add3A_806 = vector.broadcast %add3A_805 : i32 to vector<16xi32>
        %add3A_807 = arith.addi %mul3A_6, %add3A_806 : vector<16xi32>
        %gather3A_808 = tpu.vector_load_idx %arg23[%add3A_807, %and3A_797] : memref<80x64xf32, #tpu.memory_space<vmem>>[vector<16xi32>, vector<16xi32>], vector<16xf32>,
        %mul3A_809 = arith.mulf %gather3A, %gather3A_808 : vector<16xf32>
        %add3A_810 = arith.addf %scan3A_784, %mul3A_809 : vector<16xf32>
        %add3A_811 = arith.constant 1 : i32
        %add3A_812 = vector.broadcast %add3A_811 : i32 to vector<16xi32>
        %add3A_813 = arith.addi %mul3A_6, %add3A_812 : vector<16xi32>
        %gather3A_814 = tpu.vector_load_idx %arg23[%add3A_813, %and3A_797] : memref<80x64xf32, #tpu.memory_space<vmem>>[vector<16xi32>, vector<16xi32>], vector<16xf32>,
        %mul3A_815 = arith.mulf %gather3A, %gather3A_814 : vector<16xf32>
        %add3A_816 = arith.addf %scan3A_785, %mul3A_815 : vector<16xf32>
        %add3A_817 = arith.constant 2 : i32
        %add3A_818 = vector.broadcast %add3A_817 : i32 to vector<16xi32>
        %add3A_819 = arith.addi %mul3A_6, %add3A_818 : vector<16xi32>
        %gather3A_820 = tpu.vector_load_idx %arg23[%add3A_819, %and3A_797] : memref<80x64xf32, #tpu.memory_space<vmem>>[vector<16xi32>, vector<16xi32>], vector<16xf32>,
        %mul3A_821 = arith.mulf %gather3A, %gather3A_820 : vector<16xf32>
        %add3A_822 = arith.addf %scan3A_786, %mul3A_821 : vector<16xf32>
        %add3A_823 = arith.constant 3 : i32
        %add3A_824 = vector.broadcast %add3A_823 : i32 to vector<16xi32>
        %add3A_825 = arith.addi %mul3A_6, %add3A_824 : vector<16xi32>
        %gather3A_826 = tpu.vector_load_idx %arg23[%add3A_825, %and3A_797] : memref<80x64xf32, #tpu.memory_space<vmem>>[vector<16xi32>, vector<16xi32>], vector<16xf32>,
        %mul3A_827 = arith.mulf %gather3A, %gather3A_826 : vector<16xf32>
        %add3A_828 = arith.addf %scan3A_787, %mul3A_827 : vector<16xf32>
        %add3A_829 = arith.constant 4 : i32
        %add3A_830 = vector.broadcast %add3A_829 : i32 to vector<16xi32>
        %add3A_831 = arith.addi %mul3A_6, %add3A_830 : vector<16xi32>
        %gather3A_832 = tpu.vector_load_idx %arg23[%add3A_831, %and3A_797] : memref<80x64xf32, #tpu.memory_space<vmem>>[vector<16xi32>, vector<16xi32>], vector<16xf32>,
        %mul3A_833 = arith.mulf %gather3A, %gather3A_832 : vector<16xf32>
        %add3A_834 = arith.addf %scan3A_788, %mul3A_833 : vector<16xf32>
        %add3A_835 = vector.broadcast %mul3A_790 : i32 to vector<16xi32>
        %add3A_836 = arith.addi %iota3A, %add3A_835 : vector<16xi32>
        %add3A_837 = arith.constant 1 : i32
        %add3A_838 = vector.broadcast %add3A_837 : i32 to vector<16xi32>
        %add3A_839 = arith.addi %add3A_836, %add3A_838 : vector<16xi32>
        %and3A_840 = arith.constant 63 : i32
        %and3A_841 = vector.broadcast %and3A_840 : i32 to vector<16xi32>
        %and3A_842 = arith.andi %add3A_839, %and3A_841 : vector<16xi32>
        %mul3A_843 = arith.constant 16 : i32
        %mul3A_844 = vector.broadcast %mul3A_843 : i32 to vector<16xi32>
        %mul3A_845 = arith.muli %and3A_842, %mul3A_844 : vector<16xi32>
        %add3A_846 = arith.addi %mul3A_845, %iota3A : vector<16xi32>
        %gather3A_847 = tpu.vector_load_idx %arg24[%add3A_846] : memref<1024xf32, #tpu.memory_space<vmem>>[vector<16xi32>], vector<16xf32>,
        %gather3A_848 = tpu.vector_load_idx %arg21[%iota3A, %and3A_842] : memref<16x64xf32, #tpu.memory_space<vmem>>[vector<16xi32>, vector<16xi32>], vector<16xf32>,
        %mul3A_849 = arith.mulf %gather3A_847, %gather3A_848 : vector<16xf32>
        %add3A_850 = arith.addf %add3A_804, %mul3A_849 : vector<16xf32>
        %add3A_851 = arith.constant 0 : i32
        %add3A_852 = vector.broadcast %add3A_851 : i32 to vector<16xi32>
        %add3A_853 = arith.addi %mul3A_6, %add3A_852 : vector<16xi32>
        %gather3A_854 = tpu.vector_load_idx %arg23[%add3A_853, %and3A_842] : memref<80x64xf32, #tpu.memory_space<vmem>>[vector<16xi32>, vector<16xi32>], vector<16xf32>,
        %mul3A_855 = arith.mulf %gather3A_847, %gather3A_854 : vector<16xf32>
        %add3A_856 = arith.addf %add3A_810, %mul3A_855 : vector<16xf32>
        %add3A_857 = arith.constant 1 : i32
        %add3A_858 = vector.broadcast %add3A_857 : i32 to vector<16xi32>
        %add3A_859 = arith.addi %mul3A_6, %add3A_858 : vector<16xi32>
        %gather3A_860 = tpu.vector_load_idx %arg23[%add3A_859, %and3A_842] : memref<80x64xf32, #tpu.memory_space<vmem>>[vector<16xi32>, vector<16xi32>], vector<16xf32>,
        %mul3A_861 = arith.mulf %gather3A_847, %gather3A_860 : vector<16xf32>
        %add3A_862 = arith.addf %add3A_816, %mul3A_861 : vector<16xf32>
        %add3A_863 = arith.constant 2 : i32
        %add3A_864 = vector.broadcast %add3A_863 : i32 to vector<16xi32>
        %add3A_865 = arith.addi %mul3A_6, %add3A_864 : vector<16xi32>
        %gather3A_866 = tpu.vector_load_idx %arg23[%add3A_865, %and3A_842] : memref<80x64xf32, #tpu.memory_space<vmem>>[vector<16xi32>, vector<16xi32>], vector<16xf32>,
        %mul3A_867 = arith.mulf %gather3A_847, %gather3A_866 : vector<16xf32>
        %add3A_868 = arith.addf %add3A_822, %mul3A_867 : vector<16xf32>
        %add3A_869 = arith.constant 3 : i32
        %add3A_870 = vector.broadcast %add3A_869 : i32 to vector<16xi32>
        %add3A_871 = arith.addi %mul3A_6, %add3A_870 : vector<16xi32>
        %gather3A_872 = tpu.vector_load_idx %arg23[%add3A_871, %and3A_842] : memref<80x64xf32, #tpu.memory_space<vmem>>[vector<16xi32>, vector<16xi32>], vector<16xf32>,
        %mul3A_873 = arith.mulf %gather3A_847, %gather3A_872 : vector<16xf32>
        %add3A_874 = arith.addf %add3A_828, %mul3A_873 : vector<16xf32>
        %add3A_875 = arith.constant 4 : i32
        %add3A_876 = vector.broadcast %add3A_875 : i32 to vector<16xi32>
        %add3A_877 = arith.addi %mul3A_6, %add3A_876 : vector<16xi32>
        %gather3A_878 = tpu.vector_load_idx %arg23[%add3A_877, %and3A_842] : memref<80x64xf32, #tpu.memory_space<vmem>>[vector<16xi32>, vector<16xi32>], vector<16xf32>,
        %mul3A_879 = arith.mulf %gather3A_847, %gather3A_878 : vector<16xf32>
        %add3A_880 = arith.addf %add3A_834, %mul3A_879 : vector<16xf32>
        %add3A_881 = vector.broadcast %mul3A_790 : i32 to vector<16xi32>
        %add3A_882 = arith.addi %iota3A, %add3A_881 : vector<16xi32>
        %add3A_883 = arith.constant 2 : i32
        %add3A_884 = vector.broadcast %add3A_883 : i32 to vector<16xi32>
        %add3A_885 = arith.addi %add3A_882, %add3A_884 : vector<16xi32>
        %and3A_886 = arith.constant 63 : i32
        %and3A_887 = vector.broadcast %and3A_886 : i32 to vector<16xi32>
        %and3A_888 = arith.andi %add3A_885, %and3A_887 : vector<16xi32>
        %mul3A_889 = arith.constant 16 : i32
        %mul3A_890 = vector.broadcast %mul3A_889 : i32 to vector<16xi32>
        %mul3A_891 = arith.muli %and3A_888, %mul3A_890 : vector<16xi32>
        %add3A_892 = arith.addi %mul3A_891, %iota3A : vector<16xi32>
        %gather3A_893 = tpu.vector_load_idx %arg24[%add3A_892] : memref<1024xf32, #tpu.memory_space<vmem>>[vector<16xi32>], vector<16xf32>,
        %gather3A_894 = tpu.vector_load_idx %arg21[%iota3A, %and3A_888] : memref<16x64xf32, #tpu.memory_space<vmem>>[vector<16xi32>, vector<16xi32>], vector<16xf32>,
        %mul3A_895 = arith.mulf %gather3A_893, %gather3A_894 : vector<16xf32>
        %add3A_896 = arith.addf %add3A_850, %mul3A_895 : vector<16xf32>
        %add3A_897 = arith.constant 0 : i32
        %add3A_898 = vector.broadcast %add3A_897 : i32 to vector<16xi32>
        %add3A_899 = arith.addi %mul3A_6, %add3A_898 : vector<16xi32>
        %gather3A_900 = tpu.vector_load_idx %arg23[%add3A_899, %and3A_888] : memref<80x64xf32, #tpu.memory_space<vmem>>[vector<16xi32>, vector<16xi32>], vector<16xf32>,
        %mul3A_901 = arith.mulf %gather3A_893, %gather3A_900 : vector<16xf32>
        %add3A_902 = arith.addf %add3A_856, %mul3A_901 : vector<16xf32>
        %add3A_903 = arith.constant 1 : i32
        %add3A_904 = vector.broadcast %add3A_903 : i32 to vector<16xi32>
        %add3A_905 = arith.addi %mul3A_6, %add3A_904 : vector<16xi32>
        %gather3A_906 = tpu.vector_load_idx %arg23[%add3A_905, %and3A_888] : memref<80x64xf32, #tpu.memory_space<vmem>>[vector<16xi32>, vector<16xi32>], vector<16xf32>,
        %mul3A_907 = arith.mulf %gather3A_893, %gather3A_906 : vector<16xf32>
        %add3A_908 = arith.addf %add3A_862, %mul3A_907 : vector<16xf32>
        %add3A_909 = arith.constant 2 : i32
        %add3A_910 = vector.broadcast %add3A_909 : i32 to vector<16xi32>
        %add3A_911 = arith.addi %mul3A_6, %add3A_910 : vector<16xi32>
        %gather3A_912 = tpu.vector_load_idx %arg23[%add3A_911, %and3A_888] : memref<80x64xf32, #tpu.memory_space<vmem>>[vector<16xi32>, vector<16xi32>], vector<16xf32>,
        %mul3A_913 = arith.mulf %gather3A_893, %gather3A_912 : vector<16xf32>
        %add3A_914 = arith.addf %add3A_868, %mul3A_913 : vector<16xf32>
        %add3A_915 = arith.constant 3 : i32
        %add3A_916 = vector.broadcast %add3A_915 : i32 to vector<16xi32>
        %add3A_917 = arith.addi %mul3A_6, %add3A_916 : vector<16xi32>
        %gather3A_918 = tpu.vector_load_idx %arg23[%add3A_917, %and3A_888] : memref<80x64xf32, #tpu.memory_space<vmem>>[vector<16xi32>, vector<16xi32>], vector<16xf32>,
        %mul3A_919 = arith.mulf %gather3A_893, %gather3A_918 : vector<16xf32>
        %add3A_920 = arith.addf %add3A_874, %mul3A_919 : vector<16xf32>
        %add3A_921 = arith.constant 4 : i32
        %add3A_922 = vector.broadcast %add3A_921 : i32 to vector<16xi32>
        %add3A_923 = arith.addi %mul3A_6, %add3A_922 : vector<16xi32>
        %gather3A_924 = tpu.vector_load_idx %arg23[%add3A_923, %and3A_888] : memref<80x64xf32, #tpu.memory_space<vmem>>[vector<16xi32>, vector<16xi32>], vector<16xf32>,
        %mul3A_925 = arith.mulf %gather3A_893, %gather3A_924 : vector<16xf32>
        %add3A_926 = arith.addf %add3A_880, %mul3A_925 : vector<16xf32>
        %add3A_927 = vector.broadcast %mul3A_790 : i32 to vector<16xi32>
        %add3A_928 = arith.addi %iota3A, %add3A_927 : vector<16xi32>
        %add3A_929 = arith.constant 3 : i32
        %add3A_930 = vector.broadcast %add3A_929 : i32 to vector<16xi32>
        %add3A_931 = arith.addi %add3A_928, %add3A_930 : vector<16xi32>
        %and3A_932 = arith.constant 63 : i32
        %and3A_933 = vector.broadcast %and3A_932 : i32 to vector<16xi32>
        %and3A_934 = arith.andi %add3A_931, %and3A_933 : vector<16xi32>
        %mul3A_935 = arith.constant 16 : i32
        %mul3A_936 = vector.broadcast %mul3A_935 : i32 to vector<16xi32>
        %mul3A_937 = arith.muli %and3A_934, %mul3A_936 : vector<16xi32>
        %add3A_938 = arith.addi %mul3A_937, %iota3A : vector<16xi32>
        %gather3A_939 = tpu.vector_load_idx %arg24[%add3A_938] : memref<1024xf32, #tpu.memory_space<vmem>>[vector<16xi32>], vector<16xf32>,
        %gather3A_940 = tpu.vector_load_idx %arg21[%iota3A, %and3A_934] : memref<16x64xf32, #tpu.memory_space<vmem>>[vector<16xi32>, vector<16xi32>], vector<16xf32>,
        %mul3A_941 = arith.mulf %gather3A_939, %gather3A_940 : vector<16xf32>
        %add3A_942 = arith.addf %add3A_896, %mul3A_941 : vector<16xf32>
        %add3A_943 = arith.constant 0 : i32
        %add3A_944 = vector.broadcast %add3A_943 : i32 to vector<16xi32>
        %add3A_945 = arith.addi %mul3A_6, %add3A_944 : vector<16xi32>
        %gather3A_946 = tpu.vector_load_idx %arg23[%add3A_945, %and3A_934] : memref<80x64xf32, #tpu.memory_space<vmem>>[vector<16xi32>, vector<16xi32>], vector<16xf32>,
        %mul3A_947 = arith.mulf %gather3A_939, %gather3A_946 : vector<16xf32>
        %add3A_948 = arith.addf %add3A_902, %mul3A_947 : vector<16xf32>
        %add3A_949 = arith.constant 1 : i32
        %add3A_950 = vector.broadcast %add3A_949 : i32 to vector<16xi32>
        %add3A_951 = arith.addi %mul3A_6, %add3A_950 : vector<16xi32>
        %gather3A_952 = tpu.vector_load_idx %arg23[%add3A_951, %and3A_934] : memref<80x64xf32, #tpu.memory_space<vmem>>[vector<16xi32>, vector<16xi32>], vector<16xf32>,
        %mul3A_953 = arith.mulf %gather3A_939, %gather3A_952 : vector<16xf32>
        %add3A_954 = arith.addf %add3A_908, %mul3A_953 : vector<16xf32>
        %add3A_955 = arith.constant 2 : i32
        %add3A_956 = vector.broadcast %add3A_955 : i32 to vector<16xi32>
        %add3A_957 = arith.addi %mul3A_6, %add3A_956 : vector<16xi32>
        %gather3A_958 = tpu.vector_load_idx %arg23[%add3A_957, %and3A_934] : memref<80x64xf32, #tpu.memory_space<vmem>>[vector<16xi32>, vector<16xi32>], vector<16xf32>,
        %mul3A_959 = arith.mulf %gather3A_939, %gather3A_958 : vector<16xf32>
        %add3A_960 = arith.addf %add3A_914, %mul3A_959 : vector<16xf32>
        %add3A_961 = arith.constant 3 : i32
        %add3A_962 = vector.broadcast %add3A_961 : i32 to vector<16xi32>
        %add3A_963 = arith.addi %mul3A_6, %add3A_962 : vector<16xi32>
        %gather3A_964 = tpu.vector_load_idx %arg23[%add3A_963, %and3A_934] : memref<80x64xf32, #tpu.memory_space<vmem>>[vector<16xi32>, vector<16xi32>], vector<16xf32>,
        %mul3A_965 = arith.mulf %gather3A_939, %gather3A_964 : vector<16xf32>
        %add3A_966 = arith.addf %add3A_920, %mul3A_965 : vector<16xf32>
        %add3A_967 = arith.constant 4 : i32
        %add3A_968 = vector.broadcast %add3A_967 : i32 to vector<16xi32>
        %add3A_969 = arith.addi %mul3A_6, %add3A_968 : vector<16xi32>
        %gather3A_970 = tpu.vector_load_idx %arg23[%add3A_969, %and3A_934] : memref<80x64xf32, #tpu.memory_space<vmem>>[vector<16xi32>, vector<16xi32>], vector<16xf32>,
        %mul3A_971 = arith.mulf %gather3A_939, %gather3A_970 : vector<16xf32>
        %add3A_972 = arith.addf %add3A_926, %mul3A_971 : vector<16xf32>
        scf.yield %add3A_942, %add3A_948, %add3A_954, %add3A_960, %add3A_966, %add3A_972 : vector<16xf32>, vector<16xf32>, vector<16xf32>, vector<16xf32>, vector<16xf32>, vector<16xf32>
      }
      %scan3A_756 = arith.constant 16 : i32
      %mul3A_757 = arith.constant 16 : i32
      %mul3A_758 = arith.muli %add3A_613, %mul3A_757 : i32
      %add3A_759 = vector.broadcast %mul3A_758 : i32 to vector<16xi32>
      %add3A_760 = arith.addi %iota3A, %add3A_759 : vector<16xi32>
      %mul3A_761 = arith.mulf %scan3A_755#0, %div3A_750 : vector<16xf32>
      tpu.vector_store_idx %arg25[%add3A_760], %mul3A_761 : memref<3072xf32, #tpu.memory_space<vmem>>[vector<16xi32>], vector<16xf32>,
      %add3A_762 = arith.constant 512 : i32
      %add3A_763 = vector.broadcast %add3A_762 : i32 to vector<16xi32>
      %add3A_764 = arith.addi %add3A_760, %add3A_763 : vector<16xi32>
      %mul3A_765 = arith.mulf %scan3A_755#1, %div3A_750 : vector<16xf32>
      tpu.vector_store_idx %arg25[%add3A_764], %mul3A_765 : memref<3072xf32, #tpu.memory_space<vmem>>[vector<16xi32>], vector<16xf32>,
      %add3A_766 = arith.constant 1024 : i32
      %add3A_767 = vector.broadcast %add3A_766 : i32 to vector<16xi32>
      %add3A_768 = arith.addi %add3A_760, %add3A_767 : vector<16xi32>
      %mul3A_769 = arith.mulf %scan3A_755#2, %div3A_750 : vector<16xf32>
      tpu.vector_store_idx %arg25[%add3A_768], %mul3A_769 : memref<3072xf32, #tpu.memory_space<vmem>>[vector<16xi32>], vector<16xf32>,
      %add3A_770 = arith.constant 1536 : i32
      %add3A_771 = vector.broadcast %add3A_770 : i32 to vector<16xi32>
      %add3A_772 = arith.addi %add3A_760, %add3A_771 : vector<16xi32>
      %mul3A_773 = arith.mulf %scan3A_755#3, %div3A_750 : vector<16xf32>
      tpu.vector_store_idx %arg25[%add3A_772], %mul3A_773 : memref<3072xf32, #tpu.memory_space<vmem>>[vector<16xi32>], vector<16xf32>,
      %add3A_774 = arith.constant 2048 : i32
      %add3A_775 = vector.broadcast %add3A_774 : i32 to vector<16xi32>
      %add3A_776 = arith.addi %add3A_760, %add3A_775 : vector<16xi32>
      %mul3A_777 = arith.mulf %scan3A_755#4, %div3A_750 : vector<16xf32>
      tpu.vector_store_idx %arg25[%add3A_776], %mul3A_777 : memref<3072xf32, #tpu.memory_space<vmem>>[vector<16xi32>], vector<16xf32>,
      %add3A_778 = arith.constant 2560 : i32
      %add3A_779 = vector.broadcast %add3A_778 : i32 to vector<16xi32>
      %add3A_780 = arith.addi %add3A_760, %add3A_779 : vector<16xi32>
      %mul3A_781 = arith.mulf %scan3A_755#5, %div3A_750 : vector<16xf32>
      tpu.vector_store_idx %arg25[%add3A_780], %mul3A_781 : memref<3072xf32, #tpu.memory_space<vmem>>[vector<16xi32>], vector<16xf32>,
    }
    %scan3A_116 = arith.constant 16 : i32
    %mul3A_117 = arith.constant 512 : i32
    %mul3A_118 = arith.muli %add3A, %mul3A_117 : i32
    %add3A_119 = arith.constant 0 : i32
    %add3A_120 = arith.addi %add3A_119, %mul3A_118 : i32
    "tpu.region"() ({
      %run_scoped3A = tpu.sem_alloc : memref<!tpu.dma_semaphore, #tpu.memory_space<semaphore_mem>>
      %dma_start3A_141 = arith.constant 0 : i32
      %dma_start3A_142 = tpu.memref_slice %arg25[%dma_start3A_141] : memref<3072xf32, #tpu.memory_space<vmem>> -> memref<512xf32, #tpu.memory_space<vmem>>
      %dma_start3A_143 = tpu.memref_slice %arg9[%add3A_120] : memref<98304xf32, #tpu.memory_space<hbm>> -> memref<512xf32, #tpu.memory_space<hbm>>
      %dma_start3A_144 = tpu.memref_slice %arg9[%add3A_120] : memref<98304xf32, #tpu.memory_space<hbm>> -> memref<512xf32, #tpu.memory_space<hbm>>
      %dma_start3A_145 = arith.constant 0 : i32
      %dma_start3A_146 = tpu.memref_slice %arg25[%dma_start3A_145] : memref<3072xf32, #tpu.memory_space<vmem>> -> memref<512xf32, #tpu.memory_space<vmem>>
      tpu.enqueue_dma source(%dma_start3A_146 : memref<512xf32, #tpu.memory_space<vmem>>) target(%dma_start3A_144 : memref<512xf32, #tpu.memory_space<hbm>>) target_semaphore(%run_scoped3A : memref<!tpu.dma_semaphore, #tpu.memory_space<semaphore_mem>>)
      %dma_wait3A = arith.constant 0 : i32
      %dma_wait3A_147 = tpu.memref_slice %arg25[%dma_wait3A] : memref<3072xf32, #tpu.memory_space<vmem>> -> memref<512xf32, #tpu.memory_space<vmem>>
      %dma_wait3A_148 = tpu.memref_slice %arg9[%add3A_120] : memref<98304xf32, #tpu.memory_space<hbm>> -> memref<512xf32, #tpu.memory_space<hbm>>
      %dma_wait3A_149 = tpu.memref_slice %arg9[%add3A_120] : memref<98304xf32, #tpu.memory_space<hbm>> -> memref<512xf32, #tpu.memory_space<hbm>>
      %dma_wait3A_150 = arith.constant 0 : i32
      %dma_wait3A_151 = tpu.memref_slice %arg25[%dma_wait3A_150] : memref<3072xf32, #tpu.memory_space<vmem>> -> memref<512xf32, #tpu.memory_space<vmem>>
      tpu.wait_dma2 semaphore(%run_scoped3A : memref<!tpu.dma_semaphore, #tpu.memory_space<semaphore_mem>>) src(%dma_wait3A_151 : memref<512xf32, #tpu.memory_space<vmem>>) dst(%dma_wait3A_149 : memref<512xf32, #tpu.memory_space<hbm>>)
      tpu.yield
    }) : () -> ()
    %mul3A_121 = arith.constant 512 : i32
    %mul3A_122 = arith.muli %add3A, %mul3A_121 : i32
    %add3A_123 = arith.constant 16384 : i32
    %add3A_124 = arith.addi %add3A_123, %mul3A_122 : i32
    "tpu.region"() ({
      %run_scoped3A = tpu.sem_alloc : memref<!tpu.dma_semaphore, #tpu.memory_space<semaphore_mem>>
      %dma_start3A_141 = arith.constant 512 : i32
      %dma_start3A_142 = tpu.memref_slice %arg25[%dma_start3A_141] : memref<3072xf32, #tpu.memory_space<vmem>> -> memref<512xf32, #tpu.memory_space<vmem>>
      %dma_start3A_143 = tpu.memref_slice %arg9[%add3A_124] : memref<98304xf32, #tpu.memory_space<hbm>> -> memref<512xf32, #tpu.memory_space<hbm>>
      %dma_start3A_144 = tpu.memref_slice %arg9[%add3A_124] : memref<98304xf32, #tpu.memory_space<hbm>> -> memref<512xf32, #tpu.memory_space<hbm>>
      %dma_start3A_145 = arith.constant 512 : i32
      %dma_start3A_146 = tpu.memref_slice %arg25[%dma_start3A_145] : memref<3072xf32, #tpu.memory_space<vmem>> -> memref<512xf32, #tpu.memory_space<vmem>>
      tpu.enqueue_dma source(%dma_start3A_146 : memref<512xf32, #tpu.memory_space<vmem>>) target(%dma_start3A_144 : memref<512xf32, #tpu.memory_space<hbm>>) target_semaphore(%run_scoped3A : memref<!tpu.dma_semaphore, #tpu.memory_space<semaphore_mem>>)
      %dma_wait3A = arith.constant 512 : i32
      %dma_wait3A_147 = tpu.memref_slice %arg25[%dma_wait3A] : memref<3072xf32, #tpu.memory_space<vmem>> -> memref<512xf32, #tpu.memory_space<vmem>>
      %dma_wait3A_148 = tpu.memref_slice %arg9[%add3A_124] : memref<98304xf32, #tpu.memory_space<hbm>> -> memref<512xf32, #tpu.memory_space<hbm>>
      %dma_wait3A_149 = tpu.memref_slice %arg9[%add3A_124] : memref<98304xf32, #tpu.memory_space<hbm>> -> memref<512xf32, #tpu.memory_space<hbm>>
      %dma_wait3A_150 = arith.constant 512 : i32
      %dma_wait3A_151 = tpu.memref_slice %arg25[%dma_wait3A_150] : memref<3072xf32, #tpu.memory_space<vmem>> -> memref<512xf32, #tpu.memory_space<vmem>>
      tpu.wait_dma2 semaphore(%run_scoped3A : memref<!tpu.dma_semaphore, #tpu.memory_space<semaphore_mem>>) src(%dma_wait3A_151 : memref<512xf32, #tpu.memory_space<vmem>>) dst(%dma_wait3A_149 : memref<512xf32, #tpu.memory_space<hbm>>)
      tpu.yield
    }) : () -> ()
    %mul3A_125 = arith.constant 512 : i32
    %mul3A_126 = arith.muli %add3A, %mul3A_125 : i32
    %add3A_127 = arith.constant 32768 : i32
    %add3A_128 = arith.addi %add3A_127, %mul3A_126 : i32
    "tpu.region"() ({
      %run_scoped3A = tpu.sem_alloc : memref<!tpu.dma_semaphore, #tpu.memory_space<semaphore_mem>>
      %dma_start3A_141 = arith.constant 1024 : i32
      %dma_start3A_142 = tpu.memref_slice %arg25[%dma_start3A_141] : memref<3072xf32, #tpu.memory_space<vmem>> -> memref<512xf32, #tpu.memory_space<vmem>>
      %dma_start3A_143 = tpu.memref_slice %arg9[%add3A_128] : memref<98304xf32, #tpu.memory_space<hbm>> -> memref<512xf32, #tpu.memory_space<hbm>>
      %dma_start3A_144 = tpu.memref_slice %arg9[%add3A_128] : memref<98304xf32, #tpu.memory_space<hbm>> -> memref<512xf32, #tpu.memory_space<hbm>>
      %dma_start3A_145 = arith.constant 1024 : i32
      %dma_start3A_146 = tpu.memref_slice %arg25[%dma_start3A_145] : memref<3072xf32, #tpu.memory_space<vmem>> -> memref<512xf32, #tpu.memory_space<vmem>>
      tpu.enqueue_dma source(%dma_start3A_146 : memref<512xf32, #tpu.memory_space<vmem>>) target(%dma_start3A_144 : memref<512xf32, #tpu.memory_space<hbm>>) target_semaphore(%run_scoped3A : memref<!tpu.dma_semaphore, #tpu.memory_space<semaphore_mem>>)
      %dma_wait3A = arith.constant 1024 : i32
      %dma_wait3A_147 = tpu.memref_slice %arg25[%dma_wait3A] : memref<3072xf32, #tpu.memory_space<vmem>> -> memref<512xf32, #tpu.memory_space<vmem>>
      %dma_wait3A_148 = tpu.memref_slice %arg9[%add3A_128] : memref<98304xf32, #tpu.memory_space<hbm>> -> memref<512xf32, #tpu.memory_space<hbm>>
      %dma_wait3A_149 = tpu.memref_slice %arg9[%add3A_128] : memref<98304xf32, #tpu.memory_space<hbm>> -> memref<512xf32, #tpu.memory_space<hbm>>
      %dma_wait3A_150 = arith.constant 1024 : i32
      %dma_wait3A_151 = tpu.memref_slice %arg25[%dma_wait3A_150] : memref<3072xf32, #tpu.memory_space<vmem>> -> memref<512xf32, #tpu.memory_space<vmem>>
      tpu.wait_dma2 semaphore(%run_scoped3A : memref<!tpu.dma_semaphore, #tpu.memory_space<semaphore_mem>>) src(%dma_wait3A_151 : memref<512xf32, #tpu.memory_space<vmem>>) dst(%dma_wait3A_149 : memref<512xf32, #tpu.memory_space<hbm>>)
      tpu.yield
    }) : () -> ()
    %mul3A_129 = arith.constant 512 : i32
    %mul3A_130 = arith.muli %add3A, %mul3A_129 : i32
    %add3A_131 = arith.constant 49152 : i32
    %add3A_132 = arith.addi %add3A_131, %mul3A_130 : i32
    "tpu.region"() ({
      %run_scoped3A = tpu.sem_alloc : memref<!tpu.dma_semaphore, #tpu.memory_space<semaphore_mem>>
      %dma_start3A_141 = arith.constant 1536 : i32
      %dma_start3A_142 = tpu.memref_slice %arg25[%dma_start3A_141] : memref<3072xf32, #tpu.memory_space<vmem>> -> memref<512xf32, #tpu.memory_space<vmem>>
      %dma_start3A_143 = tpu.memref_slice %arg9[%add3A_132] : memref<98304xf32, #tpu.memory_space<hbm>> -> memref<512xf32, #tpu.memory_space<hbm>>
      %dma_start3A_144 = tpu.memref_slice %arg9[%add3A_132] : memref<98304xf32, #tpu.memory_space<hbm>> -> memref<512xf32, #tpu.memory_space<hbm>>
      %dma_start3A_145 = arith.constant 1536 : i32
      %dma_start3A_146 = tpu.memref_slice %arg25[%dma_start3A_145] : memref<3072xf32, #tpu.memory_space<vmem>> -> memref<512xf32, #tpu.memory_space<vmem>>
      tpu.enqueue_dma source(%dma_start3A_146 : memref<512xf32, #tpu.memory_space<vmem>>) target(%dma_start3A_144 : memref<512xf32, #tpu.memory_space<hbm>>) target_semaphore(%run_scoped3A : memref<!tpu.dma_semaphore, #tpu.memory_space<semaphore_mem>>)
      %dma_wait3A = arith.constant 1536 : i32
      %dma_wait3A_147 = tpu.memref_slice %arg25[%dma_wait3A] : memref<3072xf32, #tpu.memory_space<vmem>> -> memref<512xf32, #tpu.memory_space<vmem>>
      %dma_wait3A_148 = tpu.memref_slice %arg9[%add3A_132] : memref<98304xf32, #tpu.memory_space<hbm>> -> memref<512xf32, #tpu.memory_space<hbm>>
      %dma_wait3A_149 = tpu.memref_slice %arg9[%add3A_132] : memref<98304xf32, #tpu.memory_space<hbm>> -> memref<512xf32, #tpu.memory_space<hbm>>
      %dma_wait3A_150 = arith.constant 1536 : i32
      %dma_wait3A_151 = tpu.memref_slice %arg25[%dma_wait3A_150] : memref<3072xf32, #tpu.memory_space<vmem>> -> memref<512xf32, #tpu.memory_space<vmem>>
      tpu.wait_dma2 semaphore(%run_scoped3A : memref<!tpu.dma_semaphore, #tpu.memory_space<semaphore_mem>>) src(%dma_wait3A_151 : memref<512xf32, #tpu.memory_space<vmem>>) dst(%dma_wait3A_149 : memref<512xf32, #tpu.memory_space<hbm>>)
      tpu.yield
    }) : () -> ()
    %mul3A_133 = arith.constant 512 : i32
    %mul3A_134 = arith.muli %add3A, %mul3A_133 : i32
    %add3A_135 = arith.constant 65536 : i32
    %add3A_136 = arith.addi %add3A_135, %mul3A_134 : i32
    "tpu.region"() ({
      %run_scoped3A = tpu.sem_alloc : memref<!tpu.dma_semaphore, #tpu.memory_space<semaphore_mem>>
      %dma_start3A_141 = arith.constant 2048 : i32
      %dma_start3A_142 = tpu.memref_slice %arg25[%dma_start3A_141] : memref<3072xf32, #tpu.memory_space<vmem>> -> memref<512xf32, #tpu.memory_space<vmem>>
      %dma_start3A_143 = tpu.memref_slice %arg9[%add3A_136] : memref<98304xf32, #tpu.memory_space<hbm>> -> memref<512xf32, #tpu.memory_space<hbm>>
      %dma_start3A_144 = tpu.memref_slice %arg9[%add3A_136] : memref<98304xf32, #tpu.memory_space<hbm>> -> memref<512xf32, #tpu.memory_space<hbm>>
      %dma_start3A_145 = arith.constant 2048 : i32
      %dma_start3A_146 = tpu.memref_slice %arg25[%dma_start3A_145] : memref<3072xf32, #tpu.memory_space<vmem>> -> memref<512xf32, #tpu.memory_space<vmem>>
      tpu.enqueue_dma source(%dma_start3A_146 : memref<512xf32, #tpu.memory_space<vmem>>) target(%dma_start3A_144 : memref<512xf32, #tpu.memory_space<hbm>>) target_semaphore(%run_scoped3A : memref<!tpu.dma_semaphore, #tpu.memory_space<semaphore_mem>>)
      %dma_wait3A = arith.constant 2048 : i32
      %dma_wait3A_147 = tpu.memref_slice %arg25[%dma_wait3A] : memref<3072xf32, #tpu.memory_space<vmem>> -> memref<512xf32, #tpu.memory_space<vmem>>
      %dma_wait3A_148 = tpu.memref_slice %arg9[%add3A_136] : memref<98304xf32, #tpu.memory_space<hbm>> -> memref<512xf32, #tpu.memory_space<hbm>>
      %dma_wait3A_149 = tpu.memref_slice %arg9[%add3A_136] : memref<98304xf32, #tpu.memory_space<hbm>> -> memref<512xf32, #tpu.memory_space<hbm>>
      %dma_wait3A_150 = arith.constant 2048 : i32
      %dma_wait3A_151 = tpu.memref_slice %arg25[%dma_wait3A_150] : memref<3072xf32, #tpu.memory_space<vmem>> -> memref<512xf32, #tpu.memory_space<vmem>>
      tpu.wait_dma2 semaphore(%run_scoped3A : memref<!tpu.dma_semaphore, #tpu.memory_space<semaphore_mem>>) src(%dma_wait3A_151 : memref<512xf32, #tpu.memory_space<vmem>>) dst(%dma_wait3A_149 : memref<512xf32, #tpu.memory_space<hbm>>)
      tpu.yield
    }) : () -> ()
    %mul3A_137 = arith.constant 512 : i32
    %mul3A_138 = arith.muli %add3A, %mul3A_137 : i32
    %add3A_139 = arith.constant 81920 : i32
    %add3A_140 = arith.addi %add3A_139, %mul3A_138 : i32
    "tpu.region"() ({
      %run_scoped3A = tpu.sem_alloc : memref<!tpu.dma_semaphore, #tpu.memory_space<semaphore_mem>>
      %dma_start3A_141 = arith.constant 2560 : i32
      %dma_start3A_142 = tpu.memref_slice %arg25[%dma_start3A_141] : memref<3072xf32, #tpu.memory_space<vmem>> -> memref<512xf32, #tpu.memory_space<vmem>>
      %dma_start3A_143 = tpu.memref_slice %arg9[%add3A_140] : memref<98304xf32, #tpu.memory_space<hbm>> -> memref<512xf32, #tpu.memory_space<hbm>>
      %dma_start3A_144 = tpu.memref_slice %arg9[%add3A_140] : memref<98304xf32, #tpu.memory_space<hbm>> -> memref<512xf32, #tpu.memory_space<hbm>>
      %dma_start3A_145 = arith.constant 2560 : i32
      %dma_start3A_146 = tpu.memref_slice %arg25[%dma_start3A_145] : memref<3072xf32, #tpu.memory_space<vmem>> -> memref<512xf32, #tpu.memory_space<vmem>>
      tpu.enqueue_dma source(%dma_start3A_146 : memref<512xf32, #tpu.memory_space<vmem>>) target(%dma_start3A_144 : memref<512xf32, #tpu.memory_space<hbm>>) target_semaphore(%run_scoped3A : memref<!tpu.dma_semaphore, #tpu.memory_space<semaphore_mem>>)
      %dma_wait3A = arith.constant 2560 : i32
      %dma_wait3A_147 = tpu.memref_slice %arg25[%dma_wait3A] : memref<3072xf32, #tpu.memory_space<vmem>> -> memref<512xf32, #tpu.memory_space<vmem>>
      %dma_wait3A_148 = tpu.memref_slice %arg9[%add3A_140] : memref<98304xf32, #tpu.memory_space<hbm>> -> memref<512xf32, #tpu.memory_space<hbm>>
      %dma_wait3A_149 = tpu.memref_slice %arg9[%add3A_140] : memref<98304xf32, #tpu.memory_space<hbm>> -> memref<512xf32, #tpu.memory_space<hbm>>
      %dma_wait3A_150 = arith.constant 2560 : i32
      %dma_wait3A_151 = tpu.memref_slice %arg25[%dma_wait3A_150] : memref<3072xf32, #tpu.memory_space<vmem>> -> memref<512xf32, #tpu.memory_space<vmem>>
      tpu.wait_dma2 semaphore(%run_scoped3A : memref<!tpu.dma_semaphore, #tpu.memory_space<semaphore_mem>>) src(%dma_wait3A_151 : memref<512xf32, #tpu.memory_space<vmem>>) dst(%dma_wait3A_149 : memref<512xf32, #tpu.memory_space<hbm>>)
      tpu.yield
    }) : () -> ()
    return
  }
}

module attributes {stable_mosaic.version = 14 : i64} {
  func.func @_loss_body(%arg0: memref<6x16384xf32, #tpu.memory_space<vmem>>, %arg1: memref<1x1xf32, #tpu.memory_space<vmem>>) attributes {dimension_semantics = [], scalar_prefetch = 0 : i64, scratch_operands = 0 : i64, tpu.core_type = #tpu.core_type<tc>} {
    %get3A = arith.constant 0 : index
    %get3A_0 = arith.constant 0 : index
    %get3A_1 = vector.load %arg0[%get3A, %get3A_0] : memref<6x16384xf32, #tpu.memory_space<vmem>>, vector<6x16384xf32>
    %slice3A = vector.extract_strided_slice %get3A_1 {offsets = [0, 0], sizes = [1, 16384], strides = [1, 1]} : vector<6x16384xf32> to vector<1x16384xf32>
    %slice3A_2 = vector.extract_strided_slice %get3A_1 {offsets = [1, 0], sizes = [5, 16384], strides = [1, 1]} : vector<6x16384xf32> to vector<5x16384xf32>
    %neg3A = arith.constant 0.000000e+00 : f32
    %neg3A_3 = vector.broadcast %neg3A : f32 to vector<1x16384xf32>
    %neg3A_4 = arith.subf %neg3A_3, %slice3A : vector<1x16384xf32>
    %exp3A = math.exp %neg3A_4 : vector<1x16384xf32>
    %add3A = arith.constant 1.000000e+00 : f32
    %add3A_5 = vector.broadcast %add3A : f32 to vector<1x16384xf32>
    %add3A_6 = arith.addf %add3A_5, %exp3A : vector<1x16384xf32>
    %div3A = arith.constant 1.000000e+00 : f32
    %div3A_7 = vector.broadcast %div3A : f32 to vector<1x16384xf32>
    %div3A_8 = arith.divf %div3A_7, %add3A_6 : vector<1x16384xf32>
    %max3A = arith.constant 9.99999996E-13 : f32
    %max3A_9 = vector.broadcast %max3A : f32 to vector<1x16384xf32>
    %max3A_10 = arith.maximumf %div3A_8, %max3A_9 : vector<1x16384xf32>
    %log3A = math.log %max3A_10 : vector<1x16384xf32>
    %max3A_11 = arith.constant -1.000000e+02 : f32
    %max3A_12 = vector.broadcast %max3A_11 : f32 to vector<1x16384xf32>
    %max3A_13 = arith.maximumf %log3A, %max3A_12 : vector<1x16384xf32>
    %neg3A_14 = arith.constant 0.000000e+00 : f32
    %neg3A_15 = vector.broadcast %neg3A_14 : f32 to vector<1x16384xf32>
    %neg3A_16 = arith.subf %neg3A_15, %max3A_13 : vector<1x16384xf32>
    %reduce_sum3A = vector.shape_cast %neg3A_16 : vector<1x16384xf32> to vector<1x1x16384xf32>
    %reduce_sum3A_17 = arith.constant dense<0.000000e+00> : vector<1xf32>
    %reduce_sum3A_18 = vector.multi_reduction <add>, %reduce_sum3A, %reduce_sum3A_17 [1, 2] : vector<1x1x16384xf32> to vector<1xf32>
    %reduce_sum3A_19 = vector.shape_cast %reduce_sum3A_18 : vector<1xf32> to vector<1x1x1xf32>
    %reduce_sum3A_20 = vector.extract %reduce_sum3A_19[0, 0, 0] : f32 from vector<1x1x1xf32>
    %div3A_21 = arith.constant 1.638400e+04 : f32
    %div3A_22 = arith.divf %reduce_sum3A_20, %div3A_21 : f32
    %exp3A_23 = math.exp %slice3A_2 : vector<5x16384xf32>
    %add3A_24 = arith.constant 1.000000e+00 : f32
    %add3A_25 = vector.broadcast %add3A_24 : f32 to vector<5x16384xf32>
    %add3A_26 = arith.addf %add3A_25, %exp3A_23 : vector<5x16384xf32>
    %div3A_27 = arith.constant 1.000000e+00 : f32
    %div3A_28 = vector.broadcast %div3A_27 : f32 to vector<5x16384xf32>
    %div3A_29 = arith.divf %div3A_28, %add3A_26 : vector<5x16384xf32>
    %max3A_30 = arith.constant 9.99999996E-13 : f32
    %max3A_31 = vector.broadcast %max3A_30 : f32 to vector<5x16384xf32>
    %max3A_32 = arith.maximumf %div3A_29, %max3A_31 : vector<5x16384xf32>
    %log3A_33 = math.log %max3A_32 : vector<5x16384xf32>
    %max3A_34 = arith.constant -1.000000e+02 : f32
    %max3A_35 = vector.broadcast %max3A_34 : f32 to vector<5x16384xf32>
    %max3A_36 = arith.maximumf %log3A_33, %max3A_35 : vector<5x16384xf32>
    %neg3A_37 = arith.constant 0.000000e+00 : f32
    %neg3A_38 = vector.broadcast %neg3A_37 : f32 to vector<5x16384xf32>
    %neg3A_39 = arith.subf %neg3A_38, %max3A_36 : vector<5x16384xf32>
    %reduce_sum3A_40 = vector.shape_cast %neg3A_39 : vector<5x16384xf32> to vector<1x5x16384xf32>
    %reduce_sum3A_41 = arith.constant dense<0.000000e+00> : vector<1xf32>
    %reduce_sum3A_42 = vector.multi_reduction <add>, %reduce_sum3A_40, %reduce_sum3A_41 [1, 2] : vector<1x5x16384xf32> to vector<1xf32>
    %reduce_sum3A_43 = vector.shape_cast %reduce_sum3A_42 : vector<1xf32> to vector<1x1x1xf32>
    %reduce_sum3A_44 = vector.extract %reduce_sum3A_43[0, 0, 0] : f32 from vector<1x1x1xf32>
    %div3A_45 = arith.constant 8.192000e+04 : f32
    %div3A_46 = arith.divf %reduce_sum3A_44, %div3A_45 : f32
    %div3A_47 = arith.constant 5.000000e+00 : f32
    %div3A_48 = arith.divf %div3A_46, %div3A_47 : f32
    %add3A_49 = arith.addf %div3A_22, %div3A_48 : f32
    %div3A_50 = arith.constant 2.000000e+00 : f32
    %div3A_51 = arith.divf %add3A_49, %div3A_50 : f32
    %reshape3A = vector.broadcast %div3A_51 : f32 to vector<1x1xf32>
    %swap3A = arith.constant 0 : index
    %swap3A_52 = arith.constant 0 : index
    %swap3A_53 = vector.load %arg1[%swap3A, %swap3A_52] : memref<1x1xf32, #tpu.memory_space<vmem>>, vector<1x1xf32>
    tpu.vector_store %arg1[%swap3A, %swap3A_52], %reshape3A {strides = array<i32>} : memref<1x1xf32, #tpu.memory_space<vmem>>, vector<1x1xf32>,
    return
  }
}

</mosaic_0001>

<sc_bundles>
// kernel: kernel.4.cloned.1.call-start
scs
__scs_entry_jumppad:
0x0: {  	(pc) =	sbr.rel $0x88, $3  }
0x1: {  	(tag) =	ssettag $0x0;
	lr =	simm.s32 $0x1  }
0x2: {  	[smem:$0x3F9A] =	sst lr;
	_ =	strace $0xD0000000  }
0x3: {  	_ = 	snop  }
0x4: {  	_ = 	snop  }
0x5: {  	_ = 	snop  }
0x6: {  	_ = 	snop  }
0x7: {  	_ = 	snop  }
__scs_overlays_trampoline_lowered:
0x8: {  	[smem:$0x3FA9] =	sst s0  }
0x9: {  	[smem:$0x3FAA] =	sst s1  }
0xa: {  	[smem:$0x3FAB] =	sst s2  }
0xb: {  	[smem:$0x3FAC] =	sst s3  }
0xc: {  	[smem:$0x3FAD] =	sst s4  }
0xd: {  	[smem:$0x3FAE] =	sst s5  }
0xe: {  	[smem:$0x3FAF] =	sst s6  }
0xf: {  	[smem:$0x3FB0] =	sst s7  }
0x10: {  	[smem:$0x3FB1] =	sst s8  }
0x11: {  	[smem:$0x3FB2] =	sst s9;
	s0 =	simm.s32 @!p0 $0x0  }
0x12: {  	s1 =	sld [smem:$0x3F98];
	s0 =	simm.s32 @p0 $0x1  }
0x13: {  	[smem:$0x3FB3] =	sst s0;
	s0 =	simm.s32 @!p1 $0x0  }
0x14: {  	s2 =	sld [smem:$0x3F97];
	s0 =	simm.s32 @p1 $0x1  }
0x15: {  	[smem:$0x3FB4] =	sst s0;
	s0 =	simm.s32 @!p2 $0x0  }
0x16: {  	s3 =	sld [smem:$0x3FDB];
	s0 =	simm.s32 @p2 $0x1  }
0x17: {  	s4 =	simm.s32 $0x1BF5;
	[smem:$0x3FB6] =	sst s0  }
0x18: {  	s0 =	sld [smem:$0x3F99];
	_ =	swait.ge [sflag:s4], $0x0  }
0x19: {  	s7 =	sld [smem:$0x3F9A]  }
0x1a: {  	s8 =	sadd.s32 $0xFFFFE003, lr  }
0x1b: {  	s9 =	sadd.s32 $0xFFFFFEF7, lr;
	s5 =	simm.s32 $0xFFFFFFFF;
	p2 =	slt.u32 s8, $0xFFFFF086  }
0x1c: {  	p1 =	slt.u32 s9, $0xF7A;
	s5 =	simm.s32 @!p2 $0x0  }
0x1d: {  	s5 =	simm.s32 @p1 $0x1;
	p0 =	seq.s32 s7, s2  }
0x1e: {  	s7 =	smul.u32 @!p0 $0xF7A, s2;
	p2 =	seq.s32 @!p0 s5, $0x0  }
0x1f: {  	s9 =	smul.u32 $0xF7A, s1;
	s8 =	simm.s32 @!p0 $0x1BF5;
	p2 =	por !p2, p0  }
0x20: {  	[sflag:s8] =	ssyncset.s32 @!p0 $0xFFFFF086;
	s6 =	sadd.s32 @!p0 s3, s7;
	s7 =	simm.s32 @!p0 $0x108  }
0x21: {  	s3 =	sadd.s32 s3, s9;
	s6 =	sadd.s32 @!p0 $0x88, s6;
	s7 =	simm.s32 @p2 $0x1082  }
0x22: {  	[simem:s7], [sflag:s8] =	dma.local @!p0 [hbm:s6], $0xF7A  }
0x23: {  	s9 =	sor.u32 $0xD0000000, s2;
	s6 =	simm.s32 $0x108;
	_ =	swait.ge @!p0 [sflag:s8], $0x0  }
0x24: {  	s3 =	sadd.s32 $0x88, s3;
	s6 =	simm.s32 @!p1 $0x1082;
	[sflag:s4] =	ssyncset.s32 $0xFFFFF086  }
0x25: {  	[simem:s6], [sflag:s4] =	dma.local [hbm:s3], $0xF7A  }
0x26: {  	[smem:$0x3F9A] =	sst s1;
	(tag) =	ssettag s2;
	_ =	strace s9  }
0x27: {  	s1 =	sld [smem:$0x3FAA]  }
0x28: {  	s2 =	sld [smem:$0x3FAB]  }
0x29: {  	s4 =	sld [smem:$0x3FAD]  }
0x2a: {  	p0 =	seq.s32 s5, $0x0;
	s5 =	sld [smem:$0x3FAE]  }
0x2b: {  	s6 =	sld [smem:$0x3FAF]  }
0x2c: {  	s7 =	sld [smem:$0x3FB0]  }
0x2d: {  	s3 =	simm.s32 $0x108;
	s8 =	sld [smem:$0x3FB1]  }
0x2e: {  	s3 =	simm.s32 @!p0 $0x1082;
	s9 =	sld [smem:$0x3FB2]  }
0x2f: {  	lr =	sadd.s32 s0, s3;
	s0 =	sld [smem:$0x3FA9]  }
0x30: {  	s3 =	sld [smem:$0x3FAC]  }
0x31: {  	[smem:$0x3FB5] =	sst s10  }
0x32: {  	s10 =	sld [smem:$0x3FB3];
	_ =	sdelay $0x3  }
0x33: {  	p0 =	seq.s32 s10, $0x1;
	s10 =	sld [smem:$0x3FB5];
	_ =	sdelay $0x3  }
0x34: {  	[smem:$0x3FB5] =	sst s10  }
0x35: {  	s10 =	sld [smem:$0x3FB4];
	_ =	sdelay $0x3  }
0x36: {  	p1 =	seq.s32 s10, $0x1;
	s10 =	sld [smem:$0x3FB5];
	_ =	sdelay $0x3  }
0x37: {  	[smem:$0x3FB5] =	sst s10  }
0x38: {  	s10 =	sld [smem:$0x3FB6]  }
0x39: {  	_ = 	snop;
	(pc) =	sbr.ind lr, $3  }
0x3a: {  	_ = 	snop  }
0x3b: {  	_ = 	snop  }
0x3c: {  	p2 =	seq.s32 s10, $0x1;
	s10 =	sld [smem:$0x3FB5]  }
0x3d: {  	_ =	shalt  }
0x3e: {  	_ =	shalt  }
0x3f: {  	_ =	shalt  }
0x40: {  	_ =	shalt  }
0x41: {  	_ =	shalt  }
0x42: {  	_ =	shalt  }
0x43: {  	_ =	shalt  }
0x44: {  	_ =	shalt  }
0x45: {  	_ =	shalt  }
0x46: {  	_ =	shalt  }
0x47: {  	_ =	shalt  }
0x48: {  	_ =	shalt  }
0x49: {  	_ =	shalt  }
0x4a: {  	_ =	shalt  }
0x4b: {  	_ =	shalt  }
0x4c: {  	_ =	shalt  }
0x4d: {  	_ =	shalt  }
0x4e: {  	_ =	shalt  }
0x4f: {  	_ =	shalt  }
0x50: {  	_ =	shalt  }
0x51: {  	_ =	shalt  }
0x52: {  	_ =	shalt  }
0x53: {  	_ =	shalt  }
0x54: {  	_ =	shalt  }
0x55: {  	_ =	shalt  }
0x56: {  	_ =	shalt  }
0x57: {  	_ =	shalt  }
0x58: {  	_ =	shalt  }
0x59: {  	_ =	shalt  }
0x5a: {  	_ =	shalt  }
0x5b: {  	_ =	shalt  }
0x5c: {  	_ =	shalt  }
0x5d: {  	_ =	shalt  }
0x5e: {  	_ =	shalt  }
0x5f: {  	_ =	shalt  }
0x60: {  	_ =	shalt  }
0x61: {  	_ =	shalt  }
0x62: {  	_ =	shalt  }
0x63: {  	_ =	shalt  }
0x64: {  	_ =	shalt  }
0x65: {  	_ =	shalt  }
0x66: {  	_ =	shalt  }
0x67: {  	_ =	shalt  }
0x68: {  	_ =	shalt  }
0x69: {  	_ =	shalt  }
0x6a: {  	_ =	shalt  }
0x6b: {  	_ =	shalt  }
0x6c: {  	_ =	shalt  }
0x6d: {  	_ =	shalt  }
0x6e: {  	_ =	shalt  }
0x6f: {  	_ =	shalt  }
0x70: {  	_ =	shalt  }
0x71: {  	_ =	shalt  }
0x72: {  	_ =	shalt  }
0x73: {  	_ =	shalt  }
0x74: {  	_ =	shalt  }
0x75: {  	_ =	shalt  }
0x76: {  	_ =	shalt  }
0x77: {  	_ =	shalt  }
0x78: {  	_ =	shalt  }
0x79: {  	_ =	shalt  }
0x7a: {  	_ =	shalt  }
0x7b: {  	_ =	shalt  }
0x7c: {  	_ =	shalt  }
0x7d: {  	_ =	shalt  }
0x7e: {  	_ =	shalt  }
0x7f: {  	_ =	shalt  }
0x80: {  	_ =	shalt  }
0x81: {  	_ =	shalt  }
0x82: {  	_ =	shalt  }
0x83: {  	_ =	shalt  }
0x84: {  	_ =	shalt  }
0x85: {  	_ =	shalt  }
0x86: {  	_ =	shalt  }
0x87: {  	_ =	shalt  }
.Lfunc_end0:
.L_simem_size_0:
called_computation_lowered:
.L_overlay_start_0:
0x88: {  	s2 =	sld [smem:$0x3FD9]  }
0x89: {  	s3 =	sld [smem:$0x3FFE];
	_ =	sdelay $0x1  }
0x8a: {  	s1 =	srdreg.scid  }
0x8b: {  	s0 =	sand.u32 $0x1, s1  }
0x8c: {  	s17 =	sshll.u32 s0, $0xA;
	s2 =	sadd.s32 s3, s2  }
0x8d: {  	s2 =	sadd.s32 s2, s17  }
0x8e: {  	[smem:$0x3FC1] =	sst s2  }
0x8f: {  	_ = 	snop  }
0x90: {  	s2 =	sld [smem:$0x3FC9]  }
0x91: {  	s18 =	sld [smem:$0x3FC7];
	(tm) =	ssettm $0x1  }
0x92: {  	s4 =	sld [smem:$0x3FFB];
	_ =	sdelay $0x3  }
0x93: {  	_ =	strace s4  }
0x94: {  	s4 =	sld [smem:$0x3FFC];
	_ =	sdelay $0x3  }
0x95: {  	_ =	strace s4  }
0x96: {  	s4 =	sld [smem:$0x3FFD];
	_ =	sdelay $0x3  }
0x97: {  	_ =	strace s4  }
0x98: {  	_ =	strace $0x8FFFFFFF  }
0x99: {  	s19 =	sld [smem:$0x3FDB];
	_ =	sdelay $0x1  }
0x9a: {  	s5 =	simm.s32 $_scs_section_size  }
0x9b: {  	s6 =	simm.s32 $_size__tile_overlayer_lowered;
	s7 =	simm.s32 $_tile_overlayer_lowered  }
0x9c: {  	s22 =	simm.s32 $0x1BFF;
	s21 =	sshll.u32 s7, $0x1;
	s4 =	sadd.s32 s5, s19  }
0x9d: {  	s8 =	simm.s32 $0x0;
	s20 =	sshll.u32 s6, $0x1;
	s6 =	sadd.s32 s21, s4  }
0x9e: {  	[timem:s8], [sflag:s22] =	dma.local [hbm:s6], s20  }
0x9f: {  	_ =	swait.ge [sflag:s22], s20  }
0xa0: {  	s5 =	ssub.s32 $0x0, s20;
	[sflag:s22] =	ssyncset.done $0x0  }
0xa1: {  	[sflag:s22] =	ssyncadd.s32 s5;
	_ =	sdelay $0x1  }
0xa2: {  	s23 =	simm.s32 $0x1B8B  }
0xa3: {  	_ =	swait.ge [sflag:s23], $0x1  }
0xa4: {  	[sflag:s23] =	ssyncset.done $0x0  }
0xa5: {  	s25 =	simm.s32 $0x1B8E;
	s24 =	sld [smem:$0x3FFE];
	[sflag:s23] =	ssyncadd.s32 $0xFFFFFFFF  }
0xa6: {  	s26 =	simm.s32 $execute0_lowered;
	[smem:$0x3FD2] =	sst s25  }
0xa7: {  	s6 =	sshll.u32 s26, $0x1;
	_ =	strace $0x80000046;
	[dreg:$0x1] =	wrdreg $0xFFFFFFFF  }
0xa8: {  	s28 =	simm.s32 $_size_execute0_lowered;
	s4 =	sadd.s32 s4, s6;
	[dreg:$0x0] =	wrdreg $0x0  }
0xa9: {  	s6 =	sshll.u32 s28, $0x1;
	[dreg:$0x2] =	wrdreg s4  }
0xaa: {  	[dreg:$0x3] =	wrdreg s6  }
0xab: {  	[dreg:$0x4] =	wrdreg $0xC0  }
0xac: {  	_ =	task [dreg:s8], $0x5FFFF  }
0xad: {  	[dreg:$0x1] =	wrdreg $0xFFFFFFFF  }
0xae: {  	[dreg:$0x0] =	wrdreg $0x60  }
0xaf: {  	[dreg:$0x2] =	wrdreg s2  }
0xb0: {  	[dreg:$0x3] =	wrdreg s24  }
0xb1: {  	[dreg:$0x4] =	wrdreg s18  }
0xb2: {  	[dreg:$0x5] =	wrdreg $0x9  }
0xb3: {  	_ =	task.clear_ibuf [dreg:s8], $0x6FFFF;
	_ =	strace $0x90000046  }
0xb4: {  	s29 =	simm.s32 $0x9;
	_ =	strace $0x80000048  }
0xb5: {  	_ =	swait.ge [sflag:s29], $0x1  }
0xb6: {  	[sflag:s29] =	ssyncadd.s32 $0xFFFFFFFF  }
0xb7: {  	_ =	strace $0x90000048  }
0xb8: {  	_ =	sfence  }
0xb9: {  	s30 =	sld [smem:$0x0];
	_ =	sdelay $0x2  }
0xba: {  	s31 =	sshll.u32 s1, $0xD;
	s1 =	sshrl.u32 s1, $0x2  }
0xbb: {  	s3 =	sand.u32 $0x4000, s31;
	s1 =	sadd.s32 s1, s30  }
0xbc: {  	s0 =	sor.u32 s3, s0;
	s1 =	sshll.u32 s1, $0x11  }
0xbd: {  	s0 =	sor.u32 s1, s0  }
0xbe: {  	s0 =	sadd.s32 $0x8F2B, s0  }
0xbf: {  	[sflag:s0] =	ssyncadd.remote.s32 $0x1  }
0xc0: {  	_ =	sfence.sel $0xFFFF  }
0xc1: {  	[dreg:$0x0] =	wrdreg $0xFFFFFFFF;
	(pc) =	sbr.abs _section_cstart, $3  }
0xc2: {  	[dreg:$0x1] =	wrdreg $0xFFFFFFFF  }
0xc3: {  	_ =	task.clear_ibuf [dreg:s8], $0x2FFFF;
	_ =	strace $0x9FFFFFFF  }
0xc4: {  	(tm) =	ssettm $0x7FFFFFFF  }
0xc5: {  	_ =	shalt  }
tec
execute0_lowered:
.L_overlay_start_1:
0x0: {  	(tag) =	ssettag $0x1  }
0x1: {  	s0 =	rddreg [dreg:$0x0]  }
0x2: {  	s1 =	rddreg [dreg:$0x1]  }
0x3: {  	s2 =	rddreg [dreg:$0x2];
	s16 =	simm.s32 $0x0;
	s3 =	srdreg.scid  }
0x4: {  	s4 =	stileid.u32;
	s31 =	simm.s32 $0x10;
	s29 =	simm.s32 $0xA90  }
0x5: {  	s30 =	simm.s32 $0xD2E0;
	s14 =	simm.s32 $0x1D6E0;
	s15 =	simm.s32 $0x2  }
0x6: {  	s17 =	simm.s32 $0x0;
	[smem:$0x7FF] =	sst s16;
	s8 =	sand.u32 $0x1, s3  }
0x7: {  	s3 =	sadd.s32 $0xA00, s1;
	s6 =	sshll.u32 s4, $0xA;
	s5 =	sadd.s32 $0x187400, s1  }
0x8: {  	s4 =	sadd.s32 $0x19A00, s1;
	_ =	strace $0x80000047;
	s7 =	sshll.u32 s8, $0x9  }
0x9: {  	s9 =	ssub.s32 $0x2, s8;
	s8 =	sadd.s32 $0xF42E00, s1;
	s6 =	sor.u32 s7, s6  }
0xa: {  	s7 =	sadd.s32 $0x16E4000, s1;
	s12 =	sshrl.u32 s9, $0x1;
	s10 =	smul.u32 $0x32, s6  }
0xb: {  	s11 =	sshrl.u32 s6, $0x3;
	s13 =	smul.u32 $0x5, s6;
	s9 =	ssub.s32 s9, s12  }
0xc: {  	s12 =	simm.s32 $0x1;
	s1 =	sadd.s32 s11, s1;
	s0 =	sadd.s32 s0, s11  }
0xd: {  	s2 =	sadd.s32 s2, s11;
	s28 =	smax.u32 s9, $0x1;
	[dreg:$0x4] =	wrdreg s0  }
0xe: {  	s9 =	simm.s32 $0x19EE0;
	s11 =	simm.s32 $0x1BEE0;
	[dreg:$0x5] =	wrdreg s2  }
0xf: {  	s18 =	sshrl.u32 s10, $0x3;
	s21 =	sadd.s32 $0x1C200, s1;
	[dreg:$0xe] =	wrdreg s28  }
0x10: {  	s19 =	sshrl.u32 s13, $0x3;
	s22 =	sadd.s32 $0x1CA00, s1;
	[dreg:$0x8] =	wrdreg s21  }
0x11: {  	v0 =	vlaneseq.u32;
	s23 =	sadd.s32 $0x1D200, s1;
	s24 =	sadd.s32 $0x1DA00, s1;
	[dreg:$0x9] =	wrdreg s22  }
0x12: {  	v1 =	vmul.u32 $0xC80, v0;
	v6 =	vmul.u32 $0x40, v0;
	s25 =	sadd.s32 $0x1E200, s1;
	s26 =	sadd.s32 $0x1EA00, s1;
	[dreg:$0xa] =	wrdreg s23  }
0x13: {  	v7 =	vadd.s32 $0x1, v0;
	v8 =	vmul.u32 $0x140, v0;
	v9 =	vadd.s32 $0x2, v0;
	s1 =	simm.s32 $0x1A2E0;
	s10 =	simm.s32 $0x1A6E0;
	[dreg:$0xb] =	wrdreg s24  }
0x14: {  	v10 =	vadd.s32 $0x3, v0;
	v11 =	vor.u32 $0x3F8, v0;
	v16 =	vor.u32 $0xFFFFFFE8, v0;
	s13 =	simm.s32 $0x1D2E0;
	s0 =	sadd.s32 s3, s18;
	[dreg:$0xc] =	wrdreg s25  }
0x15: {  	[tilespmem:$0x1FFE0] =	vst v16;
	v16 =	vor.u32 $0x200, v0;
	v2 =	vadd.s32 $0x100, v1;
	v3 =	vadd.s32 $0xC0, v1;
	s20 =	sadd.s32 s4, s19;
	[dreg:$0xd] =	wrdreg s26;
	s24 =	simm.s32 $0x50  }
0x16: {  	v4 =	vadd.s32 $0x80, v1;
	v5 =	vor.u32 $0x40, v1;
	v12 =	vadd.s32 $0x40, v8;
	s25 =	simm.s32 $0xAE0;
	s26 =	simm.s32 $0x1AAE0;
	[dreg:$0x6] =	wrdreg s0  }
0x17: {  	v13 =	vadd.s32 $0x80, v8;
	v14 =	vadd.s32 $0xC0, v8;
	v15 =	vadd.s32 $0x100, v8;
	[tilespmem:$0x1FFF0] =	vst v16;
	[dreg:$0x7] =	wrdreg s20;
	s20 =	simm.s32 $0x3;
	s0 =	simm.s32 $0x19AE0  }
.LBB2_1:
0x18: {  	[dreg:$0xf] =	wrdreg s17  }
0x19: {  	s2 =	rddreg [dreg:$0x4]  }
0x1a: {  	[tilespmem:s16], [sflag:$0x3] =	stream.linear.gather [hbm4b:s2+s16], $0x200, $0x38;
	[tilespmem:$0x1E2E0] =	vst v63  }
0x1b: {  	_ =	swait.ge [sflag:s20], $0x200  }
0x1c: {  	[sflag:s20] =	ssyncset.done $0x0  }
0x1d: {  	s17 =	simm.s32 $0x200;
	s19 =	rddreg [dreg:$0x5];
	[sflag:s20] =	ssyncadd.s32 $0xFFFFFE00  }
0x1e: {  	[tilespmem:s17], [sflag:$0x3] =	stream.linear.gather [hbm4b:s19+s16], $0x200, $0x38;
	[tilespmem:$0x1E2E0] =	vst v63  }
0x1f: {  	_ =	swait.ge [sflag:s20], $0x200  }
0x20: {  	[sflag:s20] =	ssyncset.done $0x0  }
0x21: {  	s18 =	simm.s32 $0x400;
	s21 =	rddreg [dreg:$0x6];
	[sflag:s20] =	ssyncadd.s32 $0xFFFFFE00  }
0x22: {  	[tilespmem:s18], [sflag:$0x3] =	stream.linear.gather [hbm4b:s21+s16], $0x320, $0x38;
	[tilespmem:$0x1E2E0] =	vst v63  }
0x23: {  	_ =	swait.ge [sflag:s20], $0x320  }
0x24: {  	[sflag:s20] =	ssyncset.done $0x0  }
0x25: {  	s19 =	simm.s32 $0xA40;
	s22 =	rddreg [dreg:$0x7];
	[sflag:s20] =	ssyncadd.s32 $0xFFFFFCE0  }
0x26: {  	[tilespmem:s19], [sflag:$0x3] =	stream.linear.gather [hbm4b:s22+s16], $0x50, $0x38;
	[tilespmem:$0x1E2E0] =	vst v63  }
0x27: {  	_ =	swait.ge [sflag:s20], $0x50  }
0x28: {  	[sflag:s20] =	ssyncset.done $0x0  }
0x29: {  	[sflag:s20] =	ssyncadd.s32 $0xFFFFFFB0  }
0x2a: {  	[tilespmem:s25], [sflag:$0x1] =	stream.indirect.gather [hbm4b:s7+s24], $0x40, s18, s24, $0xb8;
	[tilespmem:$0x1E2E0] =	vst v63  }
0x2b: {  	s23 =	simm.s32 $0x450;
	s28 =	simm.s32 $0x1EE0  }
0x2c: {  	[tilespmem:s28], [sflag:$0x1] =	stream.indirect.gather [hbm4b:s7+s24], $0x40, s23, s24, $0xb8;
	[tilespmem:$0x1E2E0] =	vst v63  }
0x2d: {  	s21 =	simm.s32 $0x4A0;
	s22 =	simm.s32 $0x32E0  }
0x2e: {  	[tilespmem:s22], [sflag:$0x1] =	stream.indirect.gather [hbm4b:s7+s24], $0x40, s21, s24, $0xb8;
	[tilespmem:$0x1E2E0] =	vst v63  }
0x2f: {  	s23 =	simm.s32 $0x4F0;
	s28 =	simm.s32 $0x46E0  }
0x30: {  	[tilespmem:s28], [sflag:$0x1] =	stream.indirect.gather [hbm4b:s7+s24], $0x40, s23, s24, $0xb8;
	[tilespmem:$0x1E2E0] =	vst v63  }
0x31: {  	s21 =	simm.s32 $0x540;
	s22 =	simm.s32 $0x5AE0  }
0x32: {  	[tilespmem:s22], [sflag:$0x1] =	stream.indirect.gather [hbm4b:s7+s24], $0x40, s21, s24, $0xb8;
	[tilespmem:$0x1E2E0] =	vst v63  }
0x33: {  	s23 =	simm.s32 $0x590;
	s28 =	simm.s32 $0x6EE0  }
0x34: {  	[tilespmem:s28], [sflag:$0x1] =	stream.indirect.gather [hbm4b:s7+s24], $0x40, s23, s24, $0xb8;
	[tilespmem:$0x1E2E0] =	vst v63  }
0x35: {  	s21 =	simm.s32 $0x5E0;
	s22 =	simm.s32 $0x82E0  }
0x36: {  	[tilespmem:s22], [sflag:$0x1] =	stream.indirect.gather [hbm4b:s7+s24], $0x40, s21, s24, $0xb8;
	[tilespmem:$0x1E2E0] =	vst v63  }
0x37: {  	s23 =	simm.s32 $0x630;
	s28 =	simm.s32 $0x96E0  }
0x38: {  	[tilespmem:s28], [sflag:$0x1] =	stream.indirect.gather [hbm4b:s7+s24], $0x40, s23, s24, $0xb8;
	[tilespmem:$0x1E2E0] =	vst v63  }
0x39: {  	s21 =	simm.s32 $0x680;
	s22 =	simm.s32 $0xAAE0  }
0x3a: {  	[tilespmem:s22], [sflag:$0x1] =	stream.indirect.gather [hbm4b:s7+s24], $0x40, s21, s24, $0xb8;
	[tilespmem:$0x1E2E0] =	vst v63  }
0x3b: {  	s23 =	simm.s32 $0x6D0;
	s28 =	simm.s32 $0xBEE0  }
0x3c: {  	[tilespmem:s28], [sflag:$0x1] =	stream.indirect.gather [hbm4b:s7+s24], $0x40, s23, s24, $0xb8;
	[tilespmem:$0x1E2E0] =	vst v63  }
0x3d: {  	_ = 	snop  }
0x3e: {  	[tilespmem:s0], [sflag:$0x1] =	stream.indirect.gather [hbm4b:s5+s31], $0x40, s16, s31, $0xb8;
	[tilespmem:$0x1E2E0] =	vst v63  }
0x3f: {  	_ = 	snop  }
0x40: {  	[tilespmem:s1], [sflag:$0x1] =	stream.indirect.gather [hbm4b:s8+s31], $0x40, s17, s31, $0xb8;
	[tilespmem:$0x1E2E0] =	vst v63  }
0x41: {  	s16 =	simm.s32 $0x0  }
0x42: {  	[tilespmem:s26], [sflag:$0x1] =	stream.indirect.gather [hbm4b:s8+s24], $0x40, s19, s24, $0xb8;
	[tilespmem:$0x1E2E0] =	vst v63  }
.LBB2_2:
0x43: {  	s18 =	sshll.u32 s16, $0x5  }
0x44: {  	s17 =	sor.u32 $0x10, s18  }
0x45: {  	s2 =	sor.u32 s6, s17  }
0x46: {  	s19 =	smul.u32 $0x32, s2;
	_ =	sdelay $0x1  }
0x47: {  	s22 =	simm.s32 $0x720;
	s19 =	sshrl.u32 s19, $0x3  }
0x48: {  	s2 =	smul.u32 $0x5, s2;
	s21 =	sadd.s32 s3, s19;
	s19 =	simm.s32 $0x0  }
0x49: {  	[tilespmem:s22], [sflag:$0x3] =	stream.linear.gather [hbm4b:s21+s19], $0x320, $0x38;
	[tilespmem:$0x1E2E0] =	vst v63  }
0x4a: {  	_ =	swait.ge [sflag:s20], $0x320  }
0x4b: {  	s2 =	sshrl.u32 s2, $0x3;
	[sflag:s20] =	ssyncset.done $0x0  }
0x4c: {  	s2 =	sadd.s32 s4, s2;
	[sflag:s20] =	ssyncadd.s32 $0xFFFFFCE0  }
0x4d: {  	[tilespmem:s29], [sflag:$0x3] =	stream.linear.gather [hbm4b:s2+s19], $0x50, $0x38;
	[tilespmem:$0x1E2E0] =	vst v63  }
0x4e: {  	_ =	swait.ge [sflag:s20], $0x50  }
0x4f: {  	[sflag:s20] =	ssyncset.done $0x0  }
0x50: {  	[sflag:s20] =	ssyncadd.s32 $0xFFFFFFB0  }
0x51: {  	[tilespmem:s30], [sflag:$0x2] =	stream.indirect.gather [hbm4b:s7+s24], $0x40, s22, s24, $0xb8;
	[tilespmem:$0x1E2E0] =	vst v63  }
0x52: {  	s21 =	simm.s32 $0x770;
	s22 =	simm.s32 $0xE6E0  }
0x53: {  	[tilespmem:s22], [sflag:$0x2] =	stream.indirect.gather [hbm4b:s7+s24], $0x40, s21, s24, $0xb8;
	[tilespmem:$0x1E2E0] =	vst v63  }
0x54: {  	s23 =	simm.s32 $0x7C0;
	s28 =	simm.s32 $0xFAE0  }
0x55: {  	[tilespmem:s28], [sflag:$0x2] =	stream.indirect.gather [hbm4b:s7+s24], $0x40, s23, s24, $0xb8;
	[tilespmem:$0x1E2E0] =	vst v63  }
0x56: {  	s21 =	simm.s32 $0x810;
	s22 =	simm.s32 $0x10EE0  }
0x57: {  	[tilespmem:s22], [sflag:$0x2] =	stream.indirect.gather [hbm4b:s7+s24], $0x40, s21, s24, $0xb8;
	[tilespmem:$0x1E2E0] =	vst v63  }
0x58: {  	s23 =	simm.s32 $0x860;
	s28 =	simm.s32 $0x122E0  }
0x59: {  	[tilespmem:s28], [sflag:$0x2] =	stream.indirect.gather [hbm4b:s7+s24], $0x40, s23, s24, $0xb8;
	[tilespmem:$0x1E2E0] =	vst v63  }
0x5a: {  	s21 =	simm.s32 $0x8B0;
	s22 =	simm.s32 $0x136E0  }
0x5b: {  	[tilespmem:s22], [sflag:$0x2] =	stream.indirect.gather [hbm4b:s7+s24], $0x40, s21, s24, $0xb8;
	[tilespmem:$0x1E2E0] =	vst v63  }
0x5c: {  	s23 =	simm.s32 $0x900;
	s28 =	simm.s32 $0x14AE0  }
0x5d: {  	[tilespmem:s28], [sflag:$0x2] =	stream.indirect.gather [hbm4b:s7+s24], $0x40, s23, s24, $0xb8;
	[tilespmem:$0x1E2E0] =	vst v63  }
0x5e: {  	s21 =	simm.s32 $0x950;
	s22 =	simm.s32 $0x15EE0  }
0x5f: {  	[tilespmem:s22], [sflag:$0x2] =	stream.indirect.gather [hbm4b:s7+s24], $0x40, s21, s24, $0xb8;
	[tilespmem:$0x1E2E0] =	vst v63  }
0x60: {  	s23 =	simm.s32 $0x9A0;
	s28 =	simm.s32 $0x172E0  }
0x61: {  	[tilespmem:s28], [sflag:$0x2] =	stream.indirect.gather [hbm4b:s7+s24], $0x40, s23, s24, $0xb8;
	[tilespmem:$0x1E2E0] =	vst v63  }
0x62: {  	s22 =	simm.s32 $0x9F0;
	s23 =	simm.s32 $0x186E0  }
0x63: {  	[tilespmem:s23], [sflag:$0x2] =	stream.indirect.gather [hbm4b:s7+s24], $0x40, s22, s24, $0xb8;
	[tilespmem:$0x1E2E0] =	vst v63  }
0x64: {  	_ = 	snop  }
0x65: {  	[tilespmem:s9], [sflag:$0x2] =	stream.indirect.gather [hbm4b:s5+s31], $0x40, s17, s31, $0xb8;
	[tilespmem:$0x1E2E0] =	vst v63  }
0x66: {  	s28 =	sadd.s32 $0x210, s18  }
0x67: {  	[tilespmem:s10], [sflag:$0x2] =	stream.indirect.gather [hbm4b:s8+s31], $0x40, s28, s31, $0xb8;
	[tilespmem:$0x1E2E0] =	vst v63  }
0x68: {  	_ = 	snop  }
0x69: {  	[tilespmem:s11], [sflag:$0x2] =	stream.indirect.gather [hbm4b:s8+s24], $0x40, s29, s24, $0xb8;
	[tilespmem:$0x1E2E0] =	vst v63  }
0x6a: {  	_ =	swait.ge [sflag:s12], $0x1400  }
0x6b: {  	[sflag:s12] =	ssyncset.done $0x0  }
0x6c: {  	[sflag:s12] =	ssyncadd.s32 $0xFFFFEC00  }
0x6d: {  	_ =	swait.ge [sflag:s12], $0x1400  }
0x6e: {  	[sflag:s12] =	ssyncset.done $0x0  }
0x6f: {  	[sflag:s12] =	ssyncadd.s32 $0xFFFFEC00  }
0x70: {  	_ =	swait.ge [sflag:s12], $0x1400  }
0x71: {  	[sflag:s12] =	ssyncset.done $0x0  }
0x72: {  	[sflag:s12] =	ssyncadd.s32 $0xFFFFEC00  }
0x73: {  	_ =	swait.ge [sflag:s12], $0x1400  }
0x74: {  	[sflag:s12] =	ssyncset.done $0x0  }
0x75: {  	[sflag:s12] =	ssyncadd.s32 $0xFFFFEC00  }
0x76: {  	_ =	swait.ge [sflag:s12], $0x1400  }
0x77: {  	[sflag:s12] =	ssyncset.done $0x0  }
0x78: {  	[sflag:s12] =	ssyncadd.s32 $0xFFFFEC00  }
0x79: {  	_ =	swait.ge [sflag:s12], $0x1400  }
0x7a: {  	[sflag:s12] =	ssyncset.done $0x0  }
0x7b: {  	[sflag:s12] =	ssyncadd.s32 $0xFFFFEC00  }
0x7c: {  	_ =	swait.ge [sflag:s12], $0x1400  }
0x7d: {  	[sflag:s12] =	ssyncset.done $0x0  }
0x7e: {  	[sflag:s12] =	ssyncadd.s32 $0xFFFFEC00  }
0x7f: {  	_ =	swait.ge [sflag:s12], $0x1400  }
0x80: {  	[sflag:s12] =	ssyncset.done $0x0  }
0x81: {  	[sflag:s12] =	ssyncadd.s32 $0xFFFFEC00  }
0x82: {  	_ =	swait.ge [sflag:s12], $0x1400  }
0x83: {  	[sflag:s12] =	ssyncset.done $0x0  }
0x84: {  	[sflag:s12] =	ssyncadd.s32 $0xFFFFEC00  }
0x85: {  	_ =	swait.ge [sflag:s12], $0x1400  }
0x86: {  	[sflag:s12] =	ssyncset.done $0x0  }
0x87: {  	[sflag:s12] =	ssyncadd.s32 $0xFFFFEC00  }
0x88: {  	_ =	swait.ge [sflag:s12], $0x400  }
0x89: {  	[sflag:s12] =	ssyncset.done $0x0  }
0x8a: {  	[sflag:s12] =	ssyncadd.s32 $0xFFFFFC00  }
0x8b: {  	_ =	swait.ge [sflag:s12], $0x400  }
0x8c: {  	[sflag:s12] =	ssyncset.done $0x0  }
0x8d: {  	[sflag:s12] =	ssyncadd.s32 $0xFFFFFC00  }
0x8e: {  	_ =	swait.ge [sflag:s12], $0x1400  }
0x8f: {  	[sflag:s12] =	ssyncset.done $0x0  }
0x90: {  	v19 =	vimm.f32 $0.0e+00;
	[sflag:s12] =	ssyncadd.s32 $0xFFFFEC00  }
0x91: {  	[tilespmem:$0x1D2E0] =	vst v19  }
0x92: {  	[tilespmem:$0x1D2F0] =	vst v19  }
0x93: {  	[tilespmem:$0x1D300] =	vst v19  }
0x94: {  	[tilespmem:$0x1D310] =	vst v19  }
0x95: {  	[tilespmem:$0x1D320] =	vst v19  }
0x96: {  	[tilespmem:$0x1D330] =	vst v19  }
0x97: {  	[tilespmem:$0x1D340] =	vst v19  }
0x98: {  	[tilespmem:$0x1D350] =	vst v19  }
0x99: {  	[tilespmem:$0x1D360] =	vst v19  }
0x9a: {  	[tilespmem:$0x1D370] =	vst v19  }
0x9b: {  	[tilespmem:$0x1D380] =	vst v19  }
0x9c: {  	[tilespmem:$0x1D390] =	vst v19  }
0x9d: {  	[tilespmem:$0x1D3A0] =	vst v19  }
0x9e: {  	[tilespmem:$0x1D3B0] =	vst v19  }
0x9f: {  	[tilespmem:$0x1D3C0] =	vst v19  }
0xa0: {  	[tilespmem:$0x1D3D0] =	vst v19  }
0xa1: {  	[tilespmem:$0x1D3E0] =	vst v19  }
0xa2: {  	[tilespmem:$0x1D3F0] =	vst v19  }
0xa3: {  	[tilespmem:$0x1D400] =	vst v19  }
0xa4: {  	[tilespmem:$0x1D410] =	vst v19  }
0xa5: {  	[tilespmem:$0x1D420] =	vst v19  }
0xa6: {  	[tilespmem:$0x1D430] =	vst v19  }
0xa7: {  	[tilespmem:$0x1D440] =	vst v19  }
0xa8: {  	[tilespmem:$0x1D450] =	vst v19  }
0xa9: {  	[tilespmem:$0x1D460] =	vst v19  }
0xaa: {  	[tilespmem:$0x1D470] =	vst v19  }
0xab: {  	[tilespmem:$0x1D480] =	vst v19  }
0xac: {  	[tilespmem:$0x1D490] =	vst v19  }
0xad: {  	[tilespmem:$0x1D4A0] =	vst v19  }
0xae: {  	[tilespmem:$0x1D4B0] =	vst v19  }
0xaf: {  	[tilespmem:$0x1D4C0] =	vst v19  }
0xb0: {  	[tilespmem:$0x1D4D0] =	vst v19  }
0xb1: {  	[tilespmem:$0x1D4E0] =	vst v19  }
0xb2: {  	[tilespmem:$0x1D4F0] =	vst v19  }
0xb3: {  	[tilespmem:$0x1D500] =	vst v19  }
0xb4: {  	[tilespmem:$0x1D510] =	vst v19  }
0xb5: {  	[tilespmem:$0x1D520] =	vst v19  }
0xb6: {  	[tilespmem:$0x1D530] =	vst v19  }
0xb7: {  	[tilespmem:$0x1D540] =	vst v19  }
0xb8: {  	[tilespmem:$0x1D550] =	vst v19  }
0xb9: {  	[tilespmem:$0x1D560] =	vst v19  }
0xba: {  	[tilespmem:$0x1D570] =	vst v19  }
0xbb: {  	[tilespmem:$0x1D580] =	vst v19  }
0xbc: {  	[tilespmem:$0x1D590] =	vst v19  }
0xbd: {  	[tilespmem:$0x1D5A0] =	vst v19  }
0xbe: {  	[tilespmem:$0x1D5B0] =	vst v19  }
0xbf: {  	[tilespmem:$0x1D5C0] =	vst v19  }
0xc0: {  	[tilespmem:$0x1D5D0] =	vst v19  }
0xc1: {  	[tilespmem:$0x1D5E0] =	vst v19  }
0xc2: {  	[tilespmem:$0x1D5F0] =	vst v19  }
0xc3: {  	[tilespmem:$0x1D600] =	vst v19  }
0xc4: {  	[tilespmem:$0x1D610] =	vst v19  }
0xc5: {  	[tilespmem:$0x1D620] =	vst v19  }
0xc6: {  	[tilespmem:$0x1D630] =	vst v19  }
0xc7: {  	[tilespmem:$0x1D640] =	vst v19  }
0xc8: {  	[tilespmem:$0x1D650] =	vst v19  }
0xc9: {  	[tilespmem:$0x1D660] =	vst v19  }
0xca: {  	[tilespmem:$0x1D670] =	vst v19  }
0xcb: {  	[tilespmem:$0x1D680] =	vst v19  }
0xcc: {  	[tilespmem:$0x1D690] =	vst v19  }
0xcd: {  	[tilespmem:$0x1D6A0] =	vst v19  }
0xce: {  	[tilespmem:$0x1D6B0] =	vst v19  }
0xcf: {  	[tilespmem:$0x1D6C0] =	vst v19  }
0xd0: {  	v18 =	vimm.f32 $0.0e+00;
	s2 =	simm.s32 $0x0;
	[tilespmem:$0x1D6D0] =	vst v19  }
.LBB2_3:
0xd1: {  	s21 =	smul.u32 $0x5, s2;
	_ =	sdelay $0x1  }
0xd2: {  	v21 =	vadd.s32 s19, v7;
	v20 =	vmov s21  }
0xd3: {  	v25 =	vand.u32 $0x3F, v21;
	v24 =	vshll.u32 v20, $0x6  }
0xd4: {  	v30 =	vor.u32 v6, v25;
	v20 =	vadd.s32 v2, v24  }
0xd5: {  	v22 =	vadd.s32 v1, v24;
	v26 =	vor.u32 v20, v25  }
0xd6: {  	v23 =	vadd.s32 s19, v0;
	v21 =	vadd.s32 v4, v24;
	v27 =	vor.u32 v22, v25  }
0xd7: {  	v29 =	vand.u32 $0x3F, v23;
	v28 =	vor.u32 v21, v25  }
0xd8: {  	v31 =	vor.u32 v6, v29;
	v23 =	vadd.s32 v3, v24  }
0xd9: {  	v33 =	vor.u32 v23, v25;
	v39 =	vld.idx.msk [tilespmem:v30+s0+$0x0], $0xffff  }
0xda: {  	v24 =	vadd.s32 v5, v24;
	v62 =	vor.u32 v20, v29;
	v26 =	vld.idx.msk [tilespmem:v26+s25+$0x0], $0xffff  }
0xdb: {  	v25 =	vor.u32 v24, v25;
	v35 =	vld.idx.msk [tilespmem:v27+s25+$0x0], $0xffff  }
0xdc: {  	v40 =	vor.u32 v24, v29;
	v37 =	vld.idx.msk [tilespmem:v28+s25+$0x0], $0xffff  }
0xdd: {  	v43 =	vor.u32 v22, v29;
	v28 =	vld.idx.msk [tilespmem:v31+s0+$0x0], $0xffff  }
0xde: {  	v32 =	vadd.s32 s19, v10;
	v30 =	vor.u32 v23, v29;
	v33 =	vld.idx.msk [tilespmem:v33+s25+$0x0], $0xffff  }
0xdf: {  	v36 =	vand.u32 $0x3F, v32;
	v29 =	vor.u32 v21, v29;
	v42 =	vld.idx.msk [tilespmem:v62+s25+$0x0], $0xffff  }
0xe0: {  	v63 =	vadd.s32 s19, v9;
	v27 =	vor.u32 v21, v36;
	v46 =	vld.idx.msk [tilespmem:v25+s25+$0x0], $0xffff  }
0xe1: {  	v45 =	vand.u32 $0x3F, v63;
	v31 =	vor.u32 v6, v36;
	v41 =	vld.idx.msk [tilespmem:v40+s25+$0x0], $0xffff  }
0xe2: {  	v48 =	vor.u32 v6, v45;
	v44 =	vld.idx.msk [tilespmem:v43+s25+$0x0], $0xffff  }
0xe3: {  	v51 =	vld.idx.msk [tilespmem:v30+s25+$0x0], $0xffff  }
0xe4: {  	v52 =	vor.u32 v22, v45;
	v43 =	vld.idx.msk [tilespmem:v29+s25+$0x0], $0xffff  }
0xe5: {  	v34 =	vor.u32 v24, v45;
	v50 =	vor.u32 v21, v45;
	v49 =	vor.u32 v24, v36;
	v47 =	vld.idx.msk [tilespmem:v27+s25+$0x0], $0xffff  }
0xe6: {  	v40 =	vimm.f32 $0.0e+00;
	v38 =	vmul.f32 v26, v39;
	v26 =	vor.u32 v20, v45;
	v25 =	vld.idx.msk [tilespmem:v31+s0+$0x0], $0xffff  }
0xe7: {  	v29 =	vld.idx.msk [tilespmem:v48+s0+$0x0], $0xffff;
	v48 =	vor.u32 v23, v36;
	v27 =	vor.u32 v20, v36;
	v30 =	vmul.f32 v35, v39  }
0xe8: {  	v32 =	vmul.f32 v33, v39;
	v31 =	vmul.f32 v42, v28;
	v45 =	vor.u32 v23, v45  }
0xe9: {  	v42 =	vor.u32 v22, v36;
	v33 =	vmul.f32 v46, v39;
	v35 =	vmul.f32 v37, v39  }
0xea: {  	v39 =	vimm.f32 $0.0e+00;
	v36 =	vld.idx.msk [tilespmem:v52+s25+$0x0], $0xffff;
	v46 =	vmul.f32 v51, v28;
	v51 =	vadd.f32 v31, v19  }
0xeb: {  	s21 =	simm.s32 $0x4;
	v37 =	vimm.f32 $0.0e+00;
	v31 =	vld.idx.msk [tilespmem:v26+s25+$0x0], $0xffff;
	v26 =	vmul.f32 v47, v25;
	v47 =	vimm.f32 $0.0e+00  }
.LBB2_4:
0xec: {  	v52 =	vadd.s32 s21, v7;
	p0 =	sne.s32 s21, $0x3C;
	v41 =	vmul.f32 v41, v28;
	v38 =	vadd.f32 v38, v51;
	v50 =	vld.idx.msk [tilespmem:v50+s25+$0x0], $0xffff;
	s22 =	smov.u32 s21;
	s21 =	sadd.s32 $0x4, s21  }
0xed: {  	v44 =	vmul.f32 v44, v28;
	v51 =	vand.u32 $0x3F, v52;
	v52 =	vadd.s32 s22, v10;
	v45 =	vld.idx.msk [tilespmem:v45+s25+$0x0], $0xffff  }
0xee: {  	v28 =	vmul.f32 v43, v28;
	v53 =	vor.u32 v22, v51;
	v54 =	vor.u32 v20, v51;
	v43 =	vld.idx.msk [tilespmem:v49+s25+$0x0], $0xffff  }
0xef: {  	v49 =	vadd.s32 s22, v0;
	v55 =	vor.u32 v21, v51;
	v39 =	vadd.f32 v44, v39;
	v42 =	vld.idx.msk [tilespmem:v42+s25+$0x0], $0xffff  }
0xf0: {  	v46 =	vadd.f32 v46, v47;
	v44 =	vand.u32 $0x3F, v49;
	v49 =	vor.u32 v6, v51;
	v47 =	vld.idx.msk [tilespmem:v48+s25+$0x0], $0xffff  }
0xf1: {  	v52 =	vand.u32 $0x3F, v52;
	v48 =	vor.u32 v6, v44;
	v56 =	vor.u32 v22, v44;
	v57 =	vld.idx.msk [tilespmem:v27+s25+$0x0], $0xffff  }
0xf2: {  	v40 =	vadd.f32 v41, v40;
	v58 =	vor.u32 v24, v44;
	v59 =	vor.u32 v21, v44;
	v34 =	vld.idx.msk [tilespmem:v34+s25+$0x0], $0xffff  }
0xf3: {  	v60 =	vor.u32 v23, v51;
	v41 =	vor.u32 v23, v44;
	v50 =	vmul.f32 v50, v29;
	v54 =	vld.idx.msk [tilespmem:v54+s25+$0x0], $0xffff  }
0xf4: {  	v46 =	vadd.f32 v32, v46;
	v61 =	vor.u32 v6, v52;
	v44 =	vor.u32 v20, v44;
	v53 =	vld.idx.msk [tilespmem:v53+s25+$0x0], $0xffff  }
0xf5: {  	v32 =	vor.u32 v24, v51;
	v51 =	vor.u32 v21, v52;
	v37 =	vadd.f32 v28, v37;
	v55 =	vld.idx.msk [tilespmem:v55+s25+$0x0], $0xffff  }
0xf6: {  	v27 =	vor.u32 v20, v52;
	v45 =	vmul.f32 v45, v29;
	v47 =	vmul.f32 v47, v25;
	v62 =	vld.idx.msk [tilespmem:v49+s0+$0x0], $0xffff  }
0xf7: {  	v30 =	vadd.f32 v30, v39;
	v36 =	vmul.f32 v36, v29;
	v35 =	vadd.f32 v35, v37;
	v28 =	vld.idx.msk [tilespmem:v48+s0+$0x0], $0xffff  }
0xf8: {  	v33 =	vadd.f32 v33, v40;
	v40 =	vmul.f32 v43, v25;
	v34 =	vmul.f32 v34, v29;
	v37 =	vld.idx.msk [tilespmem:v60+s25+$0x0], $0xffff  }
0xf9: {  	v39 =	vadd.s32 s22, v9;
	v35 =	vadd.f32 v50, v35;
	v48 =	vmul.f32 v57, v25;
	v43 =	vld.idx.msk [tilespmem:v44+s25+$0x0], $0xffff  }
0xfa: {  	v49 =	vand.u32 $0x3F, v39;
	v29 =	vmul.f32 v31, v29;
	v31 =	vmul.f32 v42, v25;
	v57 =	vld.idx.msk [tilespmem:v51+s25+$0x0], $0xffff  }
0xfb: {  	v30 =	vadd.f32 v36, v30;
	v60 =	vor.u32 v6, v49;
	v36 =	vadd.f32 v34, v33;
	v51 =	vld.idx.msk [tilespmem:v32+s25+$0x0], $0xffff  }
0xfc: {  	v16 =	vor.u32 v22, v49;
	v34 =	vor.u32 v24, v49;
	v29 =	vadd.f32 v29, v38;
	v63 =	vld.idx.msk [tilespmem:v41+s25+$0x0], $0xffff  }
0xfd: {  	v39 =	vadd.f32 v31, v30;
	v38 =	vmul.f32 v54, v62;
	v54 =	vor.u32 v20, v49;
	v25 =	vld.idx.msk [tilespmem:v61+s0+$0x0], $0xffff  }
0xfe: {  	v31 =	vadd.f32 v45, v46;
	v30 =	vmul.f32 v53, v62;
	v32 =	vmul.f32 v37, v62;
	v41 =	vld.idx.msk [tilespmem:v58+s25+$0x0], $0xffff  }
.Ltmp0:
0xff: {  	v50 =	vor.u32 v21, v49;
	v48 =	vadd.f32 v48, v29;
	v37 =	vmul.f32 v43, v28;
	v44 =	vld.idx.msk [tilespmem:v56+s25+$0x0], $0xffff;
	(pc) =	sbr.rel @p0 .LBB2_4-.Ltmp0, $4  }
0x100: {  	v42 =	vor.u32 v22, v52;
	v45 =	vor.u32 v23, v49;
	v47 =	vadd.f32 v47, v31;
	v43 =	vld.idx.msk [tilespmem:v59+s25+$0x0], $0xffff  }
0x101: {  	v49 =	vor.u32 v24, v52;
	v40 =	vadd.f32 v40, v36;
	v33 =	vmul.f32 v51, v62;
	v29 =	vld.idx.msk [tilespmem:v60+s0+$0x0], $0xffff  }
0x102: {  	v51 =	vadd.f32 v37, v48;
	v37 =	vadd.f32 v26, v35;
	v46 =	vmul.f32 v63, v28;
	v31 =	vld.idx.msk [tilespmem:v54+s25+$0x0], $0xffff  }
0x103: {  	v35 =	vmul.f32 v55, v62;
	v48 =	vor.u32 v23, v52;
	v26 =	vmul.f32 v57, v25;
	v36 =	vld.idx.msk [tilespmem:v16+s25+$0x0], $0xffff  }
0x104: {  	_ =	sdelay $0x3  }
0x105: {  	v16 =	vld.idx.msk [tilespmem:v50+s25+$0x0], $0xffff  }
0x106: {  	v44 =	vmul.f32 v44, v28;
	v34 =	vld.idx.msk [tilespmem:v34+s25+$0x0], $0xffff  }
0x107: {  	v41 =	vmul.f32 v41, v28;
	v42 =	vld.idx.msk [tilespmem:v42+s25+$0x0], $0xffff;
	v63 =	vadd.f32 v46, v47  }
0x108: {  	v38 =	vadd.f32 v38, v51;
	v61 =	vld.idx.msk [tilespmem:v49+s25+$0x0], $0xffff;
	v28 =	vmul.f32 v43, v28;
	v39 =	vadd.f32 v44, v39  }
0x109: {  	v62 =	vld.idx.msk [tilespmem:v45+s25+$0x0], $0xffff;
	v40 =	vadd.f32 v41, v40;
	v32 =	vadd.f32 v32, v63  }
0x10a: {  	v27 =	vld.idx.msk [tilespmem:v27+s25+$0x0], $0xffff;
	v28 =	vadd.f32 v28, v37;
	v30 =	vadd.f32 v30, v39;
	v36 =	vmul.f32 v36, v29  }
0x10b: {  	v41 =	vld.idx.msk [tilespmem:v48+s25+$0x0], $0xffff;
	v33 =	vadd.f32 v33, v40;
	v16 =	vmul.f32 v16, v29;
	v34 =	vmul.f32 v34, v29  }
0x10c: {  	v28 =	vadd.f32 v35, v28;
	v42 =	vmul.f32 v42, v25;
	v30 =	vadd.f32 v36, v30  }
0x10d: {  	v31 =	vmul.f32 v31, v29;
	v43 =	vmul.f32 v61, v25;
	v33 =	vadd.f32 v34, v33  }
0x10e: {  	v29 =	vmul.f32 v62, v29;
	v16 =	vadd.f32 v16, v28;
	v28 =	vadd.f32 v42, v30  }
0x10f: {  	v27 =	vmul.f32 v27, v25;
	v30 =	vadd.f32 v31, v38;
	v31 =	vadd.f32 v43, v33  }
0x110: {  	v25 =	vmul.f32 v41, v25;
	v16 =	vadd.f32 v26, v16;
	v26 =	vmul.f32 $1.250000000e-01, v28  }
0x111: {  	s21 =	simm.s32 $0x0;
	v28 =	vadd.f32 v29, v32;
	v27 =	vadd.f32 v27, v30;
	v29 =	vmul.f32 $1.250000000e-01, v31  }
0x112: {  	v30 =	vadd.s32 s21, v0;
	v16 =	vmul.f32 $1.250000000e-01, v16;
	v26 =	vmul.f32 $1.442695020e+00, v26  }
0x113: {  	v25 =	vadd.f32 v25, v28;
	v28 =	vmul.f32 $1.442695020e+00, v29;
	v29 =	vand.u32 $0x3F, v30  }
0x114: {  	v16 =	vmul.f32 $1.442695020e+00, v16;
	(erf) = vpow2.f32 v26;
	v26 =	vor.u32 v22, v29  }
0x115: {  	v25 =	vmul.f32 $1.250000000e-01, v25;
	(erf) = vpow2.f32 v28;
	v28 =	vor.u32 v24, v29  }
0x116: {  	(erf) = vpow2.f32 v16  }
0x117: {  	v16 =	vmul.f32 $1.442695020e+00, v25;
	v25 =	vmul.f32 $1.250000000e-01, v27;
	v27 =	vor.u32 v21, v29;
	_ =	sdelay $0x1  }
0x118: {  	v31 =	vor.u32 v23, v29;
	(erf) = vpow2.f32 v16;
	v16 =	vmul.f32 $1.442695020e+00, v25;
	v26 =	vld.idx.msk [tilespmem:v26+s25+$0x0], $0xffff  }
0x119: {  	v44 =	vld.idx.msk [tilespmem:v28+s25+$0x0], $0xffff  }
0x11a: {  	(erf) = vpow2.f32 v16;
	v16 =	vor.u32 v20, v29  }
0x11b: {  	v27 =	vld.idx.msk [tilespmem:v27+s25+$0x0], $0xffff  }
0x11c: {  	v28 =	vpop (erf)  }
0x11d: {  	v29 =	vld.idx.msk [tilespmem:v31+s25+$0x0], $0xffff;
	v25 =	vpop (erf)  }
0x11e: {  	v31 =	vmul.f32 v26, v28;
	v32 =	vmul.f32 v44, v25  }
0x11f: {  	v26 =	vpop (erf);
	v16 =	vld.idx.msk [tilespmem:v16+s25+$0x0], $0xffff  }
0x120: {  	v45 =	vmul.f32 v27, v26;
	v31 =	vadd.f32 v32, v31  }
0x121: {  	v46 =	vadd.s32 s21, v7;
	v30 =	vshll.u32 v30, $0x4;
	v27 =	vpop (erf)  }
0x122: {  	v30 =	vor.u32 v0, v30;
	v47 =	vmul.f32 v29, v27;
	v31 =	vadd.f32 v45, v31  }
0x123: {  	v48 =	vand.u32 $0x3F, v46;
	v30 =	vand.u32 v11, v30;
	v29 =	vpop (erf)  }
0x124: {  	v49 =	vor.u32 v22, v48;
	v16 =	vmul.f32 v16, v29;
	v31 =	vadd.f32 v47, v31  }
0x125: {  	v50 =	vor.u32 v24, v48  }
0x126: {  	v16 =	vadd.f32 v16, v31  }
0x127: {  	v31 =	vor.u32 v21, v48  }
0x128: {  	[tilespmem:v30+s13+$0x0] =	vst.idx.add.f32.msk $0xffff, v16  }
0x129: {  	v30 =	vor.u32 v23, v48;
	v16 =	vld.idx.msk [tilespmem:v49+s25+$0x0], $0xffff  }
0x12a: {  	v51 =	vld.idx.msk [tilespmem:v50+s25+$0x0], $0xffff  }
0x12b: {  	v34 =	vor.u32 v20, v48  }
0x12c: {  	v31 =	vld.idx.msk [tilespmem:v31+s25+$0x0], $0xffff;
	_ =	sdelay $0x1  }
0x12d: {  	v30 =	vld.idx.msk [tilespmem:v30+s25+$0x0], $0xffff  }
0x12e: {  	v16 =	vmul.f32 v16, v28;
	v32 =	vmul.f32 v51, v25  }
0x12f: {  	v34 =	vld.idx.msk [tilespmem:v34+s25+$0x0], $0xffff  }
0x130: {  	v33 =	vshll.u32 v46, $0x4;
	v16 =	vadd.f32 v32, v16;
	v31 =	vmul.f32 v31, v26  }
0x131: {  	v52 =	vor.u32 v0, v33  }
0x132: {  	v16 =	vadd.f32 v31, v16;
	v30 =	vmul.f32 v30, v27;
	v31 =	vadd.s32 s21, v9  }
0x133: {  	v32 =	vand.u32 v11, v52;
	v53 =	vand.u32 $0x3F, v31  }
0x134: {  	v16 =	vadd.f32 v30, v16;
	v30 =	vmul.f32 v34, v29;
	v54 =	vor.u32 v22, v53  }
0x135: {  	v55 =	vor.u32 v24, v53  }
0x136: {  	v16 =	vadd.f32 v30, v16  }
0x137: {  	v30 =	vor.u32 v21, v53  }
0x138: {  	[tilespmem:v32+s13+$0x0] =	vst.idx.add.f32.msk $0xffff, v16  }
0x139: {  	v56 =	vor.u32 v23, v53;
	v16 =	vld.idx.msk [tilespmem:v54+s25+$0x0], $0xffff  }
0x13a: {  	v57 =	vld.idx.msk [tilespmem:v55+s25+$0x0], $0xffff  }
0x13b: {  	v33 =	vor.u32 v20, v53  }
0x13c: {  	v30 =	vld.idx.msk [tilespmem:v30+s25+$0x0], $0xffff;
	_ =	sdelay $0x1  }
0x13d: {  	v32 =	vld.idx.msk [tilespmem:v56+s25+$0x0], $0xffff  }
0x13e: {  	v16 =	vmul.f32 v16, v28;
	v34 =	vmul.f32 v57, v25  }
0x13f: {  	v33 =	vld.idx.msk [tilespmem:v33+s25+$0x0], $0xffff  }
0x140: {  	v16 =	vadd.f32 v34, v16;
	v30 =	vmul.f32 v30, v26  }
0x141: {  	v58 =	vadd.s32 s21, v10;
	v31 =	vshll.u32 v31, $0x4  }
0x142: {  	v31 =	vor.u32 v0, v31;
	v16 =	vadd.f32 v30, v16;
	v30 =	vmul.f32 v32, v27  }
0x143: {  	v59 =	vand.u32 $0x3F, v58;
	v31 =	vand.u32 v11, v31  }
0x144: {  	v60 =	vor.u32 v22, v59;
	v16 =	vadd.f32 v30, v16;
	v30 =	vmul.f32 v33, v29  }
0x145: {  	v61 =	vor.u32 v24, v59  }
0x146: {  	v16 =	vadd.f32 v30, v16  }
0x147: {  	v30 =	vor.u32 v21, v59  }
0x148: {  	v62 =	vor.u32 v23, v59;
	[tilespmem:v31+s13+$0x0] =	vst.idx.add.f32.msk $0xffff, v16  }
0x149: {  	v16 =	vld.idx.msk [tilespmem:v60+s25+$0x0], $0xffff  }
0x14a: {  	v63 =	vor.u32 v20, v59;
	v31 =	vld.idx.msk [tilespmem:v61+s25+$0x0], $0xffff;
	_ =	sdelay $0x1  }
0x14b: {  	v30 =	vld.idx.msk [tilespmem:v30+s25+$0x0], $0xffff  }
0x14c: {  	v36 =	vld.idx.msk [tilespmem:v62+s25+$0x0], $0xffff  }
0x14d: {  	v32 =	vshll.u32 v58, $0x4  }
0x14e: {  	v32 =	vor.u32 v0, v32;
	v33 =	vld.idx.msk [tilespmem:v63+s25+$0x0], $0xffff;
	v16 =	vmul.f32 v16, v28;
	v35 =	vmul.f32 v31, v25  }
0x14f: {  	s21 =	simm.s32 $0x4;
	v31 =	vand.u32 v11, v32  }
0x150: {  	v34 =	vmul.f32 v30, v26;
	v30 =	vadd.s32 s21, v0;
	v35 =	vadd.f32 v35, v16  }
0x151: {  	s22 =	simm.s32 $0x8;
	v36 =	vmul.f32 v36, v27;
	v32 =	vand.u32 $0x3F, v30;
	v30 =	vshll.u32 v30, $0x4  }
.LBB2_6:
0x152: {  	p0 =	sne.s32 s22, $0x3C;
	v16 =	vor.u32 v22, v32;
	v37 =	vor.u32 v24, v32;
	v34 =	vadd.f32 v34, v35;
	s23 =	smov.u32 s22;
	s22 =	sadd.s32 $0x4, s22  }
0x153: {  	v33 =	vmul.f32 v33, v29  }
0x154: {  	v34 =	vadd.f32 v36, v34;
	_ =	sdelay $0x1  }
0x155: {  	v33 =	vadd.f32 v33, v34  }
0x156: {  	v34 =	vor.u32 v21, v32  }
0x157: {  	[tilespmem:v31+s13+$0x0] =	vst.idx.add.f32.msk $0xffff, v33  }
0x158: {  	v31 =	vor.u32 v23, v32;
	v16 =	vld.idx.msk [tilespmem:v16+s25+$0x0], $0xffff  }
0x159: {  	v33 =	vld.idx.msk [tilespmem:v37+s25+$0x0], $0xffff  }
0x15a: {  	v32 =	vor.u32 v20, v32  }
0x15b: {  	v34 =	vld.idx.msk [tilespmem:v34+s25+$0x0], $0xffff;
	_ =	sdelay $0x1  }
0x15c: {  	v31 =	vld.idx.msk [tilespmem:v31+s25+$0x0], $0xffff;
	_ =	sdelay $0x1  }
0x15d: {  	v16 =	vmul.f32 v16, v28;
	v33 =	vmul.f32 v33, v25;
	v32 =	vld.idx.msk [tilespmem:v32+s25+$0x0], $0xffff;
	_ =	sdelay $0x1  }
0x15e: {  	v16 =	vadd.f32 v33, v16;
	v33 =	vmul.f32 v34, v26  }
0x15f: {  	v34 =	vadd.s32 s21, v7  }
0x160: {  	v30 =	vor.u32 v0, v30;
	v16 =	vadd.f32 v33, v16;
	v31 =	vmul.f32 v31, v27  }
0x161: {  	v30 =	vand.u32 v11, v30;
	v33 =	vand.u32 $0x3F, v34;
	v34 =	vshll.u32 v34, $0x4  }
0x162: {  	v16 =	vadd.f32 v31, v16;
	v31 =	vmul.f32 v32, v29;
	v32 =	vor.u32 v22, v33  }
0x163: {  	v35 =	vor.u32 v24, v33;
	v34 =	vor.u32 v0, v34  }
0x164: {  	v16 =	vadd.f32 v31, v16  }
0x165: {  	v31 =	vor.u32 v21, v33  }
0x166: {  	[tilespmem:v30+s13+$0x0] =	vst.idx.add.f32.msk $0xffff, v16  }
0x167: {  	v30 =	vor.u32 v23, v33;
	v16 =	vld.idx.msk [tilespmem:v32+s25+$0x0], $0xffff  }
0x168: {  	v32 =	vld.idx.msk [tilespmem:v35+s25+$0x0], $0xffff  }
0x169: {  	v33 =	vor.u32 v20, v33  }
0x16a: {  	v31 =	vld.idx.msk [tilespmem:v31+s25+$0x0], $0xffff;
	_ =	sdelay $0x1  }
0x16b: {  	v30 =	vld.idx.msk [tilespmem:v30+s25+$0x0], $0xffff;
	_ =	sdelay $0x1  }
0x16c: {  	v16 =	vmul.f32 v16, v28;
	v32 =	vmul.f32 v32, v25;
	v33 =	vld.idx.msk [tilespmem:v33+s25+$0x0], $0xffff;
	_ =	sdelay $0x1  }
0x16d: {  	v16 =	vadd.f32 v32, v16;
	v31 =	vmul.f32 v31, v26;
	_ =	sdelay $0x1  }
0x16e: {  	v16 =	vadd.f32 v31, v16;
	v30 =	vmul.f32 v30, v27;
	v31 =	vadd.s32 s21, v9  }
0x16f: {  	v32 =	vand.u32 v11, v34;
	v34 =	vand.u32 $0x3F, v31;
	v31 =	vshll.u32 v31, $0x4  }
0x170: {  	v16 =	vadd.f32 v30, v16;
	v30 =	vmul.f32 v33, v29;
	v33 =	vor.u32 v22, v34  }
0x171: {  	v35 =	vor.u32 v24, v34;
	v31 =	vor.u32 v0, v31  }
0x172: {  	v16 =	vadd.f32 v30, v16  }
0x173: {  	v30 =	vor.u32 v21, v34  }
0x174: {  	[tilespmem:v32+s13+$0x0] =	vst.idx.add.f32.msk $0xffff, v16  }
0x175: {  	v32 =	vor.u32 v23, v34;
	v16 =	vld.idx.msk [tilespmem:v33+s25+$0x0], $0xffff  }
0x176: {  	v33 =	vld.idx.msk [tilespmem:v35+s25+$0x0], $0xffff  }
0x177: {  	v34 =	vor.u32 v20, v34  }
0x178: {  	v30 =	vld.idx.msk [tilespmem:v30+s25+$0x0], $0xffff;
	_ =	sdelay $0x1  }
0x179: {  	v32 =	vld.idx.msk [tilespmem:v32+s25+$0x0], $0xffff  }
0x17a: {  	v16 =	vmul.f32 v16, v28  }
0x17b: {  	v33 =	vmul.f32 v33, v25;
	v34 =	vld.idx.msk [tilespmem:v34+s25+$0x0], $0xffff;
	_ =	sdelay $0x1  }
0x17c: {  	v16 =	vadd.f32 v33, v16;
	v30 =	vmul.f32 v30, v26;
	_ =	sdelay $0x1  }
0x17d: {  	v16 =	vadd.f32 v30, v16;
	v30 =	vmul.f32 v32, v27;
	v32 =	vadd.s32 s21, v10;
	s21 =	smov.u32 s23  }
0x17e: {  	v33 =	vand.u32 v11, v31;
	v35 =	vand.u32 $0x3F, v32;
	v31 =	vshll.u32 v32, $0x4  }
0x17f: {  	v16 =	vadd.f32 v30, v16;
	v30 =	vmul.f32 v34, v29;
	v32 =	vor.u32 v22, v35  }
0x180: {  	v34 =	vor.u32 v24, v35;
	v31 =	vor.u32 v0, v31  }
0x181: {  	v31 =	vand.u32 v11, v31;
	v16 =	vadd.f32 v30, v16;
	v30 =	vor.u32 v21, v35  }
0x182: {  	v36 =	vor.u32 v23, v35  }
0x183: {  	[tilespmem:v33+s13+$0x0] =	vst.idx.add.f32.msk $0xffff, v16;
	v16 =	vor.u32 v20, v35  }
0x184: {  	v32 =	vld.idx.msk [tilespmem:v32+s25+$0x0], $0xffff  }
0x185: {  	v34 =	vld.idx.msk [tilespmem:v34+s25+$0x0], $0xffff  }
0x186: {  	v30 =	vld.idx.msk [tilespmem:v30+s25+$0x0], $0xffff  }
0x187: {  	v36 =	vld.idx.msk [tilespmem:v36+s25+$0x0], $0xffff  }
0x188: {  	v33 =	vld.idx.msk [tilespmem:v16+s25+$0x0], $0xffff;
	_ =	sdelay $0x1  }
.Ltmp1:
0x189: {  	v16 =	vmul.f32 v32, v28;
	(pc) =	sbr.rel @p0 .LBB2_6-.Ltmp1, $4  }
0x18a: {  	v32 =	vmul.f32 v34, v25  }
0x18b: {  	v34 =	vmul.f32 v30, v26  }
0x18c: {  	v30 =	vadd.s32 s21, v0;
	v35 =	vadd.f32 v32, v16  }
0x18d: {  	v32 =	vand.u32 $0x3F, v30;
	v30 =	vshll.u32 v30, $0x4;
	v36 =	vmul.f32 v36, v27  }
0x18e: {  	v16 =	vadd.f32 v34, v35;
	_ =	sdelay $0x1  }
0x18f: {  	v58 =	vor.u32 v22, v32;
	v33 =	vmul.f32 v33, v29;
	v16 =	vadd.f32 v36, v16  }
0x190: {  	v59 =	vor.u32 v24, v32  }
0x191: {  	v16 =	vadd.f32 v33, v16  }
0x192: {  	v60 =	vor.u32 v21, v32  }
0x193: {  	[tilespmem:v31+s13+$0x0] =	vst.idx.add.f32.msk $0xffff, v16  }
0x194: {  	v61 =	vor.u32 v23, v32;
	v16 =	vld.idx.msk [tilespmem:v58+s25+$0x0], $0xffff  }
0x195: {  	v62 =	vld.idx.msk [tilespmem:v59+s25+$0x0], $0xffff  }
0x196: {  	v63 =	vor.u32 v20, v32  }
0x197: {  	v33 =	vld.idx.msk [tilespmem:v60+s25+$0x0], $0xffff;
	_ =	sdelay $0x1  }
0x198: {  	v31 =	vld.idx.msk [tilespmem:v61+s25+$0x0], $0xffff  }
0x199: {  	v16 =	vmul.f32 v16, v28;
	v34 =	vmul.f32 v62, v25  }
0x19a: {  	v32 =	vld.idx.msk [tilespmem:v63+s25+$0x0], $0xffff  }
0x19b: {  	v33 =	vmul.f32 v33, v26;
	v16 =	vadd.f32 v34, v16  }
0x19c: {  	v30 =	vor.u32 v0, v30  }
0x19d: {  	v36 =	vadd.s32 s21, v7;
	v31 =	vmul.f32 v31, v27;
	v16 =	vadd.f32 v33, v16  }
0x19e: {  	v30 =	vand.u32 v11, v30;
	v37 =	vand.u32 $0x3F, v36  }
0x19f: {  	v39 =	vor.u32 v22, v37;
	v38 =	vmul.f32 v32, v29;
	v16 =	vadd.f32 v31, v16  }
0x1a0: {  	v40 =	vor.u32 v24, v37  }
0x1a1: {  	v16 =	vadd.f32 v38, v16  }
0x1a2: {  	v41 =	vor.u32 v21, v37  }
0x1a3: {  	[tilespmem:v30+s13+$0x0] =	vst.idx.add.f32.msk $0xffff, v16  }
0x1a4: {  	v42 =	vor.u32 v23, v37;
	v16 =	vld.idx.msk [tilespmem:v39+s25+$0x0], $0xffff  }
0x1a5: {  	v43 =	vld.idx.msk [tilespmem:v40+s25+$0x0], $0xffff  }
0x1a6: {  	v33 =	vor.u32 v20, v37  }
0x1a7: {  	v31 =	vld.idx.msk [tilespmem:v41+s25+$0x0], $0xffff;
	_ =	sdelay $0x1  }
0x1a8: {  	v30 =	vld.idx.msk [tilespmem:v42+s25+$0x0], $0xffff  }
0x1a9: {  	v16 =	vmul.f32 v16, v28;
	v32 =	vmul.f32 v43, v25  }
0x1aa: {  	v33 =	vld.idx.msk [tilespmem:v33+s25+$0x0], $0xffff  }
0x1ab: {  	v31 =	vmul.f32 v31, v26;
	v16 =	vadd.f32 v32, v16  }
0x1ac: {  	v45 =	vadd.s32 s21, v9;
	v34 =	vshll.u32 v36, $0x4  }
0x1ad: {  	v44 =	vor.u32 v0, v34;
	v30 =	vmul.f32 v30, v27;
	v16 =	vadd.f32 v31, v16  }
0x1ae: {  	v46 =	vand.u32 $0x3F, v45;
	v32 =	vand.u32 v11, v44  }
0x1af: {  	v48 =	vor.u32 v22, v46;
	v47 =	vmul.f32 v33, v29;
	v16 =	vadd.f32 v30, v16  }
0x1b0: {  	v49 =	vor.u32 v24, v46  }
0x1b1: {  	v16 =	vadd.f32 v47, v16  }
0x1b2: {  	v50 =	vor.u32 v21, v46  }
0x1b3: {  	[tilespmem:v32+s13+$0x0] =	vst.idx.add.f32.msk $0xffff, v16  }
0x1b4: {  	v51 =	vor.u32 v23, v46;
	v16 =	vld.idx.msk [tilespmem:v48+s25+$0x0], $0xffff  }
0x1b5: {  	v52 =	vld.idx.msk [tilespmem:v49+s25+$0x0], $0xffff  }
0x1b6: {  	v34 =	vor.u32 v20, v46  }
0x1b7: {  	v30 =	vld.idx.msk [tilespmem:v50+s25+$0x0], $0xffff;
	_ =	sdelay $0x1  }
0x1b8: {  	v32 =	vld.idx.msk [tilespmem:v51+s25+$0x0], $0xffff  }
0x1b9: {  	v16 =	vmul.f32 v16, v28;
	v33 =	vmul.f32 v52, v25  }
0x1ba: {  	v34 =	vld.idx.msk [tilespmem:v34+s25+$0x0], $0xffff  }
0x1bb: {  	v30 =	vmul.f32 v30, v26;
	v16 =	vadd.f32 v33, v16  }
0x1bc: {  	v54 =	vadd.s32 s21, v10;
	v31 =	vshll.u32 v45, $0x4  }
0x1bd: {  	v31 =	vor.u32 v0, v31;
	v53 =	vmul.f32 v32, v27;
	v16 =	vadd.f32 v30, v16  }
0x1be: {  	v55 =	vand.u32 $0x3F, v54;
	v31 =	vand.u32 v11, v31  }
0x1bf: {  	v57 =	vor.u32 v22, v55;
	v56 =	vmul.f32 v34, v29;
	v16 =	vadd.f32 v53, v16  }
0x1c0: {  	v58 =	vor.u32 v24, v55  }
0x1c1: {  	v16 =	vadd.f32 v56, v16  }
0x1c2: {  	v59 =	vor.u32 v21, v55  }
0x1c3: {  	[tilespmem:v31+s13+$0x0] =	vst.idx.add.f32.msk $0xffff, v16  }
0x1c4: {  	v16 =	vor.u32 v23, v55;
	v22 =	vld.idx.msk [tilespmem:v57+s25+$0x0], $0xffff  }
0x1c5: {  	v60 =	vld.idx.msk [tilespmem:v58+s25+$0x0], $0xffff  }
0x1c6: {  	v20 =	vor.u32 v20, v55  }
0x1c7: {  	v21 =	vld.idx.msk [tilespmem:v59+s25+$0x0], $0xffff;
	_ =	sdelay $0x1  }
0x1c8: {  	v16 =	vld.idx.msk [tilespmem:v16+s25+$0x0], $0xffff  }
0x1c9: {  	v22 =	vmul.f32 v22, v28;
	v23 =	vmul.f32 v60, v25  }
0x1ca: {  	v18 =	vadd.f32 v28, v18;
	v20 =	vld.idx.msk [tilespmem:v20+s25+$0x0], $0xffff  }
0x1cb: {  	v21 =	vmul.f32 v21, v26;
	v22 =	vadd.f32 v23, v22  }
0x1cc: {  	v18 =	vadd.f32 v25, v18;
	v61 =	vshll.u32 v54, $0x4  }
0x1cd: {  	s2 =	sadd.s32 $0x1, s2;
	v62 =	vor.u32 v0, v61;
	v16 =	vmul.f32 v16, v27;
	v21 =	vadd.f32 v21, v22  }
0x1ce: {  	p0 =	sne.s32 s2, $0xA;
	v63 =	vand.u32 v11, v62  }
.Ltmp2:
0x1cf: {  	v18 =	vadd.f32 v26, v18;
	v20 =	vmul.f32 v20, v29;
	v16 =	vadd.f32 v16, v21;
	(pc) =	sbr.rel @p0 .LBB2_3-.Ltmp2, $3  }
0x1d0: {  	_ = 	snop  }
0x1d1: {  	v18 =	vadd.f32 v27, v18;
	v16 =	vadd.f32 v20, v16;
	_ =	sdelay $0x1  }
0x1d2: {  	v18 =	vadd.f32 v29, v18;
	[tilespmem:v63+s13+$0x0] =	vst.idx.add.f32.msk $0xffff, v16  }
0x1d3: {  	s2 =	simm.s32 $0x0  }
0x1d4: {  	v16 =	vadd.s32 s2, v0  }
0x1d5: {  	v19 =	vand.u32 $0x3F, v16  }
0x1d6: {  	v20 =	vor.u32 v12, v19  }
0x1d7: {  	v21 =	vor.u32 v8, v19  }
0x1d8: {  	v22 =	vor.u32 v14, v19  }
0x1d9: {  	v23 =	vor.u32 v13, v19  }
0x1da: {  	v25 =	vadd.s32 s2, v7;
	v24 =	vor.u32 v15, v19  }
0x1db: {  	v26 =	vand.u32 $0x3F, v25;
	v19 =	vor.u32 v6, v19;
	v20 =	vld.idx.msk [tilespmem:v20+s26+$0x0], $0xffff  }
0x1dc: {  	v16 =	vshll.u32 v16, $0x4;
	v28 =	vor.u32 v12, v26;
	v21 =	vld.idx.msk [tilespmem:v21+s26+$0x0], $0xffff  }
0x1dd: {  	v16 =	vand.u32 $0x3F0, v16;
	v30 =	vor.u32 v13, v26;
	v22 =	vld.idx.msk [tilespmem:v22+s26+$0x0], $0xffff  }
0x1de: {  	v31 =	vadd.s32 s2, v9;
	v25 =	vshll.u32 v25, $0x4;
	v16 =	vor.u32 v0, v16;
	v23 =	vld.idx.msk [tilespmem:v23+s26+$0x0], $0xffff  }
0x1df: {  	v34 =	vshll.u32 v31, $0x4;
	v31 =	vand.u32 $0x3F, v31;
	v33 =	vor.u32 v15, v26;
	v24 =	vld.idx.msk [tilespmem:v24+s26+$0x0], $0xffff  }
0x1e0: {  	v25 =	vand.u32 $0x3F0, v25;
	v34 =	vand.u32 $0x3F0, v34;
	v39 =	vor.u32 v8, v31;
	v19 =	vld.idx.msk [tilespmem:v19+s1+$0x0], $0xffff  }
0x1e1: {  	v35 =	vor.u32 v6, v31;
	v36 =	vor.u32 v14, v31;
	v25 =	vor.u32 v0, v25;
	v28 =	vld.idx.msk [tilespmem:v28+s26+$0x0], $0xffff  }
0x1e2: {  	v37 =	vor.u32 v12, v31;
	v38 =	vor.u32 v13, v31;
	v31 =	vor.u32 v15, v31;
	v30 =	vld.idx.msk [tilespmem:v30+s26+$0x0], $0xffff  }
0x1e3: {  	v34 =	vor.u32 v0, v34;
	v16 =	vld.idx.msk [tilespmem:v16+s13+$0x0], $0xffff  }
0x1e4: {  	v27 =	vor.u32 v6, v26;
	v33 =	vld.idx.msk [tilespmem:v33+s26+$0x0], $0xffff  }
0x1e5: {  	v53 =	vadd.s32 s2, v10;
	s2 =	simm.s32 $0x4;
	v29 =	vor.u32 v14, v26;
	v39 =	vld.idx.msk [tilespmem:v39+s26+$0x0], $0xffff  }
0x1e6: {  	v32 =	vimm.f32 $0.0e+00;
	v41 =	vand.u32 $0x3F, v53;
	v42 =	vadd.s32 s2, v0;
	v25 =	vld.idx.msk [tilespmem:v25+s13+$0x0], $0xffff  }
0x1e7: {  	v26 =	vor.u32 v8, v26;
	v54 =	vor.u32 v12, v41;
	v56 =	vor.u32 v13, v41;
	v31 =	vld.idx.msk [tilespmem:v31+s26+$0x0], $0xffff  }
0x1e8: {  	v57 =	vand.u32 $0x3F, v42;
	v58 =	vor.u32 v14, v41;
	v34 =	vld.idx.msk [tilespmem:v34+s13+$0x0], $0xffff;
	v23 =	vmul.f32 v23, v16  }
0x1e9: {  	v59 =	vor.u32 v15, v41;
	v27 =	vld.idx.msk [tilespmem:v27+s1+$0x0], $0xffff;
	v24 =	vmul.f32 v24, v16;
	v20 =	vmul.f32 v20, v16  }
0x1ea: {  	v61 =	vor.u32 v6, v41;
	v29 =	vld.idx.msk [tilespmem:v29+s26+$0x0], $0xffff;
	v22 =	vmul.f32 v22, v16;
	v21 =	vmul.f32 v21, v16  }
0x1eb: {  	v44 =	vor.u32 v12, v57;
	v16 =	vmul.f32 v19, v16;
	v28 =	vmul.f32 v28, v25  }
0x1ec: {  	v46 =	vor.u32 v14, v57;
	v26 =	vld.idx.msk [tilespmem:v26+s26+$0x0], $0xffff;
	v30 =	vmul.f32 v30, v25;
	v55 =	vmul.f32 v33, v25  }
0x1ed: {  	v38 =	vld.idx.msk [tilespmem:v38+s26+$0x0], $0xffff;
	v39 =	vmul.f32 v39, v34;
	v31 =	vmul.f32 v31, v34;
	v24 =	vadd.f32 v24, v32  }
0x1ee: {  	v19 =	vadd.f32 v23, v32;
	v23 =	vld.idx.msk [tilespmem:v35+s1+$0x0], $0xffff;
	v40 =	vadd.f32 v20, v32;
	v20 =	vmul.f32 v27, v25  }
0x1ef: {  	v49 =	vld.idx.msk [tilespmem:v58+s26+$0x0], $0xffff;
	v27 =	vmul.f32 v29, v25;
	v29 =	vshll.u32 v53, $0x4;
	v22 =	vadd.f32 v22, v32  }
0x1f0: {  	v63 =	vld.idx.msk [tilespmem:v59+s26+$0x0], $0xffff;
	v21 =	vadd.f32 v21, v32;
	v16 =	vadd.f32 v16, v32;
	v29 =	vand.u32 $0x3F0, v29  }
0x1f1: {  	v33 =	vld.idx.msk [tilespmem:v56+s26+$0x0], $0xffff;
	v25 =	vmul.f32 v26, v25;
	v26 =	vor.u32 v0, v29;
	v27 =	vadd.f32 v27, v22  }
0x1f2: {  	v35 =	vld.idx.msk [tilespmem:v37+s26+$0x0], $0xffff;
	v29 =	vor.u32 v8, v41;
	v32 =	vadd.f32 v55, v24;
	v30 =	vadd.f32 v30, v19  }
0x1f3: {  	v37 =	vld.idx.msk [tilespmem:v54+s26+$0x0], $0xffff;
	v24 =	vor.u32 v13, v57;
	v43 =	vmul.f32 v23, v34;
	v23 =	vshll.u32 v42, $0x4  }
0x1f4: {  	v22 =	vld.idx.msk [tilespmem:v36+s26+$0x0], $0xffff;
	v21 =	vadd.f32 v25, v21;
	v19 =	vadd.s32 s2, v7;
	v23 =	vand.u32 $0x3F0, v23  }
0x1f5: {  	v16 =	vadd.f32 v20, v16;
	v20 =	vld.idx.msk [tilespmem:v44+s26+$0x0], $0xffff;
	v45 =	vor.u32 v0, v23;
	v23 =	vor.u32 v8, v57  }
0x1f6: {  	v25 =	vor.u32 v6, v57;
	v50 =	vadd.f32 v28, v40;
	v60 =	vand.u32 $0x3F, v19;
	v47 =	vld.idx.msk [tilespmem:v26+s13+$0x0], $0xffff  }
0x1f7: {  	v62 =	vor.u32 v6, v60;
	v51 =	vor.u32 v15, v60;
	v26 =	vor.u32 v15, v57;
	v29 =	vld.idx.msk [tilespmem:v29+s26+$0x0], $0xffff  }
0x1f8: {  	v53 =	vor.u32 v12, v60;
	v56 =	vadd.f32 v31, v32;
	v42 =	vor.u32 v14, v60;
	v52 =	vld.idx.msk [tilespmem:v24+s26+$0x0], $0xffff  }
0x1f9: {  	v48 =	vmul.f32 v22, v34;
	v22 =	vshll.u32 v19, $0x4;
	v24 =	vadd.f32 v39, v21;
	v57 =	vld.idx.msk [tilespmem:v61+s1+$0x0], $0xffff  }
0x1fa: {  	v21 =	vadd.s32 s2, v9;
	v44 =	vadd.f32 v43, v16;
	v28 =	vand.u32 $0x3F0, v22;
	v19 =	vld.idx.msk [tilespmem:v23+s26+$0x0], $0xffff  }
0x1fb: {  	v22 =	vor.u32 v8, v60;
	v61 =	vand.u32 $0x3F, v21;
	v41 =	vor.u32 v0, v28;
	v23 =	vld.idx.msk [tilespmem:v46+s26+$0x0], $0xffff  }
0x1fc: {  	v28 =	vmul.f32 v38, v34;
	v48 =	vadd.f32 v48, v27;
	v36 =	vor.u32 v6, v61;
	v54 =	vld.idx.msk [tilespmem:v26+s26+$0x0], $0xffff  }
0x1fd: {  	v27 =	vmul.f32 v35, v34;
	v40 =	vor.u32 v12, v61;
	v34 =	vor.u32 v13, v61;
	v26 =	vld.idx.msk [tilespmem:v25+s1+$0x0], $0xffff  }
0x1fe: {  	v31 =	vor.u32 v8, v61;
	v46 =	vor.u32 v13, v60;
	v55 =	vmul.f32 v33, v47;
	v33 =	vld.idx.msk [tilespmem:v45+s13+$0x0], $0xffff  }
0x1ff: {  	v32 =	vor.u32 v15, v61;
	v16 =	vadd.f32 v27, v50;
	v60 =	vadd.f32 v28, v30;
	v28 =	vld.idx.msk [tilespmem:v53+s26+$0x0], $0xffff  }
0x200: {  	v37 =	vmul.f32 v37, v47;
	v25 =	vshll.u32 v21, $0x4;
	v38 =	vmul.f32 v29, v47;
	v29 =	vld.idx.msk [tilespmem:v42+s26+$0x0], $0xffff  }
0x201: {  	v21 =	vand.u32 $0x3F0, v25;
	v25 =	vld.idx.msk [tilespmem:v62+s1+$0x0], $0xffff;
	v62 =	vmul.f32 v63, v47;
	v63 =	vmul.f32 v49, v47  }
0x202: {  	v35 =	vor.u32 v0, v21;
	v21 =	vor.u32 v14, v61;
	v42 =	vadd.f32 v55, v60;
	v27 =	vld.idx.msk [tilespmem:v41+s13+$0x0], $0xffff  }
0x203: {  	v41 =	vadd.f32 v37, v16;
	v45 =	vadd.f32 v62, v56;
	v30 =	vld.idx.msk [tilespmem:v46+s26+$0x0], $0xffff;
	v46 =	vmul.f32 v57, v47  }
0x204: {  	s19 =	simm.s32 $0x8;
	v37 =	vld.idx.msk [tilespmem:v51+s26+$0x0], $0xffff;
	v39 =	vadd.f32 v63, v48;
	v43 =	vmul.f32 v52, v33;
	v47 =	vmul.f32 v54, v33  }
.LBB2_9:
0x205: {  	p0 =	sne.s32 s19, $0x3C;
	v16 =	vmul.f32 v20, v33;
	v20 =	vmul.f32 v23, v33;
	v22 =	vld.idx.msk [tilespmem:v22+s26+$0x0], $0xffff;
	v23 =	vadd.f32 v46, v44;
	s21 =	smov.u32 s19;
	s19 =	sadd.s32 $0x4, s19  }
0x206: {  	v19 =	vmul.f32 v19, v33;
	v24 =	vadd.f32 v38, v24;
	v44 =	vadd.f32 v47, v45;
	v40 =	vld.idx.msk [tilespmem:v40+s26+$0x0], $0xffff  }
0x207: {  	v26 =	vmul.f32 v26, v33;
	v38 =	vadd.s32 s2, v10;
	v33 =	vadd.f32 v43, v42;
	s2 =	smov.u32 s21;
	v36 =	vld.idx.msk [tilespmem:v36+s1+$0x0], $0xffff  }
0x208: {  	v19 =	vadd.f32 v19, v24;
	v16 =	vadd.f32 v16, v41;
	v35 =	vld.idx.msk [tilespmem:v35+s13+$0x0], $0xffff  }
0x209: {  	v23 =	vadd.f32 v26, v23;
	v26 =	vand.u32 $0x3F, v38;
	v24 =	vmul.f32 v28, v27  }
0x20a: {  	v25 =	vmul.f32 v25, v27;
	v28 =	vmul.f32 v29, v27;
	v29 =	vld.idx.msk [tilespmem:v34+s26+$0x0], $0xffff;
	v34 =	vshll.u32 v38, $0x4  }
0x20b: {  	v30 =	vmul.f32 v30, v27;
	v38 =	vor.u32 v12, v26;
	v34 =	vand.u32 $0x3F0, v34  }
0x20c: {  	v20 =	vadd.f32 v20, v39;
	v39 =	vor.u32 v13, v26;
	v37 =	vmul.f32 v37, v27;
	v31 =	vld.idx.msk [tilespmem:v31+s26+$0x0], $0xffff  }
0x20d: {  	v22 =	vmul.f32 v22, v27;
	v27 =	vld.idx.msk [tilespmem:v32+s26+$0x0], $0xffff;
	v32 =	vor.u32 v0, v34;
	v34 =	vor.u32 v8, v26  }
0x20e: {  	v41 =	vadd.s32 s2, v0;
	v28 =	vadd.f32 v28, v20;
	v42 =	vmul.f32 v36, v35;
	v20 =	vld.idx.msk [tilespmem:v21+s26+$0x0], $0xffff  }
0x20f: {  	v36 =	vand.u32 $0x3F, v41;
	v21 =	vshll.u32 v41, $0x4;
	v41 =	vor.u32 v14, v26  }
0x210: {  	v37 =	vadd.f32 v37, v44;
	v43 =	vor.u32 v12, v36;
	v21 =	vand.u32 $0x3F0, v21;
	v38 =	vld.idx.msk [tilespmem:v38+s26+$0x0], $0xffff  }
0x211: {  	v30 =	vadd.f32 v30, v33;
	v44 =	vor.u32 v8, v36;
	v21 =	vor.u32 v0, v21;
	v33 =	vld.idx.msk [tilespmem:v39+s26+$0x0], $0xffff  }
0x212: {  	v46 =	vadd.f32 v22, v19;
	v45 =	vor.u32 v14, v36;
	v39 =	vor.u32 v13, v36;
	v47 =	vld.idx.msk [tilespmem:v32+s13+$0x0], $0xffff  }
0x213: {  	v48 =	vor.u32 v15, v26;
	v32 =	vor.u32 v6, v36;
	v36 =	vor.u32 v15, v36;
	v34 =	vld.idx.msk [tilespmem:v34+s26+$0x0], $0xffff  }
0x214: {  	v49 =	vadd.f32 v25, v23;
	v19 =	vadd.s32 s2, v7;
	v25 =	vmul.f32 v20, v35;
	v41 =	vld.idx.msk [tilespmem:v41+s26+$0x0], $0xffff  }
0x215: {  	v16 =	vadd.f32 v24, v16;
	v22 =	vshll.u32 v19, $0x4;
	v20 =	vld.idx.msk [tilespmem:v43+s26+$0x0], $0xffff;
	v43 =	vand.u32 $0x3F, v19  }
0x216: {  	v24 =	vand.u32 $0x3F0, v22;
	v26 =	vor.u32 v6, v26;
	v19 =	vld.idx.msk [tilespmem:v44+s26+$0x0], $0xffff;
	v22 =	vor.u32 v8, v43  }
0x217: {  	v29 =	vmul.f32 v29, v35;
	v50 =	vor.u32 v13, v43;
	v23 =	vld.idx.msk [tilespmem:v45+s26+$0x0], $0xffff;
	v45 =	vor.u32 v0, v24  }
0x218: {  	v44 =	vor.u32 v6, v43;
	v51 =	vor.u32 v15, v43;
	v24 =	vmul.f32 v31, v35;
	v31 =	vld.idx.msk [tilespmem:v48+s26+$0x0], $0xffff  }
0x219: {  	v27 =	vmul.f32 v27, v35;
	v48 =	vor.u32 v12, v43;
	v43 =	vor.u32 v14, v43;
	v39 =	vld.idx.msk [tilespmem:v39+s26+$0x0], $0xffff  }
0x21a: {  	v53 =	vmul.f32 v33, v47;
	v24 =	vadd.f32 v24, v46;
	v46 =	vadd.f32 v29, v30;
	v52 =	vld.idx.msk [tilespmem:v36+s26+$0x0], $0xffff  }
0x21b: {  	v37 =	vadd.f32 v27, v37;
	v55 =	vmul.f32 v38, v47;
	v29 =	vadd.s32 s2, v9;
	v54 =	vld.idx.msk [tilespmem:v26+s1+$0x0], $0xffff  }
0x21c: {  	v56 =	vadd.f32 v25, v28;
	v27 =	vshll.u32 v29, $0x4;
	v26 =	vld.idx.msk [tilespmem:v32+s1+$0x0], $0xffff;
	v32 =	vand.u32 $0x3F, v29  }
0x21d: {  	v33 =	vld.idx.msk [tilespmem:v21+s13+$0x0], $0xffff;
	v21 =	vand.u32 $0x3F0, v27;
	v36 =	vor.u32 v6, v32;
	v27 =	vmul.f32 v40, v35  }
0x21e: {  	v38 =	vmul.f32 v34, v47;
	v25 =	vld.idx.msk [tilespmem:v44+s1+$0x0], $0xffff;
	v35 =	vor.u32 v0, v21;
	v21 =	vor.u32 v14, v32  }
.Ltmp3:
0x21f: {  	v40 =	vor.u32 v12, v32;
	v34 =	vor.u32 v13, v32;
	v28 =	vld.idx.msk [tilespmem:v48+s26+$0x0], $0xffff;
	v48 =	vmul.f32 v31, v47;
	(pc) =	sbr.rel @p0 .LBB2_9-.Ltmp3, $4  }
0x220: {  	v44 =	vadd.f32 v42, v49;
	v31 =	vor.u32 v8, v32;
	v16 =	vadd.f32 v27, v16;
	v29 =	vld.idx.msk [tilespmem:v43+s26+$0x0], $0xffff  }
0x221: {  	v42 =	vadd.f32 v53, v46;
	v49 =	vmul.f32 v41, v47;
	v32 =	vor.u32 v15, v32;
	v30 =	vld.idx.msk [tilespmem:v50+s26+$0x0], $0xffff  }
0x222: {  	v46 =	vmul.f32 v54, v47;
	v41 =	vadd.f32 v55, v16;
	v27 =	vld.idx.msk [tilespmem:v45+s13+$0x0], $0xffff;
	v45 =	vadd.f32 v48, v37  }
0x223: {  	v43 =	vmul.f32 v39, v33;
	v47 =	vmul.f32 v52, v33;
	v39 =	vadd.f32 v49, v56;
	v37 =	vld.idx.msk [tilespmem:v51+s26+$0x0], $0xffff  }
0x224: {  	_ =	sdelay $0x2  }
0x225: {  	v16 =	vmul.f32 v20, v33  }
0x226: {  	v20 =	vld.idx.msk [tilespmem:v22+s26+$0x0], $0xffff;
	v22 =	vmul.f32 v23, v33;
	v23 =	vadd.f32 v46, v44;
	v49 =	vadd.s32 s2, v10  }
0x227: {  	v40 =	vld.idx.msk [tilespmem:v40+s26+$0x0], $0xffff;
	v19 =	vmul.f32 v19, v33;
	v24 =	vadd.f32 v38, v24;
	v26 =	vmul.f32 v26, v33  }
0x228: {  	v36 =	vld.idx.msk [tilespmem:v36+s1+$0x0], $0xffff;
	(erf) = vrcp.f32 v18;
	v45 =	vadd.f32 v47, v45;
	v50 =	vand.u32 $0x3F, v49  }
0x229: {  	v35 =	vld.idx.msk [tilespmem:v35+s13+$0x0], $0xffff;
	v51 =	vshll.u32 v49, $0x4;
	v42 =	vadd.f32 v43, v42;
	v52 =	vor.u32 v12, v50  }
0x22a: {  	v53 =	vld.idx.msk [tilespmem:v34+s26+$0x0], $0xffff;
	v54 =	vand.u32 $0x3F0, v51;
	v55 =	vor.u32 v13, v50;
	v19 =	vadd.f32 v19, v24  }
0x22b: {  	v58 =	vld.idx.msk [tilespmem:v32+s26+$0x0], $0xffff;
	v16 =	vadd.f32 v16, v41;
	v23 =	vadd.f32 v26, v23;
	v57 =	vor.u32 v0, v54  }
0x22c: {  	v17 =	vld [tilespmem:$0x1FFE0];
	v59 =	vor.u32 v8, v50;
	v60 =	vor.u32 v15, v50;
	v22 =	vadd.f32 v22, v39  }
0x22d: {  	v21 =	vld.idx.msk [tilespmem:v21+s26+$0x0], $0xffff;
	v62 =	vor.u32 v6, v50;
	v28 =	vmul.f32 v28, v27;
	v25 =	vmul.f32 v25, v27  }
0x22e: {  	v56 =	vld.idx.msk [tilespmem:v31+s26+$0x0], $0xffff;
	v63 =	vor.u32 v14, v50;
	v29 =	vmul.f32 v29, v27;
	v30 =	vmul.f32 v30, v27  }
0x22f: {  	v54 =	vor.u32 s18, v0;
	v37 =	vmul.f32 v37, v27;
	v20 =	vmul.f32 v20, v27;
	v38 =	vld.idx.msk [tilespmem:v55+s26+$0x0], $0xffff  }
0x230: {  	v22 =	vadd.f32 v29, v22;
	v36 =	vmul.f32 v36, v35;
	v30 =	vadd.f32 v30, v42;
	v44 =	vld.idx.msk [tilespmem:v57+s13+$0x0], $0xffff  }
0x231: {  	v33 =	vmul.f32 v53, v35;
	v47 =	vadd.f32 v25, v23;
	v25 =	vand.u32 v17, v54;
	v17 =	vld [tilespmem:$0x1FFF0]  }
0x232: {  	v16 =	vadd.f32 v28, v16;
	v23 =	vmul.f32 v58, v35;
	v21 =	vmul.f32 v21, v35;
	v48 =	vld.idx.msk [tilespmem:v62+s1+$0x0], $0xffff  }
0x233: {  	v45 =	vadd.f32 v37, v45;
	v32 =	vld.idx.msk [tilespmem:v59+s26+$0x0], $0xffff;
	v19 =	vadd.f32 v20, v19;
	v20 =	vmul.f32 v56, v35  }
0x234: {  	v51 =	vmul.f32 v40, v35;
	v61 =	vld.idx.msk [tilespmem:v52+s26+$0x0], $0xffff;
	v22 =	vadd.f32 v21, v22;
	v18 =	vadd.f32 v36, v47  }
0x235: {  	v49 =	vld.idx.msk [tilespmem:v63+s26+$0x0], $0xffff;
	v19 =	vadd.f32 v20, v19;
	v20 =	vadd.f32 v33, v30;
	v50 =	vmul.f32 v38, v44  }
0x236: {  	v16 =	vadd.f32 v51, v16;
	v23 =	vadd.f32 v23, v45;
	v56 =	vor.u32 s18, v17  }
0x237: {  	v46 =	vld.idx.msk [tilespmem:v60+s26+$0x0], $0xffff;
	v17 =	vor.u32 $0x400, v0;
	v53 =	vadd.f32 v50, v20;
	v20 =	vmul.f32 v48, v44  }
0x238: {  	[tilespmem:$0x1FFB0] =	vst v17;
	v58 =	vor.u32 s18, v17;
	v17 =	vor.u32 $0x600, v0;
	v21 =	vmul.f32 v32, v44  }
0x239: {  	v59 =	vor.u32 s18, v17;
	v52 =	vmul.f32 v61, v44;
	v55 =	vadd.f32 v20, v18  }
0x23a: {  	v57 =	vpop (erf);
	[tilespmem:$0x1FFC0] =	vst v17;
	v17 =	vor.u32 $0xA00, v0;
	v26 =	vmul.f32 v49, v44;
	v19 =	vadd.f32 v21, v19  }
0x23b: {  	v16 =	vadd.f32 v52, v16;
	v21 =	vor.u32 $0x800, v0;
	v28 =	vmul.f32 v55, v57  }
0x23c: {  	p0 =	seq.s32 s16, $0xF;
	v24 =	vmul.f32 v46, v44;
	v61 =	vor.u32 s18, v21;
	v60 =	vmul.f32 v19, v57  }
0x23d: {  	s2 =	sadd.s32 @!p0 $0x20, s18;
	v62 =	vor.u32 s18, v17;
	v22 =	vadd.f32 v26, v22;
	v16 =	vmul.f32 v16, v57;
	[tilespmem:v25+s14+$0x0] =	vst.idx.msk $0xffff, v28  }
0x23e: {  	s19 =	sadd.s32 @!p0 s6, s2;
	v23 =	vadd.f32 v24, v23;
	v63 =	vmul.f32 v53, v57;
	[tilespmem:v56+s14+$0x0] =	vst.idx.msk $0xffff, v60  }
0x23f: {  	s21 =	smul.u32 @!p0 $0x32, s19;
	[tilespmem:v58+s14+$0x0] =	vst.idx.msk $0xffff, v16;
	v16 =	vmul.f32 v22, v57  }
0x240: {  	v22 =	vmul.f32 v23, v57;
	[tilespmem:v59+s14+$0x0] =	vst.idx.msk $0xffff, v63  }
0x241: {  	s21 =	sshrl.u32 @!p0 s21, $0x3;
	[tilespmem:v61+s14+$0x0] =	vst.idx.msk $0xffff, v16  }
0x242: {  	s22 =	simm.s32 @!p0 $0x0;
	s23 =	simm.s32 @!p0 $0x400;
	s21 =	sadd.s32 @!p0 s3, s21;
	[tilespmem:v62+s14+$0x0] =	vst.idx.msk $0xffff, v22  }
0x243: {  	[tilespmem:s23], [sflag:$0x3] =	stream.linear.gather @!p0 [hbm4b:s21+s22], $0x320, $0x38;
	[tilespmem:$0x1E2E0] =	vst v63  }
0x244: {  	s19 =	smul.u32 @!p0 $0x5, s19;
	[tilespmem:$0x1FFD0] =	vst v17;
	s21 =	simm.s32 @!p0 $0x3  }
0x245: {  	_ =	swait.ge @!p0 [sflag:s21], $0x320  }
0x246: {  	s19 =	sshrl.u32 @!p0 s19, $0x3;
	[sflag:s21] =	ssyncset.done @!p0 $0x0  }
0x247: {  	s28 =	simm.s32 @!p0 $0xA40;
	s19 =	sadd.s32 @!p0 s4, s19;
	[sflag:s21] =	ssyncadd.s32 @!p0 $0xFFFFFCE0  }
0x248: {  	[tilespmem:s28], [sflag:$0x3] =	stream.linear.gather @!p0 [hbm4b:s19+s22], $0x50, $0x38;
	[tilespmem:$0x1E2E0] =	vst v63  }
0x249: {  	_ =	swait.ge @!p0 [sflag:s21], $0x50  }
0x24a: {  	[sflag:s21] =	ssyncset.done @!p0 $0x0  }
0x24b: {  	s19 =	simm.s32 @!p0 $0x50;
	[sflag:s21] =	ssyncadd.s32 @!p0 $0xFFFFFFB0;
	s21 =	simm.s32 @!p0 $0xAE0  }
0x24c: {  	[tilespmem:s21], [sflag:$0x1] =	stream.indirect.gather @!p0 [hbm4b:s7+s19], $0x40, s23, s19, $0xb8;
	[tilespmem:$0x1E2E0] =	vst v63  }
0x24d: {  	s22 =	simm.s32 @!p0 $0x1EE0;
	s21 =	simm.s32 @!p0 $0x450  }
0x24e: {  	[tilespmem:s22], [sflag:$0x1] =	stream.indirect.gather @!p0 [hbm4b:s7+s19], $0x40, s21, s19, $0xb8;
	[tilespmem:$0x1E2E0] =	vst v63  }
0x24f: {  	s21 =	simm.s32 @!p0 $0x4A0;
	s22 =	simm.s32 @!p0 $0x32E0  }
0x250: {  	[tilespmem:s22], [sflag:$0x1] =	stream.indirect.gather @!p0 [hbm4b:s7+s19], $0x40, s21, s19, $0xb8;
	[tilespmem:$0x1E2E0] =	vst v63  }
0x251: {  	s21 =	simm.s32 @!p0 $0x4F0;
	s22 =	simm.s32 @!p0 $0x46E0  }
0x252: {  	[tilespmem:s22], [sflag:$0x1] =	stream.indirect.gather @!p0 [hbm4b:s7+s19], $0x40, s21, s19, $0xb8;
	[tilespmem:$0x1E2E0] =	vst v63  }
0x253: {  	s21 =	simm.s32 @!p0 $0x540;
	s22 =	simm.s32 @!p0 $0x5AE0  }
0x254: {  	[tilespmem:s22], [sflag:$0x1] =	stream.indirect.gather @!p0 [hbm4b:s7+s19], $0x40, s21, s19, $0xb8;
	[tilespmem:$0x1E2E0] =	vst v63  }
0x255: {  	s21 =	simm.s32 @!p0 $0x590;
	s22 =	simm.s32 @!p0 $0x6EE0  }
0x256: {  	[tilespmem:s22], [sflag:$0x1] =	stream.indirect.gather @!p0 [hbm4b:s7+s19], $0x40, s21, s19, $0xb8;
	[tilespmem:$0x1E2E0] =	vst v63  }
0x257: {  	s21 =	simm.s32 @!p0 $0x5E0;
	s22 =	simm.s32 @!p0 $0x82E0  }
0x258: {  	[tilespmem:s22], [sflag:$0x1] =	stream.indirect.gather @!p0 [hbm4b:s7+s19], $0x40, s21, s19, $0xb8;
	[tilespmem:$0x1E2E0] =	vst v63  }
0x259: {  	s21 =	simm.s32 @!p0 $0x630;
	s22 =	simm.s32 @!p0 $0x96E0  }
0x25a: {  	[tilespmem:s22], [sflag:$0x1] =	stream.indirect.gather @!p0 [hbm4b:s7+s19], $0x40, s21, s19, $0xb8;
	[tilespmem:$0x1E2E0] =	vst v63  }
0x25b: {  	s21 =	simm.s32 @!p0 $0x680;
	s22 =	simm.s32 @!p0 $0xAAE0  }
0x25c: {  	[tilespmem:s22], [sflag:$0x1] =	stream.indirect.gather @!p0 [hbm4b:s7+s19], $0x40, s21, s19, $0xb8;
	[tilespmem:$0x1E2E0] =	vst v63  }
0x25d: {  	s21 =	simm.s32 @!p0 $0x6D0;
	s22 =	simm.s32 @!p0 $0xBEE0  }
0x25e: {  	[tilespmem:s22], [sflag:$0x1] =	stream.indirect.gather @!p0 [hbm4b:s7+s19], $0x40, s21, s19, $0xb8;
	[tilespmem:$0x1E2E0] =	vst v63  }
0x25f: {  	s21 =	simm.s32 @!p0 $0x10;
	s22 =	simm.s32 @!p0 $0x19AE0  }
0x260: {  	[tilespmem:s22], [sflag:$0x1] =	stream.indirect.gather @!p0 [hbm4b:s5+s21], $0x40, s2, s21, $0xb8;
	[tilespmem:$0x1E2E0] =	vst v63  }
0x261: {  	s2 =	sadd.s32 @!p0 $0x220, s18;
	s18 =	simm.s32 @!p0 $0x1A2E0  }
0x262: {  	[tilespmem:s18], [sflag:$0x1] =	stream.indirect.gather @!p0 [hbm4b:s8+s21], $0x40, s2, s21, $0xb8;
	[tilespmem:$0x1E2E0] =	vst v63  }
0x263: {  	s2 =	simm.s32 @!p0 $0x1AAE0  }
0x264: {  	[tilespmem:s2], [sflag:$0x1] =	stream.indirect.gather @!p0 [hbm4b:s8+s19], $0x40, s28, s19, $0xb8;
	[tilespmem:$0x1E2E0] =	vst v63  }
0x265: {  	_ =	swait.ge [sflag:s15], $0x1400  }
0x266: {  	[sflag:s15] =	ssyncset.done $0x0  }
0x267: {  	[sflag:s15] =	ssyncadd.s32 $0xFFFFEC00  }
0x268: {  	_ =	swait.ge [sflag:s15], $0x1400  }
0x269: {  	[sflag:s15] =	ssyncset.done $0x0  }
0x26a: {  	[sflag:s15] =	ssyncadd.s32 $0xFFFFEC00  }
0x26b: {  	_ =	swait.ge [sflag:s15], $0x1400  }
0x26c: {  	[sflag:s15] =	ssyncset.done $0x0  }
0x26d: {  	[sflag:s15] =	ssyncadd.s32 $0xFFFFEC00  }
0x26e: {  	_ =	swait.ge [sflag:s15], $0x1400  }
0x26f: {  	[sflag:s15] =	ssyncset.done $0x0  }
0x270: {  	[sflag:s15] =	ssyncadd.s32 $0xFFFFEC00  }
0x271: {  	_ =	swait.ge [sflag:s15], $0x1400  }
0x272: {  	[sflag:s15] =	ssyncset.done $0x0  }
0x273: {  	[sflag:s15] =	ssyncadd.s32 $0xFFFFEC00  }
0x274: {  	_ =	swait.ge [sflag:s15], $0x1400  }
0x275: {  	[sflag:s15] =	ssyncset.done $0x0  }
0x276: {  	[sflag:s15] =	ssyncadd.s32 $0xFFFFEC00  }
0x277: {  	_ =	swait.ge [sflag:s15], $0x1400  }
0x278: {  	[sflag:s15] =	ssyncset.done $0x0  }
0x279: {  	[sflag:s15] =	ssyncadd.s32 $0xFFFFEC00  }
0x27a: {  	_ =	swait.ge [sflag:s15], $0x1400  }
0x27b: {  	[sflag:s15] =	ssyncset.done $0x0  }
0x27c: {  	[sflag:s15] =	ssyncadd.s32 $0xFFFFEC00  }
0x27d: {  	_ =	swait.ge [sflag:s15], $0x1400  }
0x27e: {  	[sflag:s15] =	ssyncset.done $0x0  }
0x27f: {  	[sflag:s15] =	ssyncadd.s32 $0xFFFFEC00  }
0x280: {  	_ =	swait.ge [sflag:s15], $0x1400  }
0x281: {  	[sflag:s15] =	ssyncset.done $0x0  }
0x282: {  	[sflag:s15] =	ssyncadd.s32 $0xFFFFEC00  }
0x283: {  	_ =	swait.ge [sflag:s15], $0x400  }
0x284: {  	[sflag:s15] =	ssyncset.done $0x0  }
0x285: {  	[sflag:s15] =	ssyncadd.s32 $0xFFFFFC00  }
0x286: {  	_ =	swait.ge [sflag:s15], $0x400  }
0x287: {  	[sflag:s15] =	ssyncset.done $0x0  }
0x288: {  	[sflag:s15] =	ssyncadd.s32 $0xFFFFFC00  }
0x289: {  	_ =	swait.ge [sflag:s15], $0x1400  }
0x28a: {  	[sflag:s15] =	ssyncset.done $0x0  }
0x28b: {  	v23 =	vimm.f32 $0.0e+00;
	[sflag:s15] =	ssyncadd.s32 $0xFFFFEC00  }
0x28c: {  	[tilespmem:$0x1D2E0] =	vst v23  }
0x28d: {  	[tilespmem:$0x1D2F0] =	vst v23  }
0x28e: {  	[tilespmem:$0x1D300] =	vst v23  }
0x28f: {  	[tilespmem:$0x1D310] =	vst v23  }
0x290: {  	[tilespmem:$0x1D320] =	vst v23  }
0x291: {  	[tilespmem:$0x1D330] =	vst v23  }
0x292: {  	[tilespmem:$0x1D340] =	vst v23  }
0x293: {  	[tilespmem:$0x1D350] =	vst v23  }
0x294: {  	[tilespmem:$0x1D360] =	vst v23  }
0x295: {  	[tilespmem:$0x1D370] =	vst v23  }
0x296: {  	[tilespmem:$0x1D380] =	vst v23  }
0x297: {  	[tilespmem:$0x1D390] =	vst v23  }
0x298: {  	[tilespmem:$0x1D3A0] =	vst v23  }
0x299: {  	[tilespmem:$0x1D3B0] =	vst v23  }
0x29a: {  	[tilespmem:$0x1D3C0] =	vst v23  }
0x29b: {  	[tilespmem:$0x1D3D0] =	vst v23  }
0x29c: {  	[tilespmem:$0x1D3E0] =	vst v23  }
0x29d: {  	[tilespmem:$0x1D3F0] =	vst v23  }
0x29e: {  	[tilespmem:$0x1D400] =	vst v23  }
0x29f: {  	[tilespmem:$0x1D410] =	vst v23  }
0x2a0: {  	[tilespmem:$0x1D420] =	vst v23  }
0x2a1: {  	[tilespmem:$0x1D430] =	vst v23  }
0x2a2: {  	[tilespmem:$0x1D440] =	vst v23  }
0x2a3: {  	[tilespmem:$0x1D450] =	vst v23  }
0x2a4: {  	[tilespmem:$0x1D460] =	vst v23  }
0x2a5: {  	[tilespmem:$0x1D470] =	vst v23  }
0x2a6: {  	[tilespmem:$0x1D480] =	vst v23  }
0x2a7: {  	[tilespmem:$0x1D490] =	vst v23  }
0x2a8: {  	[tilespmem:$0x1D4A0] =	vst v23  }
0x2a9: {  	[tilespmem:$0x1D4B0] =	vst v23  }
0x2aa: {  	[tilespmem:$0x1D4C0] =	vst v23  }
0x2ab: {  	[tilespmem:$0x1D4D0] =	vst v23  }
0x2ac: {  	[tilespmem:$0x1D4E0] =	vst v23  }
0x2ad: {  	[tilespmem:$0x1D4F0] =	vst v23  }
0x2ae: {  	[tilespmem:$0x1D500] =	vst v23  }
0x2af: {  	[tilespmem:$0x1D510] =	vst v23  }
0x2b0: {  	[tilespmem:$0x1D520] =	vst v23  }
0x2b1: {  	[tilespmem:$0x1D530] =	vst v23  }
0x2b2: {  	[tilespmem:$0x1D540] =	vst v23  }
0x2b3: {  	[tilespmem:$0x1D550] =	vst v23  }
0x2b4: {  	[tilespmem:$0x1D560] =	vst v23  }
0x2b5: {  	[tilespmem:$0x1D570] =	vst v23  }
0x2b6: {  	[tilespmem:$0x1D580] =	vst v23  }
0x2b7: {  	[tilespmem:$0x1D590] =	vst v23  }
0x2b8: {  	[tilespmem:$0x1D5A0] =	vst v23  }
0x2b9: {  	[tilespmem:$0x1D5B0] =	vst v23  }
0x2ba: {  	[tilespmem:$0x1D5C0] =	vst v23  }
0x2bb: {  	[tilespmem:$0x1D5D0] =	vst v23  }
0x2bc: {  	[tilespmem:$0x1D5E0] =	vst v23  }
0x2bd: {  	[tilespmem:$0x1D5F0] =	vst v23  }
0x2be: {  	[tilespmem:$0x1D600] =	vst v23  }
0x2bf: {  	[tilespmem:$0x1D610] =	vst v23  }
0x2c0: {  	[tilespmem:$0x1D620] =	vst v23  }
0x2c1: {  	[tilespmem:$0x1D630] =	vst v23  }
0x2c2: {  	[tilespmem:$0x1D640] =	vst v23  }
0x2c3: {  	[tilespmem:$0x1D650] =	vst v23  }
0x2c4: {  	[tilespmem:$0x1D660] =	vst v23  }
0x2c5: {  	[tilespmem:$0x1D670] =	vst v23  }
0x2c6: {  	[tilespmem:$0x1D680] =	vst v23  }
0x2c7: {  	[tilespmem:$0x1D690] =	vst v23  }
0x2c8: {  	[tilespmem:$0x1D6A0] =	vst v23  }
0x2c9: {  	[tilespmem:$0x1D6B0] =	vst v23  }
0x2ca: {  	[tilespmem:$0x1D6C0] =	vst v23  }
0x2cb: {  	v22 =	vimm.f32 $0.0e+00;
	s18 =	simm.s32 $0x0;
	s2 =	simm.s32 $0x0;
	[tilespmem:$0x1D6D0] =	vst v23  }
.LBB2_11:
0x2cc: {  	s19 =	smul.u32 $0x5, s2  }
0x2cd: {  	v25 =	vadd.s32 s18, v7  }
0x2ce: {  	v27 =	vadd.s32 s18, v0;
	v29 =	vand.u32 $0x3F, v25;
	v16 =	vmov s19  }
0x2cf: {  	v33 =	vand.u32 $0x3F, v27;
	v32 =	vor.u32 v6, v29;
	v16 =	vshll.u32 v16, $0x6  }
0x2d0: {  	v34 =	vor.u32 v6, v33;
	v24 =	vadd.s32 v2, v16  }
0x2d1: {  	v26 =	vadd.s32 v1, v16;
	v28 =	vor.u32 v24, v29  }
0x2d2: {  	v25 =	vadd.s32 v4, v16;
	v30 =	vor.u32 v26, v29  }
0x2d3: {  	v27 =	vadd.s32 v3, v16;
	v31 =	vor.u32 v25, v29  }
0x2d4: {  	v36 =	vor.u32 v27, v29;
	v39 =	vld.idx.msk [tilespmem:v32+s9+$0x0], $0xffff  }
0x2d5: {  	v62 =	vor.u32 v24, v33;
	v32 =	vld.idx.msk [tilespmem:v34+s9+$0x0], $0xffff  }
0x2d6: {  	v38 =	vor.u32 v27, v33;
	v37 =	vld.idx.msk [tilespmem:v28+s30+$0x0], $0xffff  }
0x2d7: {  	v35 =	vadd.s32 s18, v10;
	v43 =	vor.u32 v26, v33;
	v30 =	vld.idx.msk [tilespmem:v30+s30+$0x0], $0xffff;
	v28 =	vadd.s32 v5, v16  }
0x2d8: {  	v40 =	vand.u32 $0x3F, v35;
	v16 =	vld.idx.msk [tilespmem:v31+s30+$0x0], $0xffff;
	v29 =	vor.u32 v28, v29  }
0x2d9: {  	v31 =	vor.u32 v25, v40;
	v36 =	vld.idx.msk [tilespmem:v36+s30+$0x0], $0xffff  }
0x2da: {  	v63 =	vor.u32 v6, v40;
	v35 =	vld.idx.msk [tilespmem:v62+s30+$0x0], $0xffff  }
0x2db: {  	v42 =	vadd.s32 s18, v9;
	v52 =	vld.idx.msk [tilespmem:v38+s30+$0x0], $0xffff;
	v41 =	vor.u32 v28, v33  }
0x2dc: {  	v46 =	vand.u32 $0x3F, v42;
	v48 =	vld.idx.msk [tilespmem:v43+s30+$0x0], $0xffff;
	v33 =	vor.u32 v25, v33  }
0x2dd: {  	v51 =	vor.u32 v6, v46;
	v56 =	vor.u32 v26, v46;
	v50 =	vld.idx.msk [tilespmem:v29+s30+$0x0], $0xffff  }
0x2de: {  	v57 =	vor.u32 v24, v46;
	v54 =	vor.u32 v25, v46;
	v49 =	vor.u32 v27, v46;
	v44 =	vld.idx.msk [tilespmem:v31+s30+$0x0], $0xffff  }
0x2df: {  	v43 =	vimm.f32 $0.0e+00;
	v38 =	vor.u32 v28, v46;
	v46 =	vor.u32 v26, v40;
	v29 =	vld.idx.msk [tilespmem:v63+s9+$0x0], $0xffff  }
0x2e0: {  	v53 =	vor.u32 v28, v40;
	v42 =	vmul.f32 v37, v39;
	v34 =	vmul.f32 v30, v39;
	v45 =	vld.idx.msk [tilespmem:v41+s30+$0x0], $0xffff  }
0x2e1: {  	v31 =	vor.u32 v24, v40;
	v36 =	vmul.f32 v36, v39;
	v30 =	vmul.f32 v35, v32;
	v47 =	vld.idx.msk [tilespmem:v33+s30+$0x0], $0xffff  }
0x2e2: {  	v33 =	vld.idx.msk [tilespmem:v51+s9+$0x0], $0xffff;
	v51 =	vimm.f32 $0.0e+00;
	v41 =	vimm.f32 $0.0e+00;
	v37 =	vmul.f32 v50, v39  }
0x2e3: {  	v35 =	vld.idx.msk [tilespmem:v57+s30+$0x0], $0xffff;
	v55 =	vadd.f32 v30, v23;
	v50 =	vmul.f32 v52, v32;
	v39 =	vmul.f32 v16, v39  }
0x2e4: {  	s19 =	simm.s32 $0x4;
	v30 =	vmul.f32 v44, v29;
	v52 =	vor.u32 v27, v40;
	v40 =	vld.idx.msk [tilespmem:v56+s30+$0x0], $0xffff;
	v44 =	vimm.f32 $0.0e+00  }
.LBB2_12:
0x2e5: {  	v16 =	vadd.s32 s19, v7;
	p0 =	sne.s32 s19, $0x3C;
	v45 =	vmul.f32 v45, v32;
	v42 =	vadd.f32 v42, v55;
	v54 =	vld.idx.msk [tilespmem:v54+s30+$0x0], $0xffff;
	s21 =	smov.u32 s19;
	s19 =	sadd.s32 $0x4, s19  }
0x2e6: {  	v48 =	vmul.f32 v48, v32;
	v16 =	vand.u32 $0x3F, v16;
	v55 =	vadd.s32 s21, v10;
	v49 =	vld.idx.msk [tilespmem:v49+s30+$0x0], $0xffff  }
0x2e7: {  	v32 =	vmul.f32 v47, v32;
	v56 =	vor.u32 v26, v16;
	v57 =	vor.u32 v24, v16;
	v47 =	vld.idx.msk [tilespmem:v53+s30+$0x0], $0xffff  }
0x2e8: {  	v53 =	vadd.s32 s21, v0;
	v58 =	vor.u32 v25, v16;
	v43 =	vadd.f32 v48, v43;
	v46 =	vld.idx.msk [tilespmem:v46+s30+$0x0], $0xffff  }
0x2e9: {  	v50 =	vadd.f32 v50, v51;
	v48 =	vand.u32 $0x3F, v53;
	v53 =	vor.u32 v6, v16;
	v51 =	vld.idx.msk [tilespmem:v52+s30+$0x0], $0xffff  }
0x2ea: {  	v60 =	vand.u32 $0x3F, v55;
	v52 =	vor.u32 v6, v48;
	v59 =	vor.u32 v26, v48;
	v55 =	vld.idx.msk [tilespmem:v31+s30+$0x0], $0xffff  }
0x2eb: {  	v44 =	vadd.f32 v45, v44;
	v61 =	vor.u32 v28, v48;
	v62 =	vor.u32 v25, v48;
	v38 =	vld.idx.msk [tilespmem:v38+s30+$0x0], $0xffff  }
0x2ec: {  	v63 =	vor.u32 v27, v16;
	v45 =	vor.u32 v27, v48;
	v54 =	vmul.f32 v54, v33;
	v57 =	vld.idx.msk [tilespmem:v57+s30+$0x0], $0xffff  }
0x2ed: {  	v50 =	vadd.f32 v36, v50;
	v17 =	vor.u32 v6, v60;
	v48 =	vor.u32 v24, v48;
	v56 =	vld.idx.msk [tilespmem:v56+s30+$0x0], $0xffff  }
0x2ee: {  	v16 =	vor.u32 v28, v16;
	v36 =	vor.u32 v25, v60;
	v41 =	vadd.f32 v32, v41;
	v58 =	vld.idx.msk [tilespmem:v58+s30+$0x0], $0xffff  }
0x2ef: {  	v31 =	vor.u32 v24, v60;
	v49 =	vmul.f32 v49, v33;
	v51 =	vmul.f32 v51, v29;
	v18 =	vld.idx.msk [tilespmem:v53+s9+$0x0], $0xffff  }
0x2f0: {  	v34 =	vadd.f32 v34, v43;
	v40 =	vmul.f32 v40, v33;
	v39 =	vadd.f32 v39, v41;
	v32 =	vld.idx.msk [tilespmem:v52+s9+$0x0], $0xffff  }
0x2f1: {  	v37 =	vadd.f32 v37, v44;
	v44 =	vmul.f32 v47, v29;
	v38 =	vmul.f32 v38, v33;
	v41 =	vld.idx.msk [tilespmem:v63+s30+$0x0], $0xffff  }
0x2f2: {  	v43 =	vadd.s32 s21, v9;
	v39 =	vadd.f32 v54, v39;
	v52 =	vmul.f32 v55, v29;
	v47 =	vld.idx.msk [tilespmem:v48+s30+$0x0], $0xffff  }
0x2f3: {  	v53 =	vand.u32 $0x3F, v43;
	v33 =	vmul.f32 v35, v33;
	v35 =	vmul.f32 v46, v29;
	v63 =	vld.idx.msk [tilespmem:v36+s30+$0x0], $0xffff  }
0x2f4: {  	v34 =	vadd.f32 v40, v34;
	v55 =	vor.u32 v6, v53;
	v40 =	vadd.f32 v38, v37;
	v16 =	vld.idx.msk [tilespmem:v16+s30+$0x0], $0xffff  }
0x2f5: {  	v20 =	vor.u32 v26, v53;
	v38 =	vor.u32 v28, v53;
	v33 =	vadd.f32 v33, v42;
	v19 =	vld.idx.msk [tilespmem:v45+s30+$0x0], $0xffff  }
0x2f6: {  	v43 =	vadd.f32 v35, v34;
	v42 =	vmul.f32 v57, v18;
	v57 =	vor.u32 v24, v53;
	v29 =	vld.idx.msk [tilespmem:v17+s9+$0x0], $0xffff  }
0x2f7: {  	v34 =	vmul.f32 v56, v18;
	v36 =	vmul.f32 v41, v18;
	v17 =	vadd.f32 v49, v50;
	v45 =	vld.idx.msk [tilespmem:v61+s30+$0x0], $0xffff  }
.Ltmp4:
0x2f8: {  	v54 =	vor.u32 v25, v53;
	v41 =	vadd.f32 v52, v33;
	v35 =	vmul.f32 v47, v32;
	v48 =	vld.idx.msk [tilespmem:v59+s30+$0x0], $0xffff;
	(pc) =	sbr.rel @p0 .LBB2_12-.Ltmp4, $4  }
0x2f9: {  	v46 =	vor.u32 v26, v60;
	v49 =	vor.u32 v27, v53;
	v51 =	vadd.f32 v51, v17;
	v47 =	vld.idx.msk [tilespmem:v62+s30+$0x0], $0xffff  }
0x2fa: {  	v44 =	vadd.f32 v44, v40;
	v53 =	vor.u32 v28, v60;
	v37 =	vmul.f32 v16, v18;
	v33 =	vld.idx.msk [tilespmem:v55+s9+$0x0], $0xffff  }
0x2fb: {  	v50 =	vmul.f32 v19, v32;
	v55 =	vadd.f32 v35, v41;
	v41 =	vadd.f32 v30, v39;
	v35 =	vld.idx.msk [tilespmem:v57+s30+$0x0], $0xffff  }
0x2fc: {  	v52 =	vor.u32 v27, v60;
	v39 =	vmul.f32 v58, v18;
	v30 =	vmul.f32 v63, v29;
	v40 =	vld.idx.msk [tilespmem:v20+s30+$0x0], $0xffff  }
0x2fd: {  	_ =	sdelay $0x3  }
0x2fe: {  	v16 =	vld.idx.msk [tilespmem:v54+s30+$0x0], $0xffff  }
0x2ff: {  	v18 =	vld.idx.msk [tilespmem:v38+s30+$0x0], $0xffff  }
0x300: {  	v17 =	vmul.f32 v48, v32;
	v20 =	vld.idx.msk [tilespmem:v46+s30+$0x0], $0xffff  }
0x301: {  	v19 =	vmul.f32 v45, v32;
	v59 =	vld.idx.msk [tilespmem:v53+s30+$0x0], $0xffff;
	v61 =	vadd.f32 v50, v51  }
0x302: {  	v57 =	vadd.f32 v42, v55;
	v60 =	vld.idx.msk [tilespmem:v49+s30+$0x0], $0xffff;
	v58 =	vmul.f32 v47, v32;
	v17 =	vadd.f32 v17, v43  }
0x303: {  	v19 =	vadd.f32 v19, v44;
	v36 =	vadd.f32 v36, v61  }
0x304: {  	v31 =	vld.idx.msk [tilespmem:v31+s30+$0x0], $0xffff;
	v32 =	vadd.f32 v58, v41;
	v17 =	vadd.f32 v34, v17;
	v62 =	vmul.f32 v40, v33  }
0x305: {  	v63 =	vld.idx.msk [tilespmem:v52+s30+$0x0], $0xffff;
	v19 =	vadd.f32 v37, v19;
	v16 =	vmul.f32 v16, v33;
	v18 =	vmul.f32 v18, v33  }
0x306: {  	v32 =	vadd.f32 v39, v32;
	v20 =	vmul.f32 v20, v29;
	v17 =	vadd.f32 v62, v17  }
0x307: {  	v41 =	vmul.f32 v59, v29;
	v42 =	vmul.f32 v60, v33;
	v18 =	vadd.f32 v18, v19  }
0x308: {  	v35 =	vmul.f32 v35, v33;
	v16 =	vadd.f32 v16, v32;
	v17 =	vadd.f32 v20, v17  }
0x309: {  	v19 =	vadd.f32 v42, v36;
	v20 =	vmul.f32 v31, v29;
	v18 =	vadd.f32 v41, v18  }
0x30a: {  	s19 =	simm.s32 $0x0;
	v31 =	vadd.f32 v35, v57;
	v29 =	vmul.f32 v63, v29;
	v17 =	vmul.f32 $1.250000000e-01, v17  }
0x30b: {  	v43 =	vadd.s32 s19, v0;
	v16 =	vadd.f32 v30, v16;
	v18 =	vmul.f32 $1.250000000e-01, v18  }
0x30c: {  	v20 =	vadd.f32 v20, v31;
	v19 =	vadd.f32 v29, v19;
	v17 =	vmul.f32 $1.442695020e+00, v17  }
0x30d: {  	v29 =	vand.u32 $0x3F, v43;
	v16 =	vmul.f32 $1.250000000e-01, v16;
	v18 =	vmul.f32 $1.442695020e+00, v18  }
0x30e: {  	v45 =	vor.u32 v28, v29;
	v44 =	vmul.f32 $1.250000000e-01, v19;
	(erf) = vpow2.f32 v17  }
0x30f: {  	v16 =	vmul.f32 $1.442695020e+00, v16;
	v17 =	vor.u32 v26, v29;
	(erf) = vpow2.f32 v18  }
0x310: {  	v46 =	vmul.f32 $1.250000000e-01, v20  }
0x311: {  	v20 =	vor.u32 v25, v29;
	(erf) = vpow2.f32 v16;
	v16 =	vmul.f32 $1.442695020e+00, v44;
	_ =	sdelay $0x1  }
0x312: {  	v47 =	vor.u32 v27, v29;
	v19 =	vld.idx.msk [tilespmem:v45+s30+$0x0], $0xffff;
	(erf) = vpow2.f32 v16;
	v16 =	vmul.f32 $1.442695020e+00, v46  }
0x313: {  	v17 =	vld.idx.msk [tilespmem:v17+s30+$0x0], $0xffff  }
0x314: {  	(erf) = vpow2.f32 v16;
	v16 =	vor.u32 v24, v29  }
0x315: {  	v20 =	vld.idx.msk [tilespmem:v20+s30+$0x0], $0xffff  }
0x316: {  	v32 =	vpop (erf)  }
0x317: {  	v18 =	vld.idx.msk [tilespmem:v47+s30+$0x0], $0xffff;
	v29 =	vpop (erf)  }
0x318: {  	v17 =	vmul.f32 v17, v32;
	v19 =	vmul.f32 v19, v29  }
0x319: {  	v30 =	vpop (erf);
	v16 =	vld.idx.msk [tilespmem:v16+s30+$0x0], $0xffff  }
0x31a: {  	v48 =	vmul.f32 v20, v30;
	v17 =	vadd.f32 v19, v17  }
0x31b: {  	v49 =	vadd.s32 s19, v7;
	v20 =	vshll.u32 v43, $0x4;
	v31 =	vpop (erf)  }
0x31c: {  	v50 =	vor.u32 v0, v20;
	v18 =	vmul.f32 v18, v31;
	v17 =	vadd.f32 v48, v17  }
0x31d: {  	v20 =	vand.u32 $0x3F, v49;
	v19 =	vand.u32 v11, v50;
	v33 =	vpop (erf)  }
0x31e: {  	v51 =	vor.u32 v26, v20;
	v16 =	vmul.f32 v16, v33;
	v17 =	vadd.f32 v18, v17  }
0x31f: {  	v52 =	vor.u32 v28, v20  }
0x320: {  	v16 =	vadd.f32 v16, v17  }
0x321: {  	v17 =	vor.u32 v25, v20  }
0x322: {  	[tilespmem:v19+s13+$0x0] =	vst.idx.add.f32.msk $0xffff, v16  }
0x323: {  	v53 =	vor.u32 v27, v20;
	v16 =	vld.idx.msk [tilespmem:v51+s30+$0x0], $0xffff  }
0x324: {  	v19 =	vld.idx.msk [tilespmem:v52+s30+$0x0], $0xffff  }
0x325: {  	v20 =	vor.u32 v24, v20  }
0x326: {  	v17 =	vld.idx.msk [tilespmem:v17+s30+$0x0], $0xffff;
	_ =	sdelay $0x1  }
0x327: {  	v18 =	vld.idx.msk [tilespmem:v53+s30+$0x0], $0xffff  }
0x328: {  	v16 =	vmul.f32 v16, v32;
	v19 =	vmul.f32 v19, v29  }
0x329: {  	v20 =	vld.idx.msk [tilespmem:v20+s30+$0x0], $0xffff  }
0x32a: {  	v16 =	vadd.f32 v19, v16;
	v17 =	vmul.f32 v17, v30  }
0x32b: {  	v55 =	vadd.s32 s19, v9;
	v34 =	vshll.u32 v49, $0x4  }
0x32c: {  	v54 =	vor.u32 v0, v34;
	v16 =	vadd.f32 v17, v16;
	v17 =	vmul.f32 v18, v31  }
0x32d: {  	v56 =	vand.u32 $0x3F, v55;
	v19 =	vand.u32 v11, v54  }
0x32e: {  	v16 =	vadd.f32 v17, v16;
	v17 =	vmul.f32 v20, v33;
	v20 =	vor.u32 v26, v56  }
0x32f: {  	v57 =	vor.u32 v28, v56  }
0x330: {  	v16 =	vadd.f32 v17, v16  }
0x331: {  	v17 =	vor.u32 v25, v56  }
0x332: {  	[tilespmem:v19+s13+$0x0] =	vst.idx.add.f32.msk $0xffff, v16  }
0x333: {  	v58 =	vor.u32 v27, v56;
	v16 =	vld.idx.msk [tilespmem:v20+s30+$0x0], $0xffff  }
0x334: {  	v20 =	vld.idx.msk [tilespmem:v57+s30+$0x0], $0xffff  }
0x335: {  	v34 =	vor.u32 v24, v56  }
0x336: {  	v17 =	vld.idx.msk [tilespmem:v17+s30+$0x0], $0xffff;
	_ =	sdelay $0x1  }
0x337: {  	v19 =	vld.idx.msk [tilespmem:v58+s30+$0x0], $0xffff  }
0x338: {  	v16 =	vmul.f32 v16, v32;
	v20 =	vmul.f32 v20, v29  }
0x339: {  	v34 =	vld.idx.msk [tilespmem:v34+s30+$0x0], $0xffff  }
0x33a: {  	v16 =	vadd.f32 v20, v16;
	v17 =	vmul.f32 v17, v30  }
0x33b: {  	v59 =	vadd.s32 s19, v10;
	v18 =	vshll.u32 v55, $0x4  }
0x33c: {  	v18 =	vor.u32 v0, v18;
	v16 =	vadd.f32 v17, v16;
	v17 =	vmul.f32 v19, v31  }
0x33d: {  	v18 =	vand.u32 v11, v18;
	v20 =	vand.u32 $0x3F, v59  }
0x33e: {  	v60 =	vor.u32 v26, v20;
	v16 =	vadd.f32 v17, v16;
	v17 =	vmul.f32 v34, v33  }
0x33f: {  	v61 =	vor.u32 v28, v20  }
0x340: {  	v16 =	vadd.f32 v17, v16  }
0x341: {  	v17 =	vor.u32 v25, v20  }
0x342: {  	v62 =	vor.u32 v27, v20;
	[tilespmem:v18+s13+$0x0] =	vst.idx.add.f32.msk $0xffff, v16  }
0x343: {  	v16 =	vld.idx.msk [tilespmem:v60+s30+$0x0], $0xffff  }
0x344: {  	v20 =	vor.u32 v24, v20;
	v18 =	vld.idx.msk [tilespmem:v61+s30+$0x0], $0xffff;
	_ =	sdelay $0x1  }
0x345: {  	v17 =	vld.idx.msk [tilespmem:v17+s30+$0x0], $0xffff  }
0x346: {  	v63 =	vld.idx.msk [tilespmem:v62+s30+$0x0], $0xffff  }
0x347: {  	v19 =	vshll.u32 v59, $0x4  }
0x348: {  	v19 =	vor.u32 v0, v19;
	v37 =	vld.idx.msk [tilespmem:v20+s30+$0x0], $0xffff;
	v16 =	vmul.f32 v16, v32;
	v18 =	vmul.f32 v18, v29  }
0x349: {  	s19 =	simm.s32 $0x4;
	v35 =	vand.u32 v11, v19  }
0x34a: {  	v38 =	vmul.f32 v17, v30;
	v17 =	vadd.s32 s19, v0;
	v39 =	vadd.f32 v18, v16  }
0x34b: {  	s21 =	simm.s32 $0x8;
	v40 =	vmul.f32 v63, v31;
	v36 =	vand.u32 $0x3F, v17;
	v34 =	vshll.u32 v17, $0x4  }
.LBB2_14:
0x34c: {  	p0 =	sne.s32 s21, $0x3C;
	v16 =	vor.u32 v26, v36;
	v17 =	vor.u32 v28, v36;
	v18 =	vadd.f32 v38, v39;
	s22 =	smov.u32 s21;
	s21 =	sadd.s32 $0x4, s21  }
0x34d: {  	v19 =	vmul.f32 v37, v33  }
0x34e: {  	v18 =	vadd.f32 v40, v18;
	_ =	sdelay $0x1  }
0x34f: {  	v18 =	vadd.f32 v19, v18  }
0x350: {  	v19 =	vor.u32 v25, v36  }
0x351: {  	[tilespmem:v35+s13+$0x0] =	vst.idx.add.f32.msk $0xffff, v18  }
0x352: {  	v18 =	vor.u32 v27, v36;
	v16 =	vld.idx.msk [tilespmem:v16+s30+$0x0], $0xffff  }
0x353: {  	v17 =	vld.idx.msk [tilespmem:v17+s30+$0x0], $0xffff  }
0x354: {  	v20 =	vor.u32 v24, v36  }
0x355: {  	v19 =	vld.idx.msk [tilespmem:v19+s30+$0x0], $0xffff;
	_ =	sdelay $0x1  }
0x356: {  	v18 =	vld.idx.msk [tilespmem:v18+s30+$0x0], $0xffff;
	_ =	sdelay $0x1  }
0x357: {  	v16 =	vmul.f32 v16, v32;
	v17 =	vmul.f32 v17, v29;
	v20 =	vld.idx.msk [tilespmem:v20+s30+$0x0], $0xffff;
	_ =	sdelay $0x1  }
0x358: {  	v16 =	vadd.f32 v17, v16;
	v17 =	vmul.f32 v19, v30  }
0x359: {  	v19 =	vadd.s32 s19, v7  }
0x35a: {  	v16 =	vadd.f32 v17, v16;
	v17 =	vmul.f32 v18, v31;
	v18 =	vor.u32 v0, v34  }
0x35b: {  	v34 =	vand.u32 $0x3F, v19;
	v19 =	vshll.u32 v19, $0x4;
	v18 =	vand.u32 v11, v18  }
0x35c: {  	v16 =	vadd.f32 v17, v16;
	v17 =	vmul.f32 v20, v33;
	v20 =	vor.u32 v26, v34  }
0x35d: {  	v35 =	vor.u32 v28, v34;
	v19 =	vor.u32 v0, v19  }
0x35e: {  	v16 =	vadd.f32 v17, v16  }
0x35f: {  	v17 =	vor.u32 v25, v34  }
0x360: {  	[tilespmem:v18+s13+$0x0] =	vst.idx.add.f32.msk $0xffff, v16  }
0x361: {  	v18 =	vor.u32 v27, v34;
	v16 =	vld.idx.msk [tilespmem:v20+s30+$0x0], $0xffff  }
0x362: {  	v20 =	vld.idx.msk [tilespmem:v35+s30+$0x0], $0xffff  }
0x363: {  	v34 =	vor.u32 v24, v34  }
0x364: {  	v17 =	vld.idx.msk [tilespmem:v17+s30+$0x0], $0xffff;
	_ =	sdelay $0x1  }
0x365: {  	v18 =	vld.idx.msk [tilespmem:v18+s30+$0x0], $0xffff;
	_ =	sdelay $0x1  }
0x366: {  	v16 =	vmul.f32 v16, v32;
	v20 =	vmul.f32 v20, v29;
	v34 =	vld.idx.msk [tilespmem:v34+s30+$0x0], $0xffff;
	_ =	sdelay $0x1  }
0x367: {  	v16 =	vadd.f32 v20, v16;
	v17 =	vmul.f32 v17, v30;
	_ =	sdelay $0x1  }
0x368: {  	v16 =	vadd.f32 v17, v16;
	v17 =	vmul.f32 v18, v31;
	v18 =	vadd.s32 s19, v9  }
0x369: {  	v19 =	vand.u32 v11, v19;
	v20 =	vand.u32 $0x3F, v18;
	v18 =	vshll.u32 v18, $0x4  }
0x36a: {  	v16 =	vadd.f32 v17, v16;
	v17 =	vmul.f32 v34, v33;
	v34 =	vor.u32 v26, v20  }
0x36b: {  	v35 =	vor.u32 v28, v20;
	v18 =	vor.u32 v0, v18  }
0x36c: {  	v16 =	vadd.f32 v17, v16  }
0x36d: {  	v17 =	vor.u32 v25, v20  }
0x36e: {  	[tilespmem:v19+s13+$0x0] =	vst.idx.add.f32.msk $0xffff, v16  }
0x36f: {  	v19 =	vor.u32 v27, v20;
	v16 =	vld.idx.msk [tilespmem:v34+s30+$0x0], $0xffff  }
0x370: {  	v34 =	vld.idx.msk [tilespmem:v35+s30+$0x0], $0xffff  }
0x371: {  	v20 =	vor.u32 v24, v20  }
0x372: {  	v17 =	vld.idx.msk [tilespmem:v17+s30+$0x0], $0xffff;
	_ =	sdelay $0x1  }
0x373: {  	v19 =	vld.idx.msk [tilespmem:v19+s30+$0x0], $0xffff  }
0x374: {  	v16 =	vmul.f32 v16, v32  }
0x375: {  	v34 =	vmul.f32 v34, v29;
	v20 =	vld.idx.msk [tilespmem:v20+s30+$0x0], $0xffff;
	_ =	sdelay $0x1  }
0x376: {  	v16 =	vadd.f32 v34, v16;
	v17 =	vmul.f32 v17, v30;
	_ =	sdelay $0x1  }
0x377: {  	v16 =	vadd.f32 v17, v16;
	v17 =	vmul.f32 v19, v31;
	v19 =	vadd.s32 s19, v10;
	s19 =	smov.u32 s22  }
0x378: {  	v18 =	vand.u32 v11, v18;
	v34 =	vand.u32 $0x3F, v19;
	v19 =	vshll.u32 v19, $0x4  }
0x379: {  	v16 =	vadd.f32 v17, v16;
	v17 =	vmul.f32 v20, v33;
	v20 =	vor.u32 v26, v34  }
0x37a: {  	v36 =	vor.u32 v28, v34;
	v19 =	vor.u32 v0, v19  }
0x37b: {  	v35 =	vand.u32 v11, v19;
	v16 =	vadd.f32 v17, v16;
	v17 =	vor.u32 v25, v34  }
0x37c: {  	v19 =	vor.u32 v27, v34  }
0x37d: {  	[tilespmem:v18+s13+$0x0] =	vst.idx.add.f32.msk $0xffff, v16;
	v16 =	vor.u32 v24, v34  }
0x37e: {  	v18 =	vld.idx.msk [tilespmem:v20+s30+$0x0], $0xffff  }
0x37f: {  	v20 =	vld.idx.msk [tilespmem:v36+s30+$0x0], $0xffff  }
0x380: {  	v17 =	vld.idx.msk [tilespmem:v17+s30+$0x0], $0xffff  }
0x381: {  	v19 =	vld.idx.msk [tilespmem:v19+s30+$0x0], $0xffff  }
0x382: {  	v37 =	vld.idx.msk [tilespmem:v16+s30+$0x0], $0xffff;
	_ =	sdelay $0x1  }
.Ltmp5:
0x383: {  	v16 =	vmul.f32 v18, v32;
	(pc) =	sbr.rel @p0 .LBB2_14-.Ltmp5, $4  }
0x384: {  	v18 =	vmul.f32 v20, v29  }
0x385: {  	v38 =	vmul.f32 v17, v30  }
0x386: {  	v17 =	vadd.s32 s19, v0;
	v39 =	vadd.f32 v18, v16  }
0x387: {  	v36 =	vand.u32 $0x3F, v17;
	v34 =	vshll.u32 v17, $0x4;
	v40 =	vmul.f32 v19, v31  }
0x388: {  	v16 =	vadd.f32 v38, v39;
	_ =	sdelay $0x1  }
0x389: {  	v17 =	vor.u32 v26, v36;
	v18 =	vmul.f32 v37, v33;
	v16 =	vadd.f32 v40, v16  }
0x38a: {  	v19 =	vor.u32 v28, v36  }
0x38b: {  	v16 =	vadd.f32 v18, v16  }
0x38c: {  	v48 =	vor.u32 v25, v36  }
0x38d: {  	[tilespmem:v35+s13+$0x0] =	vst.idx.add.f32.msk $0xffff, v16  }
0x38e: {  	v16 =	vld.idx.msk [tilespmem:v17+s30+$0x0], $0xffff;
	v17 =	vor.u32 v27, v36  }
0x38f: {  	v19 =	vld.idx.msk [tilespmem:v19+s30+$0x0], $0xffff  }
0x390: {  	v20 =	vor.u32 v24, v36  }
0x391: {  	v18 =	vld.idx.msk [tilespmem:v48+s30+$0x0], $0xffff;
	_ =	sdelay $0x1  }
0x392: {  	v17 =	vld.idx.msk [tilespmem:v17+s30+$0x0], $0xffff  }
0x393: {  	v16 =	vmul.f32 v16, v32;
	v19 =	vmul.f32 v19, v29  }
0x394: {  	v20 =	vld.idx.msk [tilespmem:v20+s30+$0x0], $0xffff  }
0x395: {  	v18 =	vmul.f32 v18, v30;
	v16 =	vadd.f32 v19, v16  }
0x396: {  	v49 =	vadd.s32 s19, v7  }
0x397: {  	v50 =	vor.u32 v0, v34;
	v16 =	vadd.f32 v18, v16;
	v17 =	vmul.f32 v17, v31  }
0x398: {  	v51 =	vand.u32 $0x3F, v49;
	v18 =	vand.u32 v11, v50  }
0x399: {  	v16 =	vadd.f32 v17, v16;
	v17 =	vmul.f32 v20, v33;
	v20 =	vor.u32 v26, v51  }
0x39a: {  	v52 =	vor.u32 v28, v51  }
0x39b: {  	v16 =	vadd.f32 v17, v16  }
0x39c: {  	v17 =	vor.u32 v25, v51  }
0x39d: {  	[tilespmem:v18+s13+$0x0] =	vst.idx.add.f32.msk $0xffff, v16  }
0x39e: {  	v53 =	vor.u32 v27, v51;
	v16 =	vld.idx.msk [tilespmem:v20+s30+$0x0], $0xffff  }
0x39f: {  	v20 =	vld.idx.msk [tilespmem:v52+s30+$0x0], $0xffff  }
0x3a0: {  	v34 =	vor.u32 v24, v51  }
0x3a1: {  	v17 =	vld.idx.msk [tilespmem:v17+s30+$0x0], $0xffff;
	_ =	sdelay $0x1  }
0x3a2: {  	v18 =	vld.idx.msk [tilespmem:v53+s30+$0x0], $0xffff  }
0x3a3: {  	v16 =	vmul.f32 v16, v32;
	v20 =	vmul.f32 v20, v29  }
0x3a4: {  	v34 =	vld.idx.msk [tilespmem:v34+s30+$0x0], $0xffff  }
0x3a5: {  	v16 =	vadd.f32 v20, v16;
	v17 =	vmul.f32 v17, v30  }
0x3a6: {  	v54 =	vadd.s32 s19, v9;
	v19 =	vshll.u32 v49, $0x4  }
0x3a7: {  	v19 =	vor.u32 v0, v19;
	v16 =	vadd.f32 v17, v16;
	v17 =	vmul.f32 v18, v31  }
0x3a8: {  	v19 =	vand.u32 v11, v19;
	v20 =	vand.u32 $0x3F, v54  }
0x3a9: {  	v55 =	vor.u32 v26, v20;
	v16 =	vadd.f32 v17, v16;
	v17 =	vmul.f32 v34, v33  }
0x3aa: {  	v56 =	vor.u32 v28, v20  }
0x3ab: {  	v16 =	vadd.f32 v17, v16  }
0x3ac: {  	v17 =	vor.u32 v25, v20  }
0x3ad: {  	[tilespmem:v19+s13+$0x0] =	vst.idx.add.f32.msk $0xffff, v16  }
0x3ae: {  	v57 =	vor.u32 v27, v20;
	v16 =	vld.idx.msk [tilespmem:v55+s30+$0x0], $0xffff  }
0x3af: {  	v58 =	vld.idx.msk [tilespmem:v56+s30+$0x0], $0xffff  }
0x3b0: {  	v20 =	vor.u32 v24, v20  }
0x3b1: {  	v17 =	vld.idx.msk [tilespmem:v17+s30+$0x0], $0xffff;
	_ =	sdelay $0x1  }
0x3b2: {  	v19 =	vld.idx.msk [tilespmem:v57+s30+$0x0], $0xffff  }
0x3b3: {  	v16 =	vmul.f32 v16, v32;
	v34 =	vmul.f32 v58, v29  }
0x3b4: {  	v20 =	vld.idx.msk [tilespmem:v20+s30+$0x0], $0xffff  }
0x3b5: {  	v16 =	vadd.f32 v34, v16;
	v17 =	vmul.f32 v17, v30  }
0x3b6: {  	v59 =	vadd.s32 s19, v10;
	v18 =	vshll.u32 v54, $0x4  }
0x3b7: {  	v18 =	vor.u32 v0, v18;
	v16 =	vadd.f32 v17, v16;
	v17 =	vmul.f32 v19, v31  }
0x3b8: {  	v60 =	vand.u32 $0x3F, v59;
	v18 =	vand.u32 v11, v18  }
0x3b9: {  	v16 =	vadd.f32 v17, v16;
	v17 =	vmul.f32 v20, v33;
	v20 =	vor.u32 v26, v60  }
0x3ba: {  	v61 =	vor.u32 v28, v60  }
0x3bb: {  	v16 =	vadd.f32 v17, v16  }
0x3bc: {  	v17 =	vor.u32 v25, v60  }
0x3bd: {  	[tilespmem:v18+s13+$0x0] =	vst.idx.add.f32.msk $0xffff, v16  }
0x3be: {  	v16 =	vor.u32 v27, v60;
	v18 =	vld.idx.msk [tilespmem:v20+s30+$0x0], $0xffff  }
0x3bf: {  	v20 =	vld.idx.msk [tilespmem:v61+s30+$0x0], $0xffff  }
0x3c0: {  	v62 =	vor.u32 v24, v60  }
0x3c1: {  	v17 =	vld.idx.msk [tilespmem:v17+s30+$0x0], $0xffff;
	_ =	sdelay $0x1  }
0x3c2: {  	v16 =	vld.idx.msk [tilespmem:v16+s30+$0x0], $0xffff  }
0x3c3: {  	v18 =	vmul.f32 v18, v32;
	v20 =	vmul.f32 v20, v29  }
0x3c4: {  	v19 =	vshll.u32 v59, $0x4;
	v24 =	vld.idx.msk [tilespmem:v62+s30+$0x0], $0xffff  }
0x3c5: {  	v17 =	vmul.f32 v17, v30;
	v18 =	vadd.f32 v20, v18;
	v20 =	vadd.f32 v32, v22  }
0x3c6: {  	v19 =	vor.u32 v0, v19  }
0x3c7: {  	s2 =	sadd.s32 $0x1, s2;
	v16 =	vmul.f32 v16, v31;
	v17 =	vadd.f32 v17, v18;
	v63 =	vadd.f32 v29, v20  }
0x3c8: {  	p0 =	sne.s32 s2, $0xA;
	v19 =	vand.u32 v11, v19  }
.Ltmp6:
0x3c9: {  	v20 =	vmul.f32 v24, v33;
	v16 =	vadd.f32 v16, v17;
	v17 =	vadd.f32 v30, v63;
	(pc) =	sbr.rel @p0 .LBB2_11-.Ltmp6, $3  }
0x3ca: {  	_ = 	snop  }
0x3cb: {  	v16 =	vadd.f32 v20, v16;
	v17 =	vadd.f32 v31, v17;
	_ =	sdelay $0x1  }
0x3cc: {  	[tilespmem:v19+s13+$0x0] =	vst.idx.add.f32.msk $0xffff, v16;
	v22 =	vadd.f32 v33, v17  }
0x3cd: {  	s2 =	simm.s32 $0x0  }
0x3ce: {  	v16 =	vadd.s32 s2, v0  }
0x3cf: {  	v17 =	vand.u32 $0x3F, v16  }
0x3d0: {  	v18 =	vor.u32 v12, v17  }
0x3d1: {  	v19 =	vor.u32 v8, v17  }
0x3d2: {  	v20 =	vor.u32 v14, v17  }
0x3d3: {  	v23 =	vor.u32 v13, v17  }
0x3d4: {  	v25 =	vadd.s32 s2, v7;
	v24 =	vor.u32 v15, v17  }
0x3d5: {  	v26 =	vand.u32 $0x3F, v25;
	v17 =	vor.u32 v6, v17;
	v18 =	vld.idx.msk [tilespmem:v18+s11+$0x0], $0xffff  }
0x3d6: {  	v27 =	vor.u32 v6, v26;
	v19 =	vld.idx.msk [tilespmem:v19+s11+$0x0], $0xffff  }
0x3d7: {  	v16 =	vshll.u32 v16, $0x4;
	v28 =	vor.u32 v12, v26;
	v20 =	vld.idx.msk [tilespmem:v20+s11+$0x0], $0xffff  }
0x3d8: {  	v16 =	vand.u32 $0x3F0, v16;
	v29 =	vor.u32 v14, v26;
	v23 =	vld.idx.msk [tilespmem:v23+s11+$0x0], $0xffff  }
0x3d9: {  	v16 =	vor.u32 v0, v16;
	v24 =	vld.idx.msk [tilespmem:v24+s11+$0x0], $0xffff  }
0x3da: {  	v25 =	vshll.u32 v25, $0x4;
	v30 =	vor.u32 v13, v26;
	v17 =	vld.idx.msk [tilespmem:v17+s10+$0x0], $0xffff  }
0x3db: {  	v32 =	vimm.f32 $0.0e+00;
	v25 =	vand.u32 $0x3F0, v25;
	v33 =	vor.u32 v15, v26;
	v27 =	vld.idx.msk [tilespmem:v27+s10+$0x0], $0xffff  }
0x3dc: {  	v31 =	vadd.s32 s2, v9;
	v55 =	vadd.s32 s2, v10;
	v25 =	vor.u32 v0, v25;
	v28 =	vld.idx.msk [tilespmem:v28+s11+$0x0], $0xffff  }
0x3dd: {  	v34 =	vshll.u32 v31, $0x4;
	v31 =	vand.u32 $0x3F, v31;
	v26 =	vor.u32 v8, v26;
	v29 =	vld.idx.msk [tilespmem:v29+s11+$0x0], $0xffff  }
0x3de: {  	v40 =	vand.u32 $0x3F, v55;
	v34 =	vand.u32 $0x3F0, v34;
	v38 =	vor.u32 v13, v31;
	v16 =	vld.idx.msk [tilespmem:v16+s13+$0x0], $0xffff  }
0x3df: {  	v35 =	vor.u32 v6, v31;
	v36 =	vor.u32 v14, v31;
	v34 =	vor.u32 v0, v34;
	v30 =	vld.idx.msk [tilespmem:v30+s11+$0x0], $0xffff  }
0x3e0: {  	s2 =	simm.s32 $0x4;
	v37 =	vor.u32 v12, v31;
	v39 =	vor.u32 v8, v31;
	v31 =	vor.u32 v15, v31;
	v33 =	vld.idx.msk [tilespmem:v33+s11+$0x0], $0xffff  }
0x3e1: {  	v42 =	vadd.s32 s2, v0;
	v41 =	vor.u32 v12, v40;
	v57 =	vor.u32 v13, v40;
	v25 =	vld.idx.msk [tilespmem:v25+s13+$0x0], $0xffff  }
0x3e2: {  	v58 =	vor.u32 v8, v40;
	v59 =	vand.u32 $0x3F, v42;
	v60 =	vor.u32 v14, v40;
	v26 =	vld.idx.msk [tilespmem:v26+s11+$0x0], $0xffff  }
0x3e3: {  	v48 =	vor.u32 v15, v40;
	v38 =	vld.idx.msk [tilespmem:v38+s11+$0x0], $0xffff;
	v23 =	vmul.f32 v23, v16;
	v24 =	vmul.f32 v24, v16  }
0x3e4: {  	v40 =	vor.u32 v6, v40;
	v34 =	vld.idx.msk [tilespmem:v34+s13+$0x0], $0xffff;
	v18 =	vmul.f32 v18, v16;
	v20 =	vmul.f32 v20, v16  }
0x3e5: {  	v44 =	vor.u32 v12, v59;
	v31 =	vld.idx.msk [tilespmem:v31+s11+$0x0], $0xffff;
	v19 =	vmul.f32 v19, v16;
	v16 =	vmul.f32 v17, v16  }
0x3e6: {  	v45 =	vor.u32 v8, v59;
	v28 =	vmul.f32 v28, v25;
	v27 =	vmul.f32 v27, v25  }
0x3e7: {  	v61 =	vor.u32 v13, v59;
	v37 =	vld.idx.msk [tilespmem:v37+s11+$0x0], $0xffff;
	v29 =	vmul.f32 v29, v25;
	v30 =	vmul.f32 v30, v25  }
0x3e8: {  	v46 =	vor.u32 v14, v59;
	v39 =	vld.idx.msk [tilespmem:v39+s11+$0x0], $0xffff;
	v56 =	vmul.f32 v33, v25;
	v25 =	vmul.f32 v26, v25  }
0x3e9: {  	v38 =	vmul.f32 v38, v34;
	v17 =	vadd.f32 v23, v32;
	v23 =	vld.idx.msk [tilespmem:v35+s10+$0x0], $0xffff;
	v35 =	vshll.u32 v55, $0x4  }
0x3ea: {  	v41 =	vld.idx.msk [tilespmem:v41+s11+$0x0], $0xffff;
	v31 =	vmul.f32 v31, v34;
	v24 =	vadd.f32 v24, v32;
	v35 =	vand.u32 $0x3F0, v35  }
0x3eb: {  	v50 =	vld.idx.msk [tilespmem:v60+s11+$0x0], $0xffff;
	v19 =	vadd.f32 v19, v32;
	v20 =	vadd.f32 v20, v32;
	v26 =	vor.u32 v0, v35  }
0x3ec: {  	v48 =	vld.idx.msk [tilespmem:v48+s11+$0x0], $0xffff;
	v37 =	vmul.f32 v37, v34;
	v18 =	vadd.f32 v18, v32;
	v16 =	vadd.f32 v16, v32  }
0x3ed: {  	v51 =	vld.idx.msk [tilespmem:v61+s11+$0x0], $0xffff;
	v20 =	vadd.f32 v29, v20;
	v29 =	vshll.u32 v42, $0x4;
	v32 =	vadd.f32 v56, v24  }
0x3ee: {  	v17 =	vadd.f32 v30, v17;
	v30 =	vld.idx.msk [tilespmem:v57+s11+$0x0], $0xffff;
	v19 =	vadd.f32 v25, v19;
	v25 =	vor.u32 v6, v59  }
0x3ef: {  	v16 =	vadd.f32 v27, v16;
	v29 =	vand.u32 $0x3F0, v29;
	v43 =	vmul.f32 v23, v34;
	v23 =	vld.idx.msk [tilespmem:v36+s11+$0x0], $0xffff  }
0x3f0: {  	v18 =	vadd.f32 v28, v18;
	v29 =	vor.u32 v0, v29;
	v47 =	vld.idx.msk [tilespmem:v26+s13+$0x0], $0xffff;
	v26 =	vadd.s32 s2, v7  }
0x3f1: {  	v35 =	vld.idx.msk [tilespmem:v58+s11+$0x0], $0xffff;
	v36 =	vor.u32 v15, v59;
	v27 =	vshll.u32 v26, $0x4;
	v62 =	vand.u32 $0x3F, v26  }
0x3f2: {  	v24 =	vld.idx.msk [tilespmem:v44+s11+$0x0], $0xffff;
	v17 =	vadd.f32 v38, v17;
	v28 =	vand.u32 $0x3F0, v27;
	v26 =	vor.u32 v8, v62  }
0x3f3: {  	v27 =	vld.idx.msk [tilespmem:v46+s11+$0x0], $0xffff;
	v46 =	vor.u32 v13, v62;
	v63 =	vor.u32 v6, v62;
	v52 =	vor.u32 v15, v62  }
0x3f4: {  	v56 =	vld.idx.msk [tilespmem:v40+s10+$0x0], $0xffff;
	v60 =	vor.u32 v12, v62;
	v53 =	vor.u32 v14, v62;
	v62 =	vadd.s32 s2, v9  }
0x3f5: {  	v55 =	vadd.f32 v31, v32;
	v49 =	vmul.f32 v23, v34;
	v23 =	vld.idx.msk [tilespmem:v45+s11+$0x0], $0xffff;
	v31 =	vand.u32 $0x3F, v62  }
0x3f6: {  	v45 =	vor.u32 v0, v28;
	v28 =	vmul.f32 v39, v34;
	v54 =	vld.idx.msk [tilespmem:v36+s11+$0x0], $0xffff;
	v40 =	vor.u32 v6, v31  }
0x3f7: {  	v36 =	vld.idx.msk [tilespmem:v29+s13+$0x0], $0xffff;
	v44 =	vor.u32 v12, v31;
	v38 =	vor.u32 v13, v31;
	v33 =	vor.u32 v8, v31  }
0x3f8: {  	v28 =	vadd.f32 v28, v19;
	v61 =	vmul.f32 v30, v47;
	v30 =	vld.idx.msk [tilespmem:v25+s10+$0x0], $0xffff;
	v25 =	vshll.u32 v62, $0x4  }
0x3f9: {  	v41 =	vmul.f32 v41, v47;
	v20 =	vadd.f32 v49, v20;
	v25 =	vand.u32 $0x3F0, v25;
	v29 =	vld.idx.msk [tilespmem:v63+s10+$0x0], $0xffff  }
0x3fa: {  	v42 =	vmul.f32 v35, v47;
	v35 =	vor.u32 v15, v31;
	v39 =	vor.u32 v0, v25;
	v32 =	vld.idx.msk [tilespmem:v60+s11+$0x0], $0xffff  }
0x3fb: {  	v63 =	vmul.f32 v48, v47;
	v34 =	vld.idx.msk [tilespmem:v53+s11+$0x0], $0xffff;
	v48 =	vadd.f32 v43, v16;
	v16 =	vadd.f32 v37, v18  }
0x3fc: {  	v25 =	vor.u32 v14, v31;
	v37 =	vld.idx.msk [tilespmem:v46+s11+$0x0], $0xffff;
	v46 =	vadd.f32 v61, v17;
	v17 =	vmul.f32 v50, v47  }
0x3fd: {  	v50 =	vmul.f32 v56, v47;
	v31 =	vld.idx.msk [tilespmem:v45+s13+$0x0], $0xffff;
	v47 =	vmul.f32 v51, v36;
	v45 =	vadd.f32 v41, v16  }
0x3fe: {  	s18 =	simm.s32 $0x8;
	v51 =	vmul.f32 v54, v36;
	v49 =	vadd.f32 v63, v55;
	v41 =	vld.idx.msk [tilespmem:v52+s11+$0x0], $0xffff;
	v43 =	vadd.f32 v17, v20  }
.LBB2_17:
0x3ff: {  	p0 =	sne.s32 s18, $0x3C;
	v16 =	vmul.f32 v24, v36;
	v17 =	vmul.f32 v27, v36;
	v18 =	vld.idx.msk [tilespmem:v26+s11+$0x0], $0xffff;
	v19 =	vadd.f32 v50, v48;
	s19 =	smov.u32 s18;
	s18 =	sadd.s32 $0x4, s18  }
0x400: {  	v20 =	vmul.f32 v23, v36;
	v24 =	vadd.f32 v42, v28;
	v23 =	vadd.f32 v51, v49;
	v44 =	vld.idx.msk [tilespmem:v44+s11+$0x0], $0xffff  }
0x401: {  	v26 =	vmul.f32 v30, v36;
	v30 =	vadd.s32 s2, v10;
	v27 =	vadd.f32 v47, v46;
	s2 =	smov.u32 s19;
	v28 =	vld.idx.msk [tilespmem:v40+s10+$0x0], $0xffff  }
0x402: {  	v20 =	vadd.f32 v20, v24;
	v16 =	vadd.f32 v16, v45;
	v39 =	vld.idx.msk [tilespmem:v39+s13+$0x0], $0xffff  }
0x403: {  	v19 =	vadd.f32 v26, v19;
	v26 =	vmul.f32 v32, v31;
	v32 =	vand.u32 $0x3F, v30  }
0x404: {  	v24 =	vmul.f32 v29, v31;
	v29 =	vmul.f32 v34, v31;
	v30 =	vshll.u32 v30, $0x4;
	v34 =	vld.idx.msk [tilespmem:v38+s11+$0x0], $0xffff  }
0x405: {  	v36 =	vmul.f32 v37, v31;
	v30 =	vand.u32 $0x3F0, v30;
	v37 =	vor.u32 v12, v32  }
0x406: {  	v17 =	vadd.f32 v17, v43;
	v40 =	vor.u32 v13, v32;
	v38 =	vmul.f32 v41, v31;
	v33 =	vld.idx.msk [tilespmem:v33+s11+$0x0], $0xffff  }
0x407: {  	v18 =	vmul.f32 v18, v31;
	v30 =	vor.u32 v0, v30;
	v31 =	vld.idx.msk [tilespmem:v35+s11+$0x0], $0xffff;
	v35 =	vor.u32 v8, v32  }
0x408: {  	v41 =	vadd.s32 s2, v0;
	v17 =	vadd.f32 v29, v17;
	v43 =	vmul.f32 v28, v39;
	v25 =	vld.idx.msk [tilespmem:v25+s11+$0x0], $0xffff  }
0x409: {  	v29 =	vand.u32 $0x3F, v41;
	v28 =	vshll.u32 v41, $0x4;
	v41 =	vor.u32 v14, v32  }
0x40a: {  	v42 =	vor.u32 v12, v29;
	v38 =	vadd.f32 v38, v23;
	v28 =	vand.u32 $0x3F0, v28;
	v37 =	vld.idx.msk [tilespmem:v37+s11+$0x0], $0xffff  }
0x40b: {  	v36 =	vadd.f32 v36, v27;
	v23 =	vor.u32 v8, v29;
	v45 =	vor.u32 v0, v28;
	v40 =	vld.idx.msk [tilespmem:v40+s11+$0x0], $0xffff  }
0x40c: {  	v27 =	vor.u32 v14, v29;
	v18 =	vadd.f32 v18, v20;
	v28 =	vor.u32 v13, v29;
	v20 =	vld.idx.msk [tilespmem:v30+s13+$0x0], $0xffff  }
0x40d: {  	v46 =	vor.u32 v15, v32;
	v30 =	vor.u32 v6, v29;
	v29 =	vor.u32 v15, v29;
	v35 =	vld.idx.msk [tilespmem:v35+s11+$0x0], $0xffff  }
0x40e: {  	v47 =	vadd.s32 s2, v7;
	v19 =	vadd.f32 v24, v19;
	v25 =	vmul.f32 v25, v39;
	v41 =	vld.idx.msk [tilespmem:v41+s11+$0x0], $0xffff  }
0x40f: {  	v16 =	vadd.f32 v26, v16;
	v24 =	vld.idx.msk [tilespmem:v42+s11+$0x0], $0xffff;
	v42 =	vshll.u32 v47, $0x4;
	v47 =	vand.u32 $0x3F, v47  }
0x410: {  	v32 =	vor.u32 v6, v32;
	v23 =	vld.idx.msk [tilespmem:v23+s11+$0x0], $0xffff;
	v42 =	vand.u32 $0x3F0, v42;
	v26 =	vor.u32 v8, v47  }
0x411: {  	v34 =	vmul.f32 v34, v39;
	v50 =	vor.u32 v13, v47;
	v27 =	vld.idx.msk [tilespmem:v27+s11+$0x0], $0xffff;
	v49 =	vor.u32 v0, v42  }
0x412: {  	v33 =	vmul.f32 v33, v39;
	v52 =	vor.u32 v15, v47;
	v42 =	vor.u32 v6, v47;
	v46 =	vld.idx.msk [tilespmem:v46+s11+$0x0], $0xffff  }
0x413: {  	v31 =	vmul.f32 v31, v39;
	v48 =	vor.u32 v12, v47;
	v47 =	vor.u32 v14, v47;
	v51 =	vld.idx.msk [tilespmem:v28+s11+$0x0], $0xffff  }
0x414: {  	v54 =	vmul.f32 v40, v20;
	v28 =	vadd.f32 v33, v18;
	v18 =	vadd.f32 v34, v36;
	v53 =	vld.idx.msk [tilespmem:v29+s11+$0x0], $0xffff  }
0x415: {  	v55 =	vadd.f32 v31, v38;
	v57 =	vmul.f32 v37, v20;
	v29 =	vadd.s32 s2, v9;
	v56 =	vld.idx.msk [tilespmem:v32+s10+$0x0], $0xffff  }
0x416: {  	v17 =	vadd.f32 v25, v17;
	v31 =	vshll.u32 v29, $0x4;
	v58 =	vand.u32 $0x3F, v29;
	v30 =	vld.idx.msk [tilespmem:v30+s10+$0x0], $0xffff  }
0x417: {  	v25 =	vand.u32 $0x3F0, v31;
	v40 =	vor.u32 v6, v58;
	v31 =	vmul.f32 v44, v39;
	v36 =	vld.idx.msk [tilespmem:v45+s13+$0x0], $0xffff  }
0x418: {  	v39 =	vor.u32 v0, v25;
	v25 =	vor.u32 v14, v58;
	v29 =	vld.idx.msk [tilespmem:v42+s10+$0x0], $0xffff;
	v42 =	vmul.f32 v35, v20  }
.Ltmp7:
0x419: {  	v44 =	vor.u32 v12, v58;
	v38 =	vor.u32 v13, v58;
	v59 =	vmul.f32 v46, v20;
	v32 =	vld.idx.msk [tilespmem:v48+s11+$0x0], $0xffff;
	(pc) =	sbr.rel @p0 .LBB2_17-.Ltmp7, $4  }
0x41a: {  	v33 =	vor.u32 v8, v58;
	v16 =	vadd.f32 v31, v16;
	v48 =	vadd.f32 v43, v19;
	v34 =	vld.idx.msk [tilespmem:v47+s11+$0x0], $0xffff  }
0x41b: {  	v46 =	vadd.f32 v54, v18;
	v18 =	vmul.f32 v41, v20;
	v35 =	vor.u32 v15, v58;
	v37 =	vld.idx.msk [tilespmem:v50+s11+$0x0], $0xffff  }
0x41c: {  	v45 =	vadd.f32 v57, v16;
	v50 =	vmul.f32 v56, v20;
	v31 =	vld.idx.msk [tilespmem:v49+s13+$0x0], $0xffff;
	v49 =	vadd.f32 v59, v55  }
0x41d: {  	v43 =	vadd.f32 v18, v17;
	v47 =	vmul.f32 v51, v36;
	v51 =	vmul.f32 v53, v36;
	v41 =	vld.idx.msk [tilespmem:v52+s11+$0x0], $0xffff  }
0x41e: {  	_ =	sdelay $0x3  }
0x41f: {  	v16 =	vmul.f32 v24, v36;
	v17 =	vld.idx.msk [tilespmem:v26+s11+$0x0], $0xffff  }
0x420: {  	v18 =	vmul.f32 v27, v36;
	v19 =	vadd.f32 v50, v48;
	v20 =	vld.idx.msk [tilespmem:v44+s11+$0x0], $0xffff;
	v50 =	vadd.s32 s2, v10  }
0x421: {  	v23 =	vmul.f32 v23, v36;
	v28 =	vadd.f32 v42, v28;
	v39 =	vld.idx.msk [tilespmem:v39+s13+$0x0], $0xffff;
	v30 =	vmul.f32 v30, v36  }
0x422: {  	v58 =	vld.idx.msk [tilespmem:v33+s11+$0x0], $0xffff;
	(erf) = vrcp.f32 v22;
	v21 =	vor.u32 s17, v21;
	v53 =	vand.u32 $0x3F, v50  }
0x423: {  	v52 =	vld.idx.msk [tilespmem:v40+s10+$0x0], $0xffff;
	v51 =	vadd.f32 v51, v49;
	v24 =	vshll.u32 v50, $0x4;
	v54 =	vor.u32 v12, v53  }
0x424: {  	v55 =	vld.idx.msk [tilespmem:v38+s11+$0x0], $0xffff;
	v57 =	vadd.f32 v47, v46;
	v24 =	vand.u32 $0x3F0, v24;
	v56 =	vor.u32 v13, v53  }
0x425: {  	v59 =	vld.idx.msk [tilespmem:v35+s11+$0x0], $0xffff;
	v23 =	vadd.f32 v23, v28;
	v16 =	vadd.f32 v16, v45;
	v61 =	vor.u32 v6, v53  }
0x426: {  	v25 =	vld.idx.msk [tilespmem:v25+s11+$0x0], $0xffff;
	v60 =	vor.u32 v8, v53;
	v18 =	vadd.f32 v18, v43;
	v24 =	vor.u32 v0, v24  }
0x427: {  	v62 =	vor.u32 v15, v53;
	v32 =	vmul.f32 v32, v31;
	v47 =	vmul.f32 v58, v39;
	v58 =	vld [tilespmem:$0x1FFF0]  }
0x428: {  	v19 =	vadd.f32 v30, v19;
	v29 =	vmul.f32 v29, v31;
	v34 =	vmul.f32 v34, v31;
	v42 =	vld.idx.msk [tilespmem:v54+s11+$0x0], $0xffff  }
0x429: {  	v37 =	vmul.f32 v37, v31;
	v63 =	vmul.f32 v41, v31;
	v41 =	vor.u32 v14, v53;
	v38 =	vld.idx.msk [tilespmem:v56+s11+$0x0], $0xffff  }
0x42a: {  	v17 =	vmul.f32 v17, v31;
	v18 =	vadd.f32 v34, v18;
	v27 =	vmul.f32 v52, v39;
	v48 =	vld.idx.msk [tilespmem:v61+s10+$0x0], $0xffff  }
0x42b: {  	v44 =	vadd.f32 v37, v57;
	v46 =	vmul.f32 v55, v39;
	v19 =	vadd.f32 v29, v19;
	v24 =	vld.idx.msk [tilespmem:v24+s13+$0x0], $0xffff  }
0x42c: {  	v16 =	vadd.f32 v32, v16;
	v50 =	vmul.f32 v59, v39;
	v25 =	vmul.f32 v25, v39;
	v35 =	vld.idx.msk [tilespmem:v60+s11+$0x0], $0xffff  }
0x42d: {  	v20 =	vmul.f32 v20, v39;
	v26 =	vadd.f32 v63, v51;
	v17 =	vadd.f32 v17, v23;
	v60 =	vld [tilespmem:$0x1FFB0]  }
0x42e: {  	v55 =	vor.u32 s17, v0;
	v22 =	vadd.f32 v46, v44;
	v18 =	vadd.f32 v25, v18;
	v61 =	vld [tilespmem:$0x1FFC0]  }
0x42f: {  	v19 =	vadd.f32 v27, v19;
	v56 =	vor.u32 $0xFFFFFFF8, v0;
	v16 =	vadd.f32 v20, v16;
	v51 =	vld.idx.msk [tilespmem:v41+s11+$0x0], $0xffff  }
0x430: {  	v49 =	vld.idx.msk [tilespmem:v62+s11+$0x0], $0xffff;
	v26 =	vadd.f32 v50, v26;
	v27 =	vand.u32 v56, v55;
	v54 =	vmul.f32 v48, v24  }
0x431: {  	v62 =	vld [tilespmem:$0x1FFD0];
	v17 =	vadd.f32 v47, v17;
	v20 =	vor.u32 s17, v58;
	v57 =	vmul.f32 v35, v24  }
0x432: {  	v25 =	vor.u32 s17, v60;
	v53 =	vmul.f32 v42, v24;
	v19 =	vadd.f32 v54, v19  }
0x433: {  	v59 =	vpop (erf);
	v28 =	vor.u32 s17, v61;
	v52 =	vmul.f32 v38, v24;
	v17 =	vadd.f32 v57, v17  }
0x434: {  	v23 =	vmul.f32 v51, v24;
	v16 =	vadd.f32 v53, v16;
	v19 =	vmul.f32 v19, v59  }
0x435: {  	s16 =	sadd.s32 $0x1, s16;
	v29 =	vmul.f32 v49, v24;
	v22 =	vadd.f32 v52, v22;
	v17 =	vmul.f32 v17, v59  }
0x436: {  	p0 =	sne.s32 s16, $0x10;
	v18 =	vadd.f32 v23, v18;
	v16 =	vmul.f32 v16, v59;
	[tilespmem:v27+s14+$0x0] =	vst.idx.msk $0xffff, v19;
	v19 =	vor.u32 s17, v62  }
.Ltmp8:
0x437: {  	v63 =	vadd.f32 v29, v26;
	[tilespmem:v20+s14+$0x0] =	vst.idx.msk $0xffff, v17;
	v17 =	vmul.f32 v22, v59;
	(pc) =	sbr.rel @p0 .LBB2_2-.Ltmp8, $4  }
0x438: {  	[tilespmem:v25+s14+$0x0] =	vst.idx.msk $0xffff, v16;
	v16 =	vmul.f32 v18, v59  }
0x439: {  	[tilespmem:v28+s14+$0x0] =	vst.idx.msk $0xffff, v17;
	v17 =	vmul.f32 v63, v59  }
0x43a: {  	[tilespmem:v21+s14+$0x0] =	vst.idx.msk $0xffff, v16  }
0x43b: {  	[tilespmem:v19+s14+$0x0] =	vst.idx.msk $0xffff, v17  }
0x43c: {  	s16 =	simm.s32 $0x0;
	s2 =	rddreg [dreg:$0x8]  }
0x43d: {  	[hbm4b:s2+s16] =	stream.linear.scatter [tilespmem:s14], [sflag:$0x3], $0x200, $0x38;
	[tilespmem:$0x1E2E0] =	vst v63  }
0x43e: {  	_ =	swait.ge [sflag:s20], $0x200  }
0x43f: {  	[sflag:s20] =	ssyncset.done $0x0  }
0x440: {  	s17 =	simm.s32 $0x1D8E0;
	s19 =	rddreg [dreg:$0x9];
	[sflag:s20] =	ssyncadd.s32 $0xFFFFFE00  }
0x441: {  	[hbm4b:s19+s16] =	stream.linear.scatter [tilespmem:s17], [sflag:$0x3], $0x200, $0x38;
	[tilespmem:$0x1E2E0] =	vst v63  }
0x442: {  	_ =	swait.ge [sflag:s20], $0x200  }
0x443: {  	[sflag:s20] =	ssyncset.done $0x0  }
0x444: {  	s22 =	simm.s32 $0x1DAE0;
	s21 =	rddreg [dreg:$0xa];
	[sflag:s20] =	ssyncadd.s32 $0xFFFFFE00  }
0x445: {  	[hbm4b:s21+s16] =	stream.linear.scatter [tilespmem:s22], [sflag:$0x3], $0x200, $0x38;
	[tilespmem:$0x1E2E0] =	vst v63  }
0x446: {  	_ =	swait.ge [sflag:s20], $0x200  }
0x447: {  	[sflag:s20] =	ssyncset.done $0x0  }
0x448: {  	s28 =	simm.s32 $0x1DCE0;
	s23 =	rddreg [dreg:$0xb];
	[sflag:s20] =	ssyncadd.s32 $0xFFFFFE00  }
0x449: {  	[hbm4b:s23+s16] =	stream.linear.scatter [tilespmem:s28], [sflag:$0x3], $0x200, $0x38;
	[tilespmem:$0x1E2E0] =	vst v63  }
0x44a: {  	_ =	swait.ge [sflag:s20], $0x200  }
0x44b: {  	[sflag:s20] =	ssyncset.done $0x0  }
0x44c: {  	s19 =	simm.s32 $0x1DEE0;
	s18 =	rddreg [dreg:$0xc];
	[sflag:s20] =	ssyncadd.s32 $0xFFFFFE00  }
0x44d: {  	[hbm4b:s18+s16] =	stream.linear.scatter [tilespmem:s19], [sflag:$0x3], $0x200, $0x38;
	[tilespmem:$0x1E2E0] =	vst v63  }
0x44e: {  	_ =	swait.ge [sflag:s20], $0x200  }
0x44f: {  	[sflag:s20] =	ssyncset.done $0x0  }
0x450: {  	s22 =	simm.s32 $0x1E0E0;
	s21 =	rddreg [dreg:$0xd];
	[sflag:s20] =	ssyncadd.s32 $0xFFFFFE00  }
0x451: {  	[hbm4b:s21+s16] =	stream.linear.scatter [tilespmem:s22], [sflag:$0x3], $0x200, $0x38;
	[tilespmem:$0x1E2E0] =	vst v63  }
0x452: {  	_ =	swait.ge [sflag:s20], $0x200  }
0x453: {  	s23 =	rddreg [dreg:$0xf]  }
0x454: {  	s28 =	rddreg [dreg:$0xe];
	s17 =	sadd.s32 $0x1, s23  }
0x455: {  	p0 =	sne.s32 s17, s28  }
.Ltmp9:
0x456: {  	_ = 	snop;
	(pc) =	sbr.rel @p0 .LBB2_1-.Ltmp9, $3  }
0x457: {  	_ =	sdelay $0x1  }
0x458: {  	[sflag:s20] =	ssyncset.done $0x0  }
0x459: {  	[sflag:s20] =	ssyncadd.s32 $0xFFFFFE00  }
0x45a: {  	_ =	sfence.sel $0x180000  }
0x45b: {  	[bflag:$0x0] =	sbarrier.arrive $0xFFFF  }
0x45c: {  	_ =	strace $0x90000047  }
0x45d: {  	s0 =	stileid.u32;
	[bflag:$0x2] =	sbarrier.arrive $0xFFFF  }
0x45e: {  	p0 =	sne.s32 s0, $0x0;
	s0 =	rddreg [dreg:$0x3]  }
0x45f: {  	s0 =	sadd.s32 @!p0 $0x100000, s0  }
0x460: {  	[sflag:s0] =	ssyncadd.tile.s32 @!p0 $0x1;
	_ =	shalt  }
.Lfunc_end2:
_tile_overlayer_lowered:
.L_overlay_start_2:
0x461: {  	(tag) =	ssettag $0x2  }
0x462: {  	s0 =	rddreg [dreg:$0x0];
	s2 =	stileid.u32  }
0x463: {  	s1 =	rddreg [dreg:$0x1];
	p0 =	sne.s32 s2, $0x0  }
0x464: {  	s3 =	rddreg [dreg:$0x2];
	[bflag:$0x3] =	sbarrier.arrive $0xFFFF;
	s2 =	simm.s32 @!p0 $0x1C03  }
0x465: {  	[timem:s3], [sflag:s2] =	dma.local @!p0 [hbm:s0], s1  }
0x466: {  	s0 =	simm.s32 @!p0 $0x3  }
0x467: {  	_ =	swait.ge @!p0 [sflag:s0], s1  }
0x468: {  	s1 =	ssub.s32 @!p0 $0x0, s1;
	[sflag:s0] =	ssyncset.done @!p0 $0x0  }
0x469: {  	[sflag:s0] =	ssyncadd.s32 @!p0 s1  }
0x46a: {  	[bflag:$0x3] =	sbarrier.arrive $0xFFFF  }
0x46b: {  	_ =	shalt  }

</sc_bundles>
